<compile_context>
chip_gen: v7x
topology: tpu7x:2x2x1
jax: 0.10.2.dev20260603
libtpu: 0.0.44.dev20260713+nightly
codegen_flags: <defaults>
</compile_context>

<pallas_src>
import numpy as np
import jax
import jax.numpy as jnp
from jax import lax
from jax.experimental import pallas as pl
from jax.experimental.pallas import tpu as pltpu
from jax.experimental.pallas import tpu_sc as plsc

N = 10000
E = 320000
D = 128
GRID_SIZE = 5
SPLINE_ORDER = 3
COEF = GRID_SIZE + SPLINE_ORDER

NSUB = 16
EPW = E // NSUB
CHUNK = 128
NFULL = EPW // CHUNK
TAIL = EPW - NFULL * CHUNK
SUP_C = 12
SUP_P = SUP_C // 2
SUP_E = SUP_C * CHUNK
RPS = 624
RPS_LAST = N - 15 * RPS

ROWB = 2000
NBLK = N // ROWB

_G = np.arange(-SPLINE_ORDER, GRID_SIZE + SPLINE_ORDER + 1,
               dtype=np.float32) * np.float32(2.0 / GRID_SIZE) - np.float32(1.0)


_BSCALE = float(1.0 / (6.0 * (np.float64(_G[1]) - np.float64(_G[0])) ** 3))


def _bsplines(x):
    g = _G
    s = [x - g[j] for j in range(len(g))]
    bs = [jnp.logical_and(x >= g[j], x < g[j + 1]).astype(x.dtype)
          for j in range(len(g) - 1)]
    for k in range(1, SPLINE_ORDER + 1):
        bs = [s[j] * bs[j] - s[j + k + 1] * bs[j + 1]
              for j in range(len(bs) - 1)]
    return bs


def _dot(a, b):
    return lax.dot_general(a, b, (((1,), (0,)), ((), ())),
                           precision=lax.Precision.DEFAULT,
                           preferred_element_type=jnp.float32)


def _dinv(deg_ref):
    d = deg_ref[...][:, 0:1]
    return jnp.where(d > 0.0, lax.rsqrt(d), 0.0)


def _kan3(h, hb, hs, sb, ss, ib, iw):
    sil = jax.nn.silu(h)
    b = jnp.concatenate(_bsplines(h), axis=1)
    zh = _dot(sil, hb[...]) + _dot(b, hs[...])
    zs = _dot(sil, sb[...]) + _dot(b, ss[...])
    zi = _dot(sil, ib[...]) + _dot(b, iw[...])
    return zh, zs, zi


_ROWSPEC = pl.BlockSpec((ROWB, D), lambda i: (i, 0))
_DEGSPEC = pl.BlockSpec((ROWB, 16), lambda i: (i, 0))
_WSPEC = pl.BlockSpec((D, D), lambda i: (0, 0))
_SWSPEC = pl.BlockSpec((COEF * D, D), lambda i: (0, 0))
_OUT = jax.ShapeDtypeStruct((N, D), jnp.float32)


def _tc_layer0a(x, ws):
    def body(x_ref, hb, hs, sb, ss, ib, iw, zh_ref, ks_ref, ki_ref):
        zh, zs, zi = _kan3(x_ref[...], hb, hs, sb, ss, ib, iw)
        zh_ref[...] = zh
        ks_ref[...] = zs
        ki_ref[...] = zi
    return pl.pallas_call(
        body, grid=(NBLK,),
        in_specs=[_ROWSPEC, _WSPEC, _SWSPEC, _WSPEC, _SWSPEC, _WSPEC, _SWSPEC],
        out_specs=[_ROWSPEC, _ROWSPEC, _ROWSPEC],
        out_shape=[_OUT, _OUT, _OUT],
    )(x, *ws)


def _tc_scale(zs, zi, degu, degd):
    def body(zs_ref, zi_ref, du_ref, dd_ref, ks_ref, ki_ref):
        ks_ref[...] = zs_ref[...] * _dinv(du_ref)
        ki_ref[...] = zi_ref[...] * _dinv(dd_ref)
    return pl.pallas_call(
        body, grid=(NBLK,),
        in_specs=[_ROWSPEC, _ROWSPEC, _DEGSPEC, _DEGSPEC],
        out_specs=[_ROWSPEC, _ROWSPEC],
        out_shape=[_OUT, _OUT],
    )(zs, zi, degu, degd)


def _tc_layer1(zh0, au, ad, degu, degd, ws):
    def body(zh0_ref, au_ref, ad_ref, du_ref, dd_ref,
             hb, hs, sb, ss, ib, iw, zh_ref, ks_ref, ki_ref):
        dinvu = _dinv(du_ref)
        dinvd = _dinv(dd_ref)
        h = jax.nn.relu(zh0_ref[...] + dinvu * au_ref[...] + dinvd * ad_ref[...])
        zh, zs, zi = _kan3(h, hb, hs, sb, ss, ib, iw)
        zh_ref[...] = zh
        ks_ref[...] = zs * dinvu
        ki_ref[...] = zi * dinvd
    return pl.pallas_call(
        body, grid=(NBLK,),
        in_specs=[_ROWSPEC, _ROWSPEC, _ROWSPEC, _DEGSPEC, _DEGSPEC,
                  _WSPEC, _SWSPEC, _WSPEC, _SWSPEC, _WSPEC, _SWSPEC],
        out_specs=[_ROWSPEC, _ROWSPEC, _ROWSPEC],
        out_shape=[_OUT, _OUT, _OUT],
    )(zh0, au, ad, degu, degd, *ws)


def _tc_final(zh1, au, ad, degu, degd):
    def body(zh_ref, au_ref, ad_ref, du_ref, dd_ref, o_ref):
        dinvu = _dinv(du_ref)
        dinvd = _dinv(dd_ref)
        o_ref[...] = jax.nn.relu(
            zh_ref[...] + dinvu * au_ref[...] + dinvd * ad_ref[...])
    return pl.pallas_call(
        body, grid=(NBLK,),
        in_specs=[_ROWSPEC, _ROWSPEC, _ROWSPEC, _DEGSPEC, _DEGSPEC],
        out_specs=_ROWSPEC,
        out_shape=_OUT,
    )(zh1, au, ad, degu, degd)


def _sc_mesh():
    return plsc.VectorSubcoreMesh(core_axis_name="c", subcore_axis_name="s")


def _rowcopy(sid, src, dst):
    @pl.when(sid < 15)
    def _():
        off = pl.multiple_of(sid * RPS, 8)
        pltpu.sync_copy(src.at[pl.ds(off, RPS)], dst.at[pl.ds(off, RPS)])

    @pl.when(sid == 15)
    def _():
        pltpu.sync_copy(src.at[pl.ds(15 * RPS, RPS_LAST)],
                        dst.at[pl.ds(15 * RPS, RPS_LAST)])


DEGW = 16


def _sc_deg(cu, cd, zerosW, onesW):
    def body(cu_hbm, cd_hbm, z_hbm, o_hbm, du_hbm, dd_hbm,
             acc, cidx, cidxT, ones_v, call_v):
        cid = lax.axis_index("c")
        sid = lax.axis_index("s")
        _rowcopy(sid, z_hbm, acc)
        pltpu.sync_copy(o_hbm, ones_v)
        plsc.subcore_barrier()
        base = sid * EPW

        def run(col_hbm):
            pltpu.sync_copy(col_hbm.at[pl.ds(base, EPW)], call_v)

            def step(j, carry):
                for i in range(CHUNK // 16):
                    cidx[pl.ds(16 * i, 16)] = call_v[pl.ds(j * CHUNK + 16 * i, 16)]
                pltpu.sync_copy(ones_v, acc.at[cidx], add=True)
                return carry
            lax.fori_loop(0, NFULL, step, 0)
            for i in range(TAIL // 16):
                cidxT[pl.ds(16 * i, 16)] = call_v[pl.ds(NFULL * CHUNK + 16 * i, 16)]
            pltpu.sync_copy(ones_v.at[pl.ds(0, TAIL)], acc.at[cidxT], add=True)

        @pl.when(cid == 0)
        def _():
            run(cu_hbm)

        @pl.when(cid == 1)
        def _():
            run(cd_hbm)

        plsc.subcore_barrier()

        @pl.when(cid == 0)
        def _():
            _rowcopy(sid, acc, du_hbm)

        @pl.when(cid == 1)
        def _():
            _rowcopy(sid, acc, dd_hbm)

    f = pl.kernel(
        body,
        out_type=(jax.ShapeDtypeStruct((N, DEGW), jnp.float32),
                  jax.ShapeDtypeStruct((N, DEGW), jnp.float32)),
        mesh=_sc_mesh(),
        compiler_params=pltpu.CompilerParams(use_tc_tiling_on_sc=False),
        scratch_types=(
            pltpu.VMEM_SHARED((N, DEGW), jnp.float32),
            pltpu.VMEM((CHUNK,), jnp.int32),
            pltpu.VMEM((TAIL,), jnp.int32),
            pltpu.VMEM((CHUNK, DEGW), jnp.float32),
            pltpu.VMEM((EPW,), jnp.int32),
        ),
    )
    return f(cu, cd, zerosW, onesW)


def _sc_prop(ks, ki, ru, cu, rd, cd, zerosD):
    def body(ks_hbm, ki_hbm, ru_hbm, cu_hbm, rd_hbm, cd_hbm, z_hbm,
             au_hbm, ad_hbm, acc, ridx0, ridx1, cidx0, cidx1, ridxT, cidxT,
             rows0, rows1, rowsT, rall_v, call_v, sem0, sem1):
        cid = lax.axis_index("c")
        sid = lax.axis_index("s")
        _rowcopy(sid, z_hbm, acc)
        plsc.subcore_barrier()
        base = sid * EPW

        def run(tab_hbm, row_hbm, col_hbm):
            def stage(s):
                pltpu.sync_copy(row_hbm.at[pl.ds(base + s * SUP_E, SUP_E)], rall_v)
                pltpu.sync_copy(col_hbm.at[pl.ds(base + s * SUP_E, SUP_E)], call_v)

            def load_idx(loc, ridx, cidx):
                for i in range(CHUNK // 16):
                    ridx[pl.ds(16 * i, 16)] = rall_v[pl.ds(loc + 16 * i, 16)]
                    cidx[pl.ds(16 * i, 16)] = call_v[pl.ds(loc + 16 * i, 16)]

            stage(0)
            load_idx(0, ridx0, cidx0)
            pltpu.async_copy(tab_hbm.at[ridx0], rows0, sem0)

            def pair(t, carry):
                j1loc = (2 * t + 1) * CHUNK - (t // SUP_P) * SUP_E
                load_idx(j1loc, ridx1, cidx1)
                pltpu.async_copy(tab_hbm.at[ridx1], rows1, sem1)
                pltpu.make_async_copy(tab_hbm.at[ridx0], rows0, sem0).wait()
                pltpu.sync_copy(rows0, acc.at[cidx0], add=True)

                @pl.when(jnp.logical_and(t % SUP_P == SUP_P - 1,
                                         t < NFULL // 2 - 1))
                def _():
                    stage(t // SUP_P + 1)

                @pl.when(t < NFULL // 2 - 1)
                def _():
                    j0loc = (2 * t + 2) * CHUNK - ((2 * t + 2) // SUP_C) * SUP_E
                    load_idx(j0loc, ridx0, cidx0)
                    pltpu.async_copy(tab_hbm.at[ridx0], rows0, sem0)
                pltpu.make_async_copy(tab_hbm.at[ridx1], rows1, sem1).wait()
                pltpu.sync_copy(rows1, acc.at[cidx1], add=True)
                return carry
            lax.fori_loop(0, NFULL // 2, pair, 0)

            pltpu.sync_copy(row_hbm.at[pl.ds(base + NFULL * CHUNK, TAIL)], ridxT)
            pltpu.sync_copy(col_hbm.at[pl.ds(base + NFULL * CHUNK, TAIL)], cidxT)
            pltpu.async_copy(tab_hbm.at[ridxT], rowsT, sem0).wait()
            pltpu.sync_copy(rowsT, acc.at[cidxT], add=True)

        @pl.when(cid == 0)
        def _():
            run(ks_hbm, ru_hbm, cu_hbm)

        @pl.when(cid == 1)
        def _():
            run(ki_hbm, rd_hbm, cd_hbm)

        plsc.subcore_barrier()

        @pl.when(cid == 0)
        def _():
            _rowcopy(sid, acc, au_hbm)

        @pl.when(cid == 1)
        def _():
            _rowcopy(sid, acc, ad_hbm)

    f = pl.kernel(
        body,
        out_type=(jax.ShapeDtypeStruct((N, D), jnp.float32),
                  jax.ShapeDtypeStruct((N, D), jnp.float32)),
        mesh=_sc_mesh(),
        scratch_types=(
            pltpu.VMEM_SHARED((N, D), jnp.float32),
            pltpu.VMEM((CHUNK,), jnp.int32),
            pltpu.VMEM((CHUNK,), jnp.int32),
            pltpu.VMEM((CHUNK,), jnp.int32),
            pltpu.VMEM((CHUNK,), jnp.int32),
            pltpu.VMEM((TAIL,), jnp.int32),
            pltpu.VMEM((TAIL,), jnp.int32),
            pltpu.VMEM((CHUNK, D), jnp.float32),
            pltpu.VMEM((CHUNK, D), jnp.float32),
            pltpu.VMEM((TAIL, D), jnp.float32),
            pltpu.VMEM((SUP_E,), jnp.int32),
            pltpu.VMEM((SUP_E,), jnp.int32),
            pltpu.SemaphoreType.DMA,
            pltpu.SemaphoreType.DMA,
        ),
    )
    return f(ks, ki, ru, cu, rd, cd, zerosD)


def _prep_ws(bw, sw):
    sw_t = jnp.transpose(sw, (2, 1, 0)).reshape(COEF * D, D)
    return bw.T, sw_t * jnp.float32(_BSCALE)


def kernel(x, Ld, Lu, l0_har_base_w, l0_har_spline_w, l0_sol_base_w,
           l0_sol_spline_w, l0_irr_base_w, l0_irr_spline_w, l1_har_base_w,
           l1_har_spline_w, l1_sol_base_w, l1_sol_spline_w, l1_irr_base_w,
           l1_irr_spline_w):
    ru, cu = Lu[0], Lu[1]
    rd, cd = Ld[0], Ld[1]
    zerosD = jnp.zeros((N, D), jnp.float32)
    zerosW = jnp.zeros((N, DEGW), jnp.float32)
    onesW = jnp.ones((CHUNK, DEGW), jnp.float32)

    hb0, hs0 = _prep_ws(l0_har_base_w, l0_har_spline_w)
    sb0, ss0 = _prep_ws(l0_sol_base_w, l0_sol_spline_w)
    ib0, iw0 = _prep_ws(l0_irr_base_w, l0_irr_spline_w)
    hb1, hs1 = _prep_ws(l1_har_base_w, l1_har_spline_w)
    sb1, ss1 = _prep_ws(l1_sol_base_w, l1_sol_spline_w)
    ib1, iw1 = _prep_ws(l1_irr_base_w, l1_irr_spline_w)

    degu, degd = _sc_deg(cu, cd, zerosW, onesW)
    zh0, zs0, zi0 = _tc_layer0a(x, (hb0, hs0, sb0, ss0, ib0, iw0))
    ks0, ki0 = _tc_scale(zs0, zi0, degu, degd)
    au0, ad0 = _sc_prop(ks0, ki0, ru, cu, rd, cd, zerosD)
    zh1, ks1, ki1 = _tc_layer1(zh0, au0, ad0, degu, degd,
                               (hb1, hs1, sb1, ss1, ib1, iw1))
    au1, ad1 = _sc_prop(ks1, ki1, ru, cu, rd, cd, zerosD)
    return _tc_final(zh1, au1, ad1, degu, degd)

# --- scband reference (transcript-rebuilt; emitter-appended) ---
"""Pipeline reference for scband-kancccn-64768106824281 (READ-ONLY COPY).

The authoritative reference and input builder live on the scoring server;
editing this copy changes nothing except your own understanding.
"""

import jax, jax.numpy as jnp
import numpy as np

N_NODES = 10000
E_EDGES = 320000
D = 128
GRID_SIZE = 5
SPLINE_ORDER = 3

PARAM_NAMES = ["l0_har_base_w", "l0_har_spline_w", "l0_sol_base_w", "l0_sol_spline_w", "l0_irr_base_w", "l0_irr_spline_w", "l1_har_base_w", "l1_har_spline_w", "l1_sol_base_w", "l1_sol_spline_w", "l1_irr_base_w", "l1_irr_spline_w"]


def _make_grid(in_features):
    h = 2.0 / GRID_SIZE
    g = jnp.arange(-SPLINE_ORDER, GRID_SIZE + SPLINE_ORDER + 1, dtype=jnp.float32) * h - 1.0
    return jnp.tile(g[None, :], (in_features, 1))


def _b_splines(x, grid):
    xe = x[:, :, None]
    bases = ((xe >= grid[None, :, :-1]) & (xe < grid[None, :, 1:])).astype(x.dtype)
    for k in range(1, SPLINE_ORDER + 1):
        left = (xe - grid[None, :, :-(k + 1)]) / (grid[None, :, k:-1] - grid[None, :, :-(k + 1)])
        right = (grid[None, :, k + 1:] - xe) / (grid[None, :, k + 1:] - grid[None, :, 1:-k])
        bases = left * bases[:, :, :-1] + right * bases[:, :, 1:]
    return bases


def _kan(x, base_w, spline_w, grid):
    base = jax.nn.silu(x) @ base_w.T
    b = _b_splines(x, grid)
    spline = b.reshape(x.shape[0], -1) @ spline_w.reshape(spline_w.shape[0], -1).T
    return base + spline


def _gcn_propagate(h, edge_index, n):
    row = edge_index[0]
    col = edge_index[1]
    deg = jnp.zeros((n,), h.dtype).at[col].add(1.0)
    dinv = jnp.where(deg > 0.0, 1.0 / jnp.sqrt(deg), 0.0)
    norm = dinv[row] * dinv[col]
    return jnp.zeros_like(h).at[col].add(norm[:, None] * h[row])


def _forward(x, Ld, Lu, ws):
    grid = _make_grid(D)
    n = x.shape[0]
    h = x
    for layer in range(2):
        hb, hs, sb, ss, ib, iw = ws[6 * layer:6 * layer + 6]
        # dropout p=0.0 is identity
        z_h = _kan(h, hb, hs, grid)
        z_s = _gcn_propagate(_kan(h, sb, ss, grid), Lu, n)
        z_i = _gcn_propagate(_kan(h, ib, iw, grid), Ld, n)
        h = jax.nn.relu(z_h + z_s + z_i)  # break branch in torch code is dead (i never == len(convs))
    return h


def setup_inputs(seed: int = 0):
    key = jax.random.key(seed)
    ks = jax.random.split(key, 20)
    inp = {}
    inp["x"] = jax.random.normal(ks[0], (N_NODES, D), dtype=jnp.float32)
    inp["Ld"] = jax.random.randint(ks[1], (2, E_EDGES), 0, N_NODES, dtype=jnp.int32)
    inp["Lu"] = jax.random.randint(ks[2], (2, E_EDGES), 0, N_NODES, dtype=jnp.int32)
    coef = GRID_SIZE + SPLINE_ORDER
    for i, name in enumerate(PARAM_NAMES):
        if "base" in name:
            inp[name] = 0.1 * jax.random.normal(ks[3 + i], (D, D), dtype=jnp.float32)
        else:
            inp[name] = 0.02 * jax.random.normal(ks[3 + i], (D, D, coef), dtype=jnp.float32)
    return inp


def reference(x, Ld, Lu, l0_har_base_w, l0_har_spline_w, l0_sol_base_w, l0_sol_spline_w, l0_irr_base_w, l0_irr_spline_w, l1_har_base_w, l1_har_spline_w, l1_sol_base_w, l1_sol_spline_w, l1_irr_base_w, l1_irr_spline_w):
    ws = [l0_har_base_w, l0_har_spline_w, l0_sol_base_w, l0_sol_spline_w, l0_irr_base_w, l0_irr_spline_w, l1_har_base_w, l1_har_spline_w, l1_sol_base_w, l1_sol_spline_w, l1_irr_base_w, l1_irr_spline_w]
    return _forward(x, Ld, Lu, ws)

if __name__ == "__main__":
    import jax
    _d = setup_inputs()
    print(jax.jit(kernel)(*tuple(_d.values())))

</pallas_src>

<mosaic_0001>
#map = affine_map<(d0, d1) -> (0, 0)>
#map1 = affine_map<(d0, d1) -> (0)>
module attributes {stable_mosaic.version = 14 : i64} {
  func.func @body(%arg0: i32, %arg1: i32, %arg2: memref<10000x128xf32, #tpu.memory_space<hbm>>, %arg3: memref<10000x128xf32, #tpu.memory_space<hbm>>, %arg4: memref<320000xi32, #tpu.memory_space<hbm>>, %arg5: memref<320000xi32, #tpu.memory_space<hbm>>, %arg6: memref<320000xi32, #tpu.memory_space<hbm>>, %arg7: memref<320000xi32, #tpu.memory_space<hbm>>, %arg8: memref<10000x128xf32, #tpu.memory_space<hbm>>, %arg9: memref<10000x128xf32, #tpu.memory_space<hbm>>, %arg10: memref<10000x128xf32, #tpu.memory_space<hbm>>, %arg11: memref<10000x128xf32, #tpu.memory_space<vmem_shared>>, %arg12: memref<128xi32, #tpu.memory_space<vmem>>, %arg13: memref<128xi32, #tpu.memory_space<vmem>>, %arg14: memref<128xi32, #tpu.memory_space<vmem>>, %arg15: memref<128xi32, #tpu.memory_space<vmem>>, %arg16: memref<32xi32, #tpu.memory_space<vmem>>, %arg17: memref<32xi32, #tpu.memory_space<vmem>>, %arg18: memref<128x128xf32, #tpu.memory_space<vmem>>, %arg19: memref<128x128xf32, #tpu.memory_space<vmem>>, %arg20: memref<32x128xf32, #tpu.memory_space<vmem>>, %arg21: memref<1536xi32, #tpu.memory_space<vmem>>, %arg22: memref<1536xi32, #tpu.memory_space<vmem>>, %arg23: memref<!tpu.dma_semaphore, #tpu.memory_space<semaphore_mem>>, %arg24: memref<!tpu.dma_semaphore, #tpu.memory_space<semaphore_mem>>) attributes {dimension_semantics = [#tpu.dimension_semantics<core_parallel>, #tpu.dimension_semantics<subcore_parallel>], iteration_bounds = array<i64: 2, 16>, scalar_prefetch = 0 : i64, scratch_operands = 14 : i64, tpu.core_type = #tpu.core_type<sc_vector_subcore>, window_params = [{transform_indices = #map}, {transform_indices = #map}, {transform_indices = #map1}, {transform_indices = #map1}, {transform_indices = #map1}, {transform_indices = #map1}, {transform_indices = #map}, {transform_indices = #map}, {transform_indices = #map}]} {
    %lt3A = arith.constant 15 : i32
    %lt3A_0 = arith.cmpi slt, %arg1, %lt3A : i32
    %convert_element_type3A = arith.extui %lt3A_0 : i1 to i32
    %cond3A = arith.constant 0 : i32
    %cond3A_1 = arith.cmpi ne, %convert_element_type3A, %cond3A : i32
    scf.if %cond3A_1 {
      %mul3A_28 = arith.constant 624 : i32
      %mul3A_29 = arith.muli %arg1, %mul3A_28 : i32
      %multiple_of3A = tpu.assume_multiple %mul3A_29, 8 : i32
      "tpu.region"() ({
        %run_scoped3A = tpu.sem_alloc : memref<!tpu.dma_semaphore, #tpu.memory_space<semaphore_mem>>
        %dma_start3A = arith.constant 0 : i32
        %dma_start3A_30 = tpu.memref_slice %arg11[%multiple_of3A, %dma_start3A] : memref<10000x128xf32, #tpu.memory_space<vmem_shared>> -> memref<624x128xf32, #tpu.memory_space<vmem_shared>>
        %dma_start3A_31 = arith.constant 0 : i32
        %dma_start3A_32 = tpu.memref_slice %arg8[%multiple_of3A, %dma_start3A_31] : memref<10000x128xf32, #tpu.memory_space<hbm>> -> memref<624x128xf32, #tpu.memory_space<hbm>>
        tpu.enqueue_dma source(%dma_start3A_32 : memref<624x128xf32, #tpu.memory_space<hbm>>) target(%dma_start3A_30 : memref<624x128xf32, #tpu.memory_space<vmem_shared>>) target_semaphore(%run_scoped3A : memref<!tpu.dma_semaphore, #tpu.memory_space<semaphore_mem>>)
        %dma_wait3A = arith.constant 0 : i32
        %dma_wait3A_33 = tpu.memref_slice %arg11[%multiple_of3A, %dma_wait3A] : memref<10000x128xf32, #tpu.memory_space<vmem_shared>> -> memref<624x128xf32, #tpu.memory_space<vmem_shared>>
        %dma_wait3A_34 = arith.constant 0 : i32
        %dma_wait3A_35 = tpu.memref_slice %arg8[%multiple_of3A, %dma_wait3A_34] : memref<10000x128xf32, #tpu.memory_space<hbm>> -> memref<624x128xf32, #tpu.memory_space<hbm>>
        tpu.wait_dma2 semaphore(%run_scoped3A : memref<!tpu.dma_semaphore, #tpu.memory_space<semaphore_mem>>) src(%dma_wait3A_35 : memref<624x128xf32, #tpu.memory_space<hbm>>) dst(%dma_wait3A_33 : memref<624x128xf32, #tpu.memory_space<vmem_shared>>)
        tpu.yield
      }) : () -> ()
    } else {
    }
    %eq3A = arith.constant 15 : i32
    %eq3A_2 = arith.cmpi eq, %arg1, %eq3A : i32
    %convert_element_type3A_3 = arith.extui %eq3A_2 : i1 to i32
    %cond3A_4 = arith.constant 0 : i32
    %cond3A_5 = arith.cmpi ne, %convert_element_type3A_3, %cond3A_4 : i32
    scf.if %cond3A_5 {
      "tpu.region"() ({
        %run_scoped3A = tpu.sem_alloc : memref<!tpu.dma_semaphore, #tpu.memory_space<semaphore_mem>>
        %dma_start3A = arith.constant 9360 : i32
        %dma_start3A_28 = arith.constant 0 : i32
        %dma_start3A_29 = tpu.memref_slice %arg11[%dma_start3A, %dma_start3A_28] : memref<10000x128xf32, #tpu.memory_space<vmem_shared>> -> memref<640x128xf32, #tpu.memory_space<vmem_shared>>
        %dma_start3A_30 = arith.constant 9360 : i32
        %dma_start3A_31 = arith.constant 0 : i32
        %dma_start3A_32 = tpu.memref_slice %arg8[%dma_start3A_30, %dma_start3A_31] : memref<10000x128xf32, #tpu.memory_space<hbm>> -> memref<640x128xf32, #tpu.memory_space<hbm>>
        tpu.enqueue_dma source(%dma_start3A_32 : memref<640x128xf32, #tpu.memory_space<hbm>>) target(%dma_start3A_29 : memref<640x128xf32, #tpu.memory_space<vmem_shared>>) target_semaphore(%run_scoped3A : memref<!tpu.dma_semaphore, #tpu.memory_space<semaphore_mem>>)
        %dma_wait3A = arith.constant 9360 : i32
        %dma_wait3A_33 = arith.constant 0 : i32
        %dma_wait3A_34 = tpu.memref_slice %arg11[%dma_wait3A, %dma_wait3A_33] : memref<10000x128xf32, #tpu.memory_space<vmem_shared>> -> memref<640x128xf32, #tpu.memory_space<vmem_shared>>
        %dma_wait3A_35 = arith.constant 9360 : i32
        %dma_wait3A_36 = arith.constant 0 : i32
        %dma_wait3A_37 = tpu.memref_slice %arg8[%dma_wait3A_35, %dma_wait3A_36] : memref<10000x128xf32, #tpu.memory_space<hbm>> -> memref<640x128xf32, #tpu.memory_space<hbm>>
        tpu.wait_dma2 semaphore(%run_scoped3A : memref<!tpu.dma_semaphore, #tpu.memory_space<semaphore_mem>>) src(%dma_wait3A_37 : memref<640x128xf32, #tpu.memory_space<hbm>>) dst(%dma_wait3A_34 : memref<640x128xf32, #tpu.memory_space<vmem_shared>>)
        tpu.yield
      }) : () -> ()
    } else {
    }
    %barrier3A = arith.constant 0 : index
    tpu.barrier barrier_id(%barrier3A)
    %mul3A = arith.constant 20000 : i32
    %mul3A_6 = arith.muli %arg1, %mul3A : i32
    %eq3A_7 = arith.constant 0 : i32
    %eq3A_8 = arith.cmpi eq, %arg0, %eq3A_7 : i32
    %convert_element_type3A_9 = arith.extui %eq3A_8 : i1 to i32
    %cond3A_10 = arith.constant 0 : i32
    %cond3A_11 = arith.cmpi ne, %convert_element_type3A_9, %cond3A_10 : i32
    scf.if %cond3A_11 {
      %add3A = arith.constant 0 : i32
      %add3A_28 = arith.addi %mul3A_6, %add3A : i32
      "tpu.region"() ({
        %run_scoped3A = tpu.sem_alloc : memref<!tpu.dma_semaphore, #tpu.memory_space<semaphore_mem>>
        %dma_start3A_157 = tpu.memref_slice %arg4[%add3A_28] : memref<320000xi32, #tpu.memory_space<hbm>> -> memref<1536xi32, #tpu.memory_space<hbm>>
        %dma_start3A_158 = tpu.memref_slice %arg4[%add3A_28] : memref<320000xi32, #tpu.memory_space<hbm>> -> memref<1536xi32, #tpu.memory_space<hbm>>
        tpu.enqueue_dma source(%dma_start3A_158 : memref<1536xi32, #tpu.memory_space<hbm>>) target(%arg21 : memref<1536xi32, #tpu.memory_space<vmem>>) target_semaphore(%run_scoped3A : memref<!tpu.dma_semaphore, #tpu.memory_space<semaphore_mem>>)
        %dma_wait3A_159 = tpu.memref_slice %arg4[%add3A_28] : memref<320000xi32, #tpu.memory_space<hbm>> -> memref<1536xi32, #tpu.memory_space<hbm>>
        %dma_wait3A_160 = tpu.memref_slice %arg4[%add3A_28] : memref<320000xi32, #tpu.memory_space<hbm>> -> memref<1536xi32, #tpu.memory_space<hbm>>
        tpu.wait_dma2 semaphore(%run_scoped3A : memref<!tpu.dma_semaphore, #tpu.memory_space<semaphore_mem>>) src(%dma_wait3A_160 : memref<1536xi32, #tpu.memory_space<hbm>>) dst(%arg21 : memref<1536xi32, #tpu.memory_space<vmem>>)
        tpu.yield
      }) : () -> ()
      %add3A_29 = arith.constant 0 : i32
      %add3A_30 = arith.addi %mul3A_6, %add3A_29 : i32
      "tpu.region"() ({
        %run_scoped3A = tpu.sem_alloc : memref<!tpu.dma_semaphore, #tpu.memory_space<semaphore_mem>>
        %dma_start3A_157 = tpu.memref_slice %arg5[%add3A_30] : memref<320000xi32, #tpu.memory_space<hbm>> -> memref<1536xi32, #tpu.memory_space<hbm>>
        %dma_start3A_158 = tpu.memref_slice %arg5[%add3A_30] : memref<320000xi32, #tpu.memory_space<hbm>> -> memref<1536xi32, #tpu.memory_space<hbm>>
        tpu.enqueue_dma source(%dma_start3A_158 : memref<1536xi32, #tpu.memory_space<hbm>>) target(%arg22 : memref<1536xi32, #tpu.memory_space<vmem>>) target_semaphore(%run_scoped3A : memref<!tpu.dma_semaphore, #tpu.memory_space<semaphore_mem>>)
        %dma_wait3A_159 = tpu.memref_slice %arg5[%add3A_30] : memref<320000xi32, #tpu.memory_space<hbm>> -> memref<1536xi32, #tpu.memory_space<hbm>>
        %dma_wait3A_160 = tpu.memref_slice %arg5[%add3A_30] : memref<320000xi32, #tpu.memory_space<hbm>> -> memref<1536xi32, #tpu.memory_space<hbm>>
        tpu.wait_dma2 semaphore(%run_scoped3A : memref<!tpu.dma_semaphore, #tpu.memory_space<semaphore_mem>>) src(%dma_wait3A_160 : memref<1536xi32, #tpu.memory_space<hbm>>) dst(%arg22 : memref<1536xi32, #tpu.memory_space<vmem>>)
        tpu.yield
      }) : () -> ()
      %get3A = arith.constant 0 : index
      %get3A_31 = tpu.vector_load %arg21[%get3A] {strides = array<i32>} : memref<1536xi32, #tpu.memory_space<vmem>>, vector<16xi32>,
      %get3A_32 = vector.shape_cast %get3A_31 : vector<16xi32> to vector<16xi32>
      %swap3A = arith.constant 0 : index
      %swap3A_33 = tpu.vector_load %arg12[%swap3A] {strides = array<i32>} : memref<128xi32, #tpu.memory_space<vmem>>, vector<16xi32>,
      %swap3A_34 = vector.shape_cast %swap3A_33 : vector<16xi32> to vector<16xi32>
      %swap3A_35 = vector.shape_cast %get3A_32 : vector<16xi32> to vector<16xi32>
      tpu.vector_store %arg12[%swap3A], %swap3A_35 {strides = array<i32>} : memref<128xi32, #tpu.memory_space<vmem>>, vector<16xi32>,
      %get3A_36 = arith.constant 0 : index
      %get3A_37 = tpu.vector_load %arg22[%get3A_36] {strides = array<i32>} : memref<1536xi32, #tpu.memory_space<vmem>>, vector<16xi32>,
      %get3A_38 = vector.shape_cast %get3A_37 : vector<16xi32> to vector<16xi32>
      %swap3A_39 = arith.constant 0 : index
      %swap3A_40 = tpu.vector_load %arg14[%swap3A_39] {strides = array<i32>} : memref<128xi32, #tpu.memory_space<vmem>>, vector<16xi32>,
      %swap3A_41 = vector.shape_cast %swap3A_40 : vector<16xi32> to vector<16xi32>
      %swap3A_42 = vector.shape_cast %get3A_38 : vector<16xi32> to vector<16xi32>
      tpu.vector_store %arg14[%swap3A_39], %swap3A_42 {strides = array<i32>} : memref<128xi32, #tpu.memory_space<vmem>>, vector<16xi32>,
      %get3A_43 = arith.constant 16 : index
      %get3A_44 = tpu.vector_load %arg21[%get3A_43] {strides = array<i32>} : memref<1536xi32, #tpu.memory_space<vmem>>, vector<16xi32>,
      %get3A_45 = vector.shape_cast %get3A_44 : vector<16xi32> to vector<16xi32>
      %swap3A_46 = arith.constant 16 : index
      %swap3A_47 = tpu.vector_load %arg12[%swap3A_46] {strides = array<i32>} : memref<128xi32, #tpu.memory_space<vmem>>, vector<16xi32>,
      %swap3A_48 = vector.shape_cast %swap3A_47 : vector<16xi32> to vector<16xi32>
      %swap3A_49 = vector.shape_cast %get3A_45 : vector<16xi32> to vector<16xi32>
      tpu.vector_store %arg12[%swap3A_46], %swap3A_49 {strides = array<i32>} : memref<128xi32, #tpu.memory_space<vmem>>, vector<16xi32>,
      %get3A_50 = arith.constant 16 : index
      %get3A_51 = tpu.vector_load %arg22[%get3A_50] {strides = array<i32>} : memref<1536xi32, #tpu.memory_space<vmem>>, vector<16xi32>,
      %get3A_52 = vector.shape_cast %get3A_51 : vector<16xi32> to vector<16xi32>
      %swap3A_53 = arith.constant 16 : index
      %swap3A_54 = tpu.vector_load %arg14[%swap3A_53] {strides = array<i32>} : memref<128xi32, #tpu.memory_space<vmem>>, vector<16xi32>,
      %swap3A_55 = vector.shape_cast %swap3A_54 : vector<16xi32> to vector<16xi32>
      %swap3A_56 = vector.shape_cast %get3A_52 : vector<16xi32> to vector<16xi32>
      tpu.vector_store %arg14[%swap3A_53], %swap3A_56 {strides = array<i32>} : memref<128xi32, #tpu.memory_space<vmem>>, vector<16xi32>,
      %get3A_57 = arith.constant 32 : index
      %get3A_58 = tpu.vector_load %arg21[%get3A_57] {strides = array<i32>} : memref<1536xi32, #tpu.memory_space<vmem>>, vector<16xi32>,
      %get3A_59 = vector.shape_cast %get3A_58 : vector<16xi32> to vector<16xi32>
      %swap3A_60 = arith.constant 32 : index
      %swap3A_61 = tpu.vector_load %arg12[%swap3A_60] {strides = array<i32>} : memref<128xi32, #tpu.memory_space<vmem>>, vector<16xi32>,
      %swap3A_62 = vector.shape_cast %swap3A_61 : vector<16xi32> to vector<16xi32>
      %swap3A_63 = vector.shape_cast %get3A_59 : vector<16xi32> to vector<16xi32>
      tpu.vector_store %arg12[%swap3A_60], %swap3A_63 {strides = array<i32>} : memref<128xi32, #tpu.memory_space<vmem>>, vector<16xi32>,
      %get3A_64 = arith.constant 32 : index
      %get3A_65 = tpu.vector_load %arg22[%get3A_64] {strides = array<i32>} : memref<1536xi32, #tpu.memory_space<vmem>>, vector<16xi32>,
      %get3A_66 = vector.shape_cast %get3A_65 : vector<16xi32> to vector<16xi32>
      %swap3A_67 = arith.constant 32 : index
      %swap3A_68 = tpu.vector_load %arg14[%swap3A_67] {strides = array<i32>} : memref<128xi32, #tpu.memory_space<vmem>>, vector<16xi32>,
      %swap3A_69 = vector.shape_cast %swap3A_68 : vector<16xi32> to vector<16xi32>
      %swap3A_70 = vector.shape_cast %get3A_66 : vector<16xi32> to vector<16xi32>
      tpu.vector_store %arg14[%swap3A_67], %swap3A_70 {strides = array<i32>} : memref<128xi32, #tpu.memory_space<vmem>>, vector<16xi32>,
      %get3A_71 = arith.constant 48 : index
      %get3A_72 = tpu.vector_load %arg21[%get3A_71] {strides = array<i32>} : memref<1536xi32, #tpu.memory_space<vmem>>, vector<16xi32>,
      %get3A_73 = vector.shape_cast %get3A_72 : vector<16xi32> to vector<16xi32>
      %swap3A_74 = arith.constant 48 : index
      %swap3A_75 = tpu.vector_load %arg12[%swap3A_74] {strides = array<i32>} : memref<128xi32, #tpu.memory_space<vmem>>, vector<16xi32>,
      %swap3A_76 = vector.shape_cast %swap3A_75 : vector<16xi32> to vector<16xi32>
      %swap3A_77 = vector.shape_cast %get3A_73 : vector<16xi32> to vector<16xi32>
      tpu.vector_store %arg12[%swap3A_74], %swap3A_77 {strides = array<i32>} : memref<128xi32, #tpu.memory_space<vmem>>, vector<16xi32>,
      %get3A_78 = arith.constant 48 : index
      %get3A_79 = tpu.vector_load %arg22[%get3A_78] {strides = array<i32>} : memref<1536xi32, #tpu.memory_space<vmem>>, vector<16xi32>,
      %get3A_80 = vector.shape_cast %get3A_79 : vector<16xi32> to vector<16xi32>
      %swap3A_81 = arith.constant 48 : index
      %swap3A_82 = tpu.vector_load %arg14[%swap3A_81] {strides = array<i32>} : memref<128xi32, #tpu.memory_space<vmem>>, vector<16xi32>,
      %swap3A_83 = vector.shape_cast %swap3A_82 : vector<16xi32> to vector<16xi32>
      %swap3A_84 = vector.shape_cast %get3A_80 : vector<16xi32> to vector<16xi32>
      tpu.vector_store %arg14[%swap3A_81], %swap3A_84 {strides = array<i32>} : memref<128xi32, #tpu.memory_space<vmem>>, vector<16xi32>,
      %get3A_85 = arith.constant 64 : index
      %get3A_86 = tpu.vector_load %arg21[%get3A_85] {strides = array<i32>} : memref<1536xi32, #tpu.memory_space<vmem>>, vector<16xi32>,
      %get3A_87 = vector.shape_cast %get3A_86 : vector<16xi32> to vector<16xi32>
      %swap3A_88 = arith.constant 64 : index
      %swap3A_89 = tpu.vector_load %arg12[%swap3A_88] {strides = array<i32>} : memref<128xi32, #tpu.memory_space<vmem>>, vector<16xi32>,
      %swap3A_90 = vector.shape_cast %swap3A_89 : vector<16xi32> to vector<16xi32>
      %swap3A_91 = vector.shape_cast %get3A_87 : vector<16xi32> to vector<16xi32>
      tpu.vector_store %arg12[%swap3A_88], %swap3A_91 {strides = array<i32>} : memref<128xi32, #tpu.memory_space<vmem>>, vector<16xi32>,
      %get3A_92 = arith.constant 64 : index
      %get3A_93 = tpu.vector_load %arg22[%get3A_92] {strides = array<i32>} : memref<1536xi32, #tpu.memory_space<vmem>>, vector<16xi32>,
      %get3A_94 = vector.shape_cast %get3A_93 : vector<16xi32> to vector<16xi32>
      %swap3A_95 = arith.constant 64 : index
      %swap3A_96 = tpu.vector_load %arg14[%swap3A_95] {strides = array<i32>} : memref<128xi32, #tpu.memory_space<vmem>>, vector<16xi32>,
      %swap3A_97 = vector.shape_cast %swap3A_96 : vector<16xi32> to vector<16xi32>
      %swap3A_98 = vector.shape_cast %get3A_94 : vector<16xi32> to vector<16xi32>
      tpu.vector_store %arg14[%swap3A_95], %swap3A_98 {strides = array<i32>} : memref<128xi32, #tpu.memory_space<vmem>>, vector<16xi32>,
      %get3A_99 = arith.constant 80 : index
      %get3A_100 = tpu.vector_load %arg21[%get3A_99] {strides = array<i32>} : memref<1536xi32, #tpu.memory_space<vmem>>, vector<16xi32>,
      %get3A_101 = vector.shape_cast %get3A_100 : vector<16xi32> to vector<16xi32>
      %swap3A_102 = arith.constant 80 : index
      %swap3A_103 = tpu.vector_load %arg12[%swap3A_102] {strides = array<i32>} : memref<128xi32, #tpu.memory_space<vmem>>, vector<16xi32>,
      %swap3A_104 = vector.shape_cast %swap3A_103 : vector<16xi32> to vector<16xi32>
      %swap3A_105 = vector.shape_cast %get3A_101 : vector<16xi32> to vector<16xi32>
      tpu.vector_store %arg12[%swap3A_102], %swap3A_105 {strides = array<i32>} : memref<128xi32, #tpu.memory_space<vmem>>, vector<16xi32>,
      %get3A_106 = arith.constant 80 : index
      %get3A_107 = tpu.vector_load %arg22[%get3A_106] {strides = array<i32>} : memref<1536xi32, #tpu.memory_space<vmem>>, vector<16xi32>,
      %get3A_108 = vector.shape_cast %get3A_107 : vector<16xi32> to vector<16xi32>
      %swap3A_109 = arith.constant 80 : index
      %swap3A_110 = tpu.vector_load %arg14[%swap3A_109] {strides = array<i32>} : memref<128xi32, #tpu.memory_space<vmem>>, vector<16xi32>,
      %swap3A_111 = vector.shape_cast %swap3A_110 : vector<16xi32> to vector<16xi32>
      %swap3A_112 = vector.shape_cast %get3A_108 : vector<16xi32> to vector<16xi32>
      tpu.vector_store %arg14[%swap3A_109], %swap3A_112 {strides = array<i32>} : memref<128xi32, #tpu.memory_space<vmem>>, vector<16xi32>,
      %get3A_113 = arith.constant 96 : index
      %get3A_114 = tpu.vector_load %arg21[%get3A_113] {strides = array<i32>} : memref<1536xi32, #tpu.memory_space<vmem>>, vector<16xi32>,
      %get3A_115 = vector.shape_cast %get3A_114 : vector<16xi32> to vector<16xi32>
      %swap3A_116 = arith.constant 96 : index
      %swap3A_117 = tpu.vector_load %arg12[%swap3A_116] {strides = array<i32>} : memref<128xi32, #tpu.memory_space<vmem>>, vector<16xi32>,
      %swap3A_118 = vector.shape_cast %swap3A_117 : vector<16xi32> to vector<16xi32>
      %swap3A_119 = vector.shape_cast %get3A_115 : vector<16xi32> to vector<16xi32>
      tpu.vector_store %arg12[%swap3A_116], %swap3A_119 {strides = array<i32>} : memref<128xi32, #tpu.memory_space<vmem>>, vector<16xi32>,
      %get3A_120 = arith.constant 96 : index
      %get3A_121 = tpu.vector_load %arg22[%get3A_120] {strides = array<i32>} : memref<1536xi32, #tpu.memory_space<vmem>>, vector<16xi32>,
      %get3A_122 = vector.shape_cast %get3A_121 : vector<16xi32> to vector<16xi32>
      %swap3A_123 = arith.constant 96 : index
      %swap3A_124 = tpu.vector_load %arg14[%swap3A_123] {strides = array<i32>} : memref<128xi32, #tpu.memory_space<vmem>>, vector<16xi32>,
      %swap3A_125 = vector.shape_cast %swap3A_124 : vector<16xi32> to vector<16xi32>
      %swap3A_126 = vector.shape_cast %get3A_122 : vector<16xi32> to vector<16xi32>
      tpu.vector_store %arg14[%swap3A_123], %swap3A_126 {strides = array<i32>} : memref<128xi32, #tpu.memory_space<vmem>>, vector<16xi32>,
      %get3A_127 = arith.constant 112 : index
      %get3A_128 = tpu.vector_load %arg21[%get3A_127] {strides = array<i32>} : memref<1536xi32, #tpu.memory_space<vmem>>, vector<16xi32>,
      %get3A_129 = vector.shape_cast %get3A_128 : vector<16xi32> to vector<16xi32>
      %swap3A_130 = arith.constant 112 : index
      %swap3A_131 = tpu.vector_load %arg12[%swap3A_130] {strides = array<i32>} : memref<128xi32, #tpu.memory_space<vmem>>, vector<16xi32>,
      %swap3A_132 = vector.shape_cast %swap3A_131 : vector<16xi32> to vector<16xi32>
      %swap3A_133 = vector.shape_cast %get3A_129 : vector<16xi32> to vector<16xi32>
      tpu.vector_store %arg12[%swap3A_130], %swap3A_133 {strides = array<i32>} : memref<128xi32, #tpu.memory_space<vmem>>, vector<16xi32>,
      %get3A_134 = arith.constant 112 : index
      %get3A_135 = tpu.vector_load %arg22[%get3A_134] {strides = array<i32>} : memref<1536xi32, #tpu.memory_space<vmem>>, vector<16xi32>,
      %get3A_136 = vector.shape_cast %get3A_135 : vector<16xi32> to vector<16xi32>
      %swap3A_137 = arith.constant 112 : index
      %swap3A_138 = tpu.vector_load %arg14[%swap3A_137] {strides = array<i32>} : memref<128xi32, #tpu.memory_space<vmem>>, vector<16xi32>,
      %swap3A_139 = vector.shape_cast %swap3A_138 : vector<16xi32> to vector<16xi32>
      %swap3A_140 = vector.shape_cast %get3A_136 : vector<16xi32> to vector<16xi32>
      tpu.vector_store %arg14[%swap3A_137], %swap3A_140 {strides = array<i32>} : memref<128xi32, #tpu.memory_space<vmem>>, vector<16xi32>,
      %dma_start3A = arith.constant 0 : i32
      %dma_start3A_141 = arith.constant 0 : i32
      %dma_start3A_142 = tpu.memref_slice %arg2[%dma_start3A, %dma_start3A_141] : memref<10000x128xf32, #tpu.memory_space<hbm>> -> memref<10000x128xf32, #tpu.memory_space<hbm>>
      tpu.enqueue_indirect_dma source(%dma_start3A_142 : memref<10000x128xf32, #tpu.memory_space<hbm>>) target(%arg18 : memref<128x128xf32, #tpu.memory_space<vmem>>) offsets(%arg12 : memref<128xi32, #tpu.memory_space<vmem>>) semaphore(%arg23 : memref<!tpu.dma_semaphore, #tpu.memory_space<semaphore_mem>>)
      %scan3A = arith.constant 0 : i32
      %scan3A_143 = arith.constant 0 : i32
      %scan3A_144 = arith.constant 78 : i32
      %scan3A_145 = arith.addi %scan3A_143, %scan3A_144 : i32
      %scan3A_146 = arith.constant 1 : i32
      scf.for %scan3A_157 = %scan3A_143 to %scan3A_145 step %scan3A_146  : i32 {
        %mul3A_158 = arith.constant 2 : i32
        %mul3A_159 = arith.muli %mul3A_158, %scan3A_157 : i32
        %add3A_160 = arith.constant 1 : i32
        %add3A_161 = arith.addi %mul3A_159, %add3A_160 : i32
        %mul3A_162 = arith.constant 128 : i32
        %mul3A_163 = arith.muli %add3A_161, %mul3A_162 : i32
        %jit3A = arith.constant 6 : i32
        %div3A = arith.divsi %scan3A_157, %jit3A : i32
        %sign3A = arith.constant 0 : i32
        %sign3A_164 = arith.cmpi sgt, %scan3A_157, %sign3A : i32
        %sign3A_165 = arith.extui %sign3A_164 : i1 to i32
        %sign3A_166 = arith.constant 0 : i32
        %sign3A_167 = arith.cmpi slt, %scan3A_157, %sign3A_166 : i32
        %sign3A_168 = arith.extui %sign3A_167 : i1 to i32
        %sign3A_169 = arith.subi %sign3A_165, %sign3A_168 : i32
        %sign3A_170 = arith.constant 0 : i32
        %sign3A_171 = arith.cmpi sgt, %jit3A, %sign3A_170 : i32
        %sign3A_172 = arith.extui %sign3A_171 : i1 to i32
        %sign3A_173 = arith.constant 0 : i32
        %sign3A_174 = arith.cmpi slt, %jit3A, %sign3A_173 : i32
        %sign3A_175 = arith.extui %sign3A_174 : i1 to i32
        %sign3A_176 = arith.subi %sign3A_172, %sign3A_175 : i32
        %ne3A = arith.cmpi ne, %sign3A_169, %sign3A_176 : i32
        %rem3A = arith.remsi %scan3A_157, %jit3A : i32
        %ne3A_177 = arith.constant 0 : i32
        %ne3A_178 = arith.cmpi ne, %rem3A, %ne3A_177 : i32
        %and3A = arith.andi %ne3A, %ne3A_178 : i1
        %sub3A = arith.constant 1 : i32
        %sub3A_179 = arith.subi %div3A, %sub3A : i32
        %select_n3A = arith.select %and3A, %sub3A_179, %div3A : i32
        %mul3A_180 = arith.constant 1536 : i32
        %mul3A_181 = arith.muli %select_n3A, %mul3A_180 : i32
        %sub3A_182 = arith.subi %mul3A_163, %mul3A_181 : i32
        %add3A_183 = arith.constant 0 : i32
        %add3A_184 = arith.addi %sub3A_182, %add3A_183 : i32
        %get3A_185 = arith.index_cast %add3A_184 : i32 to index
        %get3A_186 = tpu.vector_load %arg21[%get3A_185] {strides = array<i32>} : memref<1536xi32, #tpu.memory_space<vmem>>, vector<16xi32>,
        %get3A_187 = vector.shape_cast %get3A_186 : vector<16xi32> to vector<16xi32>
        %swap3A_188 = arith.constant 0 : index
        %swap3A_189 = tpu.vector_load %arg13[%swap3A_188] {strides = array<i32>} : memref<128xi32, #tpu.memory_space<vmem>>, vector<16xi32>,
        %swap3A_190 = vector.shape_cast %swap3A_189 : vector<16xi32> to vector<16xi32>
        %swap3A_191 = vector.shape_cast %get3A_187 : vector<16xi32> to vector<16xi32>
        tpu.vector_store %arg13[%swap3A_188], %swap3A_191 {strides = array<i32>} : memref<128xi32, #tpu.memory_space<vmem>>, vector<16xi32>,
        %add3A_192 = arith.constant 0 : i32
        %add3A_193 = arith.addi %sub3A_182, %add3A_192 : i32
        %get3A_194 = arith.index_cast %add3A_193 : i32 to index
        %get3A_195 = tpu.vector_load %arg22[%get3A_194] {strides = array<i32>} : memref<1536xi32, #tpu.memory_space<vmem>>, vector<16xi32>,
        %get3A_196 = vector.shape_cast %get3A_195 : vector<16xi32> to vector<16xi32>
        %swap3A_197 = arith.constant 0 : index
        %swap3A_198 = tpu.vector_load %arg15[%swap3A_197] {strides = array<i32>} : memref<128xi32, #tpu.memory_space<vmem>>, vector<16xi32>,
        %swap3A_199 = vector.shape_cast %swap3A_198 : vector<16xi32> to vector<16xi32>
        %swap3A_200 = vector.shape_cast %get3A_196 : vector<16xi32> to vector<16xi32>
        tpu.vector_store %arg15[%swap3A_197], %swap3A_200 {strides = array<i32>} : memref<128xi32, #tpu.memory_space<vmem>>, vector<16xi32>,
        %add3A_201 = arith.constant 16 : i32
        %add3A_202 = arith.addi %sub3A_182, %add3A_201 : i32
        %get3A_203 = arith.index_cast %add3A_202 : i32 to index
        %get3A_204 = tpu.vector_load %arg21[%get3A_203] {strides = array<i32>} : memref<1536xi32, #tpu.memory_space<vmem>>, vector<16xi32>,
        %get3A_205 = vector.shape_cast %get3A_204 : vector<16xi32> to vector<16xi32>
        %swap3A_206 = arith.constant 16 : index
        %swap3A_207 = tpu.vector_load %arg13[%swap3A_206] {strides = array<i32>} : memref<128xi32, #tpu.memory_space<vmem>>, vector<16xi32>,
        %swap3A_208 = vector.shape_cast %swap3A_207 : vector<16xi32> to vector<16xi32>
        %swap3A_209 = vector.shape_cast %get3A_205 : vector<16xi32> to vector<16xi32>
        tpu.vector_store %arg13[%swap3A_206], %swap3A_209 {strides = array<i32>} : memref<128xi32, #tpu.memory_space<vmem>>, vector<16xi32>,
        %add3A_210 = arith.constant 16 : i32
        %add3A_211 = arith.addi %sub3A_182, %add3A_210 : i32
        %get3A_212 = arith.index_cast %add3A_211 : i32 to index
        %get3A_213 = tpu.vector_load %arg22[%get3A_212] {strides = array<i32>} : memref<1536xi32, #tpu.memory_space<vmem>>, vector<16xi32>,
        %get3A_214 = vector.shape_cast %get3A_213 : vector<16xi32> to vector<16xi32>
        %swap3A_215 = arith.constant 16 : index
        %swap3A_216 = tpu.vector_load %arg15[%swap3A_215] {strides = array<i32>} : memref<128xi32, #tpu.memory_space<vmem>>, vector<16xi32>,
        %swap3A_217 = vector.shape_cast %swap3A_216 : vector<16xi32> to vector<16xi32>
        %swap3A_218 = vector.shape_cast %get3A_214 : vector<16xi32> to vector<16xi32>
        tpu.vector_store %arg15[%swap3A_215], %swap3A_218 {strides = array<i32>} : memref<128xi32, #tpu.memory_space<vmem>>, vector<16xi32>,
        %add3A_219 = arith.constant 32 : i32
        %add3A_220 = arith.addi %sub3A_182, %add3A_219 : i32
        %get3A_221 = arith.index_cast %add3A_220 : i32 to index
        %get3A_222 = tpu.vector_load %arg21[%get3A_221] {strides = array<i32>} : memref<1536xi32, #tpu.memory_space<vmem>>, vector<16xi32>,
        %get3A_223 = vector.shape_cast %get3A_222 : vector<16xi32> to vector<16xi32>
        %swap3A_224 = arith.constant 32 : index
        %swap3A_225 = tpu.vector_load %arg13[%swap3A_224] {strides = array<i32>} : memref<128xi32, #tpu.memory_space<vmem>>, vector<16xi32>,
        %swap3A_226 = vector.shape_cast %swap3A_225 : vector<16xi32> to vector<16xi32>
        %swap3A_227 = vector.shape_cast %get3A_223 : vector<16xi32> to vector<16xi32>
        tpu.vector_store %arg13[%swap3A_224], %swap3A_227 {strides = array<i32>} : memref<128xi32, #tpu.memory_space<vmem>>, vector<16xi32>,
        %add3A_228 = arith.constant 32 : i32
        %add3A_229 = arith.addi %sub3A_182, %add3A_228 : i32
        %get3A_230 = arith.index_cast %add3A_229 : i32 to index
        %get3A_231 = tpu.vector_load %arg22[%get3A_230] {strides = array<i32>} : memref<1536xi32, #tpu.memory_space<vmem>>, vector<16xi32>,
        %get3A_232 = vector.shape_cast %get3A_231 : vector<16xi32> to vector<16xi32>
        %swap3A_233 = arith.constant 32 : index
        %swap3A_234 = tpu.vector_load %arg15[%swap3A_233] {strides = array<i32>} : memref<128xi32, #tpu.memory_space<vmem>>, vector<16xi32>,
        %swap3A_235 = vector.shape_cast %swap3A_234 : vector<16xi32> to vector<16xi32>
        %swap3A_236 = vector.shape_cast %get3A_232 : vector<16xi32> to vector<16xi32>
        tpu.vector_store %arg15[%swap3A_233], %swap3A_236 {strides = array<i32>} : memref<128xi32, #tpu.memory_space<vmem>>, vector<16xi32>,
        %add3A_237 = arith.constant 48 : i32
        %add3A_238 = arith.addi %sub3A_182, %add3A_237 : i32
        %get3A_239 = arith.index_cast %add3A_238 : i32 to index
        %get3A_240 = tpu.vector_load %arg21[%get3A_239] {strides = array<i32>} : memref<1536xi32, #tpu.memory_space<vmem>>, vector<16xi32>,
        %get3A_241 = vector.shape_cast %get3A_240 : vector<16xi32> to vector<16xi32>
        %swap3A_242 = arith.constant 48 : index
        %swap3A_243 = tpu.vector_load %arg13[%swap3A_242] {strides = array<i32>} : memref<128xi32, #tpu.memory_space<vmem>>, vector<16xi32>,
        %swap3A_244 = vector.shape_cast %swap3A_243 : vector<16xi32> to vector<16xi32>
        %swap3A_245 = vector.shape_cast %get3A_241 : vector<16xi32> to vector<16xi32>
        tpu.vector_store %arg13[%swap3A_242], %swap3A_245 {strides = array<i32>} : memref<128xi32, #tpu.memory_space<vmem>>, vector<16xi32>,
        %add3A_246 = arith.constant 48 : i32
        %add3A_247 = arith.addi %sub3A_182, %add3A_246 : i32
        %get3A_248 = arith.index_cast %add3A_247 : i32 to index
        %get3A_249 = tpu.vector_load %arg22[%get3A_248] {strides = array<i32>} : memref<1536xi32, #tpu.memory_space<vmem>>, vector<16xi32>,
        %get3A_250 = vector.shape_cast %get3A_249 : vector<16xi32> to vector<16xi32>
        %swap3A_251 = arith.constant 48 : index
        %swap3A_252 = tpu.vector_load %arg15[%swap3A_251] {strides = array<i32>} : memref<128xi32, #tpu.memory_space<vmem>>, vector<16xi32>,
        %swap3A_253 = vector.shape_cast %swap3A_252 : vector<16xi32> to vector<16xi32>
        %swap3A_254 = vector.shape_cast %get3A_250 : vector<16xi32> to vector<16xi32>
        tpu.vector_store %arg15[%swap3A_251], %swap3A_254 {strides = array<i32>} : memref<128xi32, #tpu.memory_space<vmem>>, vector<16xi32>,
        %add3A_255 = arith.constant 64 : i32
        %add3A_256 = arith.addi %sub3A_182, %add3A_255 : i32
        %get3A_257 = arith.index_cast %add3A_256 : i32 to index
        %get3A_258 = tpu.vector_load %arg21[%get3A_257] {strides = array<i32>} : memref<1536xi32, #tpu.memory_space<vmem>>, vector<16xi32>,
        %get3A_259 = vector.shape_cast %get3A_258 : vector<16xi32> to vector<16xi32>
        %swap3A_260 = arith.constant 64 : index
        %swap3A_261 = tpu.vector_load %arg13[%swap3A_260] {strides = array<i32>} : memref<128xi32, #tpu.memory_space<vmem>>, vector<16xi32>,
        %swap3A_262 = vector.shape_cast %swap3A_261 : vector<16xi32> to vector<16xi32>
        %swap3A_263 = vector.shape_cast %get3A_259 : vector<16xi32> to vector<16xi32>
        tpu.vector_store %arg13[%swap3A_260], %swap3A_263 {strides = array<i32>} : memref<128xi32, #tpu.memory_space<vmem>>, vector<16xi32>,
        %add3A_264 = arith.constant 64 : i32
        %add3A_265 = arith.addi %sub3A_182, %add3A_264 : i32
        %get3A_266 = arith.index_cast %add3A_265 : i32 to index
        %get3A_267 = tpu.vector_load %arg22[%get3A_266] {strides = array<i32>} : memref<1536xi32, #tpu.memory_space<vmem>>, vector<16xi32>,
        %get3A_268 = vector.shape_cast %get3A_267 : vector<16xi32> to vector<16xi32>
        %swap3A_269 = arith.constant 64 : index
        %swap3A_270 = tpu.vector_load %arg15[%swap3A_269] {strides = array<i32>} : memref<128xi32, #tpu.memory_space<vmem>>, vector<16xi32>,
        %swap3A_271 = vector.shape_cast %swap3A_270 : vector<16xi32> to vector<16xi32>
        %swap3A_272 = vector.shape_cast %get3A_268 : vector<16xi32> to vector<16xi32>
        tpu.vector_store %arg15[%swap3A_269], %swap3A_272 {strides = array<i32>} : memref<128xi32, #tpu.memory_space<vmem>>, vector<16xi32>,
        %add3A_273 = arith.constant 80 : i32
        %add3A_274 = arith.addi %sub3A_182, %add3A_273 : i32
        %get3A_275 = arith.index_cast %add3A_274 : i32 to index
        %get3A_276 = tpu.vector_load %arg21[%get3A_275] {strides = array<i32>} : memref<1536xi32, #tpu.memory_space<vmem>>, vector<16xi32>,
        %get3A_277 = vector.shape_cast %get3A_276 : vector<16xi32> to vector<16xi32>
        %swap3A_278 = arith.constant 80 : index
        %swap3A_279 = tpu.vector_load %arg13[%swap3A_278] {strides = array<i32>} : memref<128xi32, #tpu.memory_space<vmem>>, vector<16xi32>,
        %swap3A_280 = vector.shape_cast %swap3A_279 : vector<16xi32> to vector<16xi32>
        %swap3A_281 = vector.shape_cast %get3A_277 : vector<16xi32> to vector<16xi32>
        tpu.vector_store %arg13[%swap3A_278], %swap3A_281 {strides = array<i32>} : memref<128xi32, #tpu.memory_space<vmem>>, vector<16xi32>,
        %add3A_282 = arith.constant 80 : i32
        %add3A_283 = arith.addi %sub3A_182, %add3A_282 : i32
        %get3A_284 = arith.index_cast %add3A_283 : i32 to index
        %get3A_285 = tpu.vector_load %arg22[%get3A_284] {strides = array<i32>} : memref<1536xi32, #tpu.memory_space<vmem>>, vector<16xi32>,
        %get3A_286 = vector.shape_cast %get3A_285 : vector<16xi32> to vector<16xi32>
        %swap3A_287 = arith.constant 80 : index
        %swap3A_288 = tpu.vector_load %arg15[%swap3A_287] {strides = array<i32>} : memref<128xi32, #tpu.memory_space<vmem>>, vector<16xi32>,
        %swap3A_289 = vector.shape_cast %swap3A_288 : vector<16xi32> to vector<16xi32>
        %swap3A_290 = vector.shape_cast %get3A_286 : vector<16xi32> to vector<16xi32>
        tpu.vector_store %arg15[%swap3A_287], %swap3A_290 {strides = array<i32>} : memref<128xi32, #tpu.memory_space<vmem>>, vector<16xi32>,
        %add3A_291 = arith.constant 96 : i32
        %add3A_292 = arith.addi %sub3A_182, %add3A_291 : i32
        %get3A_293 = arith.index_cast %add3A_292 : i32 to index
        %get3A_294 = tpu.vector_load %arg21[%get3A_293] {strides = array<i32>} : memref<1536xi32, #tpu.memory_space<vmem>>, vector<16xi32>,
        %get3A_295 = vector.shape_cast %get3A_294 : vector<16xi32> to vector<16xi32>
        %swap3A_296 = arith.constant 96 : index
        %swap3A_297 = tpu.vector_load %arg13[%swap3A_296] {strides = array<i32>} : memref<128xi32, #tpu.memory_space<vmem>>, vector<16xi32>,
        %swap3A_298 = vector.shape_cast %swap3A_297 : vector<16xi32> to vector<16xi32>
        %swap3A_299 = vector.shape_cast %get3A_295 : vector<16xi32> to vector<16xi32>
        tpu.vector_store %arg13[%swap3A_296], %swap3A_299 {strides = array<i32>} : memref<128xi32, #tpu.memory_space<vmem>>, vector<16xi32>,
        %add3A_300 = arith.constant 96 : i32
        %add3A_301 = arith.addi %sub3A_182, %add3A_300 : i32
        %get3A_302 = arith.index_cast %add3A_301 : i32 to index
        %get3A_303 = tpu.vector_load %arg22[%get3A_302] {strides = array<i32>} : memref<1536xi32, #tpu.memory_space<vmem>>, vector<16xi32>,
        %get3A_304 = vector.shape_cast %get3A_303 : vector<16xi32> to vector<16xi32>
        %swap3A_305 = arith.constant 96 : index
        %swap3A_306 = tpu.vector_load %arg15[%swap3A_305] {strides = array<i32>} : memref<128xi32, #tpu.memory_space<vmem>>, vector<16xi32>,
        %swap3A_307 = vector.shape_cast %swap3A_306 : vector<16xi32> to vector<16xi32>
        %swap3A_308 = vector.shape_cast %get3A_304 : vector<16xi32> to vector<16xi32>
        tpu.vector_store %arg15[%swap3A_305], %swap3A_308 {strides = array<i32>} : memref<128xi32, #tpu.memory_space<vmem>>, vector<16xi32>,
        %add3A_309 = arith.constant 112 : i32
        %add3A_310 = arith.addi %sub3A_182, %add3A_309 : i32
        %get3A_311 = arith.index_cast %add3A_310 : i32 to index
        %get3A_312 = tpu.vector_load %arg21[%get3A_311] {strides = array<i32>} : memref<1536xi32, #tpu.memory_space<vmem>>, vector<16xi32>,
        %get3A_313 = vector.shape_cast %get3A_312 : vector<16xi32> to vector<16xi32>
        %swap3A_314 = arith.constant 112 : index
        %swap3A_315 = tpu.vector_load %arg13[%swap3A_314] {strides = array<i32>} : memref<128xi32, #tpu.memory_space<vmem>>, vector<16xi32>,
        %swap3A_316 = vector.shape_cast %swap3A_315 : vector<16xi32> to vector<16xi32>
        %swap3A_317 = vector.shape_cast %get3A_313 : vector<16xi32> to vector<16xi32>
        tpu.vector_store %arg13[%swap3A_314], %swap3A_317 {strides = array<i32>} : memref<128xi32, #tpu.memory_space<vmem>>, vector<16xi32>,
        %add3A_318 = arith.constant 112 : i32
        %add3A_319 = arith.addi %sub3A_182, %add3A_318 : i32
        %get3A_320 = arith.index_cast %add3A_319 : i32 to index
        %get3A_321 = tpu.vector_load %arg22[%get3A_320] {strides = array<i32>} : memref<1536xi32, #tpu.memory_space<vmem>>, vector<16xi32>,
        %get3A_322 = vector.shape_cast %get3A_321 : vector<16xi32> to vector<16xi32>
        %swap3A_323 = arith.constant 112 : index
        %swap3A_324 = tpu.vector_load %arg15[%swap3A_323] {strides = array<i32>} : memref<128xi32, #tpu.memory_space<vmem>>, vector<16xi32>,
        %swap3A_325 = vector.shape_cast %swap3A_324 : vector<16xi32> to vector<16xi32>
        %swap3A_326 = vector.shape_cast %get3A_322 : vector<16xi32> to vector<16xi32>
        tpu.vector_store %arg15[%swap3A_323], %swap3A_326 {strides = array<i32>} : memref<128xi32, #tpu.memory_space<vmem>>, vector<16xi32>,
        %dma_start3A_327 = arith.constant 0 : i32
        %dma_start3A_328 = arith.constant 0 : i32
        %dma_start3A_329 = tpu.memref_slice %arg2[%dma_start3A_327, %dma_start3A_328] : memref<10000x128xf32, #tpu.memory_space<hbm>> -> memref<10000x128xf32, #tpu.memory_space<hbm>>
        tpu.enqueue_indirect_dma source(%dma_start3A_329 : memref<10000x128xf32, #tpu.memory_space<hbm>>) target(%arg19 : memref<128x128xf32, #tpu.memory_space<vmem>>) offsets(%arg13 : memref<128xi32, #tpu.memory_space<vmem>>) semaphore(%arg24 : memref<!tpu.dma_semaphore, #tpu.memory_space<semaphore_mem>>)
        %dma_wait3A_330 = arith.constant 0 : i32
        %dma_wait3A_331 = arith.constant 0 : i32
        %dma_wait3A_332 = tpu.memref_slice %arg2[%dma_wait3A_330, %dma_wait3A_331] : memref<10000x128xf32, #tpu.memory_space<hbm>> -> memref<10000x128xf32, #tpu.memory_space<hbm>>
        tpu.wait_indirect_dma semaphore(%arg23 : memref<!tpu.dma_semaphore, #tpu.memory_space<semaphore_mem>>) src(%dma_wait3A_332 : memref<10000x128xf32, #tpu.memory_space<hbm>>) dst(%arg18 : memref<128x128xf32, #tpu.memory_space<vmem>>)
        "tpu.region"() ({
          %run_scoped3A = tpu.sem_alloc : memref<!tpu.dma_semaphore, #tpu.memory_space<semaphore_mem>>
          %dma_start3A_365 = arith.constant 0 : i32
          %dma_start3A_366 = arith.constant 0 : i32
          %dma_start3A_367 = tpu.memref_slice %arg11[%dma_start3A_365, %dma_start3A_366] : memref<10000x128xf32, #tpu.memory_space<vmem_shared>> -> memref<10000x128xf32, #tpu.memory_space<vmem_shared>>
          tpu.enqueue_indirect_dma source(%arg18 : memref<128x128xf32, #tpu.memory_space<vmem>>) target(%dma_start3A_367 : memref<10000x128xf32, #tpu.memory_space<vmem_shared>>) offsets(%arg14 : memref<128xi32, #tpu.memory_space<vmem>>) semaphore(%run_scoped3A : memref<!tpu.dma_semaphore, #tpu.memory_space<semaphore_mem>>) {add = true}
          %dma_wait3A_368 = arith.constant 0 : i32
          %dma_wait3A_369 = arith.constant 0 : i32
          %dma_wait3A_370 = tpu.memref_slice %arg11[%dma_wait3A_368, %dma_wait3A_369] : memref<10000x128xf32, #tpu.memory_space<vmem_shared>> -> memref<10000x128xf32, #tpu.memory_space<vmem_shared>>
          tpu.wait_indirect_dma semaphore(%run_scoped3A : memref<!tpu.dma_semaphore, #tpu.memory_space<semaphore_mem>>) src(%arg18 : memref<128x128xf32, #tpu.memory_space<vmem>>) dst(%dma_wait3A_370 : memref<10000x128xf32, #tpu.memory_space<vmem_shared>>)
          tpu.yield
        }) : () -> ()
        %jit3A_333 = arith.constant 6 : i32
        %eq3A_334 = arith.constant 0 : i32
        %eq3A_335 = arith.cmpi eq, %jit3A_333, %eq3A_334 : i32
        %jit3A_336 = arith.constant 1 : i32
        %select_n3A_337 = arith.select %eq3A_335, %jit3A_336, %jit3A_333 : i32
        %rem3A_338 = arith.remsi %scan3A_157, %select_n3A_337 : i32
        %ne3A_339 = arith.constant 0 : i32
        %ne3A_340 = arith.cmpi ne, %rem3A_338, %ne3A_339 : i32
        %lt3A_341 = arith.constant 0 : i32
        %lt3A_342 = arith.cmpi slt, %rem3A_338, %lt3A_341 : i32
        %lt3A_343 = arith.constant 0 : i32
        %lt3A_344 = arith.cmpi slt, %select_n3A_337, %lt3A_343 : i32
        %ne3A_345 = arith.xori %lt3A_342, %lt3A_344 : i1
        %and3A_346 = arith.andi %ne3A_345, %ne3A_340 : i1
        %add3A_347 = arith.addi %rem3A_338, %select_n3A_337 : i32
        %select_n3A_348 = arith.select %and3A_346, %add3A_347, %rem3A_338 : i32
        %eq3A_349 = arith.constant 5 : i32
        %eq3A_350 = arith.cmpi eq, %select_n3A_348, %eq3A_349 : i32
        %lt3A_351 = arith.constant 77 : i32
        %lt3A_352 = arith.cmpi slt, %scan3A_157, %lt3A_351 : i32
        %and3A_353 = arith.andi %eq3A_350, %lt3A_352 : i1
        %convert_element_type3A_354 = arith.extui %and3A_353 : i1 to i32
        %cond3A_355 = arith.constant 0 : i32
        %cond3A_356 = arith.cmpi ne, %convert_element_type3A_354, %cond3A_355 : i32
        scf.if %cond3A_356 {
          %jit3A_365 = arith.constant 6 : i32
          %div3A_366 = arith.divsi %scan3A_157, %jit3A_365 : i32
          %sign3A_367 = arith.constant 0 : i32
          %sign3A_368 = arith.cmpi sgt, %scan3A_157, %sign3A_367 : i32
          %sign3A_369 = arith.extui %sign3A_368 : i1 to i32
          %sign3A_370 = arith.constant 0 : i32
          %sign3A_371 = arith.cmpi slt, %scan3A_157, %sign3A_370 : i32
          %sign3A_372 = arith.extui %sign3A_371 : i1 to i32
          %sign3A_373 = arith.subi %sign3A_369, %sign3A_372 : i32
          %sign3A_374 = arith.constant 0 : i32
          %sign3A_375 = arith.cmpi sgt, %jit3A_365, %sign3A_374 : i32
          %sign3A_376 = arith.extui %sign3A_375 : i1 to i32
          %sign3A_377 = arith.constant 0 : i32
          %sign3A_378 = arith.cmpi slt, %jit3A_365, %sign3A_377 : i32
          %sign3A_379 = arith.extui %sign3A_378 : i1 to i32
          %sign3A_380 = arith.subi %sign3A_376, %sign3A_379 : i32
          %ne3A_381 = arith.cmpi ne, %sign3A_373, %sign3A_380 : i32
          %rem3A_382 = arith.remsi %scan3A_157, %jit3A_365 : i32
          %ne3A_383 = arith.constant 0 : i32
          %ne3A_384 = arith.cmpi ne, %rem3A_382, %ne3A_383 : i32
          %and3A_385 = arith.andi %ne3A_381, %ne3A_384 : i1
          %sub3A_386 = arith.constant 1 : i32
          %sub3A_387 = arith.subi %div3A_366, %sub3A_386 : i32
          %select_n3A_388 = arith.select %and3A_385, %sub3A_387, %div3A_366 : i32
          %add3A_389 = arith.constant 1 : i32
          %add3A_390 = arith.addi %select_n3A_388, %add3A_389 : i32
          %mul3A_391 = arith.constant 1536 : i32
          %mul3A_392 = arith.muli %add3A_390, %mul3A_391 : i32
          %add3A_393 = arith.addi %mul3A_6, %mul3A_392 : i32
          "tpu.region"() ({
            %run_scoped3A = tpu.sem_alloc : memref<!tpu.dma_semaphore, #tpu.memory_space<semaphore_mem>>
            %dma_start3A_397 = tpu.memref_slice %arg4[%add3A_393] : memref<320000xi32, #tpu.memory_space<hbm>> -> memref<1536xi32, #tpu.memory_space<hbm>>
            %dma_start3A_398 = tpu.memref_slice %arg4[%add3A_393] : memref<320000xi32, #tpu.memory_space<hbm>> -> memref<1536xi32, #tpu.memory_space<hbm>>
            tpu.enqueue_dma source(%dma_start3A_398 : memref<1536xi32, #tpu.memory_space<hbm>>) target(%arg21 : memref<1536xi32, #tpu.memory_space<vmem>>) target_semaphore(%run_scoped3A : memref<!tpu.dma_semaphore, #tpu.memory_space<semaphore_mem>>)
            %dma_wait3A_399 = tpu.memref_slice %arg4[%add3A_393] : memref<320000xi32, #tpu.memory_space<hbm>> -> memref<1536xi32, #tpu.memory_space<hbm>>
            %dma_wait3A_400 = tpu.memref_slice %arg4[%add3A_393] : memref<320000xi32, #tpu.memory_space<hbm>> -> memref<1536xi32, #tpu.memory_space<hbm>>
            tpu.wait_dma2 semaphore(%run_scoped3A : memref<!tpu.dma_semaphore, #tpu.memory_space<semaphore_mem>>) src(%dma_wait3A_400 : memref<1536xi32, #tpu.memory_space<hbm>>) dst(%arg21 : memref<1536xi32, #tpu.memory_space<vmem>>)
            tpu.yield
          }) : () -> ()
          %mul3A_394 = arith.constant 1536 : i32
          %mul3A_395 = arith.muli %add3A_390, %mul3A_394 : i32
          %add3A_396 = arith.addi %mul3A_6, %mul3A_395 : i32
          "tpu.region"() ({
            %run_scoped3A = tpu.sem_alloc : memref<!tpu.dma_semaphore, #tpu.memory_space<semaphore_mem>>
            %dma_start3A_397 = tpu.memref_slice %arg5[%add3A_396] : memref<320000xi32, #tpu.memory_space<hbm>> -> memref<1536xi32, #tpu.memory_space<hbm>>
            %dma_start3A_398 = tpu.memref_slice %arg5[%add3A_396] : memref<320000xi32, #tpu.memory_space<hbm>> -> memref<1536xi32, #tpu.memory_space<hbm>>
            tpu.enqueue_dma source(%dma_start3A_398 : memref<1536xi32, #tpu.memory_space<hbm>>) target(%arg22 : memref<1536xi32, #tpu.memory_space<vmem>>) target_semaphore(%run_scoped3A : memref<!tpu.dma_semaphore, #tpu.memory_space<semaphore_mem>>)
            %dma_wait3A_399 = tpu.memref_slice %arg5[%add3A_396] : memref<320000xi32, #tpu.memory_space<hbm>> -> memref<1536xi32, #tpu.memory_space<hbm>>
            %dma_wait3A_400 = tpu.memref_slice %arg5[%add3A_396] : memref<320000xi32, #tpu.memory_space<hbm>> -> memref<1536xi32, #tpu.memory_space<hbm>>
            tpu.wait_dma2 semaphore(%run_scoped3A : memref<!tpu.dma_semaphore, #tpu.memory_space<semaphore_mem>>) src(%dma_wait3A_400 : memref<1536xi32, #tpu.memory_space<hbm>>) dst(%arg22 : memref<1536xi32, #tpu.memory_space<vmem>>)
            tpu.yield
          }) : () -> ()
        } else {
        }
        %lt3A_357 = arith.constant 77 : i32
        %lt3A_358 = arith.cmpi slt, %scan3A_157, %lt3A_357 : i32
        %convert_element_type3A_359 = arith.extui %lt3A_358 : i1 to i32
        %cond3A_360 = arith.constant 0 : i32
        %cond3A_361 = arith.cmpi ne, %convert_element_type3A_359, %cond3A_360 : i32
        scf.if %cond3A_361 {
          %mul3A_365 = arith.constant 2 : i32
          %mul3A_366 = arith.muli %mul3A_365, %scan3A_157 : i32
          %add3A_367 = arith.constant 2 : i32
          %add3A_368 = arith.addi %mul3A_366, %add3A_367 : i32
          %mul3A_369 = arith.constant 128 : i32
          %mul3A_370 = arith.muli %add3A_368, %mul3A_369 : i32
          %mul3A_371 = arith.constant 2 : i32
          %mul3A_372 = arith.muli %mul3A_371, %scan3A_157 : i32
          %add3A_373 = arith.constant 2 : i32
          %add3A_374 = arith.addi %mul3A_372, %add3A_373 : i32
          %jit3A_375 = arith.constant 12 : i32
          %div3A_376 = arith.divsi %add3A_374, %jit3A_375 : i32
          %sign3A_377 = arith.constant 0 : i32
          %sign3A_378 = arith.cmpi sgt, %add3A_374, %sign3A_377 : i32
          %sign3A_379 = arith.extui %sign3A_378 : i1 to i32
          %sign3A_380 = arith.constant 0 : i32
          %sign3A_381 = arith.cmpi slt, %add3A_374, %sign3A_380 : i32
          %sign3A_382 = arith.extui %sign3A_381 : i1 to i32
          %sign3A_383 = arith.subi %sign3A_379, %sign3A_382 : i32
          %sign3A_384 = arith.constant 0 : i32
          %sign3A_385 = arith.cmpi sgt, %jit3A_375, %sign3A_384 : i32
          %sign3A_386 = arith.extui %sign3A_385 : i1 to i32
          %sign3A_387 = arith.constant 0 : i32
          %sign3A_388 = arith.cmpi slt, %jit3A_375, %sign3A_387 : i32
          %sign3A_389 = arith.extui %sign3A_388 : i1 to i32
          %sign3A_390 = arith.subi %sign3A_386, %sign3A_389 : i32
          %ne3A_391 = arith.cmpi ne, %sign3A_383, %sign3A_390 : i32
          %rem3A_392 = arith.remsi %add3A_374, %jit3A_375 : i32
          %ne3A_393 = arith.constant 0 : i32
          %ne3A_394 = arith.cmpi ne, %rem3A_392, %ne3A_393 : i32
          %and3A_395 = arith.andi %ne3A_391, %ne3A_394 : i1
          %sub3A_396 = arith.constant 1 : i32
          %sub3A_397 = arith.subi %div3A_376, %sub3A_396 : i32
          %select_n3A_398 = arith.select %and3A_395, %sub3A_397, %div3A_376 : i32
          %mul3A_399 = arith.constant 1536 : i32
          %mul3A_400 = arith.muli %select_n3A_398, %mul3A_399 : i32
          %sub3A_401 = arith.subi %mul3A_370, %mul3A_400 : i32
          %add3A_402 = arith.constant 0 : i32
          %add3A_403 = arith.addi %sub3A_401, %add3A_402 : i32
          %get3A_404 = arith.index_cast %add3A_403 : i32 to index
          %get3A_405 = tpu.vector_load %arg21[%get3A_404] {strides = array<i32>} : memref<1536xi32, #tpu.memory_space<vmem>>, vector<16xi32>,
          %get3A_406 = vector.shape_cast %get3A_405 : vector<16xi32> to vector<16xi32>
          %swap3A_407 = arith.constant 0 : index
          %swap3A_408 = tpu.vector_load %arg12[%swap3A_407] {strides = array<i32>} : memref<128xi32, #tpu.memory_space<vmem>>, vector<16xi32>,
          %swap3A_409 = vector.shape_cast %swap3A_408 : vector<16xi32> to vector<16xi32>
          %swap3A_410 = vector.shape_cast %get3A_406 : vector<16xi32> to vector<16xi32>
          tpu.vector_store %arg12[%swap3A_407], %swap3A_410 {strides = array<i32>} : memref<128xi32, #tpu.memory_space<vmem>>, vector<16xi32>,
          %add3A_411 = arith.constant 0 : i32
          %add3A_412 = arith.addi %sub3A_401, %add3A_411 : i32
          %get3A_413 = arith.index_cast %add3A_412 : i32 to index
          %get3A_414 = tpu.vector_load %arg22[%get3A_413] {strides = array<i32>} : memref<1536xi32, #tpu.memory_space<vmem>>, vector<16xi32>,
          %get3A_415 = vector.shape_cast %get3A_414 : vector<16xi32> to vector<16xi32>
          %swap3A_416 = arith.constant 0 : index
          %swap3A_417 = tpu.vector_load %arg14[%swap3A_416] {strides = array<i32>} : memref<128xi32, #tpu.memory_space<vmem>>, vector<16xi32>,
          %swap3A_418 = vector.shape_cast %swap3A_417 : vector<16xi32> to vector<16xi32>
          %swap3A_419 = vector.shape_cast %get3A_415 : vector<16xi32> to vector<16xi32>
          tpu.vector_store %arg14[%swap3A_416], %swap3A_419 {strides = array<i32>} : memref<128xi32, #tpu.memory_space<vmem>>, vector<16xi32>,
          %add3A_420 = arith.constant 16 : i32
          %add3A_421 = arith.addi %sub3A_401, %add3A_420 : i32
          %get3A_422 = arith.index_cast %add3A_421 : i32 to index
          %get3A_423 = tpu.vector_load %arg21[%get3A_422] {strides = array<i32>} : memref<1536xi32, #tpu.memory_space<vmem>>, vector<16xi32>,
          %get3A_424 = vector.shape_cast %get3A_423 : vector<16xi32> to vector<16xi32>
          %swap3A_425 = arith.constant 16 : index
          %swap3A_426 = tpu.vector_load %arg12[%swap3A_425] {strides = array<i32>} : memref<128xi32, #tpu.memory_space<vmem>>, vector<16xi32>,
          %swap3A_427 = vector.shape_cast %swap3A_426 : vector<16xi32> to vector<16xi32>
          %swap3A_428 = vector.shape_cast %get3A_424 : vector<16xi32> to vector<16xi32>
          tpu.vector_store %arg12[%swap3A_425], %swap3A_428 {strides = array<i32>} : memref<128xi32, #tpu.memory_space<vmem>>, vector<16xi32>,
          %add3A_429 = arith.constant 16 : i32
          %add3A_430 = arith.addi %sub3A_401, %add3A_429 : i32
          %get3A_431 = arith.index_cast %add3A_430 : i32 to index
          %get3A_432 = tpu.vector_load %arg22[%get3A_431] {strides = array<i32>} : memref<1536xi32, #tpu.memory_space<vmem>>, vector<16xi32>,
          %get3A_433 = vector.shape_cast %get3A_432 : vector<16xi32> to vector<16xi32>
          %swap3A_434 = arith.constant 16 : index
          %swap3A_435 = tpu.vector_load %arg14[%swap3A_434] {strides = array<i32>} : memref<128xi32, #tpu.memory_space<vmem>>, vector<16xi32>,
          %swap3A_436 = vector.shape_cast %swap3A_435 : vector<16xi32> to vector<16xi32>
          %swap3A_437 = vector.shape_cast %get3A_433 : vector<16xi32> to vector<16xi32>
          tpu.vector_store %arg14[%swap3A_434], %swap3A_437 {strides = array<i32>} : memref<128xi32, #tpu.memory_space<vmem>>, vector<16xi32>,
          %add3A_438 = arith.constant 32 : i32
          %add3A_439 = arith.addi %sub3A_401, %add3A_438 : i32
          %get3A_440 = arith.index_cast %add3A_439 : i32 to index
          %get3A_441 = tpu.vector_load %arg21[%get3A_440] {strides = array<i32>} : memref<1536xi32, #tpu.memory_space<vmem>>, vector<16xi32>,
          %get3A_442 = vector.shape_cast %get3A_441 : vector<16xi32> to vector<16xi32>
          %swap3A_443 = arith.constant 32 : index
          %swap3A_444 = tpu.vector_load %arg12[%swap3A_443] {strides = array<i32>} : memref<128xi32, #tpu.memory_space<vmem>>, vector<16xi32>,
          %swap3A_445 = vector.shape_cast %swap3A_444 : vector<16xi32> to vector<16xi32>
          %swap3A_446 = vector.shape_cast %get3A_442 : vector<16xi32> to vector<16xi32>
          tpu.vector_store %arg12[%swap3A_443], %swap3A_446 {strides = array<i32>} : memref<128xi32, #tpu.memory_space<vmem>>, vector<16xi32>,
          %add3A_447 = arith.constant 32 : i32
          %add3A_448 = arith.addi %sub3A_401, %add3A_447 : i32
          %get3A_449 = arith.index_cast %add3A_448 : i32 to index
          %get3A_450 = tpu.vector_load %arg22[%get3A_449] {strides = array<i32>} : memref<1536xi32, #tpu.memory_space<vmem>>, vector<16xi32>,
          %get3A_451 = vector.shape_cast %get3A_450 : vector<16xi32> to vector<16xi32>
          %swap3A_452 = arith.constant 32 : index
          %swap3A_453 = tpu.vector_load %arg14[%swap3A_452] {strides = array<i32>} : memref<128xi32, #tpu.memory_space<vmem>>, vector<16xi32>,
          %swap3A_454 = vector.shape_cast %swap3A_453 : vector<16xi32> to vector<16xi32>
          %swap3A_455 = vector.shape_cast %get3A_451 : vector<16xi32> to vector<16xi32>
          tpu.vector_store %arg14[%swap3A_452], %swap3A_455 {strides = array<i32>} : memref<128xi32, #tpu.memory_space<vmem>>, vector<16xi32>,
          %add3A_456 = arith.constant 48 : i32
          %add3A_457 = arith.addi %sub3A_401, %add3A_456 : i32
          %get3A_458 = arith.index_cast %add3A_457 : i32 to index
          %get3A_459 = tpu.vector_load %arg21[%get3A_458] {strides = array<i32>} : memref<1536xi32, #tpu.memory_space<vmem>>, vector<16xi32>,
          %get3A_460 = vector.shape_cast %get3A_459 : vector<16xi32> to vector<16xi32>
          %swap3A_461 = arith.constant 48 : index
          %swap3A_462 = tpu.vector_load %arg12[%swap3A_461] {strides = array<i32>} : memref<128xi32, #tpu.memory_space<vmem>>, vector<16xi32>,
          %swap3A_463 = vector.shape_cast %swap3A_462 : vector<16xi32> to vector<16xi32>
          %swap3A_464 = vector.shape_cast %get3A_460 : vector<16xi32> to vector<16xi32>
          tpu.vector_store %arg12[%swap3A_461], %swap3A_464 {strides = array<i32>} : memref<128xi32, #tpu.memory_space<vmem>>, vector<16xi32>,
          %add3A_465 = arith.constant 48 : i32
          %add3A_466 = arith.addi %sub3A_401, %add3A_465 : i32
          %get3A_467 = arith.index_cast %add3A_466 : i32 to index
          %get3A_468 = tpu.vector_load %arg22[%get3A_467] {strides = array<i32>} : memref<1536xi32, #tpu.memory_space<vmem>>, vector<16xi32>,
          %get3A_469 = vector.shape_cast %get3A_468 : vector<16xi32> to vector<16xi32>
          %swap3A_470 = arith.constant 48 : index
          %swap3A_471 = tpu.vector_load %arg14[%swap3A_470] {strides = array<i32>} : memref<128xi32, #tpu.memory_space<vmem>>, vector<16xi32>,
          %swap3A_472 = vector.shape_cast %swap3A_471 : vector<16xi32> to vector<16xi32>
          %swap3A_473 = vector.shape_cast %get3A_469 : vector<16xi32> to vector<16xi32>
          tpu.vector_store %arg14[%swap3A_470], %swap3A_473 {strides = array<i32>} : memref<128xi32, #tpu.memory_space<vmem>>, vector<16xi32>,
          %add3A_474 = arith.constant 64 : i32
          %add3A_475 = arith.addi %sub3A_401, %add3A_474 : i32
          %get3A_476 = arith.index_cast %add3A_475 : i32 to index
          %get3A_477 = tpu.vector_load %arg21[%get3A_476] {strides = array<i32>} : memref<1536xi32, #tpu.memory_space<vmem>>, vector<16xi32>,
          %get3A_478 = vector.shape_cast %get3A_477 : vector<16xi32> to vector<16xi32>
          %swap3A_479 = arith.constant 64 : index
          %swap3A_480 = tpu.vector_load %arg12[%swap3A_479] {strides = array<i32>} : memref<128xi32, #tpu.memory_space<vmem>>, vector<16xi32>,
          %swap3A_481 = vector.shape_cast %swap3A_480 : vector<16xi32> to vector<16xi32>
          %swap3A_482 = vector.shape_cast %get3A_478 : vector<16xi32> to vector<16xi32>
          tpu.vector_store %arg12[%swap3A_479], %swap3A_482 {strides = array<i32>} : memref<128xi32, #tpu.memory_space<vmem>>, vector<16xi32>,
          %add3A_483 = arith.constant 64 : i32
          %add3A_484 = arith.addi %sub3A_401, %add3A_483 : i32
          %get3A_485 = arith.index_cast %add3A_484 : i32 to index
          %get3A_486 = tpu.vector_load %arg22[%get3A_485] {strides = array<i32>} : memref<1536xi32, #tpu.memory_space<vmem>>, vector<16xi32>,
          %get3A_487 = vector.shape_cast %get3A_486 : vector<16xi32> to vector<16xi32>
          %swap3A_488 = arith.constant 64 : index
          %swap3A_489 = tpu.vector_load %arg14[%swap3A_488] {strides = array<i32>} : memref<128xi32, #tpu.memory_space<vmem>>, vector<16xi32>,
          %swap3A_490 = vector.shape_cast %swap3A_489 : vector<16xi32> to vector<16xi32>
          %swap3A_491 = vector.shape_cast %get3A_487 : vector<16xi32> to vector<16xi32>
          tpu.vector_store %arg14[%swap3A_488], %swap3A_491 {strides = array<i32>} : memref<128xi32, #tpu.memory_space<vmem>>, vector<16xi32>,
          %add3A_492 = arith.constant 80 : i32
          %add3A_493 = arith.addi %sub3A_401, %add3A_492 : i32
          %get3A_494 = arith.index_cast %add3A_493 : i32 to index
          %get3A_495 = tpu.vector_load %arg21[%get3A_494] {strides = array<i32>} : memref<1536xi32, #tpu.memory_space<vmem>>, vector<16xi32>,
          %get3A_496 = vector.shape_cast %get3A_495 : vector<16xi32> to vector<16xi32>
          %swap3A_497 = arith.constant 80 : index
          %swap3A_498 = tpu.vector_load %arg12[%swap3A_497] {strides = array<i32>} : memref<128xi32, #tpu.memory_space<vmem>>, vector<16xi32>,
          %swap3A_499 = vector.shape_cast %swap3A_498 : vector<16xi32> to vector<16xi32>
          %swap3A_500 = vector.shape_cast %get3A_496 : vector<16xi32> to vector<16xi32>
          tpu.vector_store %arg12[%swap3A_497], %swap3A_500 {strides = array<i32>} : memref<128xi32, #tpu.memory_space<vmem>>, vector<16xi32>,
          %add3A_501 = arith.constant 80 : i32
          %add3A_502 = arith.addi %sub3A_401, %add3A_501 : i32
          %get3A_503 = arith.index_cast %add3A_502 : i32 to index
          %get3A_504 = tpu.vector_load %arg22[%get3A_503] {strides = array<i32>} : memref<1536xi32, #tpu.memory_space<vmem>>, vector<16xi32>,
          %get3A_505 = vector.shape_cast %get3A_504 : vector<16xi32> to vector<16xi32>
          %swap3A_506 = arith.constant 80 : index
          %swap3A_507 = tpu.vector_load %arg14[%swap3A_506] {strides = array<i32>} : memref<128xi32, #tpu.memory_space<vmem>>, vector<16xi32>,
          %swap3A_508 = vector.shape_cast %swap3A_507 : vector<16xi32> to vector<16xi32>
          %swap3A_509 = vector.shape_cast %get3A_505 : vector<16xi32> to vector<16xi32>
          tpu.vector_store %arg14[%swap3A_506], %swap3A_509 {strides = array<i32>} : memref<128xi32, #tpu.memory_space<vmem>>, vector<16xi32>,
          %add3A_510 = arith.constant 96 : i32
          %add3A_511 = arith.addi %sub3A_401, %add3A_510 : i32
          %get3A_512 = arith.index_cast %add3A_511 : i32 to index
          %get3A_513 = tpu.vector_load %arg21[%get3A_512] {strides = array<i32>} : memref<1536xi32, #tpu.memory_space<vmem>>, vector<16xi32>,
          %get3A_514 = vector.shape_cast %get3A_513 : vector<16xi32> to vector<16xi32>
          %swap3A_515 = arith.constant 96 : index
          %swap3A_516 = tpu.vector_load %arg12[%swap3A_515] {strides = array<i32>} : memref<128xi32, #tpu.memory_space<vmem>>, vector<16xi32>,
          %swap3A_517 = vector.shape_cast %swap3A_516 : vector<16xi32> to vector<16xi32>
          %swap3A_518 = vector.shape_cast %get3A_514 : vector<16xi32> to vector<16xi32>
          tpu.vector_store %arg12[%swap3A_515], %swap3A_518 {strides = array<i32>} : memref<128xi32, #tpu.memory_space<vmem>>, vector<16xi32>,
          %add3A_519 = arith.constant 96 : i32
          %add3A_520 = arith.addi %sub3A_401, %add3A_519 : i32
          %get3A_521 = arith.index_cast %add3A_520 : i32 to index
          %get3A_522 = tpu.vector_load %arg22[%get3A_521] {strides = array<i32>} : memref<1536xi32, #tpu.memory_space<vmem>>, vector<16xi32>,
          %get3A_523 = vector.shape_cast %get3A_522 : vector<16xi32> to vector<16xi32>
          %swap3A_524 = arith.constant 96 : index
          %swap3A_525 = tpu.vector_load %arg14[%swap3A_524] {strides = array<i32>} : memref<128xi32, #tpu.memory_space<vmem>>, vector<16xi32>,
          %swap3A_526 = vector.shape_cast %swap3A_525 : vector<16xi32> to vector<16xi32>
          %swap3A_527 = vector.shape_cast %get3A_523 : vector<16xi32> to vector<16xi32>
          tpu.vector_store %arg14[%swap3A_524], %swap3A_527 {strides = array<i32>} : memref<128xi32, #tpu.memory_space<vmem>>, vector<16xi32>,
          %add3A_528 = arith.constant 112 : i32
          %add3A_529 = arith.addi %sub3A_401, %add3A_528 : i32
          %get3A_530 = arith.index_cast %add3A_529 : i32 to index
          %get3A_531 = tpu.vector_load %arg21[%get3A_530] {strides = array<i32>} : memref<1536xi32, #tpu.memory_space<vmem>>, vector<16xi32>,
          %get3A_532 = vector.shape_cast %get3A_531 : vector<16xi32> to vector<16xi32>
          %swap3A_533 = arith.constant 112 : index
          %swap3A_534 = tpu.vector_load %arg12[%swap3A_533] {strides = array<i32>} : memref<128xi32, #tpu.memory_space<vmem>>, vector<16xi32>,
          %swap3A_535 = vector.shape_cast %swap3A_534 : vector<16xi32> to vector<16xi32>
          %swap3A_536 = vector.shape_cast %get3A_532 : vector<16xi32> to vector<16xi32>
          tpu.vector_store %arg12[%swap3A_533], %swap3A_536 {strides = array<i32>} : memref<128xi32, #tpu.memory_space<vmem>>, vector<16xi32>,
          %add3A_537 = arith.constant 112 : i32
          %add3A_538 = arith.addi %sub3A_401, %add3A_537 : i32
          %get3A_539 = arith.index_cast %add3A_538 : i32 to index
          %get3A_540 = tpu.vector_load %arg22[%get3A_539] {strides = array<i32>} : memref<1536xi32, #tpu.memory_space<vmem>>, vector<16xi32>,
          %get3A_541 = vector.shape_cast %get3A_540 : vector<16xi32> to vector<16xi32>
          %swap3A_542 = arith.constant 112 : index
          %swap3A_543 = tpu.vector_load %arg14[%swap3A_542] {strides = array<i32>} : memref<128xi32, #tpu.memory_space<vmem>>, vector<16xi32>,
          %swap3A_544 = vector.shape_cast %swap3A_543 : vector<16xi32> to vector<16xi32>
          %swap3A_545 = vector.shape_cast %get3A_541 : vector<16xi32> to vector<16xi32>
          tpu.vector_store %arg14[%swap3A_542], %swap3A_545 {strides = array<i32>} : memref<128xi32, #tpu.memory_space<vmem>>, vector<16xi32>,
          %dma_start3A_546 = arith.constant 0 : i32
          %dma_start3A_547 = arith.constant 0 : i32
          %dma_start3A_548 = tpu.memref_slice %arg2[%dma_start3A_546, %dma_start3A_547] : memref<10000x128xf32, #tpu.memory_space<hbm>> -> memref<10000x128xf32, #tpu.memory_space<hbm>>
          tpu.enqueue_indirect_dma source(%dma_start3A_548 : memref<10000x128xf32, #tpu.memory_space<hbm>>) target(%arg18 : memref<128x128xf32, #tpu.memory_space<vmem>>) offsets(%arg12 : memref<128xi32, #tpu.memory_space<vmem>>) semaphore(%arg23 : memref<!tpu.dma_semaphore, #tpu.memory_space<semaphore_mem>>)
        } else {
        }
        %dma_wait3A_362 = arith.constant 0 : i32
        %dma_wait3A_363 = arith.constant 0 : i32
        %dma_wait3A_364 = tpu.memref_slice %arg2[%dma_wait3A_362, %dma_wait3A_363] : memref<10000x128xf32, #tpu.memory_space<hbm>> -> memref<10000x128xf32, #tpu.memory_space<hbm>>
        tpu.wait_indirect_dma semaphore(%arg24 : memref<!tpu.dma_semaphore, #tpu.memory_space<semaphore_mem>>) src(%dma_wait3A_364 : memref<10000x128xf32, #tpu.memory_space<hbm>>) dst(%arg19 : memref<128x128xf32, #tpu.memory_space<vmem>>)
        "tpu.region"() ({
          %run_scoped3A = tpu.sem_alloc : memref<!tpu.dma_semaphore, #tpu.memory_space<semaphore_mem>>
          %dma_start3A_365 = arith.constant 0 : i32
          %dma_start3A_366 = arith.constant 0 : i32
          %dma_start3A_367 = tpu.memref_slice %arg11[%dma_start3A_365, %dma_start3A_366] : memref<10000x128xf32, #tpu.memory_space<vmem_shared>> -> memref<10000x128xf32, #tpu.memory_space<vmem_shared>>
          tpu.enqueue_indirect_dma source(%arg19 : memref<128x128xf32, #tpu.memory_space<vmem>>) target(%dma_start3A_367 : memref<10000x128xf32, #tpu.memory_space<vmem_shared>>) offsets(%arg15 : memref<128xi32, #tpu.memory_space<vmem>>) semaphore(%run_scoped3A : memref<!tpu.dma_semaphore, #tpu.memory_space<semaphore_mem>>) {add = true}
          %dma_wait3A_368 = arith.constant 0 : i32
          %dma_wait3A_369 = arith.constant 0 : i32
          %dma_wait3A_370 = tpu.memref_slice %arg11[%dma_wait3A_368, %dma_wait3A_369] : memref<10000x128xf32, #tpu.memory_space<vmem_shared>> -> memref<10000x128xf32, #tpu.memory_space<vmem_shared>>
          tpu.wait_indirect_dma semaphore(%run_scoped3A : memref<!tpu.dma_semaphore, #tpu.memory_space<semaphore_mem>>) src(%arg19 : memref<128x128xf32, #tpu.memory_space<vmem>>) dst(%dma_wait3A_370 : memref<10000x128xf32, #tpu.memory_space<vmem_shared>>)
          tpu.yield
        }) : () -> ()
      }
      %scan3A_147 = arith.constant 78 : i32
      %add3A_148 = arith.constant 19968 : i32
      %add3A_149 = arith.addi %mul3A_6, %add3A_148 : i32
      "tpu.region"() ({
        %run_scoped3A = tpu.sem_alloc : memref<!tpu.dma_semaphore, #tpu.memory_space<semaphore_mem>>
        %dma_start3A_157 = tpu.memref_slice %arg4[%add3A_149] : memref<320000xi32, #tpu.memory_space<hbm>> -> memref<32xi32, #tpu.memory_space<hbm>>
        %dma_start3A_158 = tpu.memref_slice %arg4[%add3A_149] : memref<320000xi32, #tpu.memory_space<hbm>> -> memref<32xi32, #tpu.memory_space<hbm>>
        tpu.enqueue_dma source(%dma_start3A_158 : memref<32xi32, #tpu.memory_space<hbm>>) target(%arg16 : memref<32xi32, #tpu.memory_space<vmem>>) target_semaphore(%run_scoped3A : memref<!tpu.dma_semaphore, #tpu.memory_space<semaphore_mem>>)
        %dma_wait3A_159 = tpu.memref_slice %arg4[%add3A_149] : memref<320000xi32, #tpu.memory_space<hbm>> -> memref<32xi32, #tpu.memory_space<hbm>>
        %dma_wait3A_160 = tpu.memref_slice %arg4[%add3A_149] : memref<320000xi32, #tpu.memory_space<hbm>> -> memref<32xi32, #tpu.memory_space<hbm>>
        tpu.wait_dma2 semaphore(%run_scoped3A : memref<!tpu.dma_semaphore, #tpu.memory_space<semaphore_mem>>) src(%dma_wait3A_160 : memref<32xi32, #tpu.memory_space<hbm>>) dst(%arg16 : memref<32xi32, #tpu.memory_space<vmem>>)
        tpu.yield
      }) : () -> ()
      %add3A_150 = arith.constant 19968 : i32
      %add3A_151 = arith.addi %mul3A_6, %add3A_150 : i32
      "tpu.region"() ({
        %run_scoped3A = tpu.sem_alloc : memref<!tpu.dma_semaphore, #tpu.memory_space<semaphore_mem>>
        %dma_start3A_157 = tpu.memref_slice %arg5[%add3A_151] : memref<320000xi32, #tpu.memory_space<hbm>> -> memref<32xi32, #tpu.memory_space<hbm>>
        %dma_start3A_158 = tpu.memref_slice %arg5[%add3A_151] : memref<320000xi32, #tpu.memory_space<hbm>> -> memref<32xi32, #tpu.memory_space<hbm>>
        tpu.enqueue_dma source(%dma_start3A_158 : memref<32xi32, #tpu.memory_space<hbm>>) target(%arg17 : memref<32xi32, #tpu.memory_space<vmem>>) target_semaphore(%run_scoped3A : memref<!tpu.dma_semaphore, #tpu.memory_space<semaphore_mem>>)
        %dma_wait3A_159 = tpu.memref_slice %arg5[%add3A_151] : memref<320000xi32, #tpu.memory_space<hbm>> -> memref<32xi32, #tpu.memory_space<hbm>>
        %dma_wait3A_160 = tpu.memref_slice %arg5[%add3A_151] : memref<320000xi32, #tpu.memory_space<hbm>> -> memref<32xi32, #tpu.memory_space<hbm>>
        tpu.wait_dma2 semaphore(%run_scoped3A : memref<!tpu.dma_semaphore, #tpu.memory_space<semaphore_mem>>) src(%dma_wait3A_160 : memref<32xi32, #tpu.memory_space<hbm>>) dst(%arg17 : memref<32xi32, #tpu.memory_space<vmem>>)
        tpu.yield
      }) : () -> ()
      %dma_start3A_152 = arith.constant 0 : i32
      %dma_start3A_153 = arith.constant 0 : i32
      %dma_start3A_154 = tpu.memref_slice %arg2[%dma_start3A_152, %dma_start3A_153] : memref<10000x128xf32, #tpu.memory_space<hbm>> -> memref<10000x128xf32, #tpu.memory_space<hbm>>
      tpu.enqueue_indirect_dma source(%dma_start3A_154 : memref<10000x128xf32, #tpu.memory_space<hbm>>) target(%arg20 : memref<32x128xf32, #tpu.memory_space<vmem>>) offsets(%arg16 : memref<32xi32, #tpu.memory_space<vmem>>) semaphore(%arg23 : memref<!tpu.dma_semaphore, #tpu.memory_space<semaphore_mem>>)
      %dma_wait3A = arith.constant 0 : i32
      %dma_wait3A_155 = arith.constant 0 : i32
      %dma_wait3A_156 = tpu.memref_slice %arg2[%dma_wait3A, %dma_wait3A_155] : memref<10000x128xf32, #tpu.memory_space<hbm>> -> memref<10000x128xf32, #tpu.memory_space<hbm>>
      tpu.wait_indirect_dma semaphore(%arg23 : memref<!tpu.dma_semaphore, #tpu.memory_space<semaphore_mem>>) src(%dma_wait3A_156 : memref<10000x128xf32, #tpu.memory_space<hbm>>) dst(%arg20 : memref<32x128xf32, #tpu.memory_space<vmem>>)
      "tpu.region"() ({
        %run_scoped3A = tpu.sem_alloc : memref<!tpu.dma_semaphore, #tpu.memory_space<semaphore_mem>>
        %dma_start3A_157 = arith.constant 0 : i32
        %dma_start3A_158 = arith.constant 0 : i32
        %dma_start3A_159 = tpu.memref_slice %arg11[%dma_start3A_157, %dma_start3A_158] : memref<10000x128xf32, #tpu.memory_space<vmem_shared>> -> memref<10000x128xf32, #tpu.memory_space<vmem_shared>>
        tpu.enqueue_indirect_dma source(%arg20 : memref<32x128xf32, #tpu.memory_space<vmem>>) target(%dma_start3A_159 : memref<10000x128xf32, #tpu.memory_space<vmem_shared>>) offsets(%arg17 : memref<32xi32, #tpu.memory_space<vmem>>) semaphore(%run_scoped3A : memref<!tpu.dma_semaphore, #tpu.memory_space<semaphore_mem>>) {add = true}
        %dma_wait3A_160 = arith.constant 0 : i32
        %dma_wait3A_161 = arith.constant 0 : i32
        %dma_wait3A_162 = tpu.memref_slice %arg11[%dma_wait3A_160, %dma_wait3A_161] : memref<10000x128xf32, #tpu.memory_space<vmem_shared>> -> memref<10000x128xf32, #tpu.memory_space<vmem_shared>>
        tpu.wait_indirect_dma semaphore(%run_scoped3A : memref<!tpu.dma_semaphore, #tpu.memory_space<semaphore_mem>>) src(%arg20 : memref<32x128xf32, #tpu.memory_space<vmem>>) dst(%dma_wait3A_162 : memref<10000x128xf32, #tpu.memory_space<vmem_shared>>)
        tpu.yield
      }) : () -> ()
    } else {
    }
    %eq3A_12 = arith.constant 1 : i32
    %eq3A_13 = arith.cmpi eq, %arg0, %eq3A_12 : i32
    %convert_element_type3A_14 = arith.extui %eq3A_13 : i1 to i32
    %cond3A_15 = arith.constant 0 : i32
    %cond3A_16 = arith.cmpi ne, %convert_element_type3A_14, %cond3A_15 : i32
    scf.if %cond3A_16 {
      %add3A = arith.constant 0 : i32
      %add3A_28 = arith.addi %mul3A_6, %add3A : i32
      "tpu.region"() ({
        %run_scoped3A = tpu.sem_alloc : memref<!tpu.dma_semaphore, #tpu.memory_space<semaphore_mem>>
        %dma_start3A_157 = tpu.memref_slice %arg6[%add3A_28] : memref<320000xi32, #tpu.memory_space<hbm>> -> memref<1536xi32, #tpu.memory_space<hbm>>
        %dma_start3A_158 = tpu.memref_slice %arg6[%add3A_28] : memref<320000xi32, #tpu.memory_space<hbm>> -> memref<1536xi32, #tpu.memory_space<hbm>>
        tpu.enqueue_dma source(%dma_start3A_158 : memref<1536xi32, #tpu.memory_space<hbm>>) target(%arg21 : memref<1536xi32, #tpu.memory_space<vmem>>) target_semaphore(%run_scoped3A : memref<!tpu.dma_semaphore, #tpu.memory_space<semaphore_mem>>)
        %dma_wait3A_159 = tpu.memref_slice %arg6[%add3A_28] : memref<320000xi32, #tpu.memory_space<hbm>> -> memref<1536xi32, #tpu.memory_space<hbm>>
        %dma_wait3A_160 = tpu.memref_slice %arg6[%add3A_28] : memref<320000xi32, #tpu.memory_space<hbm>> -> memref<1536xi32, #tpu.memory_space<hbm>>
        tpu.wait_dma2 semaphore(%run_scoped3A : memref<!tpu.dma_semaphore, #tpu.memory_space<semaphore_mem>>) src(%dma_wait3A_160 : memref<1536xi32, #tpu.memory_space<hbm>>) dst(%arg21 : memref<1536xi32, #tpu.memory_space<vmem>>)
        tpu.yield
      }) : () -> ()
      %add3A_29 = arith.constant 0 : i32
      %add3A_30 = arith.addi %mul3A_6, %add3A_29 : i32
      "tpu.region"() ({
        %run_scoped3A = tpu.sem_alloc : memref<!tpu.dma_semaphore, #tpu.memory_space<semaphore_mem>>
        %dma_start3A_157 = tpu.memref_slice %arg7[%add3A_30] : memref<320000xi32, #tpu.memory_space<hbm>> -> memref<1536xi32, #tpu.memory_space<hbm>>
        %dma_start3A_158 = tpu.memref_slice %arg7[%add3A_30] : memref<320000xi32, #tpu.memory_space<hbm>> -> memref<1536xi32, #tpu.memory_space<hbm>>
        tpu.enqueue_dma source(%dma_start3A_158 : memref<1536xi32, #tpu.memory_space<hbm>>) target(%arg22 : memref<1536xi32, #tpu.memory_space<vmem>>) target_semaphore(%run_scoped3A : memref<!tpu.dma_semaphore, #tpu.memory_space<semaphore_mem>>)
        %dma_wait3A_159 = tpu.memref_slice %arg7[%add3A_30] : memref<320000xi32, #tpu.memory_space<hbm>> -> memref<1536xi32, #tpu.memory_space<hbm>>
        %dma_wait3A_160 = tpu.memref_slice %arg7[%add3A_30] : memref<320000xi32, #tpu.memory_space<hbm>> -> memref<1536xi32, #tpu.memory_space<hbm>>
        tpu.wait_dma2 semaphore(%run_scoped3A : memref<!tpu.dma_semaphore, #tpu.memory_space<semaphore_mem>>) src(%dma_wait3A_160 : memref<1536xi32, #tpu.memory_space<hbm>>) dst(%arg22 : memref<1536xi32, #tpu.memory_space<vmem>>)
        tpu.yield
      }) : () -> ()
      %get3A = arith.constant 0 : index
      %get3A_31 = tpu.vector_load %arg21[%get3A] {strides = array<i32>} : memref<1536xi32, #tpu.memory_space<vmem>>, vector<16xi32>,
      %get3A_32 = vector.shape_cast %get3A_31 : vector<16xi32> to vector<16xi32>
      %swap3A = arith.constant 0 : index
      %swap3A_33 = tpu.vector_load %arg12[%swap3A] {strides = array<i32>} : memref<128xi32, #tpu.memory_space<vmem>>, vector<16xi32>,
      %swap3A_34 = vector.shape_cast %swap3A_33 : vector<16xi32> to vector<16xi32>
      %swap3A_35 = vector.shape_cast %get3A_32 : vector<16xi32> to vector<16xi32>
      tpu.vector_store %arg12[%swap3A], %swap3A_35 {strides = array<i32>} : memref<128xi32, #tpu.memory_space<vmem>>, vector<16xi32>,
      %get3A_36 = arith.constant 0 : index
      %get3A_37 = tpu.vector_load %arg22[%get3A_36] {strides = array<i32>} : memref<1536xi32, #tpu.memory_space<vmem>>, vector<16xi32>,
      %get3A_38 = vector.shape_cast %get3A_37 : vector<16xi32> to vector<16xi32>
      %swap3A_39 = arith.constant 0 : index
      %swap3A_40 = tpu.vector_load %arg14[%swap3A_39] {strides = array<i32>} : memref<128xi32, #tpu.memory_space<vmem>>, vector<16xi32>,
      %swap3A_41 = vector.shape_cast %swap3A_40 : vector<16xi32> to vector<16xi32>
      %swap3A_42 = vector.shape_cast %get3A_38 : vector<16xi32> to vector<16xi32>
      tpu.vector_store %arg14[%swap3A_39], %swap3A_42 {strides = array<i32>} : memref<128xi32, #tpu.memory_space<vmem>>, vector<16xi32>,
      %get3A_43 = arith.constant 16 : index
      %get3A_44 = tpu.vector_load %arg21[%get3A_43] {strides = array<i32>} : memref<1536xi32, #tpu.memory_space<vmem>>, vector<16xi32>,
      %get3A_45 = vector.shape_cast %get3A_44 : vector<16xi32> to vector<16xi32>
      %swap3A_46 = arith.constant 16 : index
      %swap3A_47 = tpu.vector_load %arg12[%swap3A_46] {strides = array<i32>} : memref<128xi32, #tpu.memory_space<vmem>>, vector<16xi32>,
      %swap3A_48 = vector.shape_cast %swap3A_47 : vector<16xi32> to vector<16xi32>
      %swap3A_49 = vector.shape_cast %get3A_45 : vector<16xi32> to vector<16xi32>
      tpu.vector_store %arg12[%swap3A_46], %swap3A_49 {strides = array<i32>} : memref<128xi32, #tpu.memory_space<vmem>>, vector<16xi32>,
      %get3A_50 = arith.constant 16 : index
      %get3A_51 = tpu.vector_load %arg22[%get3A_50] {strides = array<i32>} : memref<1536xi32, #tpu.memory_space<vmem>>, vector<16xi32>,
      %get3A_52 = vector.shape_cast %get3A_51 : vector<16xi32> to vector<16xi32>
      %swap3A_53 = arith.constant 16 : index
      %swap3A_54 = tpu.vector_load %arg14[%swap3A_53] {strides = array<i32>} : memref<128xi32, #tpu.memory_space<vmem>>, vector<16xi32>,
      %swap3A_55 = vector.shape_cast %swap3A_54 : vector<16xi32> to vector<16xi32>
      %swap3A_56 = vector.shape_cast %get3A_52 : vector<16xi32> to vector<16xi32>
      tpu.vector_store %arg14[%swap3A_53], %swap3A_56 {strides = array<i32>} : memref<128xi32, #tpu.memory_space<vmem>>, vector<16xi32>,
      %get3A_57 = arith.constant 32 : index
      %get3A_58 = tpu.vector_load %arg21[%get3A_57] {strides = array<i32>} : memref<1536xi32, #tpu.memory_space<vmem>>, vector<16xi32>,
      %get3A_59 = vector.shape_cast %get3A_58 : vector<16xi32> to vector<16xi32>
      %swap3A_60 = arith.constant 32 : index
      %swap3A_61 = tpu.vector_load %arg12[%swap3A_60] {strides = array<i32>} : memref<128xi32, #tpu.memory_space<vmem>>, vector<16xi32>,
      %swap3A_62 = vector.shape_cast %swap3A_61 : vector<16xi32> to vector<16xi32>
      %swap3A_63 = vector.shape_cast %get3A_59 : vector<16xi32> to vector<16xi32>
      tpu.vector_store %arg12[%swap3A_60], %swap3A_63 {strides = array<i32>} : memref<128xi32, #tpu.memory_space<vmem>>, vector<16xi32>,
      %get3A_64 = arith.constant 32 : index
      %get3A_65 = tpu.vector_load %arg22[%get3A_64] {strides = array<i32>} : memref<1536xi32, #tpu.memory_space<vmem>>, vector<16xi32>,
      %get3A_66 = vector.shape_cast %get3A_65 : vector<16xi32> to vector<16xi32>
      %swap3A_67 = arith.constant 32 : index
      %swap3A_68 = tpu.vector_load %arg14[%swap3A_67] {strides = array<i32>} : memref<128xi32, #tpu.memory_space<vmem>>, vector<16xi32>,
      %swap3A_69 = vector.shape_cast %swap3A_68 : vector<16xi32> to vector<16xi32>
      %swap3A_70 = vector.shape_cast %get3A_66 : vector<16xi32> to vector<16xi32>
      tpu.vector_store %arg14[%swap3A_67], %swap3A_70 {strides = array<i32>} : memref<128xi32, #tpu.memory_space<vmem>>, vector<16xi32>,
      %get3A_71 = arith.constant 48 : index
      %get3A_72 = tpu.vector_load %arg21[%get3A_71] {strides = array<i32>} : memref<1536xi32, #tpu.memory_space<vmem>>, vector<16xi32>,
      %get3A_73 = vector.shape_cast %get3A_72 : vector<16xi32> to vector<16xi32>
      %swap3A_74 = arith.constant 48 : index
      %swap3A_75 = tpu.vector_load %arg12[%swap3A_74] {strides = array<i32>} : memref<128xi32, #tpu.memory_space<vmem>>, vector<16xi32>,
      %swap3A_76 = vector.shape_cast %swap3A_75 : vector<16xi32> to vector<16xi32>
      %swap3A_77 = vector.shape_cast %get3A_73 : vector<16xi32> to vector<16xi32>
      tpu.vector_store %arg12[%swap3A_74], %swap3A_77 {strides = array<i32>} : memref<128xi32, #tpu.memory_space<vmem>>, vector<16xi32>,
      %get3A_78 = arith.constant 48 : index
      %get3A_79 = tpu.vector_load %arg22[%get3A_78] {strides = array<i32>} : memref<1536xi32, #tpu.memory_space<vmem>>, vector<16xi32>,
      %get3A_80 = vector.shape_cast %get3A_79 : vector<16xi32> to vector<16xi32>
      %swap3A_81 = arith.constant 48 : index
      %swap3A_82 = tpu.vector_load %arg14[%swap3A_81] {strides = array<i32>} : memref<128xi32, #tpu.memory_space<vmem>>, vector<16xi32>,
      %swap3A_83 = vector.shape_cast %swap3A_82 : vector<16xi32> to vector<16xi32>
      %swap3A_84 = vector.shape_cast %get3A_80 : vector<16xi32> to vector<16xi32>
      tpu.vector_store %arg14[%swap3A_81], %swap3A_84 {strides = array<i32>} : memref<128xi32, #tpu.memory_space<vmem>>, vector<16xi32>,
      %get3A_85 = arith.constant 64 : index
      %get3A_86 = tpu.vector_load %arg21[%get3A_85] {strides = array<i32>} : memref<1536xi32, #tpu.memory_space<vmem>>, vector<16xi32>,
      %get3A_87 = vector.shape_cast %get3A_86 : vector<16xi32> to vector<16xi32>
      %swap3A_88 = arith.constant 64 : index
      %swap3A_89 = tpu.vector_load %arg12[%swap3A_88] {strides = array<i32>} : memref<128xi32, #tpu.memory_space<vmem>>, vector<16xi32>,
      %swap3A_90 = vector.shape_cast %swap3A_89 : vector<16xi32> to vector<16xi32>
      %swap3A_91 = vector.shape_cast %get3A_87 : vector<16xi32> to vector<16xi32>
      tpu.vector_store %arg12[%swap3A_88], %swap3A_91 {strides = array<i32>} : memref<128xi32, #tpu.memory_space<vmem>>, vector<16xi32>,
      %get3A_92 = arith.constant 64 : index
      %get3A_93 = tpu.vector_load %arg22[%get3A_92] {strides = array<i32>} : memref<1536xi32, #tpu.memory_space<vmem>>, vector<16xi32>,
      %get3A_94 = vector.shape_cast %get3A_93 : vector<16xi32> to vector<16xi32>
      %swap3A_95 = arith.constant 64 : index
      %swap3A_96 = tpu.vector_load %arg14[%swap3A_95] {strides = array<i32>} : memref<128xi32, #tpu.memory_space<vmem>>, vector<16xi32>,
      %swap3A_97 = vector.shape_cast %swap3A_96 : vector<16xi32> to vector<16xi32>
      %swap3A_98 = vector.shape_cast %get3A_94 : vector<16xi32> to vector<16xi32>
      tpu.vector_store %arg14[%swap3A_95], %swap3A_98 {strides = array<i32>} : memref<128xi32, #tpu.memory_space<vmem>>, vector<16xi32>,
      %get3A_99 = arith.constant 80 : index
      %get3A_100 = tpu.vector_load %arg21[%get3A_99] {strides = array<i32>} : memref<1536xi32, #tpu.memory_space<vmem>>, vector<16xi32>,
      %get3A_101 = vector.shape_cast %get3A_100 : vector<16xi32> to vector<16xi32>
      %swap3A_102 = arith.constant 80 : index
      %swap3A_103 = tpu.vector_load %arg12[%swap3A_102] {strides = array<i32>} : memref<128xi32, #tpu.memory_space<vmem>>, vector<16xi32>,
      %swap3A_104 = vector.shape_cast %swap3A_103 : vector<16xi32> to vector<16xi32>
      %swap3A_105 = vector.shape_cast %get3A_101 : vector<16xi32> to vector<16xi32>
      tpu.vector_store %arg12[%swap3A_102], %swap3A_105 {strides = array<i32>} : memref<128xi32, #tpu.memory_space<vmem>>, vector<16xi32>,
      %get3A_106 = arith.constant 80 : index
      %get3A_107 = tpu.vector_load %arg22[%get3A_106] {strides = array<i32>} : memref<1536xi32, #tpu.memory_space<vmem>>, vector<16xi32>,
      %get3A_108 = vector.shape_cast %get3A_107 : vector<16xi32> to vector<16xi32>
      %swap3A_109 = arith.constant 80 : index
      %swap3A_110 = tpu.vector_load %arg14[%swap3A_109] {strides = array<i32>} : memref<128xi32, #tpu.memory_space<vmem>>, vector<16xi32>,
      %swap3A_111 = vector.shape_cast %swap3A_110 : vector<16xi32> to vector<16xi32>
      %swap3A_112 = vector.shape_cast %get3A_108 : vector<16xi32> to vector<16xi32>
      tpu.vector_store %arg14[%swap3A_109], %swap3A_112 {strides = array<i32>} : memref<128xi32, #tpu.memory_space<vmem>>, vector<16xi32>,
      %get3A_113 = arith.constant 96 : index
      %get3A_114 = tpu.vector_load %arg21[%get3A_113] {strides = array<i32>} : memref<1536xi32, #tpu.memory_space<vmem>>, vector<16xi32>,
      %get3A_115 = vector.shape_cast %get3A_114 : vector<16xi32> to vector<16xi32>
      %swap3A_116 = arith.constant 96 : index
      %swap3A_117 = tpu.vector_load %arg12[%swap3A_116] {strides = array<i32>} : memref<128xi32, #tpu.memory_space<vmem>>, vector<16xi32>,
      %swap3A_118 = vector.shape_cast %swap3A_117 : vector<16xi32> to vector<16xi32>
      %swap3A_119 = vector.shape_cast %get3A_115 : vector<16xi32> to vector<16xi32>
      tpu.vector_store %arg12[%swap3A_116], %swap3A_119 {strides = array<i32>} : memref<128xi32, #tpu.memory_space<vmem>>, vector<16xi32>,
      %get3A_120 = arith.constant 96 : index
      %get3A_121 = tpu.vector_load %arg22[%get3A_120] {strides = array<i32>} : memref<1536xi32, #tpu.memory_space<vmem>>, vector<16xi32>,
      %get3A_122 = vector.shape_cast %get3A_121 : vector<16xi32> to vector<16xi32>
      %swap3A_123 = arith.constant 96 : index
      %swap3A_124 = tpu.vector_load %arg14[%swap3A_123] {strides = array<i32>} : memref<128xi32, #tpu.memory_space<vmem>>, vector<16xi32>,
      %swap3A_125 = vector.shape_cast %swap3A_124 : vector<16xi32> to vector<16xi32>
      %swap3A_126 = vector.shape_cast %get3A_122 : vector<16xi32> to vector<16xi32>
      tpu.vector_store %arg14[%swap3A_123], %swap3A_126 {strides = array<i32>} : memref<128xi32, #tpu.memory_space<vmem>>, vector<16xi32>,
      %get3A_127 = arith.constant 112 : index
      %get3A_128 = tpu.vector_load %arg21[%get3A_127] {strides = array<i32>} : memref<1536xi32, #tpu.memory_space<vmem>>, vector<16xi32>,
      %get3A_129 = vector.shape_cast %get3A_128 : vector<16xi32> to vector<16xi32>
      %swap3A_130 = arith.constant 112 : index
      %swap3A_131 = tpu.vector_load %arg12[%swap3A_130] {strides = array<i32>} : memref<128xi32, #tpu.memory_space<vmem>>, vector<16xi32>,
      %swap3A_132 = vector.shape_cast %swap3A_131 : vector<16xi32> to vector<16xi32>
      %swap3A_133 = vector.shape_cast %get3A_129 : vector<16xi32> to vector<16xi32>
      tpu.vector_store %arg12[%swap3A_130], %swap3A_133 {strides = array<i32>} : memref<128xi32, #tpu.memory_space<vmem>>, vector<16xi32>,
      %get3A_134 = arith.constant 112 : index
      %get3A_135 = tpu.vector_load %arg22[%get3A_134] {strides = array<i32>} : memref<1536xi32, #tpu.memory_space<vmem>>, vector<16xi32>,
      %get3A_136 = vector.shape_cast %get3A_135 : vector<16xi32> to vector<16xi32>
      %swap3A_137 = arith.constant 112 : index
      %swap3A_138 = tpu.vector_load %arg14[%swap3A_137] {strides = array<i32>} : memref<128xi32, #tpu.memory_space<vmem>>, vector<16xi32>,
      %swap3A_139 = vector.shape_cast %swap3A_138 : vector<16xi32> to vector<16xi32>
      %swap3A_140 = vector.shape_cast %get3A_136 : vector<16xi32> to vector<16xi32>
      tpu.vector_store %arg14[%swap3A_137], %swap3A_140 {strides = array<i32>} : memref<128xi32, #tpu.memory_space<vmem>>, vector<16xi32>,
      %dma_start3A = arith.constant 0 : i32
      %dma_start3A_141 = arith.constant 0 : i32
      %dma_start3A_142 = tpu.memref_slice %arg3[%dma_start3A, %dma_start3A_141] : memref<10000x128xf32, #tpu.memory_space<hbm>> -> memref<10000x128xf32, #tpu.memory_space<hbm>>
      tpu.enqueue_indirect_dma source(%dma_start3A_142 : memref<10000x128xf32, #tpu.memory_space<hbm>>) target(%arg18 : memref<128x128xf32, #tpu.memory_space<vmem>>) offsets(%arg12 : memref<128xi32, #tpu.memory_space<vmem>>) semaphore(%arg23 : memref<!tpu.dma_semaphore, #tpu.memory_space<semaphore_mem>>)
      %scan3A = arith.constant 0 : i32
      %scan3A_143 = arith.constant 0 : i32
      %scan3A_144 = arith.constant 78 : i32
      %scan3A_145 = arith.addi %scan3A_143, %scan3A_144 : i32
      %scan3A_146 = arith.constant 1 : i32
      scf.for %scan3A_157 = %scan3A_143 to %scan3A_145 step %scan3A_146  : i32 {
        %mul3A_158 = arith.constant 2 : i32
        %mul3A_159 = arith.muli %mul3A_158, %scan3A_157 : i32
        %add3A_160 = arith.constant 1 : i32
        %add3A_161 = arith.addi %mul3A_159, %add3A_160 : i32
        %mul3A_162 = arith.constant 128 : i32
        %mul3A_163 = arith.muli %add3A_161, %mul3A_162 : i32
        %jit3A = arith.constant 6 : i32
        %div3A = arith.divsi %scan3A_157, %jit3A : i32
        %sign3A = arith.constant 0 : i32
        %sign3A_164 = arith.cmpi sgt, %scan3A_157, %sign3A : i32
        %sign3A_165 = arith.extui %sign3A_164 : i1 to i32
        %sign3A_166 = arith.constant 0 : i32
        %sign3A_167 = arith.cmpi slt, %scan3A_157, %sign3A_166 : i32
        %sign3A_168 = arith.extui %sign3A_167 : i1 to i32
        %sign3A_169 = arith.subi %sign3A_165, %sign3A_168 : i32
        %sign3A_170 = arith.constant 0 : i32
        %sign3A_171 = arith.cmpi sgt, %jit3A, %sign3A_170 : i32
        %sign3A_172 = arith.extui %sign3A_171 : i1 to i32
        %sign3A_173 = arith.constant 0 : i32
        %sign3A_174 = arith.cmpi slt, %jit3A, %sign3A_173 : i32
        %sign3A_175 = arith.extui %sign3A_174 : i1 to i32
        %sign3A_176 = arith.subi %sign3A_172, %sign3A_175 : i32
        %ne3A = arith.cmpi ne, %sign3A_169, %sign3A_176 : i32
        %rem3A = arith.remsi %scan3A_157, %jit3A : i32
        %ne3A_177 = arith.constant 0 : i32
        %ne3A_178 = arith.cmpi ne, %rem3A, %ne3A_177 : i32
        %and3A = arith.andi %ne3A, %ne3A_178 : i1
        %sub3A = arith.constant 1 : i32
        %sub3A_179 = arith.subi %div3A, %sub3A : i32
        %select_n3A = arith.select %and3A, %sub3A_179, %div3A : i32
        %mul3A_180 = arith.constant 1536 : i32
        %mul3A_181 = arith.muli %select_n3A, %mul3A_180 : i32
        %sub3A_182 = arith.subi %mul3A_163, %mul3A_181 : i32
        %add3A_183 = arith.constant 0 : i32
        %add3A_184 = arith.addi %sub3A_182, %add3A_183 : i32
        %get3A_185 = arith.index_cast %add3A_184 : i32 to index
        %get3A_186 = tpu.vector_load %arg21[%get3A_185] {strides = array<i32>} : memref<1536xi32, #tpu.memory_space<vmem>>, vector<16xi32>,
        %get3A_187 = vector.shape_cast %get3A_186 : vector<16xi32> to vector<16xi32>
        %swap3A_188 = arith.constant 0 : index
        %swap3A_189 = tpu.vector_load %arg13[%swap3A_188] {strides = array<i32>} : memref<128xi32, #tpu.memory_space<vmem>>, vector<16xi32>,
        %swap3A_190 = vector.shape_cast %swap3A_189 : vector<16xi32> to vector<16xi32>
        %swap3A_191 = vector.shape_cast %get3A_187 : vector<16xi32> to vector<16xi32>
        tpu.vector_store %arg13[%swap3A_188], %swap3A_191 {strides = array<i32>} : memref<128xi32, #tpu.memory_space<vmem>>, vector<16xi32>,
        %add3A_192 = arith.constant 0 : i32
        %add3A_193 = arith.addi %sub3A_182, %add3A_192 : i32
        %get3A_194 = arith.index_cast %add3A_193 : i32 to index
        %get3A_195 = tpu.vector_load %arg22[%get3A_194] {strides = array<i32>} : memref<1536xi32, #tpu.memory_space<vmem>>, vector<16xi32>,
        %get3A_196 = vector.shape_cast %get3A_195 : vector<16xi32> to vector<16xi32>
        %swap3A_197 = arith.constant 0 : index
        %swap3A_198 = tpu.vector_load %arg15[%swap3A_197] {strides = array<i32>} : memref<128xi32, #tpu.memory_space<vmem>>, vector<16xi32>,
        %swap3A_199 = vector.shape_cast %swap3A_198 : vector<16xi32> to vector<16xi32>
        %swap3A_200 = vector.shape_cast %get3A_196 : vector<16xi32> to vector<16xi32>
        tpu.vector_store %arg15[%swap3A_197], %swap3A_200 {strides = array<i32>} : memref<128xi32, #tpu.memory_space<vmem>>, vector<16xi32>,
        %add3A_201 = arith.constant 16 : i32
        %add3A_202 = arith.addi %sub3A_182, %add3A_201 : i32
        %get3A_203 = arith.index_cast %add3A_202 : i32 to index
        %get3A_204 = tpu.vector_load %arg21[%get3A_203] {strides = array<i32>} : memref<1536xi32, #tpu.memory_space<vmem>>, vector<16xi32>,
        %get3A_205 = vector.shape_cast %get3A_204 : vector<16xi32> to vector<16xi32>
        %swap3A_206 = arith.constant 16 : index
        %swap3A_207 = tpu.vector_load %arg13[%swap3A_206] {strides = array<i32>} : memref<128xi32, #tpu.memory_space<vmem>>, vector<16xi32>,
        %swap3A_208 = vector.shape_cast %swap3A_207 : vector<16xi32> to vector<16xi32>
        %swap3A_209 = vector.shape_cast %get3A_205 : vector<16xi32> to vector<16xi32>
        tpu.vector_store %arg13[%swap3A_206], %swap3A_209 {strides = array<i32>} : memref<128xi32, #tpu.memory_space<vmem>>, vector<16xi32>,
        %add3A_210 = arith.constant 16 : i32
        %add3A_211 = arith.addi %sub3A_182, %add3A_210 : i32
        %get3A_212 = arith.index_cast %add3A_211 : i32 to index
        %get3A_213 = tpu.vector_load %arg22[%get3A_212] {strides = array<i32>} : memref<1536xi32, #tpu.memory_space<vmem>>, vector<16xi32>,
        %get3A_214 = vector.shape_cast %get3A_213 : vector<16xi32> to vector<16xi32>
        %swap3A_215 = arith.constant 16 : index
        %swap3A_216 = tpu.vector_load %arg15[%swap3A_215] {strides = array<i32>} : memref<128xi32, #tpu.memory_space<vmem>>, vector<16xi32>,
        %swap3A_217 = vector.shape_cast %swap3A_216 : vector<16xi32> to vector<16xi32>
        %swap3A_218 = vector.shape_cast %get3A_214 : vector<16xi32> to vector<16xi32>
        tpu.vector_store %arg15[%swap3A_215], %swap3A_218 {strides = array<i32>} : memref<128xi32, #tpu.memory_space<vmem>>, vector<16xi32>,
        %add3A_219 = arith.constant 32 : i32
        %add3A_220 = arith.addi %sub3A_182, %add3A_219 : i32
        %get3A_221 = arith.index_cast %add3A_220 : i32 to index
        %get3A_222 = tpu.vector_load %arg21[%get3A_221] {strides = array<i32>} : memref<1536xi32, #tpu.memory_space<vmem>>, vector<16xi32>,
        %get3A_223 = vector.shape_cast %get3A_222 : vector<16xi32> to vector<16xi32>
        %swap3A_224 = arith.constant 32 : index
        %swap3A_225 = tpu.vector_load %arg13[%swap3A_224] {strides = array<i32>} : memref<128xi32, #tpu.memory_space<vmem>>, vector<16xi32>,
        %swap3A_226 = vector.shape_cast %swap3A_225 : vector<16xi32> to vector<16xi32>
        %swap3A_227 = vector.shape_cast %get3A_223 : vector<16xi32> to vector<16xi32>
        tpu.vector_store %arg13[%swap3A_224], %swap3A_227 {strides = array<i32>} : memref<128xi32, #tpu.memory_space<vmem>>, vector<16xi32>,
        %add3A_228 = arith.constant 32 : i32
        %add3A_229 = arith.addi %sub3A_182, %add3A_228 : i32
        %get3A_230 = arith.index_cast %add3A_229 : i32 to index
        %get3A_231 = tpu.vector_load %arg22[%get3A_230] {strides = array<i32>} : memref<1536xi32, #tpu.memory_space<vmem>>, vector<16xi32>,
        %get3A_232 = vector.shape_cast %get3A_231 : vector<16xi32> to vector<16xi32>
        %swap3A_233 = arith.constant 32 : index
        %swap3A_234 = tpu.vector_load %arg15[%swap3A_233] {strides = array<i32>} : memref<128xi32, #tpu.memory_space<vmem>>, vector<16xi32>,
        %swap3A_235 = vector.shape_cast %swap3A_234 : vector<16xi32> to vector<16xi32>
        %swap3A_236 = vector.shape_cast %get3A_232 : vector<16xi32> to vector<16xi32>
        tpu.vector_store %arg15[%swap3A_233], %swap3A_236 {strides = array<i32>} : memref<128xi32, #tpu.memory_space<vmem>>, vector<16xi32>,
        %add3A_237 = arith.constant 48 : i32
        %add3A_238 = arith.addi %sub3A_182, %add3A_237 : i32
        %get3A_239 = arith.index_cast %add3A_238 : i32 to index
        %get3A_240 = tpu.vector_load %arg21[%get3A_239] {strides = array<i32>} : memref<1536xi32, #tpu.memory_space<vmem>>, vector<16xi32>,
        %get3A_241 = vector.shape_cast %get3A_240 : vector<16xi32> to vector<16xi32>
        %swap3A_242 = arith.constant 48 : index
        %swap3A_243 = tpu.vector_load %arg13[%swap3A_242] {strides = array<i32>} : memref<128xi32, #tpu.memory_space<vmem>>, vector<16xi32>,
        %swap3A_244 = vector.shape_cast %swap3A_243 : vector<16xi32> to vector<16xi32>
        %swap3A_245 = vector.shape_cast %get3A_241 : vector<16xi32> to vector<16xi32>
        tpu.vector_store %arg13[%swap3A_242], %swap3A_245 {strides = array<i32>} : memref<128xi32, #tpu.memory_space<vmem>>, vector<16xi32>,
        %add3A_246 = arith.constant 48 : i32
        %add3A_247 = arith.addi %sub3A_182, %add3A_246 : i32
        %get3A_248 = arith.index_cast %add3A_247 : i32 to index
        %get3A_249 = tpu.vector_load %arg22[%get3A_248] {strides = array<i32>} : memref<1536xi32, #tpu.memory_space<vmem>>, vector<16xi32>,
        %get3A_250 = vector.shape_cast %get3A_249 : vector<16xi32> to vector<16xi32>
        %swap3A_251 = arith.constant 48 : index
        %swap3A_252 = tpu.vector_load %arg15[%swap3A_251] {strides = array<i32>} : memref<128xi32, #tpu.memory_space<vmem>>, vector<16xi32>,
        %swap3A_253 = vector.shape_cast %swap3A_252 : vector<16xi32> to vector<16xi32>
        %swap3A_254 = vector.shape_cast %get3A_250 : vector<16xi32> to vector<16xi32>
        tpu.vector_store %arg15[%swap3A_251], %swap3A_254 {strides = array<i32>} : memref<128xi32, #tpu.memory_space<vmem>>, vector<16xi32>,
        %add3A_255 = arith.constant 64 : i32
        %add3A_256 = arith.addi %sub3A_182, %add3A_255 : i32
        %get3A_257 = arith.index_cast %add3A_256 : i32 to index
        %get3A_258 = tpu.vector_load %arg21[%get3A_257] {strides = array<i32>} : memref<1536xi32, #tpu.memory_space<vmem>>, vector<16xi32>,
        %get3A_259 = vector.shape_cast %get3A_258 : vector<16xi32> to vector<16xi32>
        %swap3A_260 = arith.constant 64 : index
        %swap3A_261 = tpu.vector_load %arg13[%swap3A_260] {strides = array<i32>} : memref<128xi32, #tpu.memory_space<vmem>>, vector<16xi32>,
        %swap3A_262 = vector.shape_cast %swap3A_261 : vector<16xi32> to vector<16xi32>
        %swap3A_263 = vector.shape_cast %get3A_259 : vector<16xi32> to vector<16xi32>
        tpu.vector_store %arg13[%swap3A_260], %swap3A_263 {strides = array<i32>} : memref<128xi32, #tpu.memory_space<vmem>>, vector<16xi32>,
        %add3A_264 = arith.constant 64 : i32
        %add3A_265 = arith.addi %sub3A_182, %add3A_264 : i32
        %get3A_266 = arith.index_cast %add3A_265 : i32 to index
        %get3A_267 = tpu.vector_load %arg22[%get3A_266] {strides = array<i32>} : memref<1536xi32, #tpu.memory_space<vmem>>, vector<16xi32>,
        %get3A_268 = vector.shape_cast %get3A_267 : vector<16xi32> to vector<16xi32>
        %swap3A_269 = arith.constant 64 : index
        %swap3A_270 = tpu.vector_load %arg15[%swap3A_269] {strides = array<i32>} : memref<128xi32, #tpu.memory_space<vmem>>, vector<16xi32>,
        %swap3A_271 = vector.shape_cast %swap3A_270 : vector<16xi32> to vector<16xi32>
        %swap3A_272 = vector.shape_cast %get3A_268 : vector<16xi32> to vector<16xi32>
        tpu.vector_store %arg15[%swap3A_269], %swap3A_272 {strides = array<i32>} : memref<128xi32, #tpu.memory_space<vmem>>, vector<16xi32>,
        %add3A_273 = arith.constant 80 : i32
        %add3A_274 = arith.addi %sub3A_182, %add3A_273 : i32
        %get3A_275 = arith.index_cast %add3A_274 : i32 to index
        %get3A_276 = tpu.vector_load %arg21[%get3A_275] {strides = array<i32>} : memref<1536xi32, #tpu.memory_space<vmem>>, vector<16xi32>,
        %get3A_277 = vector.shape_cast %get3A_276 : vector<16xi32> to vector<16xi32>
        %swap3A_278 = arith.constant 80 : index
        %swap3A_279 = tpu.vector_load %arg13[%swap3A_278] {strides = array<i32>} : memref<128xi32, #tpu.memory_space<vmem>>, vector<16xi32>,
        %swap3A_280 = vector.shape_cast %swap3A_279 : vector<16xi32> to vector<16xi32>
        %swap3A_281 = vector.shape_cast %get3A_277 : vector<16xi32> to vector<16xi32>
        tpu.vector_store %arg13[%swap3A_278], %swap3A_281 {strides = array<i32>} : memref<128xi32, #tpu.memory_space<vmem>>, vector<16xi32>,
        %add3A_282 = arith.constant 80 : i32
        %add3A_283 = arith.addi %sub3A_182, %add3A_282 : i32
        %get3A_284 = arith.index_cast %add3A_283 : i32 to index
        %get3A_285 = tpu.vector_load %arg22[%get3A_284] {strides = array<i32>} : memref<1536xi32, #tpu.memory_space<vmem>>, vector<16xi32>,
        %get3A_286 = vector.shape_cast %get3A_285 : vector<16xi32> to vector<16xi32>
        %swap3A_287 = arith.constant 80 : index
        %swap3A_288 = tpu.vector_load %arg15[%swap3A_287] {strides = array<i32>} : memref<128xi32, #tpu.memory_space<vmem>>, vector<16xi32>,
        %swap3A_289 = vector.shape_cast %swap3A_288 : vector<16xi32> to vector<16xi32>
        %swap3A_290 = vector.shape_cast %get3A_286 : vector<16xi32> to vector<16xi32>
        tpu.vector_store %arg15[%swap3A_287], %swap3A_290 {strides = array<i32>} : memref<128xi32, #tpu.memory_space<vmem>>, vector<16xi32>,
        %add3A_291 = arith.constant 96 : i32
        %add3A_292 = arith.addi %sub3A_182, %add3A_291 : i32
        %get3A_293 = arith.index_cast %add3A_292 : i32 to index
        %get3A_294 = tpu.vector_load %arg21[%get3A_293] {strides = array<i32>} : memref<1536xi32, #tpu.memory_space<vmem>>, vector<16xi32>,
        %get3A_295 = vector.shape_cast %get3A_294 : vector<16xi32> to vector<16xi32>
        %swap3A_296 = arith.constant 96 : index
        %swap3A_297 = tpu.vector_load %arg13[%swap3A_296] {strides = array<i32>} : memref<128xi32, #tpu.memory_space<vmem>>, vector<16xi32>,
        %swap3A_298 = vector.shape_cast %swap3A_297 : vector<16xi32> to vector<16xi32>
        %swap3A_299 = vector.shape_cast %get3A_295 : vector<16xi32> to vector<16xi32>
        tpu.vector_store %arg13[%swap3A_296], %swap3A_299 {strides = array<i32>} : memref<128xi32, #tpu.memory_space<vmem>>, vector<16xi32>,
        %add3A_300 = arith.constant 96 : i32
        %add3A_301 = arith.addi %sub3A_182, %add3A_300 : i32
        %get3A_302 = arith.index_cast %add3A_301 : i32 to index
        %get3A_303 = tpu.vector_load %arg22[%get3A_302] {strides = array<i32>} : memref<1536xi32, #tpu.memory_space<vmem>>, vector<16xi32>,
        %get3A_304 = vector.shape_cast %get3A_303 : vector<16xi32> to vector<16xi32>
        %swap3A_305 = arith.constant 96 : index
        %swap3A_306 = tpu.vector_load %arg15[%swap3A_305] {strides = array<i32>} : memref<128xi32, #tpu.memory_space<vmem>>, vector<16xi32>,
        %swap3A_307 = vector.shape_cast %swap3A_306 : vector<16xi32> to vector<16xi32>
        %swap3A_308 = vector.shape_cast %get3A_304 : vector<16xi32> to vector<16xi32>
        tpu.vector_store %arg15[%swap3A_305], %swap3A_308 {strides = array<i32>} : memref<128xi32, #tpu.memory_space<vmem>>, vector<16xi32>,
        %add3A_309 = arith.constant 112 : i32
        %add3A_310 = arith.addi %sub3A_182, %add3A_309 : i32
        %get3A_311 = arith.index_cast %add3A_310 : i32 to index
        %get3A_312 = tpu.vector_load %arg21[%get3A_311] {strides = array<i32>} : memref<1536xi32, #tpu.memory_space<vmem>>, vector<16xi32>,
        %get3A_313 = vector.shape_cast %get3A_312 : vector<16xi32> to vector<16xi32>
        %swap3A_314 = arith.constant 112 : index
        %swap3A_315 = tpu.vector_load %arg13[%swap3A_314] {strides = array<i32>} : memref<128xi32, #tpu.memory_space<vmem>>, vector<16xi32>,
        %swap3A_316 = vector.shape_cast %swap3A_315 : vector<16xi32> to vector<16xi32>
        %swap3A_317 = vector.shape_cast %get3A_313 : vector<16xi32> to vector<16xi32>
        tpu.vector_store %arg13[%swap3A_314], %swap3A_317 {strides = array<i32>} : memref<128xi32, #tpu.memory_space<vmem>>, vector<16xi32>,
        %add3A_318 = arith.constant 112 : i32
        %add3A_319 = arith.addi %sub3A_182, %add3A_318 : i32
        %get3A_320 = arith.index_cast %add3A_319 : i32 to index
        %get3A_321 = tpu.vector_load %arg22[%get3A_320] {strides = array<i32>} : memref<1536xi32, #tpu.memory_space<vmem>>, vector<16xi32>,
        %get3A_322 = vector.shape_cast %get3A_321 : vector<16xi32> to vector<16xi32>
        %swap3A_323 = arith.constant 112 : index
        %swap3A_324 = tpu.vector_load %arg15[%swap3A_323] {strides = array<i32>} : memref<128xi32, #tpu.memory_space<vmem>>, vector<16xi32>,
        %swap3A_325 = vector.shape_cast %swap3A_324 : vector<16xi32> to vector<16xi32>
        %swap3A_326 = vector.shape_cast %get3A_322 : vector<16xi32> to vector<16xi32>
        tpu.vector_store %arg15[%swap3A_323], %swap3A_326 {strides = array<i32>} : memref<128xi32, #tpu.memory_space<vmem>>, vector<16xi32>,
        %dma_start3A_327 = arith.constant 0 : i32
        %dma_start3A_328 = arith.constant 0 : i32
        %dma_start3A_329 = tpu.memref_slice %arg3[%dma_start3A_327, %dma_start3A_328] : memref<10000x128xf32, #tpu.memory_space<hbm>> -> memref<10000x128xf32, #tpu.memory_space<hbm>>
        tpu.enqueue_indirect_dma source(%dma_start3A_329 : memref<10000x128xf32, #tpu.memory_space<hbm>>) target(%arg19 : memref<128x128xf32, #tpu.memory_space<vmem>>) offsets(%arg13 : memref<128xi32, #tpu.memory_space<vmem>>) semaphore(%arg24 : memref<!tpu.dma_semaphore, #tpu.memory_space<semaphore_mem>>)
        %dma_wait3A_330 = arith.constant 0 : i32
        %dma_wait3A_331 = arith.constant 0 : i32
        %dma_wait3A_332 = tpu.memref_slice %arg3[%dma_wait3A_330, %dma_wait3A_331] : memref<10000x128xf32, #tpu.memory_space<hbm>> -> memref<10000x128xf32, #tpu.memory_space<hbm>>
        tpu.wait_indirect_dma semaphore(%arg23 : memref<!tpu.dma_semaphore, #tpu.memory_space<semaphore_mem>>) src(%dma_wait3A_332 : memref<10000x128xf32, #tpu.memory_space<hbm>>) dst(%arg18 : memref<128x128xf32, #tpu.memory_space<vmem>>)
        "tpu.region"() ({
          %run_scoped3A = tpu.sem_alloc : memref<!tpu.dma_semaphore, #tpu.memory_space<semaphore_mem>>
          %dma_start3A_365 = arith.constant 0 : i32
          %dma_start3A_366 = arith.constant 0 : i32
          %dma_start3A_367 = tpu.memref_slice %arg11[%dma_start3A_365, %dma_start3A_366] : memref<10000x128xf32, #tpu.memory_space<vmem_shared>> -> memref<10000x128xf32, #tpu.memory_space<vmem_shared>>
          tpu.enqueue_indirect_dma source(%arg18 : memref<128x128xf32, #tpu.memory_space<vmem>>) target(%dma_start3A_367 : memref<10000x128xf32, #tpu.memory_space<vmem_shared>>) offsets(%arg14 : memref<128xi32, #tpu.memory_space<vmem>>) semaphore(%run_scoped3A : memref<!tpu.dma_semaphore, #tpu.memory_space<semaphore_mem>>) {add = true}
          %dma_wait3A_368 = arith.constant 0 : i32
          %dma_wait3A_369 = arith.constant 0 : i32
          %dma_wait3A_370 = tpu.memref_slice %arg11[%dma_wait3A_368, %dma_wait3A_369] : memref<10000x128xf32, #tpu.memory_space<vmem_shared>> -> memref<10000x128xf32, #tpu.memory_space<vmem_shared>>
          tpu.wait_indirect_dma semaphore(%run_scoped3A : memref<!tpu.dma_semaphore, #tpu.memory_space<semaphore_mem>>) src(%arg18 : memref<128x128xf32, #tpu.memory_space<vmem>>) dst(%dma_wait3A_370 : memref<10000x128xf32, #tpu.memory_space<vmem_shared>>)
          tpu.yield
        }) : () -> ()
        %jit3A_333 = arith.constant 6 : i32
        %eq3A_334 = arith.constant 0 : i32
        %eq3A_335 = arith.cmpi eq, %jit3A_333, %eq3A_334 : i32
        %jit3A_336 = arith.constant 1 : i32
        %select_n3A_337 = arith.select %eq3A_335, %jit3A_336, %jit3A_333 : i32
        %rem3A_338 = arith.remsi %scan3A_157, %select_n3A_337 : i32
        %ne3A_339 = arith.constant 0 : i32
        %ne3A_340 = arith.cmpi ne, %rem3A_338, %ne3A_339 : i32
        %lt3A_341 = arith.constant 0 : i32
        %lt3A_342 = arith.cmpi slt, %rem3A_338, %lt3A_341 : i32
        %lt3A_343 = arith.constant 0 : i32
        %lt3A_344 = arith.cmpi slt, %select_n3A_337, %lt3A_343 : i32
        %ne3A_345 = arith.xori %lt3A_342, %lt3A_344 : i1
        %and3A_346 = arith.andi %ne3A_345, %ne3A_340 : i1
        %add3A_347 = arith.addi %rem3A_338, %select_n3A_337 : i32
        %select_n3A_348 = arith.select %and3A_346, %add3A_347, %rem3A_338 : i32
        %eq3A_349 = arith.constant 5 : i32
        %eq3A_350 = arith.cmpi eq, %select_n3A_348, %eq3A_349 : i32
        %lt3A_351 = arith.constant 77 : i32
        %lt3A_352 = arith.cmpi slt, %scan3A_157, %lt3A_351 : i32
        %and3A_353 = arith.andi %eq3A_350, %lt3A_352 : i1
        %convert_element_type3A_354 = arith.extui %and3A_353 : i1 to i32
        %cond3A_355 = arith.constant 0 : i32
        %cond3A_356 = arith.cmpi ne, %convert_element_type3A_354, %cond3A_355 : i32
        scf.if %cond3A_356 {
          %jit3A_365 = arith.constant 6 : i32
          %div3A_366 = arith.divsi %scan3A_157, %jit3A_365 : i32
          %sign3A_367 = arith.constant 0 : i32
          %sign3A_368 = arith.cmpi sgt, %scan3A_157, %sign3A_367 : i32
          %sign3A_369 = arith.extui %sign3A_368 : i1 to i32
          %sign3A_370 = arith.constant 0 : i32
          %sign3A_371 = arith.cmpi slt, %scan3A_157, %sign3A_370 : i32
          %sign3A_372 = arith.extui %sign3A_371 : i1 to i32
          %sign3A_373 = arith.subi %sign3A_369, %sign3A_372 : i32
          %sign3A_374 = arith.constant 0 : i32
          %sign3A_375 = arith.cmpi sgt, %jit3A_365, %sign3A_374 : i32
          %sign3A_376 = arith.extui %sign3A_375 : i1 to i32
          %sign3A_377 = arith.constant 0 : i32
          %sign3A_378 = arith.cmpi slt, %jit3A_365, %sign3A_377 : i32
          %sign3A_379 = arith.extui %sign3A_378 : i1 to i32
          %sign3A_380 = arith.subi %sign3A_376, %sign3A_379 : i32
          %ne3A_381 = arith.cmpi ne, %sign3A_373, %sign3A_380 : i32
          %rem3A_382 = arith.remsi %scan3A_157, %jit3A_365 : i32
          %ne3A_383 = arith.constant 0 : i32
          %ne3A_384 = arith.cmpi ne, %rem3A_382, %ne3A_383 : i32
          %and3A_385 = arith.andi %ne3A_381, %ne3A_384 : i1
          %sub3A_386 = arith.constant 1 : i32
          %sub3A_387 = arith.subi %div3A_366, %sub3A_386 : i32
          %select_n3A_388 = arith.select %and3A_385, %sub3A_387, %div3A_366 : i32
          %add3A_389 = arith.constant 1 : i32
          %add3A_390 = arith.addi %select_n3A_388, %add3A_389 : i32
          %mul3A_391 = arith.constant 1536 : i32
          %mul3A_392 = arith.muli %add3A_390, %mul3A_391 : i32
          %add3A_393 = arith.addi %mul3A_6, %mul3A_392 : i32
          "tpu.region"() ({
            %run_scoped3A = tpu.sem_alloc : memref<!tpu.dma_semaphore, #tpu.memory_space<semaphore_mem>>
            %dma_start3A_397 = tpu.memref_slice %arg6[%add3A_393] : memref<320000xi32, #tpu.memory_space<hbm>> -> memref<1536xi32, #tpu.memory_space<hbm>>
            %dma_start3A_398 = tpu.memref_slice %arg6[%add3A_393] : memref<320000xi32, #tpu.memory_space<hbm>> -> memref<1536xi32, #tpu.memory_space<hbm>>
            tpu.enqueue_dma source(%dma_start3A_398 : memref<1536xi32, #tpu.memory_space<hbm>>) target(%arg21 : memref<1536xi32, #tpu.memory_space<vmem>>) target_semaphore(%run_scoped3A : memref<!tpu.dma_semaphore, #tpu.memory_space<semaphore_mem>>)
            %dma_wait3A_399 = tpu.memref_slice %arg6[%add3A_393] : memref<320000xi32, #tpu.memory_space<hbm>> -> memref<1536xi32, #tpu.memory_space<hbm>>
            %dma_wait3A_400 = tpu.memref_slice %arg6[%add3A_393] : memref<320000xi32, #tpu.memory_space<hbm>> -> memref<1536xi32, #tpu.memory_space<hbm>>
            tpu.wait_dma2 semaphore(%run_scoped3A : memref<!tpu.dma_semaphore, #tpu.memory_space<semaphore_mem>>) src(%dma_wait3A_400 : memref<1536xi32, #tpu.memory_space<hbm>>) dst(%arg21 : memref<1536xi32, #tpu.memory_space<vmem>>)
            tpu.yield
          }) : () -> ()
          %mul3A_394 = arith.constant 1536 : i32
          %mul3A_395 = arith.muli %add3A_390, %mul3A_394 : i32
          %add3A_396 = arith.addi %mul3A_6, %mul3A_395 : i32
          "tpu.region"() ({
            %run_scoped3A = tpu.sem_alloc : memref<!tpu.dma_semaphore, #tpu.memory_space<semaphore_mem>>
            %dma_start3A_397 = tpu.memref_slice %arg7[%add3A_396] : memref<320000xi32, #tpu.memory_space<hbm>> -> memref<1536xi32, #tpu.memory_space<hbm>>
            %dma_start3A_398 = tpu.memref_slice %arg7[%add3A_396] : memref<320000xi32, #tpu.memory_space<hbm>> -> memref<1536xi32, #tpu.memory_space<hbm>>
            tpu.enqueue_dma source(%dma_start3A_398 : memref<1536xi32, #tpu.memory_space<hbm>>) target(%arg22 : memref<1536xi32, #tpu.memory_space<vmem>>) target_semaphore(%run_scoped3A : memref<!tpu.dma_semaphore, #tpu.memory_space<semaphore_mem>>)
            %dma_wait3A_399 = tpu.memref_slice %arg7[%add3A_396] : memref<320000xi32, #tpu.memory_space<hbm>> -> memref<1536xi32, #tpu.memory_space<hbm>>
            %dma_wait3A_400 = tpu.memref_slice %arg7[%add3A_396] : memref<320000xi32, #tpu.memory_space<hbm>> -> memref<1536xi32, #tpu.memory_space<hbm>>
            tpu.wait_dma2 semaphore(%run_scoped3A : memref<!tpu.dma_semaphore, #tpu.memory_space<semaphore_mem>>) src(%dma_wait3A_400 : memref<1536xi32, #tpu.memory_space<hbm>>) dst(%arg22 : memref<1536xi32, #tpu.memory_space<vmem>>)
            tpu.yield
          }) : () -> ()
        } else {
        }
        %lt3A_357 = arith.constant 77 : i32
        %lt3A_358 = arith.cmpi slt, %scan3A_157, %lt3A_357 : i32
        %convert_element_type3A_359 = arith.extui %lt3A_358 : i1 to i32
        %cond3A_360 = arith.constant 0 : i32
        %cond3A_361 = arith.cmpi ne, %convert_element_type3A_359, %cond3A_360 : i32
        scf.if %cond3A_361 {
          %mul3A_365 = arith.constant 2 : i32
          %mul3A_366 = arith.muli %mul3A_365, %scan3A_157 : i32
          %add3A_367 = arith.constant 2 : i32
          %add3A_368 = arith.addi %mul3A_366, %add3A_367 : i32
          %mul3A_369 = arith.constant 128 : i32
          %mul3A_370 = arith.muli %add3A_368, %mul3A_369 : i32
          %mul3A_371 = arith.constant 2 : i32
          %mul3A_372 = arith.muli %mul3A_371, %scan3A_157 : i32
          %add3A_373 = arith.constant 2 : i32
          %add3A_374 = arith.addi %mul3A_372, %add3A_373 : i32
          %jit3A_375 = arith.constant 12 : i32
          %div3A_376 = arith.divsi %add3A_374, %jit3A_375 : i32
          %sign3A_377 = arith.constant 0 : i32
          %sign3A_378 = arith.cmpi sgt, %add3A_374, %sign3A_377 : i32
          %sign3A_379 = arith.extui %sign3A_378 : i1 to i32
          %sign3A_380 = arith.constant 0 : i32
          %sign3A_381 = arith.cmpi slt, %add3A_374, %sign3A_380 : i32
          %sign3A_382 = arith.extui %sign3A_381 : i1 to i32
          %sign3A_383 = arith.subi %sign3A_379, %sign3A_382 : i32
          %sign3A_384 = arith.constant 0 : i32
          %sign3A_385 = arith.cmpi sgt, %jit3A_375, %sign3A_384 : i32
          %sign3A_386 = arith.extui %sign3A_385 : i1 to i32
          %sign3A_387 = arith.constant 0 : i32
          %sign3A_388 = arith.cmpi slt, %jit3A_375, %sign3A_387 : i32
          %sign3A_389 = arith.extui %sign3A_388 : i1 to i32
          %sign3A_390 = arith.subi %sign3A_386, %sign3A_389 : i32
          %ne3A_391 = arith.cmpi ne, %sign3A_383, %sign3A_390 : i32
          %rem3A_392 = arith.remsi %add3A_374, %jit3A_375 : i32
          %ne3A_393 = arith.constant 0 : i32
          %ne3A_394 = arith.cmpi ne, %rem3A_392, %ne3A_393 : i32
          %and3A_395 = arith.andi %ne3A_391, %ne3A_394 : i1
          %sub3A_396 = arith.constant 1 : i32
          %sub3A_397 = arith.subi %div3A_376, %sub3A_396 : i32
          %select_n3A_398 = arith.select %and3A_395, %sub3A_397, %div3A_376 : i32
          %mul3A_399 = arith.constant 1536 : i32
          %mul3A_400 = arith.muli %select_n3A_398, %mul3A_399 : i32
          %sub3A_401 = arith.subi %mul3A_370, %mul3A_400 : i32
          %add3A_402 = arith.constant 0 : i32
          %add3A_403 = arith.addi %sub3A_401, %add3A_402 : i32
          %get3A_404 = arith.index_cast %add3A_403 : i32 to index
          %get3A_405 = tpu.vector_load %arg21[%get3A_404] {strides = array<i32>} : memref<1536xi32, #tpu.memory_space<vmem>>, vector<16xi32>,
          %get3A_406 = vector.shape_cast %get3A_405 : vector<16xi32> to vector<16xi32>
          %swap3A_407 = arith.constant 0 : index
          %swap3A_408 = tpu.vector_load %arg12[%swap3A_407] {strides = array<i32>} : memref<128xi32, #tpu.memory_space<vmem>>, vector<16xi32>,
          %swap3A_409 = vector.shape_cast %swap3A_408 : vector<16xi32> to vector<16xi32>
          %swap3A_410 = vector.shape_cast %get3A_406 : vector<16xi32> to vector<16xi32>
          tpu.vector_store %arg12[%swap3A_407], %swap3A_410 {strides = array<i32>} : memref<128xi32, #tpu.memory_space<vmem>>, vector<16xi32>,
          %add3A_411 = arith.constant 0 : i32
          %add3A_412 = arith.addi %sub3A_401, %add3A_411 : i32
          %get3A_413 = arith.index_cast %add3A_412 : i32 to index
          %get3A_414 = tpu.vector_load %arg22[%get3A_413] {strides = array<i32>} : memref<1536xi32, #tpu.memory_space<vmem>>, vector<16xi32>,
          %get3A_415 = vector.shape_cast %get3A_414 : vector<16xi32> to vector<16xi32>
          %swap3A_416 = arith.constant 0 : index
          %swap3A_417 = tpu.vector_load %arg14[%swap3A_416] {strides = array<i32>} : memref<128xi32, #tpu.memory_space<vmem>>, vector<16xi32>,
          %swap3A_418 = vector.shape_cast %swap3A_417 : vector<16xi32> to vector<16xi32>
          %swap3A_419 = vector.shape_cast %get3A_415 : vector<16xi32> to vector<16xi32>
          tpu.vector_store %arg14[%swap3A_416], %swap3A_419 {strides = array<i32>} : memref<128xi32, #tpu.memory_space<vmem>>, vector<16xi32>,
          %add3A_420 = arith.constant 16 : i32
          %add3A_421 = arith.addi %sub3A_401, %add3A_420 : i32
          %get3A_422 = arith.index_cast %add3A_421 : i32 to index
          %get3A_423 = tpu.vector_load %arg21[%get3A_422] {strides = array<i32>} : memref<1536xi32, #tpu.memory_space<vmem>>, vector<16xi32>,
          %get3A_424 = vector.shape_cast %get3A_423 : vector<16xi32> to vector<16xi32>
          %swap3A_425 = arith.constant 16 : index
          %swap3A_426 = tpu.vector_load %arg12[%swap3A_425] {strides = array<i32>} : memref<128xi32, #tpu.memory_space<vmem>>, vector<16xi32>,
          %swap3A_427 = vector.shape_cast %swap3A_426 : vector<16xi32> to vector<16xi32>
          %swap3A_428 = vector.shape_cast %get3A_424 : vector<16xi32> to vector<16xi32>
          tpu.vector_store %arg12[%swap3A_425], %swap3A_428 {strides = array<i32>} : memref<128xi32, #tpu.memory_space<vmem>>, vector<16xi32>,
          %add3A_429 = arith.constant 16 : i32
          %add3A_430 = arith.addi %sub3A_401, %add3A_429 : i32
          %get3A_431 = arith.index_cast %add3A_430 : i32 to index
          %get3A_432 = tpu.vector_load %arg22[%get3A_431] {strides = array<i32>} : memref<1536xi32, #tpu.memory_space<vmem>>, vector<16xi32>,
          %get3A_433 = vector.shape_cast %get3A_432 : vector<16xi32> to vector<16xi32>
          %swap3A_434 = arith.constant 16 : index
          %swap3A_435 = tpu.vector_load %arg14[%swap3A_434] {strides = array<i32>} : memref<128xi32, #tpu.memory_space<vmem>>, vector<16xi32>,
          %swap3A_436 = vector.shape_cast %swap3A_435 : vector<16xi32> to vector<16xi32>
          %swap3A_437 = vector.shape_cast %get3A_433 : vector<16xi32> to vector<16xi32>
          tpu.vector_store %arg14[%swap3A_434], %swap3A_437 {strides = array<i32>} : memref<128xi32, #tpu.memory_space<vmem>>, vector<16xi32>,
          %add3A_438 = arith.constant 32 : i32
          %add3A_439 = arith.addi %sub3A_401, %add3A_438 : i32
          %get3A_440 = arith.index_cast %add3A_439 : i32 to index
          %get3A_441 = tpu.vector_load %arg21[%get3A_440] {strides = array<i32>} : memref<1536xi32, #tpu.memory_space<vmem>>, vector<16xi32>,
          %get3A_442 = vector.shape_cast %get3A_441 : vector<16xi32> to vector<16xi32>
          %swap3A_443 = arith.constant 32 : index
          %swap3A_444 = tpu.vector_load %arg12[%swap3A_443] {strides = array<i32>} : memref<128xi32, #tpu.memory_space<vmem>>, vector<16xi32>,
          %swap3A_445 = vector.shape_cast %swap3A_444 : vector<16xi32> to vector<16xi32>
          %swap3A_446 = vector.shape_cast %get3A_442 : vector<16xi32> to vector<16xi32>
          tpu.vector_store %arg12[%swap3A_443], %swap3A_446 {strides = array<i32>} : memref<128xi32, #tpu.memory_space<vmem>>, vector<16xi32>,
          %add3A_447 = arith.constant 32 : i32
          %add3A_448 = arith.addi %sub3A_401, %add3A_447 : i32
          %get3A_449 = arith.index_cast %add3A_448 : i32 to index
          %get3A_450 = tpu.vector_load %arg22[%get3A_449] {strides = array<i32>} : memref<1536xi32, #tpu.memory_space<vmem>>, vector<16xi32>,
          %get3A_451 = vector.shape_cast %get3A_450 : vector<16xi32> to vector<16xi32>
          %swap3A_452 = arith.constant 32 : index
          %swap3A_453 = tpu.vector_load %arg14[%swap3A_452] {strides = array<i32>} : memref<128xi32, #tpu.memory_space<vmem>>, vector<16xi32>,
          %swap3A_454 = vector.shape_cast %swap3A_453 : vector<16xi32> to vector<16xi32>
          %swap3A_455 = vector.shape_cast %get3A_451 : vector<16xi32> to vector<16xi32>
          tpu.vector_store %arg14[%swap3A_452], %swap3A_455 {strides = array<i32>} : memref<128xi32, #tpu.memory_space<vmem>>, vector<16xi32>,
          %add3A_456 = arith.constant 48 : i32
          %add3A_457 = arith.addi %sub3A_401, %add3A_456 : i32
          %get3A_458 = arith.index_cast %add3A_457 : i32 to index
          %get3A_459 = tpu.vector_load %arg21[%get3A_458] {strides = array<i32>} : memref<1536xi32, #tpu.memory_space<vmem>>, vector<16xi32>,
          %get3A_460 = vector.shape_cast %get3A_459 : vector<16xi32> to vector<16xi32>
          %swap3A_461 = arith.constant 48 : index
          %swap3A_462 = tpu.vector_load %arg12[%swap3A_461] {strides = array<i32>} : memref<128xi32, #tpu.memory_space<vmem>>, vector<16xi32>,
          %swap3A_463 = vector.shape_cast %swap3A_462 : vector<16xi32> to vector<16xi32>
          %swap3A_464 = vector.shape_cast %get3A_460 : vector<16xi32> to vector<16xi32>
          tpu.vector_store %arg12[%swap3A_461], %swap3A_464 {strides = array<i32>} : memref<128xi32, #tpu.memory_space<vmem>>, vector<16xi32>,
          %add3A_465 = arith.constant 48 : i32
          %add3A_466 = arith.addi %sub3A_401, %add3A_465 : i32
          %get3A_467 = arith.index_cast %add3A_466 : i32 to index
          %get3A_468 = tpu.vector_load %arg22[%get3A_467] {strides = array<i32>} : memref<1536xi32, #tpu.memory_space<vmem>>, vector<16xi32>,
          %get3A_469 = vector.shape_cast %get3A_468 : vector<16xi32> to vector<16xi32>
          %swap3A_470 = arith.constant 48 : index
          %swap3A_471 = tpu.vector_load %arg14[%swap3A_470] {strides = array<i32>} : memref<128xi32, #tpu.memory_space<vmem>>, vector<16xi32>,
          %swap3A_472 = vector.shape_cast %swap3A_471 : vector<16xi32> to vector<16xi32>
          %swap3A_473 = vector.shape_cast %get3A_469 : vector<16xi32> to vector<16xi32>
          tpu.vector_store %arg14[%swap3A_470], %swap3A_473 {strides = array<i32>} : memref<128xi32, #tpu.memory_space<vmem>>, vector<16xi32>,
          %add3A_474 = arith.constant 64 : i32
          %add3A_475 = arith.addi %sub3A_401, %add3A_474 : i32
          %get3A_476 = arith.index_cast %add3A_475 : i32 to index
          %get3A_477 = tpu.vector_load %arg21[%get3A_476] {strides = array<i32>} : memref<1536xi32, #tpu.memory_space<vmem>>, vector<16xi32>,
          %get3A_478 = vector.shape_cast %get3A_477 : vector<16xi32> to vector<16xi32>
          %swap3A_479 = arith.constant 64 : index
          %swap3A_480 = tpu.vector_load %arg12[%swap3A_479] {strides = array<i32>} : memref<128xi32, #tpu.memory_space<vmem>>, vector<16xi32>,
          %swap3A_481 = vector.shape_cast %swap3A_480 : vector<16xi32> to vector<16xi32>
          %swap3A_482 = vector.shape_cast %get3A_478 : vector<16xi32> to vector<16xi32>
          tpu.vector_store %arg12[%swap3A_479], %swap3A_482 {strides = array<i32>} : memref<128xi32, #tpu.memory_space<vmem>>, vector<16xi32>,
          %add3A_483 = arith.constant 64 : i32
          %add3A_484 = arith.addi %sub3A_401, %add3A_483 : i32
          %get3A_485 = arith.index_cast %add3A_484 : i32 to index
          %get3A_486 = tpu.vector_load %arg22[%get3A_485] {strides = array<i32>} : memref<1536xi32, #tpu.memory_space<vmem>>, vector<16xi32>,
          %get3A_487 = vector.shape_cast %get3A_486 : vector<16xi32> to vector<16xi32>
          %swap3A_488 = arith.constant 64 : index
          %swap3A_489 = tpu.vector_load %arg14[%swap3A_488] {strides = array<i32>} : memref<128xi32, #tpu.memory_space<vmem>>, vector<16xi32>,
          %swap3A_490 = vector.shape_cast %swap3A_489 : vector<16xi32> to vector<16xi32>
          %swap3A_491 = vector.shape_cast %get3A_487 : vector<16xi32> to vector<16xi32>
          tpu.vector_store %arg14[%swap3A_488], %swap3A_491 {strides = array<i32>} : memref<128xi32, #tpu.memory_space<vmem>>, vector<16xi32>,
          %add3A_492 = arith.constant 80 : i32
          %add3A_493 = arith.addi %sub3A_401, %add3A_492 : i32
          %get3A_494 = arith.index_cast %add3A_493 : i32 to index
          %get3A_495 = tpu.vector_load %arg21[%get3A_494] {strides = array<i32>} : memref<1536xi32, #tpu.memory_space<vmem>>, vector<16xi32>,
          %get3A_496 = vector.shape_cast %get3A_495 : vector<16xi32> to vector<16xi32>
          %swap3A_497 = arith.constant 80 : index
          %swap3A_498 = tpu.vector_load %arg12[%swap3A_497] {strides = array<i32>} : memref<128xi32, #tpu.memory_space<vmem>>, vector<16xi32>,
          %swap3A_499 = vector.shape_cast %swap3A_498 : vector<16xi32> to vector<16xi32>
          %swap3A_500 = vector.shape_cast %get3A_496 : vector<16xi32> to vector<16xi32>
          tpu.vector_store %arg12[%swap3A_497], %swap3A_500 {strides = array<i32>} : memref<128xi32, #tpu.memory_space<vmem>>, vector<16xi32>,
          %add3A_501 = arith.constant 80 : i32
          %add3A_502 = arith.addi %sub3A_401, %add3A_501 : i32
          %get3A_503 = arith.index_cast %add3A_502 : i32 to index
          %get3A_504 = tpu.vector_load %arg22[%get3A_503] {strides = array<i32>} : memref<1536xi32, #tpu.memory_space<vmem>>, vector<16xi32>,
          %get3A_505 = vector.shape_cast %get3A_504 : vector<16xi32> to vector<16xi32>
          %swap3A_506 = arith.constant 80 : index
          %swap3A_507 = tpu.vector_load %arg14[%swap3A_506] {strides = array<i32>} : memref<128xi32, #tpu.memory_space<vmem>>, vector<16xi32>,
          %swap3A_508 = vector.shape_cast %swap3A_507 : vector<16xi32> to vector<16xi32>
          %swap3A_509 = vector.shape_cast %get3A_505 : vector<16xi32> to vector<16xi32>
          tpu.vector_store %arg14[%swap3A_506], %swap3A_509 {strides = array<i32>} : memref<128xi32, #tpu.memory_space<vmem>>, vector<16xi32>,
          %add3A_510 = arith.constant 96 : i32
          %add3A_511 = arith.addi %sub3A_401, %add3A_510 : i32
          %get3A_512 = arith.index_cast %add3A_511 : i32 to index
          %get3A_513 = tpu.vector_load %arg21[%get3A_512] {strides = array<i32>} : memref<1536xi32, #tpu.memory_space<vmem>>, vector<16xi32>,
          %get3A_514 = vector.shape_cast %get3A_513 : vector<16xi32> to vector<16xi32>
          %swap3A_515 = arith.constant 96 : index
          %swap3A_516 = tpu.vector_load %arg12[%swap3A_515] {strides = array<i32>} : memref<128xi32, #tpu.memory_space<vmem>>, vector<16xi32>,
          %swap3A_517 = vector.shape_cast %swap3A_516 : vector<16xi32> to vector<16xi32>
          %swap3A_518 = vector.shape_cast %get3A_514 : vector<16xi32> to vector<16xi32>
          tpu.vector_store %arg12[%swap3A_515], %swap3A_518 {strides = array<i32>} : memref<128xi32, #tpu.memory_space<vmem>>, vector<16xi32>,
          %add3A_519 = arith.constant 96 : i32
          %add3A_520 = arith.addi %sub3A_401, %add3A_519 : i32
          %get3A_521 = arith.index_cast %add3A_520 : i32 to index
          %get3A_522 = tpu.vector_load %arg22[%get3A_521] {strides = array<i32>} : memref<1536xi32, #tpu.memory_space<vmem>>, vector<16xi32>,
          %get3A_523 = vector.shape_cast %get3A_522 : vector<16xi32> to vector<16xi32>
          %swap3A_524 = arith.constant 96 : index
          %swap3A_525 = tpu.vector_load %arg14[%swap3A_524] {strides = array<i32>} : memref<128xi32, #tpu.memory_space<vmem>>, vector<16xi32>,
          %swap3A_526 = vector.shape_cast %swap3A_525 : vector<16xi32> to vector<16xi32>
          %swap3A_527 = vector.shape_cast %get3A_523 : vector<16xi32> to vector<16xi32>
          tpu.vector_store %arg14[%swap3A_524], %swap3A_527 {strides = array<i32>} : memref<128xi32, #tpu.memory_space<vmem>>, vector<16xi32>,
          %add3A_528 = arith.constant 112 : i32
          %add3A_529 = arith.addi %sub3A_401, %add3A_528 : i32
          %get3A_530 = arith.index_cast %add3A_529 : i32 to index
          %get3A_531 = tpu.vector_load %arg21[%get3A_530] {strides = array<i32>} : memref<1536xi32, #tpu.memory_space<vmem>>, vector<16xi32>,
          %get3A_532 = vector.shape_cast %get3A_531 : vector<16xi32> to vector<16xi32>
          %swap3A_533 = arith.constant 112 : index
          %swap3A_534 = tpu.vector_load %arg12[%swap3A_533] {strides = array<i32>} : memref<128xi32, #tpu.memory_space<vmem>>, vector<16xi32>,
          %swap3A_535 = vector.shape_cast %swap3A_534 : vector<16xi32> to vector<16xi32>
          %swap3A_536 = vector.shape_cast %get3A_532 : vector<16xi32> to vector<16xi32>
          tpu.vector_store %arg12[%swap3A_533], %swap3A_536 {strides = array<i32>} : memref<128xi32, #tpu.memory_space<vmem>>, vector<16xi32>,
          %add3A_537 = arith.constant 112 : i32
          %add3A_538 = arith.addi %sub3A_401, %add3A_537 : i32
          %get3A_539 = arith.index_cast %add3A_538 : i32 to index
          %get3A_540 = tpu.vector_load %arg22[%get3A_539] {strides = array<i32>} : memref<1536xi32, #tpu.memory_space<vmem>>, vector<16xi32>,
          %get3A_541 = vector.shape_cast %get3A_540 : vector<16xi32> to vector<16xi32>
          %swap3A_542 = arith.constant 112 : index
          %swap3A_543 = tpu.vector_load %arg14[%swap3A_542] {strides = array<i32>} : memref<128xi32, #tpu.memory_space<vmem>>, vector<16xi32>,
          %swap3A_544 = vector.shape_cast %swap3A_543 : vector<16xi32> to vector<16xi32>
          %swap3A_545 = vector.shape_cast %get3A_541 : vector<16xi32> to vector<16xi32>
          tpu.vector_store %arg14[%swap3A_542], %swap3A_545 {strides = array<i32>} : memref<128xi32, #tpu.memory_space<vmem>>, vector<16xi32>,
          %dma_start3A_546 = arith.constant 0 : i32
          %dma_start3A_547 = arith.constant 0 : i32
          %dma_start3A_548 = tpu.memref_slice %arg3[%dma_start3A_546, %dma_start3A_547] : memref<10000x128xf32, #tpu.memory_space<hbm>> -> memref<10000x128xf32, #tpu.memory_space<hbm>>
          tpu.enqueue_indirect_dma source(%dma_start3A_548 : memref<10000x128xf32, #tpu.memory_space<hbm>>) target(%arg18 : memref<128x128xf32, #tpu.memory_space<vmem>>) offsets(%arg12 : memref<128xi32, #tpu.memory_space<vmem>>) semaphore(%arg23 : memref<!tpu.dma_semaphore, #tpu.memory_space<semaphore_mem>>)
        } else {
        }
        %dma_wait3A_362 = arith.constant 0 : i32
        %dma_wait3A_363 = arith.constant 0 : i32
        %dma_wait3A_364 = tpu.memref_slice %arg3[%dma_wait3A_362, %dma_wait3A_363] : memref<10000x128xf32, #tpu.memory_space<hbm>> -> memref<10000x128xf32, #tpu.memory_space<hbm>>
        tpu.wait_indirect_dma semaphore(%arg24 : memref<!tpu.dma_semaphore, #tpu.memory_space<semaphore_mem>>) src(%dma_wait3A_364 : memref<10000x128xf32, #tpu.memory_space<hbm>>) dst(%arg19 : memref<128x128xf32, #tpu.memory_space<vmem>>)
        "tpu.region"() ({
          %run_scoped3A = tpu.sem_alloc : memref<!tpu.dma_semaphore, #tpu.memory_space<semaphore_mem>>
          %dma_start3A_365 = arith.constant 0 : i32
          %dma_start3A_366 = arith.constant 0 : i32
          %dma_start3A_367 = tpu.memref_slice %arg11[%dma_start3A_365, %dma_start3A_366] : memref<10000x128xf32, #tpu.memory_space<vmem_shared>> -> memref<10000x128xf32, #tpu.memory_space<vmem_shared>>
          tpu.enqueue_indirect_dma source(%arg19 : memref<128x128xf32, #tpu.memory_space<vmem>>) target(%dma_start3A_367 : memref<10000x128xf32, #tpu.memory_space<vmem_shared>>) offsets(%arg15 : memref<128xi32, #tpu.memory_space<vmem>>) semaphore(%run_scoped3A : memref<!tpu.dma_semaphore, #tpu.memory_space<semaphore_mem>>) {add = true}
          %dma_wait3A_368 = arith.constant 0 : i32
          %dma_wait3A_369 = arith.constant 0 : i32
          %dma_wait3A_370 = tpu.memref_slice %arg11[%dma_wait3A_368, %dma_wait3A_369] : memref<10000x128xf32, #tpu.memory_space<vmem_shared>> -> memref<10000x128xf32, #tpu.memory_space<vmem_shared>>
          tpu.wait_indirect_dma semaphore(%run_scoped3A : memref<!tpu.dma_semaphore, #tpu.memory_space<semaphore_mem>>) src(%arg19 : memref<128x128xf32, #tpu.memory_space<vmem>>) dst(%dma_wait3A_370 : memref<10000x128xf32, #tpu.memory_space<vmem_shared>>)
          tpu.yield
        }) : () -> ()
      }
      %scan3A_147 = arith.constant 78 : i32
      %add3A_148 = arith.constant 19968 : i32
      %add3A_149 = arith.addi %mul3A_6, %add3A_148 : i32
      "tpu.region"() ({
        %run_scoped3A = tpu.sem_alloc : memref<!tpu.dma_semaphore, #tpu.memory_space<semaphore_mem>>
        %dma_start3A_157 = tpu.memref_slice %arg6[%add3A_149] : memref<320000xi32, #tpu.memory_space<hbm>> -> memref<32xi32, #tpu.memory_space<hbm>>
        %dma_start3A_158 = tpu.memref_slice %arg6[%add3A_149] : memref<320000xi32, #tpu.memory_space<hbm>> -> memref<32xi32, #tpu.memory_space<hbm>>
        tpu.enqueue_dma source(%dma_start3A_158 : memref<32xi32, #tpu.memory_space<hbm>>) target(%arg16 : memref<32xi32, #tpu.memory_space<vmem>>) target_semaphore(%run_scoped3A : memref<!tpu.dma_semaphore, #tpu.memory_space<semaphore_mem>>)
        %dma_wait3A_159 = tpu.memref_slice %arg6[%add3A_149] : memref<320000xi32, #tpu.memory_space<hbm>> -> memref<32xi32, #tpu.memory_space<hbm>>
        %dma_wait3A_160 = tpu.memref_slice %arg6[%add3A_149] : memref<320000xi32, #tpu.memory_space<hbm>> -> memref<32xi32, #tpu.memory_space<hbm>>
        tpu.wait_dma2 semaphore(%run_scoped3A : memref<!tpu.dma_semaphore, #tpu.memory_space<semaphore_mem>>) src(%dma_wait3A_160 : memref<32xi32, #tpu.memory_space<hbm>>) dst(%arg16 : memref<32xi32, #tpu.memory_space<vmem>>)
        tpu.yield
      }) : () -> ()
      %add3A_150 = arith.constant 19968 : i32
      %add3A_151 = arith.addi %mul3A_6, %add3A_150 : i32
      "tpu.region"() ({
        %run_scoped3A = tpu.sem_alloc : memref<!tpu.dma_semaphore, #tpu.memory_space<semaphore_mem>>
        %dma_start3A_157 = tpu.memref_slice %arg7[%add3A_151] : memref<320000xi32, #tpu.memory_space<hbm>> -> memref<32xi32, #tpu.memory_space<hbm>>
        %dma_start3A_158 = tpu.memref_slice %arg7[%add3A_151] : memref<320000xi32, #tpu.memory_space<hbm>> -> memref<32xi32, #tpu.memory_space<hbm>>
        tpu.enqueue_dma source(%dma_start3A_158 : memref<32xi32, #tpu.memory_space<hbm>>) target(%arg17 : memref<32xi32, #tpu.memory_space<vmem>>) target_semaphore(%run_scoped3A : memref<!tpu.dma_semaphore, #tpu.memory_space<semaphore_mem>>)
        %dma_wait3A_159 = tpu.memref_slice %arg7[%add3A_151] : memref<320000xi32, #tpu.memory_space<hbm>> -> memref<32xi32, #tpu.memory_space<hbm>>
        %dma_wait3A_160 = tpu.memref_slice %arg7[%add3A_151] : memref<320000xi32, #tpu.memory_space<hbm>> -> memref<32xi32, #tpu.memory_space<hbm>>
        tpu.wait_dma2 semaphore(%run_scoped3A : memref<!tpu.dma_semaphore, #tpu.memory_space<semaphore_mem>>) src(%dma_wait3A_160 : memref<32xi32, #tpu.memory_space<hbm>>) dst(%arg17 : memref<32xi32, #tpu.memory_space<vmem>>)
        tpu.yield
      }) : () -> ()
      %dma_start3A_152 = arith.constant 0 : i32
      %dma_start3A_153 = arith.constant 0 : i32
      %dma_start3A_154 = tpu.memref_slice %arg3[%dma_start3A_152, %dma_start3A_153] : memref<10000x128xf32, #tpu.memory_space<hbm>> -> memref<10000x128xf32, #tpu.memory_space<hbm>>
      tpu.enqueue_indirect_dma source(%dma_start3A_154 : memref<10000x128xf32, #tpu.memory_space<hbm>>) target(%arg20 : memref<32x128xf32, #tpu.memory_space<vmem>>) offsets(%arg16 : memref<32xi32, #tpu.memory_space<vmem>>) semaphore(%arg23 : memref<!tpu.dma_semaphore, #tpu.memory_space<semaphore_mem>>)
      %dma_wait3A = arith.constant 0 : i32
      %dma_wait3A_155 = arith.constant 0 : i32
      %dma_wait3A_156 = tpu.memref_slice %arg3[%dma_wait3A, %dma_wait3A_155] : memref<10000x128xf32, #tpu.memory_space<hbm>> -> memref<10000x128xf32, #tpu.memory_space<hbm>>
      tpu.wait_indirect_dma semaphore(%arg23 : memref<!tpu.dma_semaphore, #tpu.memory_space<semaphore_mem>>) src(%dma_wait3A_156 : memref<10000x128xf32, #tpu.memory_space<hbm>>) dst(%arg20 : memref<32x128xf32, #tpu.memory_space<vmem>>)
      "tpu.region"() ({
        %run_scoped3A = tpu.sem_alloc : memref<!tpu.dma_semaphore, #tpu.memory_space<semaphore_mem>>
        %dma_start3A_157 = arith.constant 0 : i32
        %dma_start3A_158 = arith.constant 0 : i32
        %dma_start3A_159 = tpu.memref_slice %arg11[%dma_start3A_157, %dma_start3A_158] : memref<10000x128xf32, #tpu.memory_space<vmem_shared>> -> memref<10000x128xf32, #tpu.memory_space<vmem_shared>>
        tpu.enqueue_indirect_dma source(%arg20 : memref<32x128xf32, #tpu.memory_space<vmem>>) target(%dma_start3A_159 : memref<10000x128xf32, #tpu.memory_space<vmem_shared>>) offsets(%arg17 : memref<32xi32, #tpu.memory_space<vmem>>) semaphore(%run_scoped3A : memref<!tpu.dma_semaphore, #tpu.memory_space<semaphore_mem>>) {add = true}
        %dma_wait3A_160 = arith.constant 0 : i32
        %dma_wait3A_161 = arith.constant 0 : i32
        %dma_wait3A_162 = tpu.memref_slice %arg11[%dma_wait3A_160, %dma_wait3A_161] : memref<10000x128xf32, #tpu.memory_space<vmem_shared>> -> memref<10000x128xf32, #tpu.memory_space<vmem_shared>>
        tpu.wait_indirect_dma semaphore(%run_scoped3A : memref<!tpu.dma_semaphore, #tpu.memory_space<semaphore_mem>>) src(%arg20 : memref<32x128xf32, #tpu.memory_space<vmem>>) dst(%dma_wait3A_162 : memref<10000x128xf32, #tpu.memory_space<vmem_shared>>)
        tpu.yield
      }) : () -> ()
    } else {
    }
    %barrier3A_17 = arith.constant 0 : index
    tpu.barrier barrier_id(%barrier3A_17)
    %eq3A_18 = arith.constant 0 : i32
    %eq3A_19 = arith.cmpi eq, %arg0, %eq3A_18 : i32
    %convert_element_type3A_20 = arith.extui %eq3A_19 : i1 to i32
    %cond3A_21 = arith.constant 0 : i32
    %cond3A_22 = arith.cmpi ne, %convert_element_type3A_20, %cond3A_21 : i32
    scf.if %cond3A_22 {
      %lt3A_28 = arith.constant 15 : i32
      %lt3A_29 = arith.cmpi slt, %arg1, %lt3A_28 : i32
      %convert_element_type3A_30 = arith.extui %lt3A_29 : i1 to i32
      %cond3A_31 = arith.constant 0 : i32
      %cond3A_32 = arith.cmpi ne, %convert_element_type3A_30, %cond3A_31 : i32
      scf.if %cond3A_32 {
        %mul3A_38 = arith.constant 624 : i32
        %mul3A_39 = arith.muli %arg1, %mul3A_38 : i32
        %multiple_of3A = tpu.assume_multiple %mul3A_39, 8 : i32
        "tpu.region"() ({
          %run_scoped3A = tpu.sem_alloc : memref<!tpu.dma_semaphore, #tpu.memory_space<semaphore_mem>>
          %dma_start3A = arith.constant 0 : i32
          %dma_start3A_40 = tpu.memref_slice %arg9[%multiple_of3A, %dma_start3A] : memref<10000x128xf32, #tpu.memory_space<hbm>> -> memref<624x128xf32, #tpu.memory_space<hbm>>
          %dma_start3A_41 = arith.constant 0 : i32
          %dma_start3A_42 = tpu.memref_slice %arg11[%multiple_of3A, %dma_start3A_41] : memref<10000x128xf32, #tpu.memory_space<vmem_shared>> -> memref<624x128xf32, #tpu.memory_space<vmem_shared>>
          tpu.enqueue_dma source(%dma_start3A_42 : memref<624x128xf32, #tpu.memory_space<vmem_shared>>) target(%dma_start3A_40 : memref<624x128xf32, #tpu.memory_space<hbm>>) target_semaphore(%run_scoped3A : memref<!tpu.dma_semaphore, #tpu.memory_space<semaphore_mem>>)
          %dma_wait3A = arith.constant 0 : i32
          %dma_wait3A_43 = tpu.memref_slice %arg9[%multiple_of3A, %dma_wait3A] : memref<10000x128xf32, #tpu.memory_space<hbm>> -> memref<624x128xf32, #tpu.memory_space<hbm>>
          %dma_wait3A_44 = arith.constant 0 : i32
          %dma_wait3A_45 = tpu.memref_slice %arg11[%multiple_of3A, %dma_wait3A_44] : memref<10000x128xf32, #tpu.memory_space<vmem_shared>> -> memref<624x128xf32, #tpu.memory_space<vmem_shared>>
          tpu.wait_dma2 semaphore(%run_scoped3A : memref<!tpu.dma_semaphore, #tpu.memory_space<semaphore_mem>>) src(%dma_wait3A_45 : memref<624x128xf32, #tpu.memory_space<vmem_shared>>) dst(%dma_wait3A_43 : memref<624x128xf32, #tpu.memory_space<hbm>>)
          tpu.yield
        }) : () -> ()
      } else {
      }
      %eq3A_33 = arith.constant 15 : i32
      %eq3A_34 = arith.cmpi eq, %arg1, %eq3A_33 : i32
      %convert_element_type3A_35 = arith.extui %eq3A_34 : i1 to i32
      %cond3A_36 = arith.constant 0 : i32
      %cond3A_37 = arith.cmpi ne, %convert_element_type3A_35, %cond3A_36 : i32
      scf.if %cond3A_37 {
        "tpu.region"() ({
          %run_scoped3A = tpu.sem_alloc : memref<!tpu.dma_semaphore, #tpu.memory_space<semaphore_mem>>
          %dma_start3A = arith.constant 9360 : i32
          %dma_start3A_38 = arith.constant 0 : i32
          %dma_start3A_39 = tpu.memref_slice %arg9[%dma_start3A, %dma_start3A_38] : memref<10000x128xf32, #tpu.memory_space<hbm>> -> memref<640x128xf32, #tpu.memory_space<hbm>>
          %dma_start3A_40 = arith.constant 9360 : i32
          %dma_start3A_41 = arith.constant 0 : i32
          %dma_start3A_42 = tpu.memref_slice %arg11[%dma_start3A_40, %dma_start3A_41] : memref<10000x128xf32, #tpu.memory_space<vmem_shared>> -> memref<640x128xf32, #tpu.memory_space<vmem_shared>>
          tpu.enqueue_dma source(%dma_start3A_42 : memref<640x128xf32, #tpu.memory_space<vmem_shared>>) target(%dma_start3A_39 : memref<640x128xf32, #tpu.memory_space<hbm>>) target_semaphore(%run_scoped3A : memref<!tpu.dma_semaphore, #tpu.memory_space<semaphore_mem>>)
          %dma_wait3A = arith.constant 9360 : i32
          %dma_wait3A_43 = arith.constant 0 : i32
          %dma_wait3A_44 = tpu.memref_slice %arg9[%dma_wait3A, %dma_wait3A_43] : memref<10000x128xf32, #tpu.memory_space<hbm>> -> memref<640x128xf32, #tpu.memory_space<hbm>>
          %dma_wait3A_45 = arith.constant 9360 : i32
          %dma_wait3A_46 = arith.constant 0 : i32
          %dma_wait3A_47 = tpu.memref_slice %arg11[%dma_wait3A_45, %dma_wait3A_46] : memref<10000x128xf32, #tpu.memory_space<vmem_shared>> -> memref<640x128xf32, #tpu.memory_space<vmem_shared>>
          tpu.wait_dma2 semaphore(%run_scoped3A : memref<!tpu.dma_semaphore, #tpu.memory_space<semaphore_mem>>) src(%dma_wait3A_47 : memref<640x128xf32, #tpu.memory_space<vmem_shared>>) dst(%dma_wait3A_44 : memref<640x128xf32, #tpu.memory_space<hbm>>)
          tpu.yield
        }) : () -> ()
      } else {
      }
    } else {
    }
    %eq3A_23 = arith.constant 1 : i32
    %eq3A_24 = arith.cmpi eq, %arg0, %eq3A_23 : i32
    %convert_element_type3A_25 = arith.extui %eq3A_24 : i1 to i32
    %cond3A_26 = arith.constant 0 : i32
    %cond3A_27 = arith.cmpi ne, %convert_element_type3A_25, %cond3A_26 : i32
    scf.if %cond3A_27 {
      %lt3A_28 = arith.constant 15 : i32
      %lt3A_29 = arith.cmpi slt, %arg1, %lt3A_28 : i32
      %convert_element_type3A_30 = arith.extui %lt3A_29 : i1 to i32
      %cond3A_31 = arith.constant 0 : i32
      %cond3A_32 = arith.cmpi ne, %convert_element_type3A_30, %cond3A_31 : i32
      scf.if %cond3A_32 {
        %mul3A_38 = arith.constant 624 : i32
        %mul3A_39 = arith.muli %arg1, %mul3A_38 : i32
        %multiple_of3A = tpu.assume_multiple %mul3A_39, 8 : i32
        "tpu.region"() ({
          %run_scoped3A = tpu.sem_alloc : memref<!tpu.dma_semaphore, #tpu.memory_space<semaphore_mem>>
          %dma_start3A = arith.constant 0 : i32
          %dma_start3A_40 = tpu.memref_slice %arg10[%multiple_of3A, %dma_start3A] : memref<10000x128xf32, #tpu.memory_space<hbm>> -> memref<624x128xf32, #tpu.memory_space<hbm>>
          %dma_start3A_41 = arith.constant 0 : i32
          %dma_start3A_42 = tpu.memref_slice %arg11[%multiple_of3A, %dma_start3A_41] : memref<10000x128xf32, #tpu.memory_space<vmem_shared>> -> memref<624x128xf32, #tpu.memory_space<vmem_shared>>
          tpu.enqueue_dma source(%dma_start3A_42 : memref<624x128xf32, #tpu.memory_space<vmem_shared>>) target(%dma_start3A_40 : memref<624x128xf32, #tpu.memory_space<hbm>>) target_semaphore(%run_scoped3A : memref<!tpu.dma_semaphore, #tpu.memory_space<semaphore_mem>>)
          %dma_wait3A = arith.constant 0 : i32
          %dma_wait3A_43 = tpu.memref_slice %arg10[%multiple_of3A, %dma_wait3A] : memref<10000x128xf32, #tpu.memory_space<hbm>> -> memref<624x128xf32, #tpu.memory_space<hbm>>
          %dma_wait3A_44 = arith.constant 0 : i32
          %dma_wait3A_45 = tpu.memref_slice %arg11[%multiple_of3A, %dma_wait3A_44] : memref<10000x128xf32, #tpu.memory_space<vmem_shared>> -> memref<624x128xf32, #tpu.memory_space<vmem_shared>>
          tpu.wait_dma2 semaphore(%run_scoped3A : memref<!tpu.dma_semaphore, #tpu.memory_space<semaphore_mem>>) src(%dma_wait3A_45 : memref<624x128xf32, #tpu.memory_space<vmem_shared>>) dst(%dma_wait3A_43 : memref<624x128xf32, #tpu.memory_space<hbm>>)
          tpu.yield
        }) : () -> ()
      } else {
      }
      %eq3A_33 = arith.constant 15 : i32
      %eq3A_34 = arith.cmpi eq, %arg1, %eq3A_33 : i32
      %convert_element_type3A_35 = arith.extui %eq3A_34 : i1 to i32
      %cond3A_36 = arith.constant 0 : i32
      %cond3A_37 = arith.cmpi ne, %convert_element_type3A_35, %cond3A_36 : i32
      scf.if %cond3A_37 {
        "tpu.region"() ({
          %run_scoped3A = tpu.sem_alloc : memref<!tpu.dma_semaphore, #tpu.memory_space<semaphore_mem>>
          %dma_start3A = arith.constant 9360 : i32
          %dma_start3A_38 = arith.constant 0 : i32
          %dma_start3A_39 = tpu.memref_slice %arg10[%dma_start3A, %dma_start3A_38] : memref<10000x128xf32, #tpu.memory_space<hbm>> -> memref<640x128xf32, #tpu.memory_space<hbm>>
          %dma_start3A_40 = arith.constant 9360 : i32
          %dma_start3A_41 = arith.constant 0 : i32
          %dma_start3A_42 = tpu.memref_slice %arg11[%dma_start3A_40, %dma_start3A_41] : memref<10000x128xf32, #tpu.memory_space<vmem_shared>> -> memref<640x128xf32, #tpu.memory_space<vmem_shared>>
          tpu.enqueue_dma source(%dma_start3A_42 : memref<640x128xf32, #tpu.memory_space<vmem_shared>>) target(%dma_start3A_39 : memref<640x128xf32, #tpu.memory_space<hbm>>) target_semaphore(%run_scoped3A : memref<!tpu.dma_semaphore, #tpu.memory_space<semaphore_mem>>)
          %dma_wait3A = arith.constant 9360 : i32
          %dma_wait3A_43 = arith.constant 0 : i32
          %dma_wait3A_44 = tpu.memref_slice %arg10[%dma_wait3A, %dma_wait3A_43] : memref<10000x128xf32, #tpu.memory_space<hbm>> -> memref<640x128xf32, #tpu.memory_space<hbm>>
          %dma_wait3A_45 = arith.constant 9360 : i32
          %dma_wait3A_46 = arith.constant 0 : i32
          %dma_wait3A_47 = tpu.memref_slice %arg11[%dma_wait3A_45, %dma_wait3A_46] : memref<10000x128xf32, #tpu.memory_space<vmem_shared>> -> memref<640x128xf32, #tpu.memory_space<vmem_shared>>
          tpu.wait_dma2 semaphore(%run_scoped3A : memref<!tpu.dma_semaphore, #tpu.memory_space<semaphore_mem>>) src(%dma_wait3A_47 : memref<640x128xf32, #tpu.memory_space<vmem_shared>>) dst(%dma_wait3A_44 : memref<640x128xf32, #tpu.memory_space<hbm>>)
          tpu.yield
        }) : () -> ()
      } else {
      }
    } else {
    }
    return
  }
}

#map = affine_map<(d0, d1) -> (0, 0)>
#map1 = affine_map<(d0, d1) -> (0)>
module attributes {stable_mosaic.version = 14 : i64} {
  func.func @body(%arg0: i32, %arg1: i32, %arg2: memref<10000x128xf32, #tpu.memory_space<hbm>>, %arg3: memref<10000x128xf32, #tpu.memory_space<hbm>>, %arg4: memref<320000xi32, #tpu.memory_space<hbm>>, %arg5: memref<320000xi32, #tpu.memory_space<hbm>>, %arg6: memref<320000xi32, #tpu.memory_space<hbm>>, %arg7: memref<320000xi32, #tpu.memory_space<hbm>>, %arg8: memref<10000x128xf32, #tpu.memory_space<hbm>>, %arg9: memref<10000x128xf32, #tpu.memory_space<hbm>>, %arg10: memref<10000x128xf32, #tpu.memory_space<hbm>>, %arg11: memref<10000x128xf32, #tpu.memory_space<vmem_shared>>, %arg12: memref<128xi32, #tpu.memory_space<vmem>>, %arg13: memref<128xi32, #tpu.memory_space<vmem>>, %arg14: memref<128xi32, #tpu.memory_space<vmem>>, %arg15: memref<128xi32, #tpu.memory_space<vmem>>, %arg16: memref<32xi32, #tpu.memory_space<vmem>>, %arg17: memref<32xi32, #tpu.memory_space<vmem>>, %arg18: memref<128x128xf32, #tpu.memory_space<vmem>>, %arg19: memref<128x128xf32, #tpu.memory_space<vmem>>, %arg20: memref<32x128xf32, #tpu.memory_space<vmem>>, %arg21: memref<1536xi32, #tpu.memory_space<vmem>>, %arg22: memref<1536xi32, #tpu.memory_space<vmem>>, %arg23: memref<!tpu.dma_semaphore, #tpu.memory_space<semaphore_mem>>, %arg24: memref<!tpu.dma_semaphore, #tpu.memory_space<semaphore_mem>>) attributes {dimension_semantics = [#tpu.dimension_semantics<core_parallel>, #tpu.dimension_semantics<subcore_parallel>], iteration_bounds = array<i64: 2, 16>, scalar_prefetch = 0 : i64, scratch_operands = 14 : i64, tpu.core_type = #tpu.core_type<sc_vector_subcore>, window_params = [{transform_indices = #map}, {transform_indices = #map}, {transform_indices = #map1}, {transform_indices = #map1}, {transform_indices = #map1}, {transform_indices = #map1}, {transform_indices = #map}, {transform_indices = #map}, {transform_indices = #map}]} {
    %lt3A = arith.constant 15 : i32
    %lt3A_0 = arith.cmpi slt, %arg1, %lt3A : i32
    %convert_element_type3A = arith.extui %lt3A_0 : i1 to i32
    %cond3A = arith.constant 0 : i32
    %cond3A_1 = arith.cmpi ne, %convert_element_type3A, %cond3A : i32
    scf.if %cond3A_1 {
      %mul3A_28 = arith.constant 624 : i32
      %mul3A_29 = arith.muli %arg1, %mul3A_28 : i32
      %multiple_of3A = tpu.assume_multiple %mul3A_29, 8 : i32
      "tpu.region"() ({
        %run_scoped3A = tpu.sem_alloc : memref<!tpu.dma_semaphore, #tpu.memory_space<semaphore_mem>>
        %dma_start3A = arith.constant 0 : i32
        %dma_start3A_30 = tpu.memref_slice %arg11[%multiple_of3A, %dma_start3A] : memref<10000x128xf32, #tpu.memory_space<vmem_shared>> -> memref<624x128xf32, #tpu.memory_space<vmem_shared>>
        %dma_start3A_31 = arith.constant 0 : i32
        %dma_start3A_32 = tpu.memref_slice %arg8[%multiple_of3A, %dma_start3A_31] : memref<10000x128xf32, #tpu.memory_space<hbm>> -> memref<624x128xf32, #tpu.memory_space<hbm>>
        tpu.enqueue_dma source(%dma_start3A_32 : memref<624x128xf32, #tpu.memory_space<hbm>>) target(%dma_start3A_30 : memref<624x128xf32, #tpu.memory_space<vmem_shared>>) target_semaphore(%run_scoped3A : memref<!tpu.dma_semaphore, #tpu.memory_space<semaphore_mem>>)
        %dma_wait3A = arith.constant 0 : i32
        %dma_wait3A_33 = tpu.memref_slice %arg11[%multiple_of3A, %dma_wait3A] : memref<10000x128xf32, #tpu.memory_space<vmem_shared>> -> memref<624x128xf32, #tpu.memory_space<vmem_shared>>
        %dma_wait3A_34 = arith.constant 0 : i32
        %dma_wait3A_35 = tpu.memref_slice %arg8[%multiple_of3A, %dma_wait3A_34] : memref<10000x128xf32, #tpu.memory_space<hbm>> -> memref<624x128xf32, #tpu.memory_space<hbm>>
        tpu.wait_dma2 semaphore(%run_scoped3A : memref<!tpu.dma_semaphore, #tpu.memory_space<semaphore_mem>>) src(%dma_wait3A_35 : memref<624x128xf32, #tpu.memory_space<hbm>>) dst(%dma_wait3A_33 : memref<624x128xf32, #tpu.memory_space<vmem_shared>>)
        tpu.yield
      }) : () -> ()
    } else {
    }
    %eq3A = arith.constant 15 : i32
    %eq3A_2 = arith.cmpi eq, %arg1, %eq3A : i32
    %convert_element_type3A_3 = arith.extui %eq3A_2 : i1 to i32
    %cond3A_4 = arith.constant 0 : i32
    %cond3A_5 = arith.cmpi ne, %convert_element_type3A_3, %cond3A_4 : i32
    scf.if %cond3A_5 {
      "tpu.region"() ({
        %run_scoped3A = tpu.sem_alloc : memref<!tpu.dma_semaphore, #tpu.memory_space<semaphore_mem>>
        %dma_start3A = arith.constant 9360 : i32
        %dma_start3A_28 = arith.constant 0 : i32
        %dma_start3A_29 = tpu.memref_slice %arg11[%dma_start3A, %dma_start3A_28] : memref<10000x128xf32, #tpu.memory_space<vmem_shared>> -> memref<640x128xf32, #tpu.memory_space<vmem_shared>>
        %dma_start3A_30 = arith.constant 9360 : i32
        %dma_start3A_31 = arith.constant 0 : i32
        %dma_start3A_32 = tpu.memref_slice %arg8[%dma_start3A_30, %dma_start3A_31] : memref<10000x128xf32, #tpu.memory_space<hbm>> -> memref<640x128xf32, #tpu.memory_space<hbm>>
        tpu.enqueue_dma source(%dma_start3A_32 : memref<640x128xf32, #tpu.memory_space<hbm>>) target(%dma_start3A_29 : memref<640x128xf32, #tpu.memory_space<vmem_shared>>) target_semaphore(%run_scoped3A : memref<!tpu.dma_semaphore, #tpu.memory_space<semaphore_mem>>)
        %dma_wait3A = arith.constant 9360 : i32
        %dma_wait3A_33 = arith.constant 0 : i32
        %dma_wait3A_34 = tpu.memref_slice %arg11[%dma_wait3A, %dma_wait3A_33] : memref<10000x128xf32, #tpu.memory_space<vmem_shared>> -> memref<640x128xf32, #tpu.memory_space<vmem_shared>>
        %dma_wait3A_35 = arith.constant 9360 : i32
        %dma_wait3A_36 = arith.constant 0 : i32
        %dma_wait3A_37 = tpu.memref_slice %arg8[%dma_wait3A_35, %dma_wait3A_36] : memref<10000x128xf32, #tpu.memory_space<hbm>> -> memref<640x128xf32, #tpu.memory_space<hbm>>
        tpu.wait_dma2 semaphore(%run_scoped3A : memref<!tpu.dma_semaphore, #tpu.memory_space<semaphore_mem>>) src(%dma_wait3A_37 : memref<640x128xf32, #tpu.memory_space<hbm>>) dst(%dma_wait3A_34 : memref<640x128xf32, #tpu.memory_space<vmem_shared>>)
        tpu.yield
      }) : () -> ()
    } else {
    }
    %barrier3A = arith.constant 0 : index
    tpu.barrier barrier_id(%barrier3A)
    %mul3A = arith.constant 20000 : i32
    %mul3A_6 = arith.muli %arg1, %mul3A : i32
    %eq3A_7 = arith.constant 0 : i32
    %eq3A_8 = arith.cmpi eq, %arg0, %eq3A_7 : i32
    %convert_element_type3A_9 = arith.extui %eq3A_8 : i1 to i32
    %cond3A_10 = arith.constant 0 : i32
    %cond3A_11 = arith.cmpi ne, %convert_element_type3A_9, %cond3A_10 : i32
    scf.if %cond3A_11 {
      %add3A = arith.constant 0 : i32
      %add3A_28 = arith.addi %mul3A_6, %add3A : i32
      "tpu.region"() ({
        %run_scoped3A = tpu.sem_alloc : memref<!tpu.dma_semaphore, #tpu.memory_space<semaphore_mem>>
        %dma_start3A_157 = tpu.memref_slice %arg4[%add3A_28] : memref<320000xi32, #tpu.memory_space<hbm>> -> memref<1536xi32, #tpu.memory_space<hbm>>
        %dma_start3A_158 = tpu.memref_slice %arg4[%add3A_28] : memref<320000xi32, #tpu.memory_space<hbm>> -> memref<1536xi32, #tpu.memory_space<hbm>>
        tpu.enqueue_dma source(%dma_start3A_158 : memref<1536xi32, #tpu.memory_space<hbm>>) target(%arg21 : memref<1536xi32, #tpu.memory_space<vmem>>) target_semaphore(%run_scoped3A : memref<!tpu.dma_semaphore, #tpu.memory_space<semaphore_mem>>)
        %dma_wait3A_159 = tpu.memref_slice %arg4[%add3A_28] : memref<320000xi32, #tpu.memory_space<hbm>> -> memref<1536xi32, #tpu.memory_space<hbm>>
        %dma_wait3A_160 = tpu.memref_slice %arg4[%add3A_28] : memref<320000xi32, #tpu.memory_space<hbm>> -> memref<1536xi32, #tpu.memory_space<hbm>>
        tpu.wait_dma2 semaphore(%run_scoped3A : memref<!tpu.dma_semaphore, #tpu.memory_space<semaphore_mem>>) src(%dma_wait3A_160 : memref<1536xi32, #tpu.memory_space<hbm>>) dst(%arg21 : memref<1536xi32, #tpu.memory_space<vmem>>)
        tpu.yield
      }) : () -> ()
      %add3A_29 = arith.constant 0 : i32
      %add3A_30 = arith.addi %mul3A_6, %add3A_29 : i32
      "tpu.region"() ({
        %run_scoped3A = tpu.sem_alloc : memref<!tpu.dma_semaphore, #tpu.memory_space<semaphore_mem>>
        %dma_start3A_157 = tpu.memref_slice %arg5[%add3A_30] : memref<320000xi32, #tpu.memory_space<hbm>> -> memref<1536xi32, #tpu.memory_space<hbm>>
        %dma_start3A_158 = tpu.memref_slice %arg5[%add3A_30] : memref<320000xi32, #tpu.memory_space<hbm>> -> memref<1536xi32, #tpu.memory_space<hbm>>
        tpu.enqueue_dma source(%dma_start3A_158 : memref<1536xi32, #tpu.memory_space<hbm>>) target(%arg22 : memref<1536xi32, #tpu.memory_space<vmem>>) target_semaphore(%run_scoped3A : memref<!tpu.dma_semaphore, #tpu.memory_space<semaphore_mem>>)
        %dma_wait3A_159 = tpu.memref_slice %arg5[%add3A_30] : memref<320000xi32, #tpu.memory_space<hbm>> -> memref<1536xi32, #tpu.memory_space<hbm>>
        %dma_wait3A_160 = tpu.memref_slice %arg5[%add3A_30] : memref<320000xi32, #tpu.memory_space<hbm>> -> memref<1536xi32, #tpu.memory_space<hbm>>
        tpu.wait_dma2 semaphore(%run_scoped3A : memref<!tpu.dma_semaphore, #tpu.memory_space<semaphore_mem>>) src(%dma_wait3A_160 : memref<1536xi32, #tpu.memory_space<hbm>>) dst(%arg22 : memref<1536xi32, #tpu.memory_space<vmem>>)
        tpu.yield
      }) : () -> ()
      %get3A = arith.constant 0 : index
      %get3A_31 = tpu.vector_load %arg21[%get3A] {strides = array<i32>} : memref<1536xi32, #tpu.memory_space<vmem>>, vector<16xi32>,
      %get3A_32 = vector.shape_cast %get3A_31 : vector<16xi32> to vector<16xi32>
      %swap3A = arith.constant 0 : index
      %swap3A_33 = tpu.vector_load %arg12[%swap3A] {strides = array<i32>} : memref<128xi32, #tpu.memory_space<vmem>>, vector<16xi32>,
      %swap3A_34 = vector.shape_cast %swap3A_33 : vector<16xi32> to vector<16xi32>
      %swap3A_35 = vector.shape_cast %get3A_32 : vector<16xi32> to vector<16xi32>
      tpu.vector_store %arg12[%swap3A], %swap3A_35 {strides = array<i32>} : memref<128xi32, #tpu.memory_space<vmem>>, vector<16xi32>,
      %get3A_36 = arith.constant 0 : index
      %get3A_37 = tpu.vector_load %arg22[%get3A_36] {strides = array<i32>} : memref<1536xi32, #tpu.memory_space<vmem>>, vector<16xi32>,
      %get3A_38 = vector.shape_cast %get3A_37 : vector<16xi32> to vector<16xi32>
      %swap3A_39 = arith.constant 0 : index
      %swap3A_40 = tpu.vector_load %arg14[%swap3A_39] {strides = array<i32>} : memref<128xi32, #tpu.memory_space<vmem>>, vector<16xi32>,
      %swap3A_41 = vector.shape_cast %swap3A_40 : vector<16xi32> to vector<16xi32>
      %swap3A_42 = vector.shape_cast %get3A_38 : vector<16xi32> to vector<16xi32>
      tpu.vector_store %arg14[%swap3A_39], %swap3A_42 {strides = array<i32>} : memref<128xi32, #tpu.memory_space<vmem>>, vector<16xi32>,
      %get3A_43 = arith.constant 16 : index
      %get3A_44 = tpu.vector_load %arg21[%get3A_43] {strides = array<i32>} : memref<1536xi32, #tpu.memory_space<vmem>>, vector<16xi32>,
      %get3A_45 = vector.shape_cast %get3A_44 : vector<16xi32> to vector<16xi32>
      %swap3A_46 = arith.constant 16 : index
      %swap3A_47 = tpu.vector_load %arg12[%swap3A_46] {strides = array<i32>} : memref<128xi32, #tpu.memory_space<vmem>>, vector<16xi32>,
      %swap3A_48 = vector.shape_cast %swap3A_47 : vector<16xi32> to vector<16xi32>
      %swap3A_49 = vector.shape_cast %get3A_45 : vector<16xi32> to vector<16xi32>
      tpu.vector_store %arg12[%swap3A_46], %swap3A_49 {strides = array<i32>} : memref<128xi32, #tpu.memory_space<vmem>>, vector<16xi32>,
      %get3A_50 = arith.constant 16 : index
      %get3A_51 = tpu.vector_load %arg22[%get3A_50] {strides = array<i32>} : memref<1536xi32, #tpu.memory_space<vmem>>, vector<16xi32>,
      %get3A_52 = vector.shape_cast %get3A_51 : vector<16xi32> to vector<16xi32>
      %swap3A_53 = arith.constant 16 : index
      %swap3A_54 = tpu.vector_load %arg14[%swap3A_53] {strides = array<i32>} : memref<128xi32, #tpu.memory_space<vmem>>, vector<16xi32>,
      %swap3A_55 = vector.shape_cast %swap3A_54 : vector<16xi32> to vector<16xi32>
      %swap3A_56 = vector.shape_cast %get3A_52 : vector<16xi32> to vector<16xi32>
      tpu.vector_store %arg14[%swap3A_53], %swap3A_56 {strides = array<i32>} : memref<128xi32, #tpu.memory_space<vmem>>, vector<16xi32>,
      %get3A_57 = arith.constant 32 : index
      %get3A_58 = tpu.vector_load %arg21[%get3A_57] {strides = array<i32>} : memref<1536xi32, #tpu.memory_space<vmem>>, vector<16xi32>,
      %get3A_59 = vector.shape_cast %get3A_58 : vector<16xi32> to vector<16xi32>
      %swap3A_60 = arith.constant 32 : index
      %swap3A_61 = tpu.vector_load %arg12[%swap3A_60] {strides = array<i32>} : memref<128xi32, #tpu.memory_space<vmem>>, vector<16xi32>,
      %swap3A_62 = vector.shape_cast %swap3A_61 : vector<16xi32> to vector<16xi32>
      %swap3A_63 = vector.shape_cast %get3A_59 : vector<16xi32> to vector<16xi32>
      tpu.vector_store %arg12[%swap3A_60], %swap3A_63 {strides = array<i32>} : memref<128xi32, #tpu.memory_space<vmem>>, vector<16xi32>,
      %get3A_64 = arith.constant 32 : index
      %get3A_65 = tpu.vector_load %arg22[%get3A_64] {strides = array<i32>} : memref<1536xi32, #tpu.memory_space<vmem>>, vector<16xi32>,
      %get3A_66 = vector.shape_cast %get3A_65 : vector<16xi32> to vector<16xi32>
      %swap3A_67 = arith.constant 32 : index
      %swap3A_68 = tpu.vector_load %arg14[%swap3A_67] {strides = array<i32>} : memref<128xi32, #tpu.memory_space<vmem>>, vector<16xi32>,
      %swap3A_69 = vector.shape_cast %swap3A_68 : vector<16xi32> to vector<16xi32>
      %swap3A_70 = vector.shape_cast %get3A_66 : vector<16xi32> to vector<16xi32>
      tpu.vector_store %arg14[%swap3A_67], %swap3A_70 {strides = array<i32>} : memref<128xi32, #tpu.memory_space<vmem>>, vector<16xi32>,
      %get3A_71 = arith.constant 48 : index
      %get3A_72 = tpu.vector_load %arg21[%get3A_71] {strides = array<i32>} : memref<1536xi32, #tpu.memory_space<vmem>>, vector<16xi32>,
      %get3A_73 = vector.shape_cast %get3A_72 : vector<16xi32> to vector<16xi32>
      %swap3A_74 = arith.constant 48 : index
      %swap3A_75 = tpu.vector_load %arg12[%swap3A_74] {strides = array<i32>} : memref<128xi32, #tpu.memory_space<vmem>>, vector<16xi32>,
      %swap3A_76 = vector.shape_cast %swap3A_75 : vector<16xi32> to vector<16xi32>
      %swap3A_77 = vector.shape_cast %get3A_73 : vector<16xi32> to vector<16xi32>
      tpu.vector_store %arg12[%swap3A_74], %swap3A_77 {strides = array<i32>} : memref<128xi32, #tpu.memory_space<vmem>>, vector<16xi32>,
      %get3A_78 = arith.constant 48 : index
      %get3A_79 = tpu.vector_load %arg22[%get3A_78] {strides = array<i32>} : memref<1536xi32, #tpu.memory_space<vmem>>, vector<16xi32>,
      %get3A_80 = vector.shape_cast %get3A_79 : vector<16xi32> to vector<16xi32>
      %swap3A_81 = arith.constant 48 : index
      %swap3A_82 = tpu.vector_load %arg14[%swap3A_81] {strides = array<i32>} : memref<128xi32, #tpu.memory_space<vmem>>, vector<16xi32>,
      %swap3A_83 = vector.shape_cast %swap3A_82 : vector<16xi32> to vector<16xi32>
      %swap3A_84 = vector.shape_cast %get3A_80 : vector<16xi32> to vector<16xi32>
      tpu.vector_store %arg14[%swap3A_81], %swap3A_84 {strides = array<i32>} : memref<128xi32, #tpu.memory_space<vmem>>, vector<16xi32>,
      %get3A_85 = arith.constant 64 : index
      %get3A_86 = tpu.vector_load %arg21[%get3A_85] {strides = array<i32>} : memref<1536xi32, #tpu.memory_space<vmem>>, vector<16xi32>,
      %get3A_87 = vector.shape_cast %get3A_86 : vector<16xi32> to vector<16xi32>
      %swap3A_88 = arith.constant 64 : index
      %swap3A_89 = tpu.vector_load %arg12[%swap3A_88] {strides = array<i32>} : memref<128xi32, #tpu.memory_space<vmem>>, vector<16xi32>,
      %swap3A_90 = vector.shape_cast %swap3A_89 : vector<16xi32> to vector<16xi32>
      %swap3A_91 = vector.shape_cast %get3A_87 : vector<16xi32> to vector<16xi32>
      tpu.vector_store %arg12[%swap3A_88], %swap3A_91 {strides = array<i32>} : memref<128xi32, #tpu.memory_space<vmem>>, vector<16xi32>,
      %get3A_92 = arith.constant 64 : index
      %get3A_93 = tpu.vector_load %arg22[%get3A_92] {strides = array<i32>} : memref<1536xi32, #tpu.memory_space<vmem>>, vector<16xi32>,
      %get3A_94 = vector.shape_cast %get3A_93 : vector<16xi32> to vector<16xi32>
      %swap3A_95 = arith.constant 64 : index
      %swap3A_96 = tpu.vector_load %arg14[%swap3A_95] {strides = array<i32>} : memref<128xi32, #tpu.memory_space<vmem>>, vector<16xi32>,
      %swap3A_97 = vector.shape_cast %swap3A_96 : vector<16xi32> to vector<16xi32>
      %swap3A_98 = vector.shape_cast %get3A_94 : vector<16xi32> to vector<16xi32>
      tpu.vector_store %arg14[%swap3A_95], %swap3A_98 {strides = array<i32>} : memref<128xi32, #tpu.memory_space<vmem>>, vector<16xi32>,
      %get3A_99 = arith.constant 80 : index
      %get3A_100 = tpu.vector_load %arg21[%get3A_99] {strides = array<i32>} : memref<1536xi32, #tpu.memory_space<vmem>>, vector<16xi32>,
      %get3A_101 = vector.shape_cast %get3A_100 : vector<16xi32> to vector<16xi32>
      %swap3A_102 = arith.constant 80 : index
      %swap3A_103 = tpu.vector_load %arg12[%swap3A_102] {strides = array<i32>} : memref<128xi32, #tpu.memory_space<vmem>>, vector<16xi32>,
      %swap3A_104 = vector.shape_cast %swap3A_103 : vector<16xi32> to vector<16xi32>
      %swap3A_105 = vector.shape_cast %get3A_101 : vector<16xi32> to vector<16xi32>
      tpu.vector_store %arg12[%swap3A_102], %swap3A_105 {strides = array<i32>} : memref<128xi32, #tpu.memory_space<vmem>>, vector<16xi32>,
      %get3A_106 = arith.constant 80 : index
      %get3A_107 = tpu.vector_load %arg22[%get3A_106] {strides = array<i32>} : memref<1536xi32, #tpu.memory_space<vmem>>, vector<16xi32>,
      %get3A_108 = vector.shape_cast %get3A_107 : vector<16xi32> to vector<16xi32>
      %swap3A_109 = arith.constant 80 : index
      %swap3A_110 = tpu.vector_load %arg14[%swap3A_109] {strides = array<i32>} : memref<128xi32, #tpu.memory_space<vmem>>, vector<16xi32>,
      %swap3A_111 = vector.shape_cast %swap3A_110 : vector<16xi32> to vector<16xi32>
      %swap3A_112 = vector.shape_cast %get3A_108 : vector<16xi32> to vector<16xi32>
      tpu.vector_store %arg14[%swap3A_109], %swap3A_112 {strides = array<i32>} : memref<128xi32, #tpu.memory_space<vmem>>, vector<16xi32>,
      %get3A_113 = arith.constant 96 : index
      %get3A_114 = tpu.vector_load %arg21[%get3A_113] {strides = array<i32>} : memref<1536xi32, #tpu.memory_space<vmem>>, vector<16xi32>,
      %get3A_115 = vector.shape_cast %get3A_114 : vector<16xi32> to vector<16xi32>
      %swap3A_116 = arith.constant 96 : index
      %swap3A_117 = tpu.vector_load %arg12[%swap3A_116] {strides = array<i32>} : memref<128xi32, #tpu.memory_space<vmem>>, vector<16xi32>,
      %swap3A_118 = vector.shape_cast %swap3A_117 : vector<16xi32> to vector<16xi32>
      %swap3A_119 = vector.shape_cast %get3A_115 : vector<16xi32> to vector<16xi32>
      tpu.vector_store %arg12[%swap3A_116], %swap3A_119 {strides = array<i32>} : memref<128xi32, #tpu.memory_space<vmem>>, vector<16xi32>,
      %get3A_120 = arith.constant 96 : index
      %get3A_121 = tpu.vector_load %arg22[%get3A_120] {strides = array<i32>} : memref<1536xi32, #tpu.memory_space<vmem>>, vector<16xi32>,
      %get3A_122 = vector.shape_cast %get3A_121 : vector<16xi32> to vector<16xi32>
      %swap3A_123 = arith.constant 96 : index
      %swap3A_124 = tpu.vector_load %arg14[%swap3A_123] {strides = array<i32>} : memref<128xi32, #tpu.memory_space<vmem>>, vector<16xi32>,
      %swap3A_125 = vector.shape_cast %swap3A_124 : vector<16xi32> to vector<16xi32>
      %swap3A_126 = vector.shape_cast %get3A_122 : vector<16xi32> to vector<16xi32>
      tpu.vector_store %arg14[%swap3A_123], %swap3A_126 {strides = array<i32>} : memref<128xi32, #tpu.memory_space<vmem>>, vector<16xi32>,
      %get3A_127 = arith.constant 112 : index
      %get3A_128 = tpu.vector_load %arg21[%get3A_127] {strides = array<i32>} : memref<1536xi32, #tpu.memory_space<vmem>>, vector<16xi32>,
      %get3A_129 = vector.shape_cast %get3A_128 : vector<16xi32> to vector<16xi32>
      %swap3A_130 = arith.constant 112 : index
      %swap3A_131 = tpu.vector_load %arg12[%swap3A_130] {strides = array<i32>} : memref<128xi32, #tpu.memory_space<vmem>>, vector<16xi32>,
      %swap3A_132 = vector.shape_cast %swap3A_131 : vector<16xi32> to vector<16xi32>
      %swap3A_133 = vector.shape_cast %get3A_129 : vector<16xi32> to vector<16xi32>
      tpu.vector_store %arg12[%swap3A_130], %swap3A_133 {strides = array<i32>} : memref<128xi32, #tpu.memory_space<vmem>>, vector<16xi32>,
      %get3A_134 = arith.constant 112 : index
      %get3A_135 = tpu.vector_load %arg22[%get3A_134] {strides = array<i32>} : memref<1536xi32, #tpu.memory_space<vmem>>, vector<16xi32>,
      %get3A_136 = vector.shape_cast %get3A_135 : vector<16xi32> to vector<16xi32>
      %swap3A_137 = arith.constant 112 : index
      %swap3A_138 = tpu.vector_load %arg14[%swap3A_137] {strides = array<i32>} : memref<128xi32, #tpu.memory_space<vmem>>, vector<16xi32>,
      %swap3A_139 = vector.shape_cast %swap3A_138 : vector<16xi32> to vector<16xi32>
      %swap3A_140 = vector.shape_cast %get3A_136 : vector<16xi32> to vector<16xi32>
      tpu.vector_store %arg14[%swap3A_137], %swap3A_140 {strides = array<i32>} : memref<128xi32, #tpu.memory_space<vmem>>, vector<16xi32>,
      %dma_start3A = arith.constant 0 : i32
      %dma_start3A_141 = arith.constant 0 : i32
      %dma_start3A_142 = tpu.memref_slice %arg2[%dma_start3A, %dma_start3A_141] : memref<10000x128xf32, #tpu.memory_space<hbm>> -> memref<10000x128xf32, #tpu.memory_space<hbm>>
      tpu.enqueue_indirect_dma source(%dma_start3A_142 : memref<10000x128xf32, #tpu.memory_space<hbm>>) target(%arg18 : memref<128x128xf32, #tpu.memory_space<vmem>>) offsets(%arg12 : memref<128xi32, #tpu.memory_space<vmem>>) semaphore(%arg23 : memref<!tpu.dma_semaphore, #tpu.memory_space<semaphore_mem>>)
      %scan3A = arith.constant 0 : i32
      %scan3A_143 = arith.constant 0 : i32
      %scan3A_144 = arith.constant 78 : i32
      %scan3A_145 = arith.addi %scan3A_143, %scan3A_144 : i32
      %scan3A_146 = arith.constant 1 : i32
      scf.for %scan3A_157 = %scan3A_143 to %scan3A_145 step %scan3A_146  : i32 {
        %mul3A_158 = arith.constant 2 : i32
        %mul3A_159 = arith.muli %mul3A_158, %scan3A_157 : i32
        %add3A_160 = arith.constant 1 : i32
        %add3A_161 = arith.addi %mul3A_159, %add3A_160 : i32
        %mul3A_162 = arith.constant 128 : i32
        %mul3A_163 = arith.muli %add3A_161, %mul3A_162 : i32
        %jit3A = arith.constant 6 : i32
        %div3A = arith.divsi %scan3A_157, %jit3A : i32
        %sign3A = arith.constant 0 : i32
        %sign3A_164 = arith.cmpi sgt, %scan3A_157, %sign3A : i32
        %sign3A_165 = arith.extui %sign3A_164 : i1 to i32
        %sign3A_166 = arith.constant 0 : i32
        %sign3A_167 = arith.cmpi slt, %scan3A_157, %sign3A_166 : i32
        %sign3A_168 = arith.extui %sign3A_167 : i1 to i32
        %sign3A_169 = arith.subi %sign3A_165, %sign3A_168 : i32
        %sign3A_170 = arith.constant 0 : i32
        %sign3A_171 = arith.cmpi sgt, %jit3A, %sign3A_170 : i32
        %sign3A_172 = arith.extui %sign3A_171 : i1 to i32
        %sign3A_173 = arith.constant 0 : i32
        %sign3A_174 = arith.cmpi slt, %jit3A, %sign3A_173 : i32
        %sign3A_175 = arith.extui %sign3A_174 : i1 to i32
        %sign3A_176 = arith.subi %sign3A_172, %sign3A_175 : i32
        %ne3A = arith.cmpi ne, %sign3A_169, %sign3A_176 : i32
        %rem3A = arith.remsi %scan3A_157, %jit3A : i32
        %ne3A_177 = arith.constant 0 : i32
        %ne3A_178 = arith.cmpi ne, %rem3A, %ne3A_177 : i32
        %and3A = arith.andi %ne3A, %ne3A_178 : i1
        %sub3A = arith.constant 1 : i32
        %sub3A_179 = arith.subi %div3A, %sub3A : i32
        %select_n3A = arith.select %and3A, %sub3A_179, %div3A : i32
        %mul3A_180 = arith.constant 1536 : i32
        %mul3A_181 = arith.muli %select_n3A, %mul3A_180 : i32
        %sub3A_182 = arith.subi %mul3A_163, %mul3A_181 : i32
        %add3A_183 = arith.constant 0 : i32
        %add3A_184 = arith.addi %sub3A_182, %add3A_183 : i32
        %get3A_185 = arith.index_cast %add3A_184 : i32 to index
        %get3A_186 = tpu.vector_load %arg21[%get3A_185] {strides = array<i32>} : memref<1536xi32, #tpu.memory_space<vmem>>, vector<16xi32>,
        %get3A_187 = vector.shape_cast %get3A_186 : vector<16xi32> to vector<16xi32>
        %swap3A_188 = arith.constant 0 : index
        %swap3A_189 = tpu.vector_load %arg13[%swap3A_188] {strides = array<i32>} : memref<128xi32, #tpu.memory_space<vmem>>, vector<16xi32>,
        %swap3A_190 = vector.shape_cast %swap3A_189 : vector<16xi32> to vector<16xi32>
        %swap3A_191 = vector.shape_cast %get3A_187 : vector<16xi32> to vector<16xi32>
        tpu.vector_store %arg13[%swap3A_188], %swap3A_191 {strides = array<i32>} : memref<128xi32, #tpu.memory_space<vmem>>, vector<16xi32>,
        %add3A_192 = arith.constant 0 : i32
        %add3A_193 = arith.addi %sub3A_182, %add3A_192 : i32
        %get3A_194 = arith.index_cast %add3A_193 : i32 to index
        %get3A_195 = tpu.vector_load %arg22[%get3A_194] {strides = array<i32>} : memref<1536xi32, #tpu.memory_space<vmem>>, vector<16xi32>,
        %get3A_196 = vector.shape_cast %get3A_195 : vector<16xi32> to vector<16xi32>
        %swap3A_197 = arith.constant 0 : index
        %swap3A_198 = tpu.vector_load %arg15[%swap3A_197] {strides = array<i32>} : memref<128xi32, #tpu.memory_space<vmem>>, vector<16xi32>,
        %swap3A_199 = vector.shape_cast %swap3A_198 : vector<16xi32> to vector<16xi32>
        %swap3A_200 = vector.shape_cast %get3A_196 : vector<16xi32> to vector<16xi32>
        tpu.vector_store %arg15[%swap3A_197], %swap3A_200 {strides = array<i32>} : memref<128xi32, #tpu.memory_space<vmem>>, vector<16xi32>,
        %add3A_201 = arith.constant 16 : i32
        %add3A_202 = arith.addi %sub3A_182, %add3A_201 : i32
        %get3A_203 = arith.index_cast %add3A_202 : i32 to index
        %get3A_204 = tpu.vector_load %arg21[%get3A_203] {strides = array<i32>} : memref<1536xi32, #tpu.memory_space<vmem>>, vector<16xi32>,
        %get3A_205 = vector.shape_cast %get3A_204 : vector<16xi32> to vector<16xi32>
        %swap3A_206 = arith.constant 16 : index
        %swap3A_207 = tpu.vector_load %arg13[%swap3A_206] {strides = array<i32>} : memref<128xi32, #tpu.memory_space<vmem>>, vector<16xi32>,
        %swap3A_208 = vector.shape_cast %swap3A_207 : vector<16xi32> to vector<16xi32>
        %swap3A_209 = vector.shape_cast %get3A_205 : vector<16xi32> to vector<16xi32>
        tpu.vector_store %arg13[%swap3A_206], %swap3A_209 {strides = array<i32>} : memref<128xi32, #tpu.memory_space<vmem>>, vector<16xi32>,
        %add3A_210 = arith.constant 16 : i32
        %add3A_211 = arith.addi %sub3A_182, %add3A_210 : i32
        %get3A_212 = arith.index_cast %add3A_211 : i32 to index
        %get3A_213 = tpu.vector_load %arg22[%get3A_212] {strides = array<i32>} : memref<1536xi32, #tpu.memory_space<vmem>>, vector<16xi32>,
        %get3A_214 = vector.shape_cast %get3A_213 : vector<16xi32> to vector<16xi32>
        %swap3A_215 = arith.constant 16 : index
        %swap3A_216 = tpu.vector_load %arg15[%swap3A_215] {strides = array<i32>} : memref<128xi32, #tpu.memory_space<vmem>>, vector<16xi32>,
        %swap3A_217 = vector.shape_cast %swap3A_216 : vector<16xi32> to vector<16xi32>
        %swap3A_218 = vector.shape_cast %get3A_214 : vector<16xi32> to vector<16xi32>
        tpu.vector_store %arg15[%swap3A_215], %swap3A_218 {strides = array<i32>} : memref<128xi32, #tpu.memory_space<vmem>>, vector<16xi32>,
        %add3A_219 = arith.constant 32 : i32
        %add3A_220 = arith.addi %sub3A_182, %add3A_219 : i32
        %get3A_221 = arith.index_cast %add3A_220 : i32 to index
        %get3A_222 = tpu.vector_load %arg21[%get3A_221] {strides = array<i32>} : memref<1536xi32, #tpu.memory_space<vmem>>, vector<16xi32>,
        %get3A_223 = vector.shape_cast %get3A_222 : vector<16xi32> to vector<16xi32>
        %swap3A_224 = arith.constant 32 : index
        %swap3A_225 = tpu.vector_load %arg13[%swap3A_224] {strides = array<i32>} : memref<128xi32, #tpu.memory_space<vmem>>, vector<16xi32>,
        %swap3A_226 = vector.shape_cast %swap3A_225 : vector<16xi32> to vector<16xi32>
        %swap3A_227 = vector.shape_cast %get3A_223 : vector<16xi32> to vector<16xi32>
        tpu.vector_store %arg13[%swap3A_224], %swap3A_227 {strides = array<i32>} : memref<128xi32, #tpu.memory_space<vmem>>, vector<16xi32>,
        %add3A_228 = arith.constant 32 : i32
        %add3A_229 = arith.addi %sub3A_182, %add3A_228 : i32
        %get3A_230 = arith.index_cast %add3A_229 : i32 to index
        %get3A_231 = tpu.vector_load %arg22[%get3A_230] {strides = array<i32>} : memref<1536xi32, #tpu.memory_space<vmem>>, vector<16xi32>,
        %get3A_232 = vector.shape_cast %get3A_231 : vector<16xi32> to vector<16xi32>
        %swap3A_233 = arith.constant 32 : index
        %swap3A_234 = tpu.vector_load %arg15[%swap3A_233] {strides = array<i32>} : memref<128xi32, #tpu.memory_space<vmem>>, vector<16xi32>,
        %swap3A_235 = vector.shape_cast %swap3A_234 : vector<16xi32> to vector<16xi32>
        %swap3A_236 = vector.shape_cast %get3A_232 : vector<16xi32> to vector<16xi32>
        tpu.vector_store %arg15[%swap3A_233], %swap3A_236 {strides = array<i32>} : memref<128xi32, #tpu.memory_space<vmem>>, vector<16xi32>,
        %add3A_237 = arith.constant 48 : i32
        %add3A_238 = arith.addi %sub3A_182, %add3A_237 : i32
        %get3A_239 = arith.index_cast %add3A_238 : i32 to index
        %get3A_240 = tpu.vector_load %arg21[%get3A_239] {strides = array<i32>} : memref<1536xi32, #tpu.memory_space<vmem>>, vector<16xi32>,
        %get3A_241 = vector.shape_cast %get3A_240 : vector<16xi32> to vector<16xi32>
        %swap3A_242 = arith.constant 48 : index
        %swap3A_243 = tpu.vector_load %arg13[%swap3A_242] {strides = array<i32>} : memref<128xi32, #tpu.memory_space<vmem>>, vector<16xi32>,
        %swap3A_244 = vector.shape_cast %swap3A_243 : vector<16xi32> to vector<16xi32>
        %swap3A_245 = vector.shape_cast %get3A_241 : vector<16xi32> to vector<16xi32>
        tpu.vector_store %arg13[%swap3A_242], %swap3A_245 {strides = array<i32>} : memref<128xi32, #tpu.memory_space<vmem>>, vector<16xi32>,
        %add3A_246 = arith.constant 48 : i32
        %add3A_247 = arith.addi %sub3A_182, %add3A_246 : i32
        %get3A_248 = arith.index_cast %add3A_247 : i32 to index
        %get3A_249 = tpu.vector_load %arg22[%get3A_248] {strides = array<i32>} : memref<1536xi32, #tpu.memory_space<vmem>>, vector<16xi32>,
        %get3A_250 = vector.shape_cast %get3A_249 : vector<16xi32> to vector<16xi32>
        %swap3A_251 = arith.constant 48 : index
        %swap3A_252 = tpu.vector_load %arg15[%swap3A_251] {strides = array<i32>} : memref<128xi32, #tpu.memory_space<vmem>>, vector<16xi32>,
        %swap3A_253 = vector.shape_cast %swap3A_252 : vector<16xi32> to vector<16xi32>
        %swap3A_254 = vector.shape_cast %get3A_250 : vector<16xi32> to vector<16xi32>
        tpu.vector_store %arg15[%swap3A_251], %swap3A_254 {strides = array<i32>} : memref<128xi32, #tpu.memory_space<vmem>>, vector<16xi32>,
        %add3A_255 = arith.constant 64 : i32
        %add3A_256 = arith.addi %sub3A_182, %add3A_255 : i32
        %get3A_257 = arith.index_cast %add3A_256 : i32 to index
        %get3A_258 = tpu.vector_load %arg21[%get3A_257] {strides = array<i32>} : memref<1536xi32, #tpu.memory_space<vmem>>, vector<16xi32>,
        %get3A_259 = vector.shape_cast %get3A_258 : vector<16xi32> to vector<16xi32>
        %swap3A_260 = arith.constant 64 : index
        %swap3A_261 = tpu.vector_load %arg13[%swap3A_260] {strides = array<i32>} : memref<128xi32, #tpu.memory_space<vmem>>, vector<16xi32>,
        %swap3A_262 = vector.shape_cast %swap3A_261 : vector<16xi32> to vector<16xi32>
        %swap3A_263 = vector.shape_cast %get3A_259 : vector<16xi32> to vector<16xi32>
        tpu.vector_store %arg13[%swap3A_260], %swap3A_263 {strides = array<i32>} : memref<128xi32, #tpu.memory_space<vmem>>, vector<16xi32>,
        %add3A_264 = arith.constant 64 : i32
        %add3A_265 = arith.addi %sub3A_182, %add3A_264 : i32
        %get3A_266 = arith.index_cast %add3A_265 : i32 to index
        %get3A_267 = tpu.vector_load %arg22[%get3A_266] {strides = array<i32>} : memref<1536xi32, #tpu.memory_space<vmem>>, vector<16xi32>,
        %get3A_268 = vector.shape_cast %get3A_267 : vector<16xi32> to vector<16xi32>
        %swap3A_269 = arith.constant 64 : index
        %swap3A_270 = tpu.vector_load %arg15[%swap3A_269] {strides = array<i32>} : memref<128xi32, #tpu.memory_space<vmem>>, vector<16xi32>,
        %swap3A_271 = vector.shape_cast %swap3A_270 : vector<16xi32> to vector<16xi32>
        %swap3A_272 = vector.shape_cast %get3A_268 : vector<16xi32> to vector<16xi32>
        tpu.vector_store %arg15[%swap3A_269], %swap3A_272 {strides = array<i32>} : memref<128xi32, #tpu.memory_space<vmem>>, vector<16xi32>,
        %add3A_273 = arith.constant 80 : i32
        %add3A_274 = arith.addi %sub3A_182, %add3A_273 : i32
        %get3A_275 = arith.index_cast %add3A_274 : i32 to index
        %get3A_276 = tpu.vector_load %arg21[%get3A_275] {strides = array<i32>} : memref<1536xi32, #tpu.memory_space<vmem>>, vector<16xi32>,
        %get3A_277 = vector.shape_cast %get3A_276 : vector<16xi32> to vector<16xi32>
        %swap3A_278 = arith.constant 80 : index
        %swap3A_279 = tpu.vector_load %arg13[%swap3A_278] {strides = array<i32>} : memref<128xi32, #tpu.memory_space<vmem>>, vector<16xi32>,
        %swap3A_280 = vector.shape_cast %swap3A_279 : vector<16xi32> to vector<16xi32>
        %swap3A_281 = vector.shape_cast %get3A_277 : vector<16xi32> to vector<16xi32>
        tpu.vector_store %arg13[%swap3A_278], %swap3A_281 {strides = array<i32>} : memref<128xi32, #tpu.memory_space<vmem>>, vector<16xi32>,
        %add3A_282 = arith.constant 80 : i32
        %add3A_283 = arith.addi %sub3A_182, %add3A_282 : i32
        %get3A_284 = arith.index_cast %add3A_283 : i32 to index
        %get3A_285 = tpu.vector_load %arg22[%get3A_284] {strides = array<i32>} : memref<1536xi32, #tpu.memory_space<vmem>>, vector<16xi32>,
        %get3A_286 = vector.shape_cast %get3A_285 : vector<16xi32> to vector<16xi32>
        %swap3A_287 = arith.constant 80 : index
        %swap3A_288 = tpu.vector_load %arg15[%swap3A_287] {strides = array<i32>} : memref<128xi32, #tpu.memory_space<vmem>>, vector<16xi32>,
        %swap3A_289 = vector.shape_cast %swap3A_288 : vector<16xi32> to vector<16xi32>
        %swap3A_290 = vector.shape_cast %get3A_286 : vector<16xi32> to vector<16xi32>
        tpu.vector_store %arg15[%swap3A_287], %swap3A_290 {strides = array<i32>} : memref<128xi32, #tpu.memory_space<vmem>>, vector<16xi32>,
        %add3A_291 = arith.constant 96 : i32
        %add3A_292 = arith.addi %sub3A_182, %add3A_291 : i32
        %get3A_293 = arith.index_cast %add3A_292 : i32 to index
        %get3A_294 = tpu.vector_load %arg21[%get3A_293] {strides = array<i32>} : memref<1536xi32, #tpu.memory_space<vmem>>, vector<16xi32>,
        %get3A_295 = vector.shape_cast %get3A_294 : vector<16xi32> to vector<16xi32>
        %swap3A_296 = arith.constant 96 : index
        %swap3A_297 = tpu.vector_load %arg13[%swap3A_296] {strides = array<i32>} : memref<128xi32, #tpu.memory_space<vmem>>, vector<16xi32>,
        %swap3A_298 = vector.shape_cast %swap3A_297 : vector<16xi32> to vector<16xi32>
        %swap3A_299 = vector.shape_cast %get3A_295 : vector<16xi32> to vector<16xi32>
        tpu.vector_store %arg13[%swap3A_296], %swap3A_299 {strides = array<i32>} : memref<128xi32, #tpu.memory_space<vmem>>, vector<16xi32>,
        %add3A_300 = arith.constant 96 : i32
        %add3A_301 = arith.addi %sub3A_182, %add3A_300 : i32
        %get3A_302 = arith.index_cast %add3A_301 : i32 to index
        %get3A_303 = tpu.vector_load %arg22[%get3A_302] {strides = array<i32>} : memref<1536xi32, #tpu.memory_space<vmem>>, vector<16xi32>,
        %get3A_304 = vector.shape_cast %get3A_303 : vector<16xi32> to vector<16xi32>
        %swap3A_305 = arith.constant 96 : index
        %swap3A_306 = tpu.vector_load %arg15[%swap3A_305] {strides = array<i32>} : memref<128xi32, #tpu.memory_space<vmem>>, vector<16xi32>,
        %swap3A_307 = vector.shape_cast %swap3A_306 : vector<16xi32> to vector<16xi32>
        %swap3A_308 = vector.shape_cast %get3A_304 : vector<16xi32> to vector<16xi32>
        tpu.vector_store %arg15[%swap3A_305], %swap3A_308 {strides = array<i32>} : memref<128xi32, #tpu.memory_space<vmem>>, vector<16xi32>,
        %add3A_309 = arith.constant 112 : i32
        %add3A_310 = arith.addi %sub3A_182, %add3A_309 : i32
        %get3A_311 = arith.index_cast %add3A_310 : i32 to index
        %get3A_312 = tpu.vector_load %arg21[%get3A_311] {strides = array<i32>} : memref<1536xi32, #tpu.memory_space<vmem>>, vector<16xi32>,
        %get3A_313 = vector.shape_cast %get3A_312 : vector<16xi32> to vector<16xi32>
        %swap3A_314 = arith.constant 112 : index
        %swap3A_315 = tpu.vector_load %arg13[%swap3A_314] {strides = array<i32>} : memref<128xi32, #tpu.memory_space<vmem>>, vector<16xi32>,
        %swap3A_316 = vector.shape_cast %swap3A_315 : vector<16xi32> to vector<16xi32>
        %swap3A_317 = vector.shape_cast %get3A_313 : vector<16xi32> to vector<16xi32>
        tpu.vector_store %arg13[%swap3A_314], %swap3A_317 {strides = array<i32>} : memref<128xi32, #tpu.memory_space<vmem>>, vector<16xi32>,
        %add3A_318 = arith.constant 112 : i32
        %add3A_319 = arith.addi %sub3A_182, %add3A_318 : i32
        %get3A_320 = arith.index_cast %add3A_319 : i32 to index
        %get3A_321 = tpu.vector_load %arg22[%get3A_320] {strides = array<i32>} : memref<1536xi32, #tpu.memory_space<vmem>>, vector<16xi32>,
        %get3A_322 = vector.shape_cast %get3A_321 : vector<16xi32> to vector<16xi32>
        %swap3A_323 = arith.constant 112 : index
        %swap3A_324 = tpu.vector_load %arg15[%swap3A_323] {strides = array<i32>} : memref<128xi32, #tpu.memory_space<vmem>>, vector<16xi32>,
        %swap3A_325 = vector.shape_cast %swap3A_324 : vector<16xi32> to vector<16xi32>
        %swap3A_326 = vector.shape_cast %get3A_322 : vector<16xi32> to vector<16xi32>
        tpu.vector_store %arg15[%swap3A_323], %swap3A_326 {strides = array<i32>} : memref<128xi32, #tpu.memory_space<vmem>>, vector<16xi32>,
        %dma_start3A_327 = arith.constant 0 : i32
        %dma_start3A_328 = arith.constant 0 : i32
        %dma_start3A_329 = tpu.memref_slice %arg2[%dma_start3A_327, %dma_start3A_328] : memref<10000x128xf32, #tpu.memory_space<hbm>> -> memref<10000x128xf32, #tpu.memory_space<hbm>>
        tpu.enqueue_indirect_dma source(%dma_start3A_329 : memref<10000x128xf32, #tpu.memory_space<hbm>>) target(%arg19 : memref<128x128xf32, #tpu.memory_space<vmem>>) offsets(%arg13 : memref<128xi32, #tpu.memory_space<vmem>>) semaphore(%arg24 : memref<!tpu.dma_semaphore, #tpu.memory_space<semaphore_mem>>)
        %dma_wait3A_330 = arith.constant 0 : i32
        %dma_wait3A_331 = arith.constant 0 : i32
        %dma_wait3A_332 = tpu.memref_slice %arg2[%dma_wait3A_330, %dma_wait3A_331] : memref<10000x128xf32, #tpu.memory_space<hbm>> -> memref<10000x128xf32, #tpu.memory_space<hbm>>
        tpu.wait_indirect_dma semaphore(%arg23 : memref<!tpu.dma_semaphore, #tpu.memory_space<semaphore_mem>>) src(%dma_wait3A_332 : memref<10000x128xf32, #tpu.memory_space<hbm>>) dst(%arg18 : memref<128x128xf32, #tpu.memory_space<vmem>>)
        "tpu.region"() ({
          %run_scoped3A = tpu.sem_alloc : memref<!tpu.dma_semaphore, #tpu.memory_space<semaphore_mem>>
          %dma_start3A_365 = arith.constant 0 : i32
          %dma_start3A_366 = arith.constant 0 : i32
          %dma_start3A_367 = tpu.memref_slice %arg11[%dma_start3A_365, %dma_start3A_366] : memref<10000x128xf32, #tpu.memory_space<vmem_shared>> -> memref<10000x128xf32, #tpu.memory_space<vmem_shared>>
          tpu.enqueue_indirect_dma source(%arg18 : memref<128x128xf32, #tpu.memory_space<vmem>>) target(%dma_start3A_367 : memref<10000x128xf32, #tpu.memory_space<vmem_shared>>) offsets(%arg14 : memref<128xi32, #tpu.memory_space<vmem>>) semaphore(%run_scoped3A : memref<!tpu.dma_semaphore, #tpu.memory_space<semaphore_mem>>) {add = true}
          %dma_wait3A_368 = arith.constant 0 : i32
          %dma_wait3A_369 = arith.constant 0 : i32
          %dma_wait3A_370 = tpu.memref_slice %arg11[%dma_wait3A_368, %dma_wait3A_369] : memref<10000x128xf32, #tpu.memory_space<vmem_shared>> -> memref<10000x128xf32, #tpu.memory_space<vmem_shared>>
          tpu.wait_indirect_dma semaphore(%run_scoped3A : memref<!tpu.dma_semaphore, #tpu.memory_space<semaphore_mem>>) src(%arg18 : memref<128x128xf32, #tpu.memory_space<vmem>>) dst(%dma_wait3A_370 : memref<10000x128xf32, #tpu.memory_space<vmem_shared>>)
          tpu.yield
        }) : () -> ()
        %jit3A_333 = arith.constant 6 : i32
        %eq3A_334 = arith.constant 0 : i32
        %eq3A_335 = arith.cmpi eq, %jit3A_333, %eq3A_334 : i32
        %jit3A_336 = arith.constant 1 : i32
        %select_n3A_337 = arith.select %eq3A_335, %jit3A_336, %jit3A_333 : i32
        %rem3A_338 = arith.remsi %scan3A_157, %select_n3A_337 : i32
        %ne3A_339 = arith.constant 0 : i32
        %ne3A_340 = arith.cmpi ne, %rem3A_338, %ne3A_339 : i32
        %lt3A_341 = arith.constant 0 : i32
        %lt3A_342 = arith.cmpi slt, %rem3A_338, %lt3A_341 : i32
        %lt3A_343 = arith.constant 0 : i32
        %lt3A_344 = arith.cmpi slt, %select_n3A_337, %lt3A_343 : i32
        %ne3A_345 = arith.xori %lt3A_342, %lt3A_344 : i1
        %and3A_346 = arith.andi %ne3A_345, %ne3A_340 : i1
        %add3A_347 = arith.addi %rem3A_338, %select_n3A_337 : i32
        %select_n3A_348 = arith.select %and3A_346, %add3A_347, %rem3A_338 : i32
        %eq3A_349 = arith.constant 5 : i32
        %eq3A_350 = arith.cmpi eq, %select_n3A_348, %eq3A_349 : i32
        %lt3A_351 = arith.constant 77 : i32
        %lt3A_352 = arith.cmpi slt, %scan3A_157, %lt3A_351 : i32
        %and3A_353 = arith.andi %eq3A_350, %lt3A_352 : i1
        %convert_element_type3A_354 = arith.extui %and3A_353 : i1 to i32
        %cond3A_355 = arith.constant 0 : i32
        %cond3A_356 = arith.cmpi ne, %convert_element_type3A_354, %cond3A_355 : i32
        scf.if %cond3A_356 {
          %jit3A_365 = arith.constant 6 : i32
          %div3A_366 = arith.divsi %scan3A_157, %jit3A_365 : i32
          %sign3A_367 = arith.constant 0 : i32
          %sign3A_368 = arith.cmpi sgt, %scan3A_157, %sign3A_367 : i32
          %sign3A_369 = arith.extui %sign3A_368 : i1 to i32
          %sign3A_370 = arith.constant 0 : i32
          %sign3A_371 = arith.cmpi slt, %scan3A_157, %sign3A_370 : i32
          %sign3A_372 = arith.extui %sign3A_371 : i1 to i32
          %sign3A_373 = arith.subi %sign3A_369, %sign3A_372 : i32
          %sign3A_374 = arith.constant 0 : i32
          %sign3A_375 = arith.cmpi sgt, %jit3A_365, %sign3A_374 : i32
          %sign3A_376 = arith.extui %sign3A_375 : i1 to i32
          %sign3A_377 = arith.constant 0 : i32
          %sign3A_378 = arith.cmpi slt, %jit3A_365, %sign3A_377 : i32
          %sign3A_379 = arith.extui %sign3A_378 : i1 to i32
          %sign3A_380 = arith.subi %sign3A_376, %sign3A_379 : i32
          %ne3A_381 = arith.cmpi ne, %sign3A_373, %sign3A_380 : i32
          %rem3A_382 = arith.remsi %scan3A_157, %jit3A_365 : i32
          %ne3A_383 = arith.constant 0 : i32
          %ne3A_384 = arith.cmpi ne, %rem3A_382, %ne3A_383 : i32
          %and3A_385 = arith.andi %ne3A_381, %ne3A_384 : i1
          %sub3A_386 = arith.constant 1 : i32
          %sub3A_387 = arith.subi %div3A_366, %sub3A_386 : i32
          %select_n3A_388 = arith.select %and3A_385, %sub3A_387, %div3A_366 : i32
          %add3A_389 = arith.constant 1 : i32
          %add3A_390 = arith.addi %select_n3A_388, %add3A_389 : i32
          %mul3A_391 = arith.constant 1536 : i32
          %mul3A_392 = arith.muli %add3A_390, %mul3A_391 : i32
          %add3A_393 = arith.addi %mul3A_6, %mul3A_392 : i32
          "tpu.region"() ({
            %run_scoped3A = tpu.sem_alloc : memref<!tpu.dma_semaphore, #tpu.memory_space<semaphore_mem>>
            %dma_start3A_397 = tpu.memref_slice %arg4[%add3A_393] : memref<320000xi32, #tpu.memory_space<hbm>> -> memref<1536xi32, #tpu.memory_space<hbm>>
            %dma_start3A_398 = tpu.memref_slice %arg4[%add3A_393] : memref<320000xi32, #tpu.memory_space<hbm>> -> memref<1536xi32, #tpu.memory_space<hbm>>
            tpu.enqueue_dma source(%dma_start3A_398 : memref<1536xi32, #tpu.memory_space<hbm>>) target(%arg21 : memref<1536xi32, #tpu.memory_space<vmem>>) target_semaphore(%run_scoped3A : memref<!tpu.dma_semaphore, #tpu.memory_space<semaphore_mem>>)
            %dma_wait3A_399 = tpu.memref_slice %arg4[%add3A_393] : memref<320000xi32, #tpu.memory_space<hbm>> -> memref<1536xi32, #tpu.memory_space<hbm>>
            %dma_wait3A_400 = tpu.memref_slice %arg4[%add3A_393] : memref<320000xi32, #tpu.memory_space<hbm>> -> memref<1536xi32, #tpu.memory_space<hbm>>
            tpu.wait_dma2 semaphore(%run_scoped3A : memref<!tpu.dma_semaphore, #tpu.memory_space<semaphore_mem>>) src(%dma_wait3A_400 : memref<1536xi32, #tpu.memory_space<hbm>>) dst(%arg21 : memref<1536xi32, #tpu.memory_space<vmem>>)
            tpu.yield
          }) : () -> ()
          %mul3A_394 = arith.constant 1536 : i32
          %mul3A_395 = arith.muli %add3A_390, %mul3A_394 : i32
          %add3A_396 = arith.addi %mul3A_6, %mul3A_395 : i32
          "tpu.region"() ({
            %run_scoped3A = tpu.sem_alloc : memref<!tpu.dma_semaphore, #tpu.memory_space<semaphore_mem>>
            %dma_start3A_397 = tpu.memref_slice %arg5[%add3A_396] : memref<320000xi32, #tpu.memory_space<hbm>> -> memref<1536xi32, #tpu.memory_space<hbm>>
            %dma_start3A_398 = tpu.memref_slice %arg5[%add3A_396] : memref<320000xi32, #tpu.memory_space<hbm>> -> memref<1536xi32, #tpu.memory_space<hbm>>
            tpu.enqueue_dma source(%dma_start3A_398 : memref<1536xi32, #tpu.memory_space<hbm>>) target(%arg22 : memref<1536xi32, #tpu.memory_space<vmem>>) target_semaphore(%run_scoped3A : memref<!tpu.dma_semaphore, #tpu.memory_space<semaphore_mem>>)
            %dma_wait3A_399 = tpu.memref_slice %arg5[%add3A_396] : memref<320000xi32, #tpu.memory_space<hbm>> -> memref<1536xi32, #tpu.memory_space<hbm>>
            %dma_wait3A_400 = tpu.memref_slice %arg5[%add3A_396] : memref<320000xi32, #tpu.memory_space<hbm>> -> memref<1536xi32, #tpu.memory_space<hbm>>
            tpu.wait_dma2 semaphore(%run_scoped3A : memref<!tpu.dma_semaphore, #tpu.memory_space<semaphore_mem>>) src(%dma_wait3A_400 : memref<1536xi32, #tpu.memory_space<hbm>>) dst(%arg22 : memref<1536xi32, #tpu.memory_space<vmem>>)
            tpu.yield
          }) : () -> ()
        } else {
        }
        %lt3A_357 = arith.constant 77 : i32
        %lt3A_358 = arith.cmpi slt, %scan3A_157, %lt3A_357 : i32
        %convert_element_type3A_359 = arith.extui %lt3A_358 : i1 to i32
        %cond3A_360 = arith.constant 0 : i32
        %cond3A_361 = arith.cmpi ne, %convert_element_type3A_359, %cond3A_360 : i32
        scf.if %cond3A_361 {
          %mul3A_365 = arith.constant 2 : i32
          %mul3A_366 = arith.muli %mul3A_365, %scan3A_157 : i32
          %add3A_367 = arith.constant 2 : i32
          %add3A_368 = arith.addi %mul3A_366, %add3A_367 : i32
          %mul3A_369 = arith.constant 128 : i32
          %mul3A_370 = arith.muli %add3A_368, %mul3A_369 : i32
          %mul3A_371 = arith.constant 2 : i32
          %mul3A_372 = arith.muli %mul3A_371, %scan3A_157 : i32
          %add3A_373 = arith.constant 2 : i32
          %add3A_374 = arith.addi %mul3A_372, %add3A_373 : i32
          %jit3A_375 = arith.constant 12 : i32
          %div3A_376 = arith.divsi %add3A_374, %jit3A_375 : i32
          %sign3A_377 = arith.constant 0 : i32
          %sign3A_378 = arith.cmpi sgt, %add3A_374, %sign3A_377 : i32
          %sign3A_379 = arith.extui %sign3A_378 : i1 to i32
          %sign3A_380 = arith.constant 0 : i32
          %sign3A_381 = arith.cmpi slt, %add3A_374, %sign3A_380 : i32
          %sign3A_382 = arith.extui %sign3A_381 : i1 to i32
          %sign3A_383 = arith.subi %sign3A_379, %sign3A_382 : i32
          %sign3A_384 = arith.constant 0 : i32
          %sign3A_385 = arith.cmpi sgt, %jit3A_375, %sign3A_384 : i32
          %sign3A_386 = arith.extui %sign3A_385 : i1 to i32
          %sign3A_387 = arith.constant 0 : i32
          %sign3A_388 = arith.cmpi slt, %jit3A_375, %sign3A_387 : i32
          %sign3A_389 = arith.extui %sign3A_388 : i1 to i32
          %sign3A_390 = arith.subi %sign3A_386, %sign3A_389 : i32
          %ne3A_391 = arith.cmpi ne, %sign3A_383, %sign3A_390 : i32
          %rem3A_392 = arith.remsi %add3A_374, %jit3A_375 : i32
          %ne3A_393 = arith.constant 0 : i32
          %ne3A_394 = arith.cmpi ne, %rem3A_392, %ne3A_393 : i32
          %and3A_395 = arith.andi %ne3A_391, %ne3A_394 : i1
          %sub3A_396 = arith.constant 1 : i32
          %sub3A_397 = arith.subi %div3A_376, %sub3A_396 : i32
          %select_n3A_398 = arith.select %and3A_395, %sub3A_397, %div3A_376 : i32
          %mul3A_399 = arith.constant 1536 : i32
          %mul3A_400 = arith.muli %select_n3A_398, %mul3A_399 : i32
          %sub3A_401 = arith.subi %mul3A_370, %mul3A_400 : i32
          %add3A_402 = arith.constant 0 : i32
          %add3A_403 = arith.addi %sub3A_401, %add3A_402 : i32
          %get3A_404 = arith.index_cast %add3A_403 : i32 to index
          %get3A_405 = tpu.vector_load %arg21[%get3A_404] {strides = array<i32>} : memref<1536xi32, #tpu.memory_space<vmem>>, vector<16xi32>,
          %get3A_406 = vector.shape_cast %get3A_405 : vector<16xi32> to vector<16xi32>
          %swap3A_407 = arith.constant 0 : index
          %swap3A_408 = tpu.vector_load %arg12[%swap3A_407] {strides = array<i32>} : memref<128xi32, #tpu.memory_space<vmem>>, vector<16xi32>,
          %swap3A_409 = vector.shape_cast %swap3A_408 : vector<16xi32> to vector<16xi32>
          %swap3A_410 = vector.shape_cast %get3A_406 : vector<16xi32> to vector<16xi32>
          tpu.vector_store %arg12[%swap3A_407], %swap3A_410 {strides = array<i32>} : memref<128xi32, #tpu.memory_space<vmem>>, vector<16xi32>,
          %add3A_411 = arith.constant 0 : i32
          %add3A_412 = arith.addi %sub3A_401, %add3A_411 : i32
          %get3A_413 = arith.index_cast %add3A_412 : i32 to index
          %get3A_414 = tpu.vector_load %arg22[%get3A_413] {strides = array<i32>} : memref<1536xi32, #tpu.memory_space<vmem>>, vector<16xi32>,
          %get3A_415 = vector.shape_cast %get3A_414 : vector<16xi32> to vector<16xi32>
          %swap3A_416 = arith.constant 0 : index
          %swap3A_417 = tpu.vector_load %arg14[%swap3A_416] {strides = array<i32>} : memref<128xi32, #tpu.memory_space<vmem>>, vector<16xi32>,
          %swap3A_418 = vector.shape_cast %swap3A_417 : vector<16xi32> to vector<16xi32>
          %swap3A_419 = vector.shape_cast %get3A_415 : vector<16xi32> to vector<16xi32>
          tpu.vector_store %arg14[%swap3A_416], %swap3A_419 {strides = array<i32>} : memref<128xi32, #tpu.memory_space<vmem>>, vector<16xi32>,
          %add3A_420 = arith.constant 16 : i32
          %add3A_421 = arith.addi %sub3A_401, %add3A_420 : i32
          %get3A_422 = arith.index_cast %add3A_421 : i32 to index
          %get3A_423 = tpu.vector_load %arg21[%get3A_422] {strides = array<i32>} : memref<1536xi32, #tpu.memory_space<vmem>>, vector<16xi32>,
          %get3A_424 = vector.shape_cast %get3A_423 : vector<16xi32> to vector<16xi32>
          %swap3A_425 = arith.constant 16 : index
          %swap3A_426 = tpu.vector_load %arg12[%swap3A_425] {strides = array<i32>} : memref<128xi32, #tpu.memory_space<vmem>>, vector<16xi32>,
          %swap3A_427 = vector.shape_cast %swap3A_426 : vector<16xi32> to vector<16xi32>
          %swap3A_428 = vector.shape_cast %get3A_424 : vector<16xi32> to vector<16xi32>
          tpu.vector_store %arg12[%swap3A_425], %swap3A_428 {strides = array<i32>} : memref<128xi32, #tpu.memory_space<vmem>>, vector<16xi32>,
          %add3A_429 = arith.constant 16 : i32
          %add3A_430 = arith.addi %sub3A_401, %add3A_429 : i32
          %get3A_431 = arith.index_cast %add3A_430 : i32 to index
          %get3A_432 = tpu.vector_load %arg22[%get3A_431] {strides = array<i32>} : memref<1536xi32, #tpu.memory_space<vmem>>, vector<16xi32>,
          %get3A_433 = vector.shape_cast %get3A_432 : vector<16xi32> to vector<16xi32>
          %swap3A_434 = arith.constant 16 : index
          %swap3A_435 = tpu.vector_load %arg14[%swap3A_434] {strides = array<i32>} : memref<128xi32, #tpu.memory_space<vmem>>, vector<16xi32>,
          %swap3A_436 = vector.shape_cast %swap3A_435 : vector<16xi32> to vector<16xi32>
          %swap3A_437 = vector.shape_cast %get3A_433 : vector<16xi32> to vector<16xi32>
          tpu.vector_store %arg14[%swap3A_434], %swap3A_437 {strides = array<i32>} : memref<128xi32, #tpu.memory_space<vmem>>, vector<16xi32>,
          %add3A_438 = arith.constant 32 : i32
          %add3A_439 = arith.addi %sub3A_401, %add3A_438 : i32
          %get3A_440 = arith.index_cast %add3A_439 : i32 to index
          %get3A_441 = tpu.vector_load %arg21[%get3A_440] {strides = array<i32>} : memref<1536xi32, #tpu.memory_space<vmem>>, vector<16xi32>,
          %get3A_442 = vector.shape_cast %get3A_441 : vector<16xi32> to vector<16xi32>
          %swap3A_443 = arith.constant 32 : index
          %swap3A_444 = tpu.vector_load %arg12[%swap3A_443] {strides = array<i32>} : memref<128xi32, #tpu.memory_space<vmem>>, vector<16xi32>,
          %swap3A_445 = vector.shape_cast %swap3A_444 : vector<16xi32> to vector<16xi32>
          %swap3A_446 = vector.shape_cast %get3A_442 : vector<16xi32> to vector<16xi32>
          tpu.vector_store %arg12[%swap3A_443], %swap3A_446 {strides = array<i32>} : memref<128xi32, #tpu.memory_space<vmem>>, vector<16xi32>,
          %add3A_447 = arith.constant 32 : i32
          %add3A_448 = arith.addi %sub3A_401, %add3A_447 : i32
          %get3A_449 = arith.index_cast %add3A_448 : i32 to index
          %get3A_450 = tpu.vector_load %arg22[%get3A_449] {strides = array<i32>} : memref<1536xi32, #tpu.memory_space<vmem>>, vector<16xi32>,
          %get3A_451 = vector.shape_cast %get3A_450 : vector<16xi32> to vector<16xi32>
          %swap3A_452 = arith.constant 32 : index
          %swap3A_453 = tpu.vector_load %arg14[%swap3A_452] {strides = array<i32>} : memref<128xi32, #tpu.memory_space<vmem>>, vector<16xi32>,
          %swap3A_454 = vector.shape_cast %swap3A_453 : vector<16xi32> to vector<16xi32>
          %swap3A_455 = vector.shape_cast %get3A_451 : vector<16xi32> to vector<16xi32>
          tpu.vector_store %arg14[%swap3A_452], %swap3A_455 {strides = array<i32>} : memref<128xi32, #tpu.memory_space<vmem>>, vector<16xi32>,
          %add3A_456 = arith.constant 48 : i32
          %add3A_457 = arith.addi %sub3A_401, %add3A_456 : i32
          %get3A_458 = arith.index_cast %add3A_457 : i32 to index
          %get3A_459 = tpu.vector_load %arg21[%get3A_458] {strides = array<i32>} : memref<1536xi32, #tpu.memory_space<vmem>>, vector<16xi32>,
          %get3A_460 = vector.shape_cast %get3A_459 : vector<16xi32> to vector<16xi32>
          %swap3A_461 = arith.constant 48 : index
          %swap3A_462 = tpu.vector_load %arg12[%swap3A_461] {strides = array<i32>} : memref<128xi32, #tpu.memory_space<vmem>>, vector<16xi32>,
          %swap3A_463 = vector.shape_cast %swap3A_462 : vector<16xi32> to vector<16xi32>
          %swap3A_464 = vector.shape_cast %get3A_460 : vector<16xi32> to vector<16xi32>
          tpu.vector_store %arg12[%swap3A_461], %swap3A_464 {strides = array<i32>} : memref<128xi32, #tpu.memory_space<vmem>>, vector<16xi32>,
          %add3A_465 = arith.constant 48 : i32
          %add3A_466 = arith.addi %sub3A_401, %add3A_465 : i32
          %get3A_467 = arith.index_cast %add3A_466 : i32 to index
          %get3A_468 = tpu.vector_load %arg22[%get3A_467] {strides = array<i32>} : memref<1536xi32, #tpu.memory_space<vmem>>, vector<16xi32>,
          %get3A_469 = vector.shape_cast %get3A_468 : vector<16xi32> to vector<16xi32>
          %swap3A_470 = arith.constant 48 : index
          %swap3A_471 = tpu.vector_load %arg14[%swap3A_470] {strides = array<i32>} : memref<128xi32, #tpu.memory_space<vmem>>, vector<16xi32>,
          %swap3A_472 = vector.shape_cast %swap3A_471 : vector<16xi32> to vector<16xi32>
          %swap3A_473 = vector.shape_cast %get3A_469 : vector<16xi32> to vector<16xi32>
          tpu.vector_store %arg14[%swap3A_470], %swap3A_473 {strides = array<i32>} : memref<128xi32, #tpu.memory_space<vmem>>, vector<16xi32>,
          %add3A_474 = arith.constant 64 : i32
          %add3A_475 = arith.addi %sub3A_401, %add3A_474 : i32
          %get3A_476 = arith.index_cast %add3A_475 : i32 to index
          %get3A_477 = tpu.vector_load %arg21[%get3A_476] {strides = array<i32>} : memref<1536xi32, #tpu.memory_space<vmem>>, vector<16xi32>,
          %get3A_478 = vector.shape_cast %get3A_477 : vector<16xi32> to vector<16xi32>
          %swap3A_479 = arith.constant 64 : index
          %swap3A_480 = tpu.vector_load %arg12[%swap3A_479] {strides = array<i32>} : memref<128xi32, #tpu.memory_space<vmem>>, vector<16xi32>,
          %swap3A_481 = vector.shape_cast %swap3A_480 : vector<16xi32> to vector<16xi32>
          %swap3A_482 = vector.shape_cast %get3A_478 : vector<16xi32> to vector<16xi32>
          tpu.vector_store %arg12[%swap3A_479], %swap3A_482 {strides = array<i32>} : memref<128xi32, #tpu.memory_space<vmem>>, vector<16xi32>,
          %add3A_483 = arith.constant 64 : i32
          %add3A_484 = arith.addi %sub3A_401, %add3A_483 : i32
          %get3A_485 = arith.index_cast %add3A_484 : i32 to index
          %get3A_486 = tpu.vector_load %arg22[%get3A_485] {strides = array<i32>} : memref<1536xi32, #tpu.memory_space<vmem>>, vector<16xi32>,
          %get3A_487 = vector.shape_cast %get3A_486 : vector<16xi32> to vector<16xi32>
          %swap3A_488 = arith.constant 64 : index
          %swap3A_489 = tpu.vector_load %arg14[%swap3A_488] {strides = array<i32>} : memref<128xi32, #tpu.memory_space<vmem>>, vector<16xi32>,
          %swap3A_490 = vector.shape_cast %swap3A_489 : vector<16xi32> to vector<16xi32>
          %swap3A_491 = vector.shape_cast %get3A_487 : vector<16xi32> to vector<16xi32>
          tpu.vector_store %arg14[%swap3A_488], %swap3A_491 {strides = array<i32>} : memref<128xi32, #tpu.memory_space<vmem>>, vector<16xi32>,
          %add3A_492 = arith.constant 80 : i32
          %add3A_493 = arith.addi %sub3A_401, %add3A_492 : i32
          %get3A_494 = arith.index_cast %add3A_493 : i32 to index
          %get3A_495 = tpu.vector_load %arg21[%get3A_494] {strides = array<i32>} : memref<1536xi32, #tpu.memory_space<vmem>>, vector<16xi32>,
          %get3A_496 = vector.shape_cast %get3A_495 : vector<16xi32> to vector<16xi32>
          %swap3A_497 = arith.constant 80 : index
          %swap3A_498 = tpu.vector_load %arg12[%swap3A_497] {strides = array<i32>} : memref<128xi32, #tpu.memory_space<vmem>>, vector<16xi32>,
          %swap3A_499 = vector.shape_cast %swap3A_498 : vector<16xi32> to vector<16xi32>
          %swap3A_500 = vector.shape_cast %get3A_496 : vector<16xi32> to vector<16xi32>
          tpu.vector_store %arg12[%swap3A_497], %swap3A_500 {strides = array<i32>} : memref<128xi32, #tpu.memory_space<vmem>>, vector<16xi32>,
          %add3A_501 = arith.constant 80 : i32
          %add3A_502 = arith.addi %sub3A_401, %add3A_501 : i32
          %get3A_503 = arith.index_cast %add3A_502 : i32 to index
          %get3A_504 = tpu.vector_load %arg22[%get3A_503] {strides = array<i32>} : memref<1536xi32, #tpu.memory_space<vmem>>, vector<16xi32>,
          %get3A_505 = vector.shape_cast %get3A_504 : vector<16xi32> to vector<16xi32>
          %swap3A_506 = arith.constant 80 : index
          %swap3A_507 = tpu.vector_load %arg14[%swap3A_506] {strides = array<i32>} : memref<128xi32, #tpu.memory_space<vmem>>, vector<16xi32>,
          %swap3A_508 = vector.shape_cast %swap3A_507 : vector<16xi32> to vector<16xi32>
          %swap3A_509 = vector.shape_cast %get3A_505 : vector<16xi32> to vector<16xi32>
          tpu.vector_store %arg14[%swap3A_506], %swap3A_509 {strides = array<i32>} : memref<128xi32, #tpu.memory_space<vmem>>, vector<16xi32>,
          %add3A_510 = arith.constant 96 : i32
          %add3A_511 = arith.addi %sub3A_401, %add3A_510 : i32
          %get3A_512 = arith.index_cast %add3A_511 : i32 to index
          %get3A_513 = tpu.vector_load %arg21[%get3A_512] {strides = array<i32>} : memref<1536xi32, #tpu.memory_space<vmem>>, vector<16xi32>,
          %get3A_514 = vector.shape_cast %get3A_513 : vector<16xi32> to vector<16xi32>
          %swap3A_515 = arith.constant 96 : index
          %swap3A_516 = tpu.vector_load %arg12[%swap3A_515] {strides = array<i32>} : memref<128xi32, #tpu.memory_space<vmem>>, vector<16xi32>,
          %swap3A_517 = vector.shape_cast %swap3A_516 : vector<16xi32> to vector<16xi32>
          %swap3A_518 = vector.shape_cast %get3A_514 : vector<16xi32> to vector<16xi32>
          tpu.vector_store %arg12[%swap3A_515], %swap3A_518 {strides = array<i32>} : memref<128xi32, #tpu.memory_space<vmem>>, vector<16xi32>,
          %add3A_519 = arith.constant 96 : i32
          %add3A_520 = arith.addi %sub3A_401, %add3A_519 : i32
          %get3A_521 = arith.index_cast %add3A_520 : i32 to index
          %get3A_522 = tpu.vector_load %arg22[%get3A_521] {strides = array<i32>} : memref<1536xi32, #tpu.memory_space<vmem>>, vector<16xi32>,
          %get3A_523 = vector.shape_cast %get3A_522 : vector<16xi32> to vector<16xi32>
          %swap3A_524 = arith.constant 96 : index
          %swap3A_525 = tpu.vector_load %arg14[%swap3A_524] {strides = array<i32>} : memref<128xi32, #tpu.memory_space<vmem>>, vector<16xi32>,
          %swap3A_526 = vector.shape_cast %swap3A_525 : vector<16xi32> to vector<16xi32>
          %swap3A_527 = vector.shape_cast %get3A_523 : vector<16xi32> to vector<16xi32>
          tpu.vector_store %arg14[%swap3A_524], %swap3A_527 {strides = array<i32>} : memref<128xi32, #tpu.memory_space<vmem>>, vector<16xi32>,
          %add3A_528 = arith.constant 112 : i32
          %add3A_529 = arith.addi %sub3A_401, %add3A_528 : i32
          %get3A_530 = arith.index_cast %add3A_529 : i32 to index
          %get3A_531 = tpu.vector_load %arg21[%get3A_530] {strides = array<i32>} : memref<1536xi32, #tpu.memory_space<vmem>>, vector<16xi32>,
          %get3A_532 = vector.shape_cast %get3A_531 : vector<16xi32> to vector<16xi32>
          %swap3A_533 = arith.constant 112 : index
          %swap3A_534 = tpu.vector_load %arg12[%swap3A_533] {strides = array<i32>} : memref<128xi32, #tpu.memory_space<vmem>>, vector<16xi32>,
          %swap3A_535 = vector.shape_cast %swap3A_534 : vector<16xi32> to vector<16xi32>
          %swap3A_536 = vector.shape_cast %get3A_532 : vector<16xi32> to vector<16xi32>
          tpu.vector_store %arg12[%swap3A_533], %swap3A_536 {strides = array<i32>} : memref<128xi32, #tpu.memory_space<vmem>>, vector<16xi32>,
          %add3A_537 = arith.constant 112 : i32
          %add3A_538 = arith.addi %sub3A_401, %add3A_537 : i32
          %get3A_539 = arith.index_cast %add3A_538 : i32 to index
          %get3A_540 = tpu.vector_load %arg22[%get3A_539] {strides = array<i32>} : memref<1536xi32, #tpu.memory_space<vmem>>, vector<16xi32>,
          %get3A_541 = vector.shape_cast %get3A_540 : vector<16xi32> to vector<16xi32>
          %swap3A_542 = arith.constant 112 : index
          %swap3A_543 = tpu.vector_load %arg14[%swap3A_542] {strides = array<i32>} : memref<128xi32, #tpu.memory_space<vmem>>, vector<16xi32>,
          %swap3A_544 = vector.shape_cast %swap3A_543 : vector<16xi32> to vector<16xi32>
          %swap3A_545 = vector.shape_cast %get3A_541 : vector<16xi32> to vector<16xi32>
          tpu.vector_store %arg14[%swap3A_542], %swap3A_545 {strides = array<i32>} : memref<128xi32, #tpu.memory_space<vmem>>, vector<16xi32>,
          %dma_start3A_546 = arith.constant 0 : i32
          %dma_start3A_547 = arith.constant 0 : i32
          %dma_start3A_548 = tpu.memref_slice %arg2[%dma_start3A_546, %dma_start3A_547] : memref<10000x128xf32, #tpu.memory_space<hbm>> -> memref<10000x128xf32, #tpu.memory_space<hbm>>
          tpu.enqueue_indirect_dma source(%dma_start3A_548 : memref<10000x128xf32, #tpu.memory_space<hbm>>) target(%arg18 : memref<128x128xf32, #tpu.memory_space<vmem>>) offsets(%arg12 : memref<128xi32, #tpu.memory_space<vmem>>) semaphore(%arg23 : memref<!tpu.dma_semaphore, #tpu.memory_space<semaphore_mem>>)
        } else {
        }
        %dma_wait3A_362 = arith.constant 0 : i32
        %dma_wait3A_363 = arith.constant 0 : i32
        %dma_wait3A_364 = tpu.memref_slice %arg2[%dma_wait3A_362, %dma_wait3A_363] : memref<10000x128xf32, #tpu.memory_space<hbm>> -> memref<10000x128xf32, #tpu.memory_space<hbm>>
        tpu.wait_indirect_dma semaphore(%arg24 : memref<!tpu.dma_semaphore, #tpu.memory_space<semaphore_mem>>) src(%dma_wait3A_364 : memref<10000x128xf32, #tpu.memory_space<hbm>>) dst(%arg19 : memref<128x128xf32, #tpu.memory_space<vmem>>)
        "tpu.region"() ({
          %run_scoped3A = tpu.sem_alloc : memref<!tpu.dma_semaphore, #tpu.memory_space<semaphore_mem>>
          %dma_start3A_365 = arith.constant 0 : i32
          %dma_start3A_366 = arith.constant 0 : i32
          %dma_start3A_367 = tpu.memref_slice %arg11[%dma_start3A_365, %dma_start3A_366] : memref<10000x128xf32, #tpu.memory_space<vmem_shared>> -> memref<10000x128xf32, #tpu.memory_space<vmem_shared>>
          tpu.enqueue_indirect_dma source(%arg19 : memref<128x128xf32, #tpu.memory_space<vmem>>) target(%dma_start3A_367 : memref<10000x128xf32, #tpu.memory_space<vmem_shared>>) offsets(%arg15 : memref<128xi32, #tpu.memory_space<vmem>>) semaphore(%run_scoped3A : memref<!tpu.dma_semaphore, #tpu.memory_space<semaphore_mem>>) {add = true}
          %dma_wait3A_368 = arith.constant 0 : i32
          %dma_wait3A_369 = arith.constant 0 : i32
          %dma_wait3A_370 = tpu.memref_slice %arg11[%dma_wait3A_368, %dma_wait3A_369] : memref<10000x128xf32, #tpu.memory_space<vmem_shared>> -> memref<10000x128xf32, #tpu.memory_space<vmem_shared>>
          tpu.wait_indirect_dma semaphore(%run_scoped3A : memref<!tpu.dma_semaphore, #tpu.memory_space<semaphore_mem>>) src(%arg19 : memref<128x128xf32, #tpu.memory_space<vmem>>) dst(%dma_wait3A_370 : memref<10000x128xf32, #tpu.memory_space<vmem_shared>>)
          tpu.yield
        }) : () -> ()
      }
      %scan3A_147 = arith.constant 78 : i32
      %add3A_148 = arith.constant 19968 : i32
      %add3A_149 = arith.addi %mul3A_6, %add3A_148 : i32
      "tpu.region"() ({
        %run_scoped3A = tpu.sem_alloc : memref<!tpu.dma_semaphore, #tpu.memory_space<semaphore_mem>>
        %dma_start3A_157 = tpu.memref_slice %arg4[%add3A_149] : memref<320000xi32, #tpu.memory_space<hbm>> -> memref<32xi32, #tpu.memory_space<hbm>>
        %dma_start3A_158 = tpu.memref_slice %arg4[%add3A_149] : memref<320000xi32, #tpu.memory_space<hbm>> -> memref<32xi32, #tpu.memory_space<hbm>>
        tpu.enqueue_dma source(%dma_start3A_158 : memref<32xi32, #tpu.memory_space<hbm>>) target(%arg16 : memref<32xi32, #tpu.memory_space<vmem>>) target_semaphore(%run_scoped3A : memref<!tpu.dma_semaphore, #tpu.memory_space<semaphore_mem>>)
        %dma_wait3A_159 = tpu.memref_slice %arg4[%add3A_149] : memref<320000xi32, #tpu.memory_space<hbm>> -> memref<32xi32, #tpu.memory_space<hbm>>
        %dma_wait3A_160 = tpu.memref_slice %arg4[%add3A_149] : memref<320000xi32, #tpu.memory_space<hbm>> -> memref<32xi32, #tpu.memory_space<hbm>>
        tpu.wait_dma2 semaphore(%run_scoped3A : memref<!tpu.dma_semaphore, #tpu.memory_space<semaphore_mem>>) src(%dma_wait3A_160 : memref<32xi32, #tpu.memory_space<hbm>>) dst(%arg16 : memref<32xi32, #tpu.memory_space<vmem>>)
        tpu.yield
      }) : () -> ()
      %add3A_150 = arith.constant 19968 : i32
      %add3A_151 = arith.addi %mul3A_6, %add3A_150 : i32
      "tpu.region"() ({
        %run_scoped3A = tpu.sem_alloc : memref<!tpu.dma_semaphore, #tpu.memory_space<semaphore_mem>>
        %dma_start3A_157 = tpu.memref_slice %arg5[%add3A_151] : memref<320000xi32, #tpu.memory_space<hbm>> -> memref<32xi32, #tpu.memory_space<hbm>>
        %dma_start3A_158 = tpu.memref_slice %arg5[%add3A_151] : memref<320000xi32, #tpu.memory_space<hbm>> -> memref<32xi32, #tpu.memory_space<hbm>>
        tpu.enqueue_dma source(%dma_start3A_158 : memref<32xi32, #tpu.memory_space<hbm>>) target(%arg17 : memref<32xi32, #tpu.memory_space<vmem>>) target_semaphore(%run_scoped3A : memref<!tpu.dma_semaphore, #tpu.memory_space<semaphore_mem>>)
        %dma_wait3A_159 = tpu.memref_slice %arg5[%add3A_151] : memref<320000xi32, #tpu.memory_space<hbm>> -> memref<32xi32, #tpu.memory_space<hbm>>
        %dma_wait3A_160 = tpu.memref_slice %arg5[%add3A_151] : memref<320000xi32, #tpu.memory_space<hbm>> -> memref<32xi32, #tpu.memory_space<hbm>>
        tpu.wait_dma2 semaphore(%run_scoped3A : memref<!tpu.dma_semaphore, #tpu.memory_space<semaphore_mem>>) src(%dma_wait3A_160 : memref<32xi32, #tpu.memory_space<hbm>>) dst(%arg17 : memref<32xi32, #tpu.memory_space<vmem>>)
        tpu.yield
      }) : () -> ()
      %dma_start3A_152 = arith.constant 0 : i32
      %dma_start3A_153 = arith.constant 0 : i32
      %dma_start3A_154 = tpu.memref_slice %arg2[%dma_start3A_152, %dma_start3A_153] : memref<10000x128xf32, #tpu.memory_space<hbm>> -> memref<10000x128xf32, #tpu.memory_space<hbm>>
      tpu.enqueue_indirect_dma source(%dma_start3A_154 : memref<10000x128xf32, #tpu.memory_space<hbm>>) target(%arg20 : memref<32x128xf32, #tpu.memory_space<vmem>>) offsets(%arg16 : memref<32xi32, #tpu.memory_space<vmem>>) semaphore(%arg23 : memref<!tpu.dma_semaphore, #tpu.memory_space<semaphore_mem>>)
      %dma_wait3A = arith.constant 0 : i32
      %dma_wait3A_155 = arith.constant 0 : i32
      %dma_wait3A_156 = tpu.memref_slice %arg2[%dma_wait3A, %dma_wait3A_155] : memref<10000x128xf32, #tpu.memory_space<hbm>> -> memref<10000x128xf32, #tpu.memory_space<hbm>>
      tpu.wait_indirect_dma semaphore(%arg23 : memref<!tpu.dma_semaphore, #tpu.memory_space<semaphore_mem>>) src(%dma_wait3A_156 : memref<10000x128xf32, #tpu.memory_space<hbm>>) dst(%arg20 : memref<32x128xf32, #tpu.memory_space<vmem>>)
      "tpu.region"() ({
        %run_scoped3A = tpu.sem_alloc : memref<!tpu.dma_semaphore, #tpu.memory_space<semaphore_mem>>
        %dma_start3A_157 = arith.constant 0 : i32
        %dma_start3A_158 = arith.constant 0 : i32
        %dma_start3A_159 = tpu.memref_slice %arg11[%dma_start3A_157, %dma_start3A_158] : memref<10000x128xf32, #tpu.memory_space<vmem_shared>> -> memref<10000x128xf32, #tpu.memory_space<vmem_shared>>
        tpu.enqueue_indirect_dma source(%arg20 : memref<32x128xf32, #tpu.memory_space<vmem>>) target(%dma_start3A_159 : memref<10000x128xf32, #tpu.memory_space<vmem_shared>>) offsets(%arg17 : memref<32xi32, #tpu.memory_space<vmem>>) semaphore(%run_scoped3A : memref<!tpu.dma_semaphore, #tpu.memory_space<semaphore_mem>>) {add = true}
        %dma_wait3A_160 = arith.constant 0 : i32
        %dma_wait3A_161 = arith.constant 0 : i32
        %dma_wait3A_162 = tpu.memref_slice %arg11[%dma_wait3A_160, %dma_wait3A_161] : memref<10000x128xf32, #tpu.memory_space<vmem_shared>> -> memref<10000x128xf32, #tpu.memory_space<vmem_shared>>
        tpu.wait_indirect_dma semaphore(%run_scoped3A : memref<!tpu.dma_semaphore, #tpu.memory_space<semaphore_mem>>) src(%arg20 : memref<32x128xf32, #tpu.memory_space<vmem>>) dst(%dma_wait3A_162 : memref<10000x128xf32, #tpu.memory_space<vmem_shared>>)
        tpu.yield
      }) : () -> ()
    } else {
    }
    %eq3A_12 = arith.constant 1 : i32
    %eq3A_13 = arith.cmpi eq, %arg0, %eq3A_12 : i32
    %convert_element_type3A_14 = arith.extui %eq3A_13 : i1 to i32
    %cond3A_15 = arith.constant 0 : i32
    %cond3A_16 = arith.cmpi ne, %convert_element_type3A_14, %cond3A_15 : i32
    scf.if %cond3A_16 {
      %add3A = arith.constant 0 : i32
      %add3A_28 = arith.addi %mul3A_6, %add3A : i32
      "tpu.region"() ({
        %run_scoped3A = tpu.sem_alloc : memref<!tpu.dma_semaphore, #tpu.memory_space<semaphore_mem>>
        %dma_start3A_157 = tpu.memref_slice %arg6[%add3A_28] : memref<320000xi32, #tpu.memory_space<hbm>> -> memref<1536xi32, #tpu.memory_space<hbm>>
        %dma_start3A_158 = tpu.memref_slice %arg6[%add3A_28] : memref<320000xi32, #tpu.memory_space<hbm>> -> memref<1536xi32, #tpu.memory_space<hbm>>
        tpu.enqueue_dma source(%dma_start3A_158 : memref<1536xi32, #tpu.memory_space<hbm>>) target(%arg21 : memref<1536xi32, #tpu.memory_space<vmem>>) target_semaphore(%run_scoped3A : memref<!tpu.dma_semaphore, #tpu.memory_space<semaphore_mem>>)
        %dma_wait3A_159 = tpu.memref_slice %arg6[%add3A_28] : memref<320000xi32, #tpu.memory_space<hbm>> -> memref<1536xi32, #tpu.memory_space<hbm>>
        %dma_wait3A_160 = tpu.memref_slice %arg6[%add3A_28] : memref<320000xi32, #tpu.memory_space<hbm>> -> memref<1536xi32, #tpu.memory_space<hbm>>
        tpu.wait_dma2 semaphore(%run_scoped3A : memref<!tpu.dma_semaphore, #tpu.memory_space<semaphore_mem>>) src(%dma_wait3A_160 : memref<1536xi32, #tpu.memory_space<hbm>>) dst(%arg21 : memref<1536xi32, #tpu.memory_space<vmem>>)
        tpu.yield
      }) : () -> ()
      %add3A_29 = arith.constant 0 : i32
      %add3A_30 = arith.addi %mul3A_6, %add3A_29 : i32
      "tpu.region"() ({
        %run_scoped3A = tpu.sem_alloc : memref<!tpu.dma_semaphore, #tpu.memory_space<semaphore_mem>>
        %dma_start3A_157 = tpu.memref_slice %arg7[%add3A_30] : memref<320000xi32, #tpu.memory_space<hbm>> -> memref<1536xi32, #tpu.memory_space<hbm>>
        %dma_start3A_158 = tpu.memref_slice %arg7[%add3A_30] : memref<320000xi32, #tpu.memory_space<hbm>> -> memref<1536xi32, #tpu.memory_space<hbm>>
        tpu.enqueue_dma source(%dma_start3A_158 : memref<1536xi32, #tpu.memory_space<hbm>>) target(%arg22 : memref<1536xi32, #tpu.memory_space<vmem>>) target_semaphore(%run_scoped3A : memref<!tpu.dma_semaphore, #tpu.memory_space<semaphore_mem>>)
        %dma_wait3A_159 = tpu.memref_slice %arg7[%add3A_30] : memref<320000xi32, #tpu.memory_space<hbm>> -> memref<1536xi32, #tpu.memory_space<hbm>>
        %dma_wait3A_160 = tpu.memref_slice %arg7[%add3A_30] : memref<320000xi32, #tpu.memory_space<hbm>> -> memref<1536xi32, #tpu.memory_space<hbm>>
        tpu.wait_dma2 semaphore(%run_scoped3A : memref<!tpu.dma_semaphore, #tpu.memory_space<semaphore_mem>>) src(%dma_wait3A_160 : memref<1536xi32, #tpu.memory_space<hbm>>) dst(%arg22 : memref<1536xi32, #tpu.memory_space<vmem>>)
        tpu.yield
      }) : () -> ()
      %get3A = arith.constant 0 : index
      %get3A_31 = tpu.vector_load %arg21[%get3A] {strides = array<i32>} : memref<1536xi32, #tpu.memory_space<vmem>>, vector<16xi32>,
      %get3A_32 = vector.shape_cast %get3A_31 : vector<16xi32> to vector<16xi32>
      %swap3A = arith.constant 0 : index
      %swap3A_33 = tpu.vector_load %arg12[%swap3A] {strides = array<i32>} : memref<128xi32, #tpu.memory_space<vmem>>, vector<16xi32>,
      %swap3A_34 = vector.shape_cast %swap3A_33 : vector<16xi32> to vector<16xi32>
      %swap3A_35 = vector.shape_cast %get3A_32 : vector<16xi32> to vector<16xi32>
      tpu.vector_store %arg12[%swap3A], %swap3A_35 {strides = array<i32>} : memref<128xi32, #tpu.memory_space<vmem>>, vector<16xi32>,
      %get3A_36 = arith.constant 0 : index
      %get3A_37 = tpu.vector_load %arg22[%get3A_36] {strides = array<i32>} : memref<1536xi32, #tpu.memory_space<vmem>>, vector<16xi32>,
      %get3A_38 = vector.shape_cast %get3A_37 : vector<16xi32> to vector<16xi32>
      %swap3A_39 = arith.constant 0 : index
      %swap3A_40 = tpu.vector_load %arg14[%swap3A_39] {strides = array<i32>} : memref<128xi32, #tpu.memory_space<vmem>>, vector<16xi32>,
      %swap3A_41 = vector.shape_cast %swap3A_40 : vector<16xi32> to vector<16xi32>
      %swap3A_42 = vector.shape_cast %get3A_38 : vector<16xi32> to vector<16xi32>
      tpu.vector_store %arg14[%swap3A_39], %swap3A_42 {strides = array<i32>} : memref<128xi32, #tpu.memory_space<vmem>>, vector<16xi32>,
      %get3A_43 = arith.constant 16 : index
      %get3A_44 = tpu.vector_load %arg21[%get3A_43] {strides = array<i32>} : memref<1536xi32, #tpu.memory_space<vmem>>, vector<16xi32>,
      %get3A_45 = vector.shape_cast %get3A_44 : vector<16xi32> to vector<16xi32>
      %swap3A_46 = arith.constant 16 : index
      %swap3A_47 = tpu.vector_load %arg12[%swap3A_46] {strides = array<i32>} : memref<128xi32, #tpu.memory_space<vmem>>, vector<16xi32>,
      %swap3A_48 = vector.shape_cast %swap3A_47 : vector<16xi32> to vector<16xi32>
      %swap3A_49 = vector.shape_cast %get3A_45 : vector<16xi32> to vector<16xi32>
      tpu.vector_store %arg12[%swap3A_46], %swap3A_49 {strides = array<i32>} : memref<128xi32, #tpu.memory_space<vmem>>, vector<16xi32>,
      %get3A_50 = arith.constant 16 : index
      %get3A_51 = tpu.vector_load %arg22[%get3A_50] {strides = array<i32>} : memref<1536xi32, #tpu.memory_space<vmem>>, vector<16xi32>,
      %get3A_52 = vector.shape_cast %get3A_51 : vector<16xi32> to vector<16xi32>
      %swap3A_53 = arith.constant 16 : index
      %swap3A_54 = tpu.vector_load %arg14[%swap3A_53] {strides = array<i32>} : memref<128xi32, #tpu.memory_space<vmem>>, vector<16xi32>,
      %swap3A_55 = vector.shape_cast %swap3A_54 : vector<16xi32> to vector<16xi32>
      %swap3A_56 = vector.shape_cast %get3A_52 : vector<16xi32> to vector<16xi32>
      tpu.vector_store %arg14[%swap3A_53], %swap3A_56 {strides = array<i32>} : memref<128xi32, #tpu.memory_space<vmem>>, vector<16xi32>,
      %get3A_57 = arith.constant 32 : index
      %get3A_58 = tpu.vector_load %arg21[%get3A_57] {strides = array<i32>} : memref<1536xi32, #tpu.memory_space<vmem>>, vector<16xi32>,
      %get3A_59 = vector.shape_cast %get3A_58 : vector<16xi32> to vector<16xi32>
      %swap3A_60 = arith.constant 32 : index
      %swap3A_61 = tpu.vector_load %arg12[%swap3A_60] {strides = array<i32>} : memref<128xi32, #tpu.memory_space<vmem>>, vector<16xi32>,
      %swap3A_62 = vector.shape_cast %swap3A_61 : vector<16xi32> to vector<16xi32>
      %swap3A_63 = vector.shape_cast %get3A_59 : vector<16xi32> to vector<16xi32>
      tpu.vector_store %arg12[%swap3A_60], %swap3A_63 {strides = array<i32>} : memref<128xi32, #tpu.memory_space<vmem>>, vector<16xi32>,
      %get3A_64 = arith.constant 32 : index
      %get3A_65 = tpu.vector_load %arg22[%get3A_64] {strides = array<i32>} : memref<1536xi32, #tpu.memory_space<vmem>>, vector<16xi32>,
      %get3A_66 = vector.shape_cast %get3A_65 : vector<16xi32> to vector<16xi32>
      %swap3A_67 = arith.constant 32 : index
      %swap3A_68 = tpu.vector_load %arg14[%swap3A_67] {strides = array<i32>} : memref<128xi32, #tpu.memory_space<vmem>>, vector<16xi32>,
      %swap3A_69 = vector.shape_cast %swap3A_68 : vector<16xi32> to vector<16xi32>
      %swap3A_70 = vector.shape_cast %get3A_66 : vector<16xi32> to vector<16xi32>
      tpu.vector_store %arg14[%swap3A_67], %swap3A_70 {strides = array<i32>} : memref<128xi32, #tpu.memory_space<vmem>>, vector<16xi32>,
      %get3A_71 = arith.constant 48 : index
      %get3A_72 = tpu.vector_load %arg21[%get3A_71] {strides = array<i32>} : memref<1536xi32, #tpu.memory_space<vmem>>, vector<16xi32>,
      %get3A_73 = vector.shape_cast %get3A_72 : vector<16xi32> to vector<16xi32>
      %swap3A_74 = arith.constant 48 : index
      %swap3A_75 = tpu.vector_load %arg12[%swap3A_74] {strides = array<i32>} : memref<128xi32, #tpu.memory_space<vmem>>, vector<16xi32>,
      %swap3A_76 = vector.shape_cast %swap3A_75 : vector<16xi32> to vector<16xi32>
      %swap3A_77 = vector.shape_cast %get3A_73 : vector<16xi32> to vector<16xi32>
      tpu.vector_store %arg12[%swap3A_74], %swap3A_77 {strides = array<i32>} : memref<128xi32, #tpu.memory_space<vmem>>, vector<16xi32>,
      %get3A_78 = arith.constant 48 : index
      %get3A_79 = tpu.vector_load %arg22[%get3A_78] {strides = array<i32>} : memref<1536xi32, #tpu.memory_space<vmem>>, vector<16xi32>,
      %get3A_80 = vector.shape_cast %get3A_79 : vector<16xi32> to vector<16xi32>
      %swap3A_81 = arith.constant 48 : index
      %swap3A_82 = tpu.vector_load %arg14[%swap3A_81] {strides = array<i32>} : memref<128xi32, #tpu.memory_space<vmem>>, vector<16xi32>,
      %swap3A_83 = vector.shape_cast %swap3A_82 : vector<16xi32> to vector<16xi32>
      %swap3A_84 = vector.shape_cast %get3A_80 : vector<16xi32> to vector<16xi32>
      tpu.vector_store %arg14[%swap3A_81], %swap3A_84 {strides = array<i32>} : memref<128xi32, #tpu.memory_space<vmem>>, vector<16xi32>,
      %get3A_85 = arith.constant 64 : index
      %get3A_86 = tpu.vector_load %arg21[%get3A_85] {strides = array<i32>} : memref<1536xi32, #tpu.memory_space<vmem>>, vector<16xi32>,
      %get3A_87 = vector.shape_cast %get3A_86 : vector<16xi32> to vector<16xi32>
      %swap3A_88 = arith.constant 64 : index
      %swap3A_89 = tpu.vector_load %arg12[%swap3A_88] {strides = array<i32>} : memref<128xi32, #tpu.memory_space<vmem>>, vector<16xi32>,
      %swap3A_90 = vector.shape_cast %swap3A_89 : vector<16xi32> to vector<16xi32>
      %swap3A_91 = vector.shape_cast %get3A_87 : vector<16xi32> to vector<16xi32>
      tpu.vector_store %arg12[%swap3A_88], %swap3A_91 {strides = array<i32>} : memref<128xi32, #tpu.memory_space<vmem>>, vector<16xi32>,
      %get3A_92 = arith.constant 64 : index
      %get3A_93 = tpu.vector_load %arg22[%get3A_92] {strides = array<i32>} : memref<1536xi32, #tpu.memory_space<vmem>>, vector<16xi32>,
      %get3A_94 = vector.shape_cast %get3A_93 : vector<16xi32> to vector<16xi32>
      %swap3A_95 = arith.constant 64 : index
      %swap3A_96 = tpu.vector_load %arg14[%swap3A_95] {strides = array<i32>} : memref<128xi32, #tpu.memory_space<vmem>>, vector<16xi32>,
      %swap3A_97 = vector.shape_cast %swap3A_96 : vector<16xi32> to vector<16xi32>
      %swap3A_98 = vector.shape_cast %get3A_94 : vector<16xi32> to vector<16xi32>
      tpu.vector_store %arg14[%swap3A_95], %swap3A_98 {strides = array<i32>} : memref<128xi32, #tpu.memory_space<vmem>>, vector<16xi32>,
      %get3A_99 = arith.constant 80 : index
      %get3A_100 = tpu.vector_load %arg21[%get3A_99] {strides = array<i32>} : memref<1536xi32, #tpu.memory_space<vmem>>, vector<16xi32>,
      %get3A_101 = vector.shape_cast %get3A_100 : vector<16xi32> to vector<16xi32>
      %swap3A_102 = arith.constant 80 : index
      %swap3A_103 = tpu.vector_load %arg12[%swap3A_102] {strides = array<i32>} : memref<128xi32, #tpu.memory_space<vmem>>, vector<16xi32>,
      %swap3A_104 = vector.shape_cast %swap3A_103 : vector<16xi32> to vector<16xi32>
      %swap3A_105 = vector.shape_cast %get3A_101 : vector<16xi32> to vector<16xi32>
      tpu.vector_store %arg12[%swap3A_102], %swap3A_105 {strides = array<i32>} : memref<128xi32, #tpu.memory_space<vmem>>, vector<16xi32>,
      %get3A_106 = arith.constant 80 : index
      %get3A_107 = tpu.vector_load %arg22[%get3A_106] {strides = array<i32>} : memref<1536xi32, #tpu.memory_space<vmem>>, vector<16xi32>,
      %get3A_108 = vector.shape_cast %get3A_107 : vector<16xi32> to vector<16xi32>
      %swap3A_109 = arith.constant 80 : index
      %swap3A_110 = tpu.vector_load %arg14[%swap3A_109] {strides = array<i32>} : memref<128xi32, #tpu.memory_space<vmem>>, vector<16xi32>,
      %swap3A_111 = vector.shape_cast %swap3A_110 : vector<16xi32> to vector<16xi32>
      %swap3A_112 = vector.shape_cast %get3A_108 : vector<16xi32> to vector<16xi32>
      tpu.vector_store %arg14[%swap3A_109], %swap3A_112 {strides = array<i32>} : memref<128xi32, #tpu.memory_space<vmem>>, vector<16xi32>,
      %get3A_113 = arith.constant 96 : index
      %get3A_114 = tpu.vector_load %arg21[%get3A_113] {strides = array<i32>} : memref<1536xi32, #tpu.memory_space<vmem>>, vector<16xi32>,
      %get3A_115 = vector.shape_cast %get3A_114 : vector<16xi32> to vector<16xi32>
      %swap3A_116 = arith.constant 96 : index
      %swap3A_117 = tpu.vector_load %arg12[%swap3A_116] {strides = array<i32>} : memref<128xi32, #tpu.memory_space<vmem>>, vector<16xi32>,
      %swap3A_118 = vector.shape_cast %swap3A_117 : vector<16xi32> to vector<16xi32>
      %swap3A_119 = vector.shape_cast %get3A_115 : vector<16xi32> to vector<16xi32>
      tpu.vector_store %arg12[%swap3A_116], %swap3A_119 {strides = array<i32>} : memref<128xi32, #tpu.memory_space<vmem>>, vector<16xi32>,
      %get3A_120 = arith.constant 96 : index
      %get3A_121 = tpu.vector_load %arg22[%get3A_120] {strides = array<i32>} : memref<1536xi32, #tpu.memory_space<vmem>>, vector<16xi32>,
      %get3A_122 = vector.shape_cast %get3A_121 : vector<16xi32> to vector<16xi32>
      %swap3A_123 = arith.constant 96 : index
      %swap3A_124 = tpu.vector_load %arg14[%swap3A_123] {strides = array<i32>} : memref<128xi32, #tpu.memory_space<vmem>>, vector<16xi32>,
      %swap3A_125 = vector.shape_cast %swap3A_124 : vector<16xi32> to vector<16xi32>
      %swap3A_126 = vector.shape_cast %get3A_122 : vector<16xi32> to vector<16xi32>
      tpu.vector_store %arg14[%swap3A_123], %swap3A_126 {strides = array<i32>} : memref<128xi32, #tpu.memory_space<vmem>>, vector<16xi32>,
      %get3A_127 = arith.constant 112 : index
      %get3A_128 = tpu.vector_load %arg21[%get3A_127] {strides = array<i32>} : memref<1536xi32, #tpu.memory_space<vmem>>, vector<16xi32>,
      %get3A_129 = vector.shape_cast %get3A_128 : vector<16xi32> to vector<16xi32>
      %swap3A_130 = arith.constant 112 : index
      %swap3A_131 = tpu.vector_load %arg12[%swap3A_130] {strides = array<i32>} : memref<128xi32, #tpu.memory_space<vmem>>, vector<16xi32>,
      %swap3A_132 = vector.shape_cast %swap3A_131 : vector<16xi32> to vector<16xi32>
      %swap3A_133 = vector.shape_cast %get3A_129 : vector<16xi32> to vector<16xi32>
      tpu.vector_store %arg12[%swap3A_130], %swap3A_133 {strides = array<i32>} : memref<128xi32, #tpu.memory_space<vmem>>, vector<16xi32>,
      %get3A_134 = arith.constant 112 : index
      %get3A_135 = tpu.vector_load %arg22[%get3A_134] {strides = array<i32>} : memref<1536xi32, #tpu.memory_space<vmem>>, vector<16xi32>,
      %get3A_136 = vector.shape_cast %get3A_135 : vector<16xi32> to vector<16xi32>
      %swap3A_137 = arith.constant 112 : index
      %swap3A_138 = tpu.vector_load %arg14[%swap3A_137] {strides = array<i32>} : memref<128xi32, #tpu.memory_space<vmem>>, vector<16xi32>,
      %swap3A_139 = vector.shape_cast %swap3A_138 : vector<16xi32> to vector<16xi32>
      %swap3A_140 = vector.shape_cast %get3A_136 : vector<16xi32> to vector<16xi32>
      tpu.vector_store %arg14[%swap3A_137], %swap3A_140 {strides = array<i32>} : memref<128xi32, #tpu.memory_space<vmem>>, vector<16xi32>,
      %dma_start3A = arith.constant 0 : i32
      %dma_start3A_141 = arith.constant 0 : i32
      %dma_start3A_142 = tpu.memref_slice %arg3[%dma_start3A, %dma_start3A_141] : memref<10000x128xf32, #tpu.memory_space<hbm>> -> memref<10000x128xf32, #tpu.memory_space<hbm>>
      tpu.enqueue_indirect_dma source(%dma_start3A_142 : memref<10000x128xf32, #tpu.memory_space<hbm>>) target(%arg18 : memref<128x128xf32, #tpu.memory_space<vmem>>) offsets(%arg12 : memref<128xi32, #tpu.memory_space<vmem>>) semaphore(%arg23 : memref<!tpu.dma_semaphore, #tpu.memory_space<semaphore_mem>>)
      %scan3A = arith.constant 0 : i32
      %scan3A_143 = arith.constant 0 : i32
      %scan3A_144 = arith.constant 78 : i32
      %scan3A_145 = arith.addi %scan3A_143, %scan3A_144 : i32
      %scan3A_146 = arith.constant 1 : i32
      scf.for %scan3A_157 = %scan3A_143 to %scan3A_145 step %scan3A_146  : i32 {
        %mul3A_158 = arith.constant 2 : i32
        %mul3A_159 = arith.muli %mul3A_158, %scan3A_157 : i32
        %add3A_160 = arith.constant 1 : i32
        %add3A_161 = arith.addi %mul3A_159, %add3A_160 : i32
        %mul3A_162 = arith.constant 128 : i32
        %mul3A_163 = arith.muli %add3A_161, %mul3A_162 : i32
        %jit3A = arith.constant 6 : i32
        %div3A = arith.divsi %scan3A_157, %jit3A : i32
        %sign3A = arith.constant 0 : i32
        %sign3A_164 = arith.cmpi sgt, %scan3A_157, %sign3A : i32
        %sign3A_165 = arith.extui %sign3A_164 : i1 to i32
        %sign3A_166 = arith.constant 0 : i32
        %sign3A_167 = arith.cmpi slt, %scan3A_157, %sign3A_166 : i32
        %sign3A_168 = arith.extui %sign3A_167 : i1 to i32
        %sign3A_169 = arith.subi %sign3A_165, %sign3A_168 : i32
        %sign3A_170 = arith.constant 0 : i32
        %sign3A_171 = arith.cmpi sgt, %jit3A, %sign3A_170 : i32
        %sign3A_172 = arith.extui %sign3A_171 : i1 to i32
        %sign3A_173 = arith.constant 0 : i32
        %sign3A_174 = arith.cmpi slt, %jit3A, %sign3A_173 : i32
        %sign3A_175 = arith.extui %sign3A_174 : i1 to i32
        %sign3A_176 = arith.subi %sign3A_172, %sign3A_175 : i32
        %ne3A = arith.cmpi ne, %sign3A_169, %sign3A_176 : i32
        %rem3A = arith.remsi %scan3A_157, %jit3A : i32
        %ne3A_177 = arith.constant 0 : i32
        %ne3A_178 = arith.cmpi ne, %rem3A, %ne3A_177 : i32
        %and3A = arith.andi %ne3A, %ne3A_178 : i1
        %sub3A = arith.constant 1 : i32
        %sub3A_179 = arith.subi %div3A, %sub3A : i32
        %select_n3A = arith.select %and3A, %sub3A_179, %div3A : i32
        %mul3A_180 = arith.constant 1536 : i32
        %mul3A_181 = arith.muli %select_n3A, %mul3A_180 : i32
        %sub3A_182 = arith.subi %mul3A_163, %mul3A_181 : i32
        %add3A_183 = arith.constant 0 : i32
        %add3A_184 = arith.addi %sub3A_182, %add3A_183 : i32
        %get3A_185 = arith.index_cast %add3A_184 : i32 to index
        %get3A_186 = tpu.vector_load %arg21[%get3A_185] {strides = array<i32>} : memref<1536xi32, #tpu.memory_space<vmem>>, vector<16xi32>,
        %get3A_187 = vector.shape_cast %get3A_186 : vector<16xi32> to vector<16xi32>
        %swap3A_188 = arith.constant 0 : index
        %swap3A_189 = tpu.vector_load %arg13[%swap3A_188] {strides = array<i32>} : memref<128xi32, #tpu.memory_space<vmem>>, vector<16xi32>,
        %swap3A_190 = vector.shape_cast %swap3A_189 : vector<16xi32> to vector<16xi32>
        %swap3A_191 = vector.shape_cast %get3A_187 : vector<16xi32> to vector<16xi32>
        tpu.vector_store %arg13[%swap3A_188], %swap3A_191 {strides = array<i32>} : memref<128xi32, #tpu.memory_space<vmem>>, vector<16xi32>,
        %add3A_192 = arith.constant 0 : i32
        %add3A_193 = arith.addi %sub3A_182, %add3A_192 : i32
        %get3A_194 = arith.index_cast %add3A_193 : i32 to index
        %get3A_195 = tpu.vector_load %arg22[%get3A_194] {strides = array<i32>} : memref<1536xi32, #tpu.memory_space<vmem>>, vector<16xi32>,
        %get3A_196 = vector.shape_cast %get3A_195 : vector<16xi32> to vector<16xi32>
        %swap3A_197 = arith.constant 0 : index
        %swap3A_198 = tpu.vector_load %arg15[%swap3A_197] {strides = array<i32>} : memref<128xi32, #tpu.memory_space<vmem>>, vector<16xi32>,
        %swap3A_199 = vector.shape_cast %swap3A_198 : vector<16xi32> to vector<16xi32>
        %swap3A_200 = vector.shape_cast %get3A_196 : vector<16xi32> to vector<16xi32>
        tpu.vector_store %arg15[%swap3A_197], %swap3A_200 {strides = array<i32>} : memref<128xi32, #tpu.memory_space<vmem>>, vector<16xi32>,
        %add3A_201 = arith.constant 16 : i32
        %add3A_202 = arith.addi %sub3A_182, %add3A_201 : i32
        %get3A_203 = arith.index_cast %add3A_202 : i32 to index
        %get3A_204 = tpu.vector_load %arg21[%get3A_203] {strides = array<i32>} : memref<1536xi32, #tpu.memory_space<vmem>>, vector<16xi32>,
        %get3A_205 = vector.shape_cast %get3A_204 : vector<16xi32> to vector<16xi32>
        %swap3A_206 = arith.constant 16 : index
        %swap3A_207 = tpu.vector_load %arg13[%swap3A_206] {strides = array<i32>} : memref<128xi32, #tpu.memory_space<vmem>>, vector<16xi32>,
        %swap3A_208 = vector.shape_cast %swap3A_207 : vector<16xi32> to vector<16xi32>
        %swap3A_209 = vector.shape_cast %get3A_205 : vector<16xi32> to vector<16xi32>
        tpu.vector_store %arg13[%swap3A_206], %swap3A_209 {strides = array<i32>} : memref<128xi32, #tpu.memory_space<vmem>>, vector<16xi32>,
        %add3A_210 = arith.constant 16 : i32
        %add3A_211 = arith.addi %sub3A_182, %add3A_210 : i32
        %get3A_212 = arith.index_cast %add3A_211 : i32 to index
        %get3A_213 = tpu.vector_load %arg22[%get3A_212] {strides = array<i32>} : memref<1536xi32, #tpu.memory_space<vmem>>, vector<16xi32>,
        %get3A_214 = vector.shape_cast %get3A_213 : vector<16xi32> to vector<16xi32>
        %swap3A_215 = arith.constant 16 : index
        %swap3A_216 = tpu.vector_load %arg15[%swap3A_215] {strides = array<i32>} : memref<128xi32, #tpu.memory_space<vmem>>, vector<16xi32>,
        %swap3A_217 = vector.shape_cast %swap3A_216 : vector<16xi32> to vector<16xi32>
        %swap3A_218 = vector.shape_cast %get3A_214 : vector<16xi32> to vector<16xi32>
        tpu.vector_store %arg15[%swap3A_215], %swap3A_218 {strides = array<i32>} : memref<128xi32, #tpu.memory_space<vmem>>, vector<16xi32>,
        %add3A_219 = arith.constant 32 : i32
        %add3A_220 = arith.addi %sub3A_182, %add3A_219 : i32
        %get3A_221 = arith.index_cast %add3A_220 : i32 to index
        %get3A_222 = tpu.vector_load %arg21[%get3A_221] {strides = array<i32>} : memref<1536xi32, #tpu.memory_space<vmem>>, vector<16xi32>,
        %get3A_223 = vector.shape_cast %get3A_222 : vector<16xi32> to vector<16xi32>
        %swap3A_224 = arith.constant 32 : index
        %swap3A_225 = tpu.vector_load %arg13[%swap3A_224] {strides = array<i32>} : memref<128xi32, #tpu.memory_space<vmem>>, vector<16xi32>,
        %swap3A_226 = vector.shape_cast %swap3A_225 : vector<16xi32> to vector<16xi32>
        %swap3A_227 = vector.shape_cast %get3A_223 : vector<16xi32> to vector<16xi32>
        tpu.vector_store %arg13[%swap3A_224], %swap3A_227 {strides = array<i32>} : memref<128xi32, #tpu.memory_space<vmem>>, vector<16xi32>,
        %add3A_228 = arith.constant 32 : i32
        %add3A_229 = arith.addi %sub3A_182, %add3A_228 : i32
        %get3A_230 = arith.index_cast %add3A_229 : i32 to index
        %get3A_231 = tpu.vector_load %arg22[%get3A_230] {strides = array<i32>} : memref<1536xi32, #tpu.memory_space<vmem>>, vector<16xi32>,
        %get3A_232 = vector.shape_cast %get3A_231 : vector<16xi32> to vector<16xi32>
        %swap3A_233 = arith.constant 32 : index
        %swap3A_234 = tpu.vector_load %arg15[%swap3A_233] {strides = array<i32>} : memref<128xi32, #tpu.memory_space<vmem>>, vector<16xi32>,
        %swap3A_235 = vector.shape_cast %swap3A_234 : vector<16xi32> to vector<16xi32>
        %swap3A_236 = vector.shape_cast %get3A_232 : vector<16xi32> to vector<16xi32>
        tpu.vector_store %arg15[%swap3A_233], %swap3A_236 {strides = array<i32>} : memref<128xi32, #tpu.memory_space<vmem>>, vector<16xi32>,
        %add3A_237 = arith.constant 48 : i32
        %add3A_238 = arith.addi %sub3A_182, %add3A_237 : i32
        %get3A_239 = arith.index_cast %add3A_238 : i32 to index
        %get3A_240 = tpu.vector_load %arg21[%get3A_239] {strides = array<i32>} : memref<1536xi32, #tpu.memory_space<vmem>>, vector<16xi32>,
        %get3A_241 = vector.shape_cast %get3A_240 : vector<16xi32> to vector<16xi32>
        %swap3A_242 = arith.constant 48 : index
        %swap3A_243 = tpu.vector_load %arg13[%swap3A_242] {strides = array<i32>} : memref<128xi32, #tpu.memory_space<vmem>>, vector<16xi32>,
        %swap3A_244 = vector.shape_cast %swap3A_243 : vector<16xi32> to vector<16xi32>
        %swap3A_245 = vector.shape_cast %get3A_241 : vector<16xi32> to vector<16xi32>
        tpu.vector_store %arg13[%swap3A_242], %swap3A_245 {strides = array<i32>} : memref<128xi32, #tpu.memory_space<vmem>>, vector<16xi32>,
        %add3A_246 = arith.constant 48 : i32
        %add3A_247 = arith.addi %sub3A_182, %add3A_246 : i32
        %get3A_248 = arith.index_cast %add3A_247 : i32 to index
        %get3A_249 = tpu.vector_load %arg22[%get3A_248] {strides = array<i32>} : memref<1536xi32, #tpu.memory_space<vmem>>, vector<16xi32>,
        %get3A_250 = vector.shape_cast %get3A_249 : vector<16xi32> to vector<16xi32>
        %swap3A_251 = arith.constant 48 : index
        %swap3A_252 = tpu.vector_load %arg15[%swap3A_251] {strides = array<i32>} : memref<128xi32, #tpu.memory_space<vmem>>, vector<16xi32>,
        %swap3A_253 = vector.shape_cast %swap3A_252 : vector<16xi32> to vector<16xi32>
        %swap3A_254 = vector.shape_cast %get3A_250 : vector<16xi32> to vector<16xi32>
        tpu.vector_store %arg15[%swap3A_251], %swap3A_254 {strides = array<i32>} : memref<128xi32, #tpu.memory_space<vmem>>, vector<16xi32>,
        %add3A_255 = arith.constant 64 : i32
        %add3A_256 = arith.addi %sub3A_182, %add3A_255 : i32
        %get3A_257 = arith.index_cast %add3A_256 : i32 to index
        %get3A_258 = tpu.vector_load %arg21[%get3A_257] {strides = array<i32>} : memref<1536xi32, #tpu.memory_space<vmem>>, vector<16xi32>,
        %get3A_259 = vector.shape_cast %get3A_258 : vector<16xi32> to vector<16xi32>
        %swap3A_260 = arith.constant 64 : index
        %swap3A_261 = tpu.vector_load %arg13[%swap3A_260] {strides = array<i32>} : memref<128xi32, #tpu.memory_space<vmem>>, vector<16xi32>,
        %swap3A_262 = vector.shape_cast %swap3A_261 : vector<16xi32> to vector<16xi32>
        %swap3A_263 = vector.shape_cast %get3A_259 : vector<16xi32> to vector<16xi32>
        tpu.vector_store %arg13[%swap3A_260], %swap3A_263 {strides = array<i32>} : memref<128xi32, #tpu.memory_space<vmem>>, vector<16xi32>,
        %add3A_264 = arith.constant 64 : i32
        %add3A_265 = arith.addi %sub3A_182, %add3A_264 : i32
        %get3A_266 = arith.index_cast %add3A_265 : i32 to index
        %get3A_267 = tpu.vector_load %arg22[%get3A_266] {strides = array<i32>} : memref<1536xi32, #tpu.memory_space<vmem>>, vector<16xi32>,
        %get3A_268 = vector.shape_cast %get3A_267 : vector<16xi32> to vector<16xi32>
        %swap3A_269 = arith.constant 64 : index
        %swap3A_270 = tpu.vector_load %arg15[%swap3A_269] {strides = array<i32>} : memref<128xi32, #tpu.memory_space<vmem>>, vector<16xi32>,
        %swap3A_271 = vector.shape_cast %swap3A_270 : vector<16xi32> to vector<16xi32>
        %swap3A_272 = vector.shape_cast %get3A_268 : vector<16xi32> to vector<16xi32>
        tpu.vector_store %arg15[%swap3A_269], %swap3A_272 {strides = array<i32>} : memref<128xi32, #tpu.memory_space<vmem>>, vector<16xi32>,
        %add3A_273 = arith.constant 80 : i32
        %add3A_274 = arith.addi %sub3A_182, %add3A_273 : i32
        %get3A_275 = arith.index_cast %add3A_274 : i32 to index
        %get3A_276 = tpu.vector_load %arg21[%get3A_275] {strides = array<i32>} : memref<1536xi32, #tpu.memory_space<vmem>>, vector<16xi32>,
        %get3A_277 = vector.shape_cast %get3A_276 : vector<16xi32> to vector<16xi32>
        %swap3A_278 = arith.constant 80 : index
        %swap3A_279 = tpu.vector_load %arg13[%swap3A_278] {strides = array<i32>} : memref<128xi32, #tpu.memory_space<vmem>>, vector<16xi32>,
        %swap3A_280 = vector.shape_cast %swap3A_279 : vector<16xi32> to vector<16xi32>
        %swap3A_281 = vector.shape_cast %get3A_277 : vector<16xi32> to vector<16xi32>
        tpu.vector_store %arg13[%swap3A_278], %swap3A_281 {strides = array<i32>} : memref<128xi32, #tpu.memory_space<vmem>>, vector<16xi32>,
        %add3A_282 = arith.constant 80 : i32
        %add3A_283 = arith.addi %sub3A_182, %add3A_282 : i32
        %get3A_284 = arith.index_cast %add3A_283 : i32 to index
        %get3A_285 = tpu.vector_load %arg22[%get3A_284] {strides = array<i32>} : memref<1536xi32, #tpu.memory_space<vmem>>, vector<16xi32>,
        %get3A_286 = vector.shape_cast %get3A_285 : vector<16xi32> to vector<16xi32>
        %swap3A_287 = arith.constant 80 : index
        %swap3A_288 = tpu.vector_load %arg15[%swap3A_287] {strides = array<i32>} : memref<128xi32, #tpu.memory_space<vmem>>, vector<16xi32>,
        %swap3A_289 = vector.shape_cast %swap3A_288 : vector<16xi32> to vector<16xi32>
        %swap3A_290 = vector.shape_cast %get3A_286 : vector<16xi32> to vector<16xi32>
        tpu.vector_store %arg15[%swap3A_287], %swap3A_290 {strides = array<i32>} : memref<128xi32, #tpu.memory_space<vmem>>, vector<16xi32>,
        %add3A_291 = arith.constant 96 : i32
        %add3A_292 = arith.addi %sub3A_182, %add3A_291 : i32
        %get3A_293 = arith.index_cast %add3A_292 : i32 to index
        %get3A_294 = tpu.vector_load %arg21[%get3A_293] {strides = array<i32>} : memref<1536xi32, #tpu.memory_space<vmem>>, vector<16xi32>,
        %get3A_295 = vector.shape_cast %get3A_294 : vector<16xi32> to vector<16xi32>
        %swap3A_296 = arith.constant 96 : index
        %swap3A_297 = tpu.vector_load %arg13[%swap3A_296] {strides = array<i32>} : memref<128xi32, #tpu.memory_space<vmem>>, vector<16xi32>,
        %swap3A_298 = vector.shape_cast %swap3A_297 : vector<16xi32> to vector<16xi32>
        %swap3A_299 = vector.shape_cast %get3A_295 : vector<16xi32> to vector<16xi32>
        tpu.vector_store %arg13[%swap3A_296], %swap3A_299 {strides = array<i32>} : memref<128xi32, #tpu.memory_space<vmem>>, vector<16xi32>,
        %add3A_300 = arith.constant 96 : i32
        %add3A_301 = arith.addi %sub3A_182, %add3A_300 : i32
        %get3A_302 = arith.index_cast %add3A_301 : i32 to index
        %get3A_303 = tpu.vector_load %arg22[%get3A_302] {strides = array<i32>} : memref<1536xi32, #tpu.memory_space<vmem>>, vector<16xi32>,
        %get3A_304 = vector.shape_cast %get3A_303 : vector<16xi32> to vector<16xi32>
        %swap3A_305 = arith.constant 96 : index
        %swap3A_306 = tpu.vector_load %arg15[%swap3A_305] {strides = array<i32>} : memref<128xi32, #tpu.memory_space<vmem>>, vector<16xi32>,
        %swap3A_307 = vector.shape_cast %swap3A_306 : vector<16xi32> to vector<16xi32>
        %swap3A_308 = vector.shape_cast %get3A_304 : vector<16xi32> to vector<16xi32>
        tpu.vector_store %arg15[%swap3A_305], %swap3A_308 {strides = array<i32>} : memref<128xi32, #tpu.memory_space<vmem>>, vector<16xi32>,
        %add3A_309 = arith.constant 112 : i32
        %add3A_310 = arith.addi %sub3A_182, %add3A_309 : i32
        %get3A_311 = arith.index_cast %add3A_310 : i32 to index
        %get3A_312 = tpu.vector_load %arg21[%get3A_311] {strides = array<i32>} : memref<1536xi32, #tpu.memory_space<vmem>>, vector<16xi32>,
        %get3A_313 = vector.shape_cast %get3A_312 : vector<16xi32> to vector<16xi32>
        %swap3A_314 = arith.constant 112 : index
        %swap3A_315 = tpu.vector_load %arg13[%swap3A_314] {strides = array<i32>} : memref<128xi32, #tpu.memory_space<vmem>>, vector<16xi32>,
        %swap3A_316 = vector.shape_cast %swap3A_315 : vector<16xi32> to vector<16xi32>
        %swap3A_317 = vector.shape_cast %get3A_313 : vector<16xi32> to vector<16xi32>
        tpu.vector_store %arg13[%swap3A_314], %swap3A_317 {strides = array<i32>} : memref<128xi32, #tpu.memory_space<vmem>>, vector<16xi32>,
        %add3A_318 = arith.constant 112 : i32
        %add3A_319 = arith.addi %sub3A_182, %add3A_318 : i32
        %get3A_320 = arith.index_cast %add3A_319 : i32 to index
        %get3A_321 = tpu.vector_load %arg22[%get3A_320] {strides = array<i32>} : memref<1536xi32, #tpu.memory_space<vmem>>, vector<16xi32>,
        %get3A_322 = vector.shape_cast %get3A_321 : vector<16xi32> to vector<16xi32>
        %swap3A_323 = arith.constant 112 : index
        %swap3A_324 = tpu.vector_load %arg15[%swap3A_323] {strides = array<i32>} : memref<128xi32, #tpu.memory_space<vmem>>, vector<16xi32>,
        %swap3A_325 = vector.shape_cast %swap3A_324 : vector<16xi32> to vector<16xi32>
        %swap3A_326 = vector.shape_cast %get3A_322 : vector<16xi32> to vector<16xi32>
        tpu.vector_store %arg15[%swap3A_323], %swap3A_326 {strides = array<i32>} : memref<128xi32, #tpu.memory_space<vmem>>, vector<16xi32>,
        %dma_start3A_327 = arith.constant 0 : i32
        %dma_start3A_328 = arith.constant 0 : i32
        %dma_start3A_329 = tpu.memref_slice %arg3[%dma_start3A_327, %dma_start3A_328] : memref<10000x128xf32, #tpu.memory_space<hbm>> -> memref<10000x128xf32, #tpu.memory_space<hbm>>
        tpu.enqueue_indirect_dma source(%dma_start3A_329 : memref<10000x128xf32, #tpu.memory_space<hbm>>) target(%arg19 : memref<128x128xf32, #tpu.memory_space<vmem>>) offsets(%arg13 : memref<128xi32, #tpu.memory_space<vmem>>) semaphore(%arg24 : memref<!tpu.dma_semaphore, #tpu.memory_space<semaphore_mem>>)
        %dma_wait3A_330 = arith.constant 0 : i32
        %dma_wait3A_331 = arith.constant 0 : i32
        %dma_wait3A_332 = tpu.memref_slice %arg3[%dma_wait3A_330, %dma_wait3A_331] : memref<10000x128xf32, #tpu.memory_space<hbm>> -> memref<10000x128xf32, #tpu.memory_space<hbm>>
        tpu.wait_indirect_dma semaphore(%arg23 : memref<!tpu.dma_semaphore, #tpu.memory_space<semaphore_mem>>) src(%dma_wait3A_332 : memref<10000x128xf32, #tpu.memory_space<hbm>>) dst(%arg18 : memref<128x128xf32, #tpu.memory_space<vmem>>)
        "tpu.region"() ({
          %run_scoped3A = tpu.sem_alloc : memref<!tpu.dma_semaphore, #tpu.memory_space<semaphore_mem>>
          %dma_start3A_365 = arith.constant 0 : i32
          %dma_start3A_366 = arith.constant 0 : i32
          %dma_start3A_367 = tpu.memref_slice %arg11[%dma_start3A_365, %dma_start3A_366] : memref<10000x128xf32, #tpu.memory_space<vmem_shared>> -> memref<10000x128xf32, #tpu.memory_space<vmem_shared>>
          tpu.enqueue_indirect_dma source(%arg18 : memref<128x128xf32, #tpu.memory_space<vmem>>) target(%dma_start3A_367 : memref<10000x128xf32, #tpu.memory_space<vmem_shared>>) offsets(%arg14 : memref<128xi32, #tpu.memory_space<vmem>>) semaphore(%run_scoped3A : memref<!tpu.dma_semaphore, #tpu.memory_space<semaphore_mem>>) {add = true}
          %dma_wait3A_368 = arith.constant 0 : i32
          %dma_wait3A_369 = arith.constant 0 : i32
          %dma_wait3A_370 = tpu.memref_slice %arg11[%dma_wait3A_368, %dma_wait3A_369] : memref<10000x128xf32, #tpu.memory_space<vmem_shared>> -> memref<10000x128xf32, #tpu.memory_space<vmem_shared>>
          tpu.wait_indirect_dma semaphore(%run_scoped3A : memref<!tpu.dma_semaphore, #tpu.memory_space<semaphore_mem>>) src(%arg18 : memref<128x128xf32, #tpu.memory_space<vmem>>) dst(%dma_wait3A_370 : memref<10000x128xf32, #tpu.memory_space<vmem_shared>>)
          tpu.yield
        }) : () -> ()
        %jit3A_333 = arith.constant 6 : i32
        %eq3A_334 = arith.constant 0 : i32
        %eq3A_335 = arith.cmpi eq, %jit3A_333, %eq3A_334 : i32
        %jit3A_336 = arith.constant 1 : i32
        %select_n3A_337 = arith.select %eq3A_335, %jit3A_336, %jit3A_333 : i32
        %rem3A_338 = arith.remsi %scan3A_157, %select_n3A_337 : i32
        %ne3A_339 = arith.constant 0 : i32
        %ne3A_340 = arith.cmpi ne, %rem3A_338, %ne3A_339 : i32
        %lt3A_341 = arith.constant 0 : i32
        %lt3A_342 = arith.cmpi slt, %rem3A_338, %lt3A_341 : i32
        %lt3A_343 = arith.constant 0 : i32
        %lt3A_344 = arith.cmpi slt, %select_n3A_337, %lt3A_343 : i32
        %ne3A_345 = arith.xori %lt3A_342, %lt3A_344 : i1
        %and3A_346 = arith.andi %ne3A_345, %ne3A_340 : i1
        %add3A_347 = arith.addi %rem3A_338, %select_n3A_337 : i32
        %select_n3A_348 = arith.select %and3A_346, %add3A_347, %rem3A_338 : i32
        %eq3A_349 = arith.constant 5 : i32
        %eq3A_350 = arith.cmpi eq, %select_n3A_348, %eq3A_349 : i32
        %lt3A_351 = arith.constant 77 : i32
        %lt3A_352 = arith.cmpi slt, %scan3A_157, %lt3A_351 : i32
        %and3A_353 = arith.andi %eq3A_350, %lt3A_352 : i1
        %convert_element_type3A_354 = arith.extui %and3A_353 : i1 to i32
        %cond3A_355 = arith.constant 0 : i32
        %cond3A_356 = arith.cmpi ne, %convert_element_type3A_354, %cond3A_355 : i32
        scf.if %cond3A_356 {
          %jit3A_365 = arith.constant 6 : i32
          %div3A_366 = arith.divsi %scan3A_157, %jit3A_365 : i32
          %sign3A_367 = arith.constant 0 : i32
          %sign3A_368 = arith.cmpi sgt, %scan3A_157, %sign3A_367 : i32
          %sign3A_369 = arith.extui %sign3A_368 : i1 to i32
          %sign3A_370 = arith.constant 0 : i32
          %sign3A_371 = arith.cmpi slt, %scan3A_157, %sign3A_370 : i32
          %sign3A_372 = arith.extui %sign3A_371 : i1 to i32
          %sign3A_373 = arith.subi %sign3A_369, %sign3A_372 : i32
          %sign3A_374 = arith.constant 0 : i32
          %sign3A_375 = arith.cmpi sgt, %jit3A_365, %sign3A_374 : i32
          %sign3A_376 = arith.extui %sign3A_375 : i1 to i32
          %sign3A_377 = arith.constant 0 : i32
          %sign3A_378 = arith.cmpi slt, %jit3A_365, %sign3A_377 : i32
          %sign3A_379 = arith.extui %sign3A_378 : i1 to i32
          %sign3A_380 = arith.subi %sign3A_376, %sign3A_379 : i32
          %ne3A_381 = arith.cmpi ne, %sign3A_373, %sign3A_380 : i32
          %rem3A_382 = arith.remsi %scan3A_157, %jit3A_365 : i32
          %ne3A_383 = arith.constant 0 : i32
          %ne3A_384 = arith.cmpi ne, %rem3A_382, %ne3A_383 : i32
          %and3A_385 = arith.andi %ne3A_381, %ne3A_384 : i1
          %sub3A_386 = arith.constant 1 : i32
          %sub3A_387 = arith.subi %div3A_366, %sub3A_386 : i32
          %select_n3A_388 = arith.select %and3A_385, %sub3A_387, %div3A_366 : i32
          %add3A_389 = arith.constant 1 : i32
          %add3A_390 = arith.addi %select_n3A_388, %add3A_389 : i32
          %mul3A_391 = arith.constant 1536 : i32
          %mul3A_392 = arith.muli %add3A_390, %mul3A_391 : i32
          %add3A_393 = arith.addi %mul3A_6, %mul3A_392 : i32
          "tpu.region"() ({
            %run_scoped3A = tpu.sem_alloc : memref<!tpu.dma_semaphore, #tpu.memory_space<semaphore_mem>>
            %dma_start3A_397 = tpu.memref_slice %arg6[%add3A_393] : memref<320000xi32, #tpu.memory_space<hbm>> -> memref<1536xi32, #tpu.memory_space<hbm>>
            %dma_start3A_398 = tpu.memref_slice %arg6[%add3A_393] : memref<320000xi32, #tpu.memory_space<hbm>> -> memref<1536xi32, #tpu.memory_space<hbm>>
            tpu.enqueue_dma source(%dma_start3A_398 : memref<1536xi32, #tpu.memory_space<hbm>>) target(%arg21 : memref<1536xi32, #tpu.memory_space<vmem>>) target_semaphore(%run_scoped3A : memref<!tpu.dma_semaphore, #tpu.memory_space<semaphore_mem>>)
            %dma_wait3A_399 = tpu.memref_slice %arg6[%add3A_393] : memref<320000xi32, #tpu.memory_space<hbm>> -> memref<1536xi32, #tpu.memory_space<hbm>>
            %dma_wait3A_400 = tpu.memref_slice %arg6[%add3A_393] : memref<320000xi32, #tpu.memory_space<hbm>> -> memref<1536xi32, #tpu.memory_space<hbm>>
            tpu.wait_dma2 semaphore(%run_scoped3A : memref<!tpu.dma_semaphore, #tpu.memory_space<semaphore_mem>>) src(%dma_wait3A_400 : memref<1536xi32, #tpu.memory_space<hbm>>) dst(%arg21 : memref<1536xi32, #tpu.memory_space<vmem>>)
            tpu.yield
          }) : () -> ()
          %mul3A_394 = arith.constant 1536 : i32
          %mul3A_395 = arith.muli %add3A_390, %mul3A_394 : i32
          %add3A_396 = arith.addi %mul3A_6, %mul3A_395 : i32
          "tpu.region"() ({
            %run_scoped3A = tpu.sem_alloc : memref<!tpu.dma_semaphore, #tpu.memory_space<semaphore_mem>>
            %dma_start3A_397 = tpu.memref_slice %arg7[%add3A_396] : memref<320000xi32, #tpu.memory_space<hbm>> -> memref<1536xi32, #tpu.memory_space<hbm>>
            %dma_start3A_398 = tpu.memref_slice %arg7[%add3A_396] : memref<320000xi32, #tpu.memory_space<hbm>> -> memref<1536xi32, #tpu.memory_space<hbm>>
            tpu.enqueue_dma source(%dma_start3A_398 : memref<1536xi32, #tpu.memory_space<hbm>>) target(%arg22 : memref<1536xi32, #tpu.memory_space<vmem>>) target_semaphore(%run_scoped3A : memref<!tpu.dma_semaphore, #tpu.memory_space<semaphore_mem>>)
            %dma_wait3A_399 = tpu.memref_slice %arg7[%add3A_396] : memref<320000xi32, #tpu.memory_space<hbm>> -> memref<1536xi32, #tpu.memory_space<hbm>>
            %dma_wait3A_400 = tpu.memref_slice %arg7[%add3A_396] : memref<320000xi32, #tpu.memory_space<hbm>> -> memref<1536xi32, #tpu.memory_space<hbm>>
            tpu.wait_dma2 semaphore(%run_scoped3A : memref<!tpu.dma_semaphore, #tpu.memory_space<semaphore_mem>>) src(%dma_wait3A_400 : memref<1536xi32, #tpu.memory_space<hbm>>) dst(%arg22 : memref<1536xi32, #tpu.memory_space<vmem>>)
            tpu.yield
          }) : () -> ()
        } else {
        }
        %lt3A_357 = arith.constant 77 : i32
        %lt3A_358 = arith.cmpi slt, %scan3A_157, %lt3A_357 : i32
        %convert_element_type3A_359 = arith.extui %lt3A_358 : i1 to i32
        %cond3A_360 = arith.constant 0 : i32
        %cond3A_361 = arith.cmpi ne, %convert_element_type3A_359, %cond3A_360 : i32
        scf.if %cond3A_361 {
          %mul3A_365 = arith.constant 2 : i32
          %mul3A_366 = arith.muli %mul3A_365, %scan3A_157 : i32
          %add3A_367 = arith.constant 2 : i32
          %add3A_368 = arith.addi %mul3A_366, %add3A_367 : i32
          %mul3A_369 = arith.constant 128 : i32
          %mul3A_370 = arith.muli %add3A_368, %mul3A_369 : i32
          %mul3A_371 = arith.constant 2 : i32
          %mul3A_372 = arith.muli %mul3A_371, %scan3A_157 : i32
          %add3A_373 = arith.constant 2 : i32
          %add3A_374 = arith.addi %mul3A_372, %add3A_373 : i32
          %jit3A_375 = arith.constant 12 : i32
          %div3A_376 = arith.divsi %add3A_374, %jit3A_375 : i32
          %sign3A_377 = arith.constant 0 : i32
          %sign3A_378 = arith.cmpi sgt, %add3A_374, %sign3A_377 : i32
          %sign3A_379 = arith.extui %sign3A_378 : i1 to i32
          %sign3A_380 = arith.constant 0 : i32
          %sign3A_381 = arith.cmpi slt, %add3A_374, %sign3A_380 : i32
          %sign3A_382 = arith.extui %sign3A_381 : i1 to i32
          %sign3A_383 = arith.subi %sign3A_379, %sign3A_382 : i32
          %sign3A_384 = arith.constant 0 : i32
          %sign3A_385 = arith.cmpi sgt, %jit3A_375, %sign3A_384 : i32
          %sign3A_386 = arith.extui %sign3A_385 : i1 to i32
          %sign3A_387 = arith.constant 0 : i32
          %sign3A_388 = arith.cmpi slt, %jit3A_375, %sign3A_387 : i32
          %sign3A_389 = arith.extui %sign3A_388 : i1 to i32
          %sign3A_390 = arith.subi %sign3A_386, %sign3A_389 : i32
          %ne3A_391 = arith.cmpi ne, %sign3A_383, %sign3A_390 : i32
          %rem3A_392 = arith.remsi %add3A_374, %jit3A_375 : i32
          %ne3A_393 = arith.constant 0 : i32
          %ne3A_394 = arith.cmpi ne, %rem3A_392, %ne3A_393 : i32
          %and3A_395 = arith.andi %ne3A_391, %ne3A_394 : i1
          %sub3A_396 = arith.constant 1 : i32
          %sub3A_397 = arith.subi %div3A_376, %sub3A_396 : i32
          %select_n3A_398 = arith.select %and3A_395, %sub3A_397, %div3A_376 : i32
          %mul3A_399 = arith.constant 1536 : i32
          %mul3A_400 = arith.muli %select_n3A_398, %mul3A_399 : i32
          %sub3A_401 = arith.subi %mul3A_370, %mul3A_400 : i32
          %add3A_402 = arith.constant 0 : i32
          %add3A_403 = arith.addi %sub3A_401, %add3A_402 : i32
          %get3A_404 = arith.index_cast %add3A_403 : i32 to index
          %get3A_405 = tpu.vector_load %arg21[%get3A_404] {strides = array<i32>} : memref<1536xi32, #tpu.memory_space<vmem>>, vector<16xi32>,
          %get3A_406 = vector.shape_cast %get3A_405 : vector<16xi32> to vector<16xi32>
          %swap3A_407 = arith.constant 0 : index
          %swap3A_408 = tpu.vector_load %arg12[%swap3A_407] {strides = array<i32>} : memref<128xi32, #tpu.memory_space<vmem>>, vector<16xi32>,
          %swap3A_409 = vector.shape_cast %swap3A_408 : vector<16xi32> to vector<16xi32>
          %swap3A_410 = vector.shape_cast %get3A_406 : vector<16xi32> to vector<16xi32>
          tpu.vector_store %arg12[%swap3A_407], %swap3A_410 {strides = array<i32>} : memref<128xi32, #tpu.memory_space<vmem>>, vector<16xi32>,
          %add3A_411 = arith.constant 0 : i32
          %add3A_412 = arith.addi %sub3A_401, %add3A_411 : i32
          %get3A_413 = arith.index_cast %add3A_412 : i32 to index
          %get3A_414 = tpu.vector_load %arg22[%get3A_413] {strides = array<i32>} : memref<1536xi32, #tpu.memory_space<vmem>>, vector<16xi32>,
          %get3A_415 = vector.shape_cast %get3A_414 : vector<16xi32> to vector<16xi32>
          %swap3A_416 = arith.constant 0 : index
          %swap3A_417 = tpu.vector_load %arg14[%swap3A_416] {strides = array<i32>} : memref<128xi32, #tpu.memory_space<vmem>>, vector<16xi32>,
          %swap3A_418 = vector.shape_cast %swap3A_417 : vector<16xi32> to vector<16xi32>
          %swap3A_419 = vector.shape_cast %get3A_415 : vector<16xi32> to vector<16xi32>
          tpu.vector_store %arg14[%swap3A_416], %swap3A_419 {strides = array<i32>} : memref<128xi32, #tpu.memory_space<vmem>>, vector<16xi32>,
          %add3A_420 = arith.constant 16 : i32
          %add3A_421 = arith.addi %sub3A_401, %add3A_420 : i32
          %get3A_422 = arith.index_cast %add3A_421 : i32 to index
          %get3A_423 = tpu.vector_load %arg21[%get3A_422] {strides = array<i32>} : memref<1536xi32, #tpu.memory_space<vmem>>, vector<16xi32>,
          %get3A_424 = vector.shape_cast %get3A_423 : vector<16xi32> to vector<16xi32>
          %swap3A_425 = arith.constant 16 : index
          %swap3A_426 = tpu.vector_load %arg12[%swap3A_425] {strides = array<i32>} : memref<128xi32, #tpu.memory_space<vmem>>, vector<16xi32>,
          %swap3A_427 = vector.shape_cast %swap3A_426 : vector<16xi32> to vector<16xi32>
          %swap3A_428 = vector.shape_cast %get3A_424 : vector<16xi32> to vector<16xi32>
          tpu.vector_store %arg12[%swap3A_425], %swap3A_428 {strides = array<i32>} : memref<128xi32, #tpu.memory_space<vmem>>, vector<16xi32>,
          %add3A_429 = arith.constant 16 : i32
          %add3A_430 = arith.addi %sub3A_401, %add3A_429 : i32
          %get3A_431 = arith.index_cast %add3A_430 : i32 to index
          %get3A_432 = tpu.vector_load %arg22[%get3A_431] {strides = array<i32>} : memref<1536xi32, #tpu.memory_space<vmem>>, vector<16xi32>,
          %get3A_433 = vector.shape_cast %get3A_432 : vector<16xi32> to vector<16xi32>
          %swap3A_434 = arith.constant 16 : index
          %swap3A_435 = tpu.vector_load %arg14[%swap3A_434] {strides = array<i32>} : memref<128xi32, #tpu.memory_space<vmem>>, vector<16xi32>,
          %swap3A_436 = vector.shape_cast %swap3A_435 : vector<16xi32> to vector<16xi32>
          %swap3A_437 = vector.shape_cast %get3A_433 : vector<16xi32> to vector<16xi32>
          tpu.vector_store %arg14[%swap3A_434], %swap3A_437 {strides = array<i32>} : memref<128xi32, #tpu.memory_space<vmem>>, vector<16xi32>,
          %add3A_438 = arith.constant 32 : i32
          %add3A_439 = arith.addi %sub3A_401, %add3A_438 : i32
          %get3A_440 = arith.index_cast %add3A_439 : i32 to index
          %get3A_441 = tpu.vector_load %arg21[%get3A_440] {strides = array<i32>} : memref<1536xi32, #tpu.memory_space<vmem>>, vector<16xi32>,
          %get3A_442 = vector.shape_cast %get3A_441 : vector<16xi32> to vector<16xi32>
          %swap3A_443 = arith.constant 32 : index
          %swap3A_444 = tpu.vector_load %arg12[%swap3A_443] {strides = array<i32>} : memref<128xi32, #tpu.memory_space<vmem>>, vector<16xi32>,
          %swap3A_445 = vector.shape_cast %swap3A_444 : vector<16xi32> to vector<16xi32>
          %swap3A_446 = vector.shape_cast %get3A_442 : vector<16xi32> to vector<16xi32>
          tpu.vector_store %arg12[%swap3A_443], %swap3A_446 {strides = array<i32>} : memref<128xi32, #tpu.memory_space<vmem>>, vector<16xi32>,
          %add3A_447 = arith.constant 32 : i32
          %add3A_448 = arith.addi %sub3A_401, %add3A_447 : i32
          %get3A_449 = arith.index_cast %add3A_448 : i32 to index
          %get3A_450 = tpu.vector_load %arg22[%get3A_449] {strides = array<i32>} : memref<1536xi32, #tpu.memory_space<vmem>>, vector<16xi32>,
          %get3A_451 = vector.shape_cast %get3A_450 : vector<16xi32> to vector<16xi32>
          %swap3A_452 = arith.constant 32 : index
          %swap3A_453 = tpu.vector_load %arg14[%swap3A_452] {strides = array<i32>} : memref<128xi32, #tpu.memory_space<vmem>>, vector<16xi32>,
          %swap3A_454 = vector.shape_cast %swap3A_453 : vector<16xi32> to vector<16xi32>
          %swap3A_455 = vector.shape_cast %get3A_451 : vector<16xi32> to vector<16xi32>
          tpu.vector_store %arg14[%swap3A_452], %swap3A_455 {strides = array<i32>} : memref<128xi32, #tpu.memory_space<vmem>>, vector<16xi32>,
          %add3A_456 = arith.constant 48 : i32
          %add3A_457 = arith.addi %sub3A_401, %add3A_456 : i32
          %get3A_458 = arith.index_cast %add3A_457 : i32 to index
          %get3A_459 = tpu.vector_load %arg21[%get3A_458] {strides = array<i32>} : memref<1536xi32, #tpu.memory_space<vmem>>, vector<16xi32>,
          %get3A_460 = vector.shape_cast %get3A_459 : vector<16xi32> to vector<16xi32>
          %swap3A_461 = arith.constant 48 : index
          %swap3A_462 = tpu.vector_load %arg12[%swap3A_461] {strides = array<i32>} : memref<128xi32, #tpu.memory_space<vmem>>, vector<16xi32>,
          %swap3A_463 = vector.shape_cast %swap3A_462 : vector<16xi32> to vector<16xi32>
          %swap3A_464 = vector.shape_cast %get3A_460 : vector<16xi32> to vector<16xi32>
          tpu.vector_store %arg12[%swap3A_461], %swap3A_464 {strides = array<i32>} : memref<128xi32, #tpu.memory_space<vmem>>, vector<16xi32>,
          %add3A_465 = arith.constant 48 : i32
          %add3A_466 = arith.addi %sub3A_401, %add3A_465 : i32
          %get3A_467 = arith.index_cast %add3A_466 : i32 to index
          %get3A_468 = tpu.vector_load %arg22[%get3A_467] {strides = array<i32>} : memref<1536xi32, #tpu.memory_space<vmem>>, vector<16xi32>,
          %get3A_469 = vector.shape_cast %get3A_468 : vector<16xi32> to vector<16xi32>
          %swap3A_470 = arith.constant 48 : index
          %swap3A_471 = tpu.vector_load %arg14[%swap3A_470] {strides = array<i32>} : memref<128xi32, #tpu.memory_space<vmem>>, vector<16xi32>,
          %swap3A_472 = vector.shape_cast %swap3A_471 : vector<16xi32> to vector<16xi32>
          %swap3A_473 = vector.shape_cast %get3A_469 : vector<16xi32> to vector<16xi32>
          tpu.vector_store %arg14[%swap3A_470], %swap3A_473 {strides = array<i32>} : memref<128xi32, #tpu.memory_space<vmem>>, vector<16xi32>,
          %add3A_474 = arith.constant 64 : i32
          %add3A_475 = arith.addi %sub3A_401, %add3A_474 : i32
          %get3A_476 = arith.index_cast %add3A_475 : i32 to index
          %get3A_477 = tpu.vector_load %arg21[%get3A_476] {strides = array<i32>} : memref<1536xi32, #tpu.memory_space<vmem>>, vector<16xi32>,
          %get3A_478 = vector.shape_cast %get3A_477 : vector<16xi32> to vector<16xi32>
          %swap3A_479 = arith.constant 64 : index
          %swap3A_480 = tpu.vector_load %arg12[%swap3A_479] {strides = array<i32>} : memref<128xi32, #tpu.memory_space<vmem>>, vector<16xi32>,
          %swap3A_481 = vector.shape_cast %swap3A_480 : vector<16xi32> to vector<16xi32>
          %swap3A_482 = vector.shape_cast %get3A_478 : vector<16xi32> to vector<16xi32>
          tpu.vector_store %arg12[%swap3A_479], %swap3A_482 {strides = array<i32>} : memref<128xi32, #tpu.memory_space<vmem>>, vector<16xi32>,
          %add3A_483 = arith.constant 64 : i32
          %add3A_484 = arith.addi %sub3A_401, %add3A_483 : i32
          %get3A_485 = arith.index_cast %add3A_484 : i32 to index
          %get3A_486 = tpu.vector_load %arg22[%get3A_485] {strides = array<i32>} : memref<1536xi32, #tpu.memory_space<vmem>>, vector<16xi32>,
          %get3A_487 = vector.shape_cast %get3A_486 : vector<16xi32> to vector<16xi32>
          %swap3A_488 = arith.constant 64 : index
          %swap3A_489 = tpu.vector_load %arg14[%swap3A_488] {strides = array<i32>} : memref<128xi32, #tpu.memory_space<vmem>>, vector<16xi32>,
          %swap3A_490 = vector.shape_cast %swap3A_489 : vector<16xi32> to vector<16xi32>
          %swap3A_491 = vector.shape_cast %get3A_487 : vector<16xi32> to vector<16xi32>
          tpu.vector_store %arg14[%swap3A_488], %swap3A_491 {strides = array<i32>} : memref<128xi32, #tpu.memory_space<vmem>>, vector<16xi32>,
          %add3A_492 = arith.constant 80 : i32
          %add3A_493 = arith.addi %sub3A_401, %add3A_492 : i32
          %get3A_494 = arith.index_cast %add3A_493 : i32 to index
          %get3A_495 = tpu.vector_load %arg21[%get3A_494] {strides = array<i32>} : memref<1536xi32, #tpu.memory_space<vmem>>, vector<16xi32>,
          %get3A_496 = vector.shape_cast %get3A_495 : vector<16xi32> to vector<16xi32>
          %swap3A_497 = arith.constant 80 : index
          %swap3A_498 = tpu.vector_load %arg12[%swap3A_497] {strides = array<i32>} : memref<128xi32, #tpu.memory_space<vmem>>, vector<16xi32>,
          %swap3A_499 = vector.shape_cast %swap3A_498 : vector<16xi32> to vector<16xi32>
          %swap3A_500 = vector.shape_cast %get3A_496 : vector<16xi32> to vector<16xi32>
          tpu.vector_store %arg12[%swap3A_497], %swap3A_500 {strides = array<i32>} : memref<128xi32, #tpu.memory_space<vmem>>, vector<16xi32>,
          %add3A_501 = arith.constant 80 : i32
          %add3A_502 = arith.addi %sub3A_401, %add3A_501 : i32
          %get3A_503 = arith.index_cast %add3A_502 : i32 to index
          %get3A_504 = tpu.vector_load %arg22[%get3A_503] {strides = array<i32>} : memref<1536xi32, #tpu.memory_space<vmem>>, vector<16xi32>,
          %get3A_505 = vector.shape_cast %get3A_504 : vector<16xi32> to vector<16xi32>
          %swap3A_506 = arith.constant 80 : index
          %swap3A_507 = tpu.vector_load %arg14[%swap3A_506] {strides = array<i32>} : memref<128xi32, #tpu.memory_space<vmem>>, vector<16xi32>,
          %swap3A_508 = vector.shape_cast %swap3A_507 : vector<16xi32> to vector<16xi32>
          %swap3A_509 = vector.shape_cast %get3A_505 : vector<16xi32> to vector<16xi32>
          tpu.vector_store %arg14[%swap3A_506], %swap3A_509 {strides = array<i32>} : memref<128xi32, #tpu.memory_space<vmem>>, vector<16xi32>,
          %add3A_510 = arith.constant 96 : i32
          %add3A_511 = arith.addi %sub3A_401, %add3A_510 : i32
          %get3A_512 = arith.index_cast %add3A_511 : i32 to index
          %get3A_513 = tpu.vector_load %arg21[%get3A_512] {strides = array<i32>} : memref<1536xi32, #tpu.memory_space<vmem>>, vector<16xi32>,
          %get3A_514 = vector.shape_cast %get3A_513 : vector<16xi32> to vector<16xi32>
          %swap3A_515 = arith.constant 96 : index
          %swap3A_516 = tpu.vector_load %arg12[%swap3A_515] {strides = array<i32>} : memref<128xi32, #tpu.memory_space<vmem>>, vector<16xi32>,
          %swap3A_517 = vector.shape_cast %swap3A_516 : vector<16xi32> to vector<16xi32>
          %swap3A_518 = vector.shape_cast %get3A_514 : vector<16xi32> to vector<16xi32>
          tpu.vector_store %arg12[%swap3A_515], %swap3A_518 {strides = array<i32>} : memref<128xi32, #tpu.memory_space<vmem>>, vector<16xi32>,
          %add3A_519 = arith.constant 96 : i32
          %add3A_520 = arith.addi %sub3A_401, %add3A_519 : i32
          %get3A_521 = arith.index_cast %add3A_520 : i32 to index
          %get3A_522 = tpu.vector_load %arg22[%get3A_521] {strides = array<i32>} : memref<1536xi32, #tpu.memory_space<vmem>>, vector<16xi32>,
          %get3A_523 = vector.shape_cast %get3A_522 : vector<16xi32> to vector<16xi32>
          %swap3A_524 = arith.constant 96 : index
          %swap3A_525 = tpu.vector_load %arg14[%swap3A_524] {strides = array<i32>} : memref<128xi32, #tpu.memory_space<vmem>>, vector<16xi32>,
          %swap3A_526 = vector.shape_cast %swap3A_525 : vector<16xi32> to vector<16xi32>
          %swap3A_527 = vector.shape_cast %get3A_523 : vector<16xi32> to vector<16xi32>
          tpu.vector_store %arg14[%swap3A_524], %swap3A_527 {strides = array<i32>} : memref<128xi32, #tpu.memory_space<vmem>>, vector<16xi32>,
          %add3A_528 = arith.constant 112 : i32
          %add3A_529 = arith.addi %sub3A_401, %add3A_528 : i32
          %get3A_530 = arith.index_cast %add3A_529 : i32 to index
          %get3A_531 = tpu.vector_load %arg21[%get3A_530] {strides = array<i32>} : memref<1536xi32, #tpu.memory_space<vmem>>, vector<16xi32>,
          %get3A_532 = vector.shape_cast %get3A_531 : vector<16xi32> to vector<16xi32>
          %swap3A_533 = arith.constant 112 : index
          %swap3A_534 = tpu.vector_load %arg12[%swap3A_533] {strides = array<i32>} : memref<128xi32, #tpu.memory_space<vmem>>, vector<16xi32>,
          %swap3A_535 = vector.shape_cast %swap3A_534 : vector<16xi32> to vector<16xi32>
          %swap3A_536 = vector.shape_cast %get3A_532 : vector<16xi32> to vector<16xi32>
          tpu.vector_store %arg12[%swap3A_533], %swap3A_536 {strides = array<i32>} : memref<128xi32, #tpu.memory_space<vmem>>, vector<16xi32>,
          %add3A_537 = arith.constant 112 : i32
          %add3A_538 = arith.addi %sub3A_401, %add3A_537 : i32
          %get3A_539 = arith.index_cast %add3A_538 : i32 to index
          %get3A_540 = tpu.vector_load %arg22[%get3A_539] {strides = array<i32>} : memref<1536xi32, #tpu.memory_space<vmem>>, vector<16xi32>,
          %get3A_541 = vector.shape_cast %get3A_540 : vector<16xi32> to vector<16xi32>
          %swap3A_542 = arith.constant 112 : index
          %swap3A_543 = tpu.vector_load %arg14[%swap3A_542] {strides = array<i32>} : memref<128xi32, #tpu.memory_space<vmem>>, vector<16xi32>,
          %swap3A_544 = vector.shape_cast %swap3A_543 : vector<16xi32> to vector<16xi32>
          %swap3A_545 = vector.shape_cast %get3A_541 : vector<16xi32> to vector<16xi32>
          tpu.vector_store %arg14[%swap3A_542], %swap3A_545 {strides = array<i32>} : memref<128xi32, #tpu.memory_space<vmem>>, vector<16xi32>,
          %dma_start3A_546 = arith.constant 0 : i32
          %dma_start3A_547 = arith.constant 0 : i32
          %dma_start3A_548 = tpu.memref_slice %arg3[%dma_start3A_546, %dma_start3A_547] : memref<10000x128xf32, #tpu.memory_space<hbm>> -> memref<10000x128xf32, #tpu.memory_space<hbm>>
          tpu.enqueue_indirect_dma source(%dma_start3A_548 : memref<10000x128xf32, #tpu.memory_space<hbm>>) target(%arg18 : memref<128x128xf32, #tpu.memory_space<vmem>>) offsets(%arg12 : memref<128xi32, #tpu.memory_space<vmem>>) semaphore(%arg23 : memref<!tpu.dma_semaphore, #tpu.memory_space<semaphore_mem>>)
        } else {
        }
        %dma_wait3A_362 = arith.constant 0 : i32
        %dma_wait3A_363 = arith.constant 0 : i32
        %dma_wait3A_364 = tpu.memref_slice %arg3[%dma_wait3A_362, %dma_wait3A_363] : memref<10000x128xf32, #tpu.memory_space<hbm>> -> memref<10000x128xf32, #tpu.memory_space<hbm>>
        tpu.wait_indirect_dma semaphore(%arg24 : memref<!tpu.dma_semaphore, #tpu.memory_space<semaphore_mem>>) src(%dma_wait3A_364 : memref<10000x128xf32, #tpu.memory_space<hbm>>) dst(%arg19 : memref<128x128xf32, #tpu.memory_space<vmem>>)
        "tpu.region"() ({
          %run_scoped3A = tpu.sem_alloc : memref<!tpu.dma_semaphore, #tpu.memory_space<semaphore_mem>>
          %dma_start3A_365 = arith.constant 0 : i32
          %dma_start3A_366 = arith.constant 0 : i32
          %dma_start3A_367 = tpu.memref_slice %arg11[%dma_start3A_365, %dma_start3A_366] : memref<10000x128xf32, #tpu.memory_space<vmem_shared>> -> memref<10000x128xf32, #tpu.memory_space<vmem_shared>>
          tpu.enqueue_indirect_dma source(%arg19 : memref<128x128xf32, #tpu.memory_space<vmem>>) target(%dma_start3A_367 : memref<10000x128xf32, #tpu.memory_space<vmem_shared>>) offsets(%arg15 : memref<128xi32, #tpu.memory_space<vmem>>) semaphore(%run_scoped3A : memref<!tpu.dma_semaphore, #tpu.memory_space<semaphore_mem>>) {add = true}
          %dma_wait3A_368 = arith.constant 0 : i32
          %dma_wait3A_369 = arith.constant 0 : i32
          %dma_wait3A_370 = tpu.memref_slice %arg11[%dma_wait3A_368, %dma_wait3A_369] : memref<10000x128xf32, #tpu.memory_space<vmem_shared>> -> memref<10000x128xf32, #tpu.memory_space<vmem_shared>>
          tpu.wait_indirect_dma semaphore(%run_scoped3A : memref<!tpu.dma_semaphore, #tpu.memory_space<semaphore_mem>>) src(%arg19 : memref<128x128xf32, #tpu.memory_space<vmem>>) dst(%dma_wait3A_370 : memref<10000x128xf32, #tpu.memory_space<vmem_shared>>)
          tpu.yield
        }) : () -> ()
      }
      %scan3A_147 = arith.constant 78 : i32
      %add3A_148 = arith.constant 19968 : i32
      %add3A_149 = arith.addi %mul3A_6, %add3A_148 : i32
      "tpu.region"() ({
        %run_scoped3A = tpu.sem_alloc : memref<!tpu.dma_semaphore, #tpu.memory_space<semaphore_mem>>
        %dma_start3A_157 = tpu.memref_slice %arg6[%add3A_149] : memref<320000xi32, #tpu.memory_space<hbm>> -> memref<32xi32, #tpu.memory_space<hbm>>
        %dma_start3A_158 = tpu.memref_slice %arg6[%add3A_149] : memref<320000xi32, #tpu.memory_space<hbm>> -> memref<32xi32, #tpu.memory_space<hbm>>
        tpu.enqueue_dma source(%dma_start3A_158 : memref<32xi32, #tpu.memory_space<hbm>>) target(%arg16 : memref<32xi32, #tpu.memory_space<vmem>>) target_semaphore(%run_scoped3A : memref<!tpu.dma_semaphore, #tpu.memory_space<semaphore_mem>>)
        %dma_wait3A_159 = tpu.memref_slice %arg6[%add3A_149] : memref<320000xi32, #tpu.memory_space<hbm>> -> memref<32xi32, #tpu.memory_space<hbm>>
        %dma_wait3A_160 = tpu.memref_slice %arg6[%add3A_149] : memref<320000xi32, #tpu.memory_space<hbm>> -> memref<32xi32, #tpu.memory_space<hbm>>
        tpu.wait_dma2 semaphore(%run_scoped3A : memref<!tpu.dma_semaphore, #tpu.memory_space<semaphore_mem>>) src(%dma_wait3A_160 : memref<32xi32, #tpu.memory_space<hbm>>) dst(%arg16 : memref<32xi32, #tpu.memory_space<vmem>>)
        tpu.yield
      }) : () -> ()
      %add3A_150 = arith.constant 19968 : i32
      %add3A_151 = arith.addi %mul3A_6, %add3A_150 : i32
      "tpu.region"() ({
        %run_scoped3A = tpu.sem_alloc : memref<!tpu.dma_semaphore, #tpu.memory_space<semaphore_mem>>
        %dma_start3A_157 = tpu.memref_slice %arg7[%add3A_151] : memref<320000xi32, #tpu.memory_space<hbm>> -> memref<32xi32, #tpu.memory_space<hbm>>
        %dma_start3A_158 = tpu.memref_slice %arg7[%add3A_151] : memref<320000xi32, #tpu.memory_space<hbm>> -> memref<32xi32, #tpu.memory_space<hbm>>
        tpu.enqueue_dma source(%dma_start3A_158 : memref<32xi32, #tpu.memory_space<hbm>>) target(%arg17 : memref<32xi32, #tpu.memory_space<vmem>>) target_semaphore(%run_scoped3A : memref<!tpu.dma_semaphore, #tpu.memory_space<semaphore_mem>>)
        %dma_wait3A_159 = tpu.memref_slice %arg7[%add3A_151] : memref<320000xi32, #tpu.memory_space<hbm>> -> memref<32xi32, #tpu.memory_space<hbm>>
        %dma_wait3A_160 = tpu.memref_slice %arg7[%add3A_151] : memref<320000xi32, #tpu.memory_space<hbm>> -> memref<32xi32, #tpu.memory_space<hbm>>
        tpu.wait_dma2 semaphore(%run_scoped3A : memref<!tpu.dma_semaphore, #tpu.memory_space<semaphore_mem>>) src(%dma_wait3A_160 : memref<32xi32, #tpu.memory_space<hbm>>) dst(%arg17 : memref<32xi32, #tpu.memory_space<vmem>>)
        tpu.yield
      }) : () -> ()
      %dma_start3A_152 = arith.constant 0 : i32
      %dma_start3A_153 = arith.constant 0 : i32
      %dma_start3A_154 = tpu.memref_slice %arg3[%dma_start3A_152, %dma_start3A_153] : memref<10000x128xf32, #tpu.memory_space<hbm>> -> memref<10000x128xf32, #tpu.memory_space<hbm>>
      tpu.enqueue_indirect_dma source(%dma_start3A_154 : memref<10000x128xf32, #tpu.memory_space<hbm>>) target(%arg20 : memref<32x128xf32, #tpu.memory_space<vmem>>) offsets(%arg16 : memref<32xi32, #tpu.memory_space<vmem>>) semaphore(%arg23 : memref<!tpu.dma_semaphore, #tpu.memory_space<semaphore_mem>>)
      %dma_wait3A = arith.constant 0 : i32
      %dma_wait3A_155 = arith.constant 0 : i32
      %dma_wait3A_156 = tpu.memref_slice %arg3[%dma_wait3A, %dma_wait3A_155] : memref<10000x128xf32, #tpu.memory_space<hbm>> -> memref<10000x128xf32, #tpu.memory_space<hbm>>
      tpu.wait_indirect_dma semaphore(%arg23 : memref<!tpu.dma_semaphore, #tpu.memory_space<semaphore_mem>>) src(%dma_wait3A_156 : memref<10000x128xf32, #tpu.memory_space<hbm>>) dst(%arg20 : memref<32x128xf32, #tpu.memory_space<vmem>>)
      "tpu.region"() ({
        %run_scoped3A = tpu.sem_alloc : memref<!tpu.dma_semaphore, #tpu.memory_space<semaphore_mem>>
        %dma_start3A_157 = arith.constant 0 : i32
        %dma_start3A_158 = arith.constant 0 : i32
        %dma_start3A_159 = tpu.memref_slice %arg11[%dma_start3A_157, %dma_start3A_158] : memref<10000x128xf32, #tpu.memory_space<vmem_shared>> -> memref<10000x128xf32, #tpu.memory_space<vmem_shared>>
        tpu.enqueue_indirect_dma source(%arg20 : memref<32x128xf32, #tpu.memory_space<vmem>>) target(%dma_start3A_159 : memref<10000x128xf32, #tpu.memory_space<vmem_shared>>) offsets(%arg17 : memref<32xi32, #tpu.memory_space<vmem>>) semaphore(%run_scoped3A : memref<!tpu.dma_semaphore, #tpu.memory_space<semaphore_mem>>) {add = true}
        %dma_wait3A_160 = arith.constant 0 : i32
        %dma_wait3A_161 = arith.constant 0 : i32
        %dma_wait3A_162 = tpu.memref_slice %arg11[%dma_wait3A_160, %dma_wait3A_161] : memref<10000x128xf32, #tpu.memory_space<vmem_shared>> -> memref<10000x128xf32, #tpu.memory_space<vmem_shared>>
        tpu.wait_indirect_dma semaphore(%run_scoped3A : memref<!tpu.dma_semaphore, #tpu.memory_space<semaphore_mem>>) src(%arg20 : memref<32x128xf32, #tpu.memory_space<vmem>>) dst(%dma_wait3A_162 : memref<10000x128xf32, #tpu.memory_space<vmem_shared>>)
        tpu.yield
      }) : () -> ()
    } else {
    }
    %barrier3A_17 = arith.constant 0 : index
    tpu.barrier barrier_id(%barrier3A_17)
    %eq3A_18 = arith.constant 0 : i32
    %eq3A_19 = arith.cmpi eq, %arg0, %eq3A_18 : i32
    %convert_element_type3A_20 = arith.extui %eq3A_19 : i1 to i32
    %cond3A_21 = arith.constant 0 : i32
    %cond3A_22 = arith.cmpi ne, %convert_element_type3A_20, %cond3A_21 : i32
    scf.if %cond3A_22 {
      %lt3A_28 = arith.constant 15 : i32
      %lt3A_29 = arith.cmpi slt, %arg1, %lt3A_28 : i32
      %convert_element_type3A_30 = arith.extui %lt3A_29 : i1 to i32
      %cond3A_31 = arith.constant 0 : i32
      %cond3A_32 = arith.cmpi ne, %convert_element_type3A_30, %cond3A_31 : i32
      scf.if %cond3A_32 {
        %mul3A_38 = arith.constant 624 : i32
        %mul3A_39 = arith.muli %arg1, %mul3A_38 : i32
        %multiple_of3A = tpu.assume_multiple %mul3A_39, 8 : i32
        "tpu.region"() ({
          %run_scoped3A = tpu.sem_alloc : memref<!tpu.dma_semaphore, #tpu.memory_space<semaphore_mem>>
          %dma_start3A = arith.constant 0 : i32
          %dma_start3A_40 = tpu.memref_slice %arg9[%multiple_of3A, %dma_start3A] : memref<10000x128xf32, #tpu.memory_space<hbm>> -> memref<624x128xf32, #tpu.memory_space<hbm>>
          %dma_start3A_41 = arith.constant 0 : i32
          %dma_start3A_42 = tpu.memref_slice %arg11[%multiple_of3A, %dma_start3A_41] : memref<10000x128xf32, #tpu.memory_space<vmem_shared>> -> memref<624x128xf32, #tpu.memory_space<vmem_shared>>
          tpu.enqueue_dma source(%dma_start3A_42 : memref<624x128xf32, #tpu.memory_space<vmem_shared>>) target(%dma_start3A_40 : memref<624x128xf32, #tpu.memory_space<hbm>>) target_semaphore(%run_scoped3A : memref<!tpu.dma_semaphore, #tpu.memory_space<semaphore_mem>>)
          %dma_wait3A = arith.constant 0 : i32
          %dma_wait3A_43 = tpu.memref_slice %arg9[%multiple_of3A, %dma_wait3A] : memref<10000x128xf32, #tpu.memory_space<hbm>> -> memref<624x128xf32, #tpu.memory_space<hbm>>
          %dma_wait3A_44 = arith.constant 0 : i32
          %dma_wait3A_45 = tpu.memref_slice %arg11[%multiple_of3A, %dma_wait3A_44] : memref<10000x128xf32, #tpu.memory_space<vmem_shared>> -> memref<624x128xf32, #tpu.memory_space<vmem_shared>>
          tpu.wait_dma2 semaphore(%run_scoped3A : memref<!tpu.dma_semaphore, #tpu.memory_space<semaphore_mem>>) src(%dma_wait3A_45 : memref<624x128xf32, #tpu.memory_space<vmem_shared>>) dst(%dma_wait3A_43 : memref<624x128xf32, #tpu.memory_space<hbm>>)
          tpu.yield
        }) : () -> ()
      } else {
      }
      %eq3A_33 = arith.constant 15 : i32
      %eq3A_34 = arith.cmpi eq, %arg1, %eq3A_33 : i32
      %convert_element_type3A_35 = arith.extui %eq3A_34 : i1 to i32
      %cond3A_36 = arith.constant 0 : i32
      %cond3A_37 = arith.cmpi ne, %convert_element_type3A_35, %cond3A_36 : i32
      scf.if %cond3A_37 {
        "tpu.region"() ({
          %run_scoped3A = tpu.sem_alloc : memref<!tpu.dma_semaphore, #tpu.memory_space<semaphore_mem>>
          %dma_start3A = arith.constant 9360 : i32
          %dma_start3A_38 = arith.constant 0 : i32
          %dma_start3A_39 = tpu.memref_slice %arg9[%dma_start3A, %dma_start3A_38] : memref<10000x128xf32, #tpu.memory_space<hbm>> -> memref<640x128xf32, #tpu.memory_space<hbm>>
          %dma_start3A_40 = arith.constant 9360 : i32
          %dma_start3A_41 = arith.constant 0 : i32
          %dma_start3A_42 = tpu.memref_slice %arg11[%dma_start3A_40, %dma_start3A_41] : memref<10000x128xf32, #tpu.memory_space<vmem_shared>> -> memref<640x128xf32, #tpu.memory_space<vmem_shared>>
          tpu.enqueue_dma source(%dma_start3A_42 : memref<640x128xf32, #tpu.memory_space<vmem_shared>>) target(%dma_start3A_39 : memref<640x128xf32, #tpu.memory_space<hbm>>) target_semaphore(%run_scoped3A : memref<!tpu.dma_semaphore, #tpu.memory_space<semaphore_mem>>)
          %dma_wait3A = arith.constant 9360 : i32
          %dma_wait3A_43 = arith.constant 0 : i32
          %dma_wait3A_44 = tpu.memref_slice %arg9[%dma_wait3A, %dma_wait3A_43] : memref<10000x128xf32, #tpu.memory_space<hbm>> -> memref<640x128xf32, #tpu.memory_space<hbm>>
          %dma_wait3A_45 = arith.constant 9360 : i32
          %dma_wait3A_46 = arith.constant 0 : i32
          %dma_wait3A_47 = tpu.memref_slice %arg11[%dma_wait3A_45, %dma_wait3A_46] : memref<10000x128xf32, #tpu.memory_space<vmem_shared>> -> memref<640x128xf32, #tpu.memory_space<vmem_shared>>
          tpu.wait_dma2 semaphore(%run_scoped3A : memref<!tpu.dma_semaphore, #tpu.memory_space<semaphore_mem>>) src(%dma_wait3A_47 : memref<640x128xf32, #tpu.memory_space<vmem_shared>>) dst(%dma_wait3A_44 : memref<640x128xf32, #tpu.memory_space<hbm>>)
          tpu.yield
        }) : () -> ()
      } else {
      }
    } else {
    }
    %eq3A_23 = arith.constant 1 : i32
    %eq3A_24 = arith.cmpi eq, %arg0, %eq3A_23 : i32
    %convert_element_type3A_25 = arith.extui %eq3A_24 : i1 to i32
    %cond3A_26 = arith.constant 0 : i32
    %cond3A_27 = arith.cmpi ne, %convert_element_type3A_25, %cond3A_26 : i32
    scf.if %cond3A_27 {
      %lt3A_28 = arith.constant 15 : i32
      %lt3A_29 = arith.cmpi slt, %arg1, %lt3A_28 : i32
      %convert_element_type3A_30 = arith.extui %lt3A_29 : i1 to i32
      %cond3A_31 = arith.constant 0 : i32
      %cond3A_32 = arith.cmpi ne, %convert_element_type3A_30, %cond3A_31 : i32
      scf.if %cond3A_32 {
        %mul3A_38 = arith.constant 624 : i32
        %mul3A_39 = arith.muli %arg1, %mul3A_38 : i32
        %multiple_of3A = tpu.assume_multiple %mul3A_39, 8 : i32
        "tpu.region"() ({
          %run_scoped3A = tpu.sem_alloc : memref<!tpu.dma_semaphore, #tpu.memory_space<semaphore_mem>>
          %dma_start3A = arith.constant 0 : i32
          %dma_start3A_40 = tpu.memref_slice %arg10[%multiple_of3A, %dma_start3A] : memref<10000x128xf32, #tpu.memory_space<hbm>> -> memref<624x128xf32, #tpu.memory_space<hbm>>
          %dma_start3A_41 = arith.constant 0 : i32
          %dma_start3A_42 = tpu.memref_slice %arg11[%multiple_of3A, %dma_start3A_41] : memref<10000x128xf32, #tpu.memory_space<vmem_shared>> -> memref<624x128xf32, #tpu.memory_space<vmem_shared>>
          tpu.enqueue_dma source(%dma_start3A_42 : memref<624x128xf32, #tpu.memory_space<vmem_shared>>) target(%dma_start3A_40 : memref<624x128xf32, #tpu.memory_space<hbm>>) target_semaphore(%run_scoped3A : memref<!tpu.dma_semaphore, #tpu.memory_space<semaphore_mem>>)
          %dma_wait3A = arith.constant 0 : i32
          %dma_wait3A_43 = tpu.memref_slice %arg10[%multiple_of3A, %dma_wait3A] : memref<10000x128xf32, #tpu.memory_space<hbm>> -> memref<624x128xf32, #tpu.memory_space<hbm>>
          %dma_wait3A_44 = arith.constant 0 : i32
          %dma_wait3A_45 = tpu.memref_slice %arg11[%multiple_of3A, %dma_wait3A_44] : memref<10000x128xf32, #tpu.memory_space<vmem_shared>> -> memref<624x128xf32, #tpu.memory_space<vmem_shared>>
          tpu.wait_dma2 semaphore(%run_scoped3A : memref<!tpu.dma_semaphore, #tpu.memory_space<semaphore_mem>>) src(%dma_wait3A_45 : memref<624x128xf32, #tpu.memory_space<vmem_shared>>) dst(%dma_wait3A_43 : memref<624x128xf32, #tpu.memory_space<hbm>>)
          tpu.yield
        }) : () -> ()
      } else {
      }
      %eq3A_33 = arith.constant 15 : i32
      %eq3A_34 = arith.cmpi eq, %arg1, %eq3A_33 : i32
      %convert_element_type3A_35 = arith.extui %eq3A_34 : i1 to i32
      %cond3A_36 = arith.constant 0 : i32
      %cond3A_37 = arith.cmpi ne, %convert_element_type3A_35, %cond3A_36 : i32
      scf.if %cond3A_37 {
        "tpu.region"() ({
          %run_scoped3A = tpu.sem_alloc : memref<!tpu.dma_semaphore, #tpu.memory_space<semaphore_mem>>
          %dma_start3A = arith.constant 9360 : i32
          %dma_start3A_38 = arith.constant 0 : i32
          %dma_start3A_39 = tpu.memref_slice %arg10[%dma_start3A, %dma_start3A_38] : memref<10000x128xf32, #tpu.memory_space<hbm>> -> memref<640x128xf32, #tpu.memory_space<hbm>>
          %dma_start3A_40 = arith.constant 9360 : i32
          %dma_start3A_41 = arith.constant 0 : i32
          %dma_start3A_42 = tpu.memref_slice %arg11[%dma_start3A_40, %dma_start3A_41] : memref<10000x128xf32, #tpu.memory_space<vmem_shared>> -> memref<640x128xf32, #tpu.memory_space<vmem_shared>>
          tpu.enqueue_dma source(%dma_start3A_42 : memref<640x128xf32, #tpu.memory_space<vmem_shared>>) target(%dma_start3A_39 : memref<640x128xf32, #tpu.memory_space<hbm>>) target_semaphore(%run_scoped3A : memref<!tpu.dma_semaphore, #tpu.memory_space<semaphore_mem>>)
          %dma_wait3A = arith.constant 9360 : i32
          %dma_wait3A_43 = arith.constant 0 : i32
          %dma_wait3A_44 = tpu.memref_slice %arg10[%dma_wait3A, %dma_wait3A_43] : memref<10000x128xf32, #tpu.memory_space<hbm>> -> memref<640x128xf32, #tpu.memory_space<hbm>>
          %dma_wait3A_45 = arith.constant 9360 : i32
          %dma_wait3A_46 = arith.constant 0 : i32
          %dma_wait3A_47 = tpu.memref_slice %arg11[%dma_wait3A_45, %dma_wait3A_46] : memref<10000x128xf32, #tpu.memory_space<vmem_shared>> -> memref<640x128xf32, #tpu.memory_space<vmem_shared>>
          tpu.wait_dma2 semaphore(%run_scoped3A : memref<!tpu.dma_semaphore, #tpu.memory_space<semaphore_mem>>) src(%dma_wait3A_47 : memref<640x128xf32, #tpu.memory_space<vmem_shared>>) dst(%dma_wait3A_44 : memref<640x128xf32, #tpu.memory_space<hbm>>)
          tpu.yield
        }) : () -> ()
      } else {
      }
    } else {
    }
    return
  }
}

#map = affine_map<(d0, d1) -> (0)>
#map1 = affine_map<(d0, d1) -> (0, 0)>
module attributes {stable_mosaic.version = 14 : i64} {
  func.func @body(%arg0: i32, %arg1: i32, %arg2: memref<320000xi32, #tpu.memory_space<hbm>>, %arg3: memref<320000xi32, #tpu.memory_space<hbm>>, %arg4: memref<10000x16xf32, #tpu.memory_space<hbm>>, %arg5: memref<128x16xf32, #tpu.memory_space<hbm>>, %arg6: memref<10000x16xf32, #tpu.memory_space<hbm>>, %arg7: memref<10000x16xf32, #tpu.memory_space<hbm>>, %arg8: memref<10000x16xf32, #tpu.memory_space<vmem_shared>>, %arg9: memref<128xi32, #tpu.memory_space<vmem>>, %arg10: memref<32xi32, #tpu.memory_space<vmem>>, %arg11: memref<128x16xf32, #tpu.memory_space<vmem>>, %arg12: memref<20000xi32, #tpu.memory_space<vmem>>) attributes {dimension_semantics = [#tpu.dimension_semantics<core_parallel>, #tpu.dimension_semantics<subcore_parallel>], iteration_bounds = array<i64: 2, 16>, scalar_prefetch = 0 : i64, scratch_operands = 5 : i64, tpu.core_type = #tpu.core_type<sc_vector_subcore>, window_params = [{transform_indices = #map}, {transform_indices = #map}, {transform_indices = #map1}, {transform_indices = #map1}, {transform_indices = #map1}, {transform_indices = #map1}]} {
    %lt3A = arith.constant 15 : i32
    %lt3A_0 = arith.cmpi slt, %arg1, %lt3A : i32
    %convert_element_type3A = arith.extui %lt3A_0 : i1 to i32
    %cond3A = arith.constant 0 : i32
    %cond3A_1 = arith.cmpi ne, %convert_element_type3A, %cond3A : i32
    scf.if %cond3A_1 {
      %mul3A_28 = arith.constant 624 : i32
      %mul3A_29 = arith.muli %arg1, %mul3A_28 : i32
      %multiple_of3A = tpu.assume_multiple %mul3A_29, 8 : i32
      "tpu.region"() ({
        %run_scoped3A = tpu.sem_alloc : memref<!tpu.dma_semaphore, #tpu.memory_space<semaphore_mem>>
        %dma_start3A = arith.constant 0 : i32
        %dma_start3A_30 = tpu.memref_slice %arg8[%multiple_of3A, %dma_start3A] : memref<10000x16xf32, #tpu.memory_space<vmem_shared>> -> memref<624x16xf32, #tpu.memory_space<vmem_shared>>
        %dma_start3A_31 = arith.constant 0 : i32
        %dma_start3A_32 = tpu.memref_slice %arg4[%multiple_of3A, %dma_start3A_31] : memref<10000x16xf32, #tpu.memory_space<hbm>> -> memref<624x16xf32, #tpu.memory_space<hbm>>
        tpu.enqueue_dma source(%dma_start3A_32 : memref<624x16xf32, #tpu.memory_space<hbm>>) target(%dma_start3A_30 : memref<624x16xf32, #tpu.memory_space<vmem_shared>>) target_semaphore(%run_scoped3A : memref<!tpu.dma_semaphore, #tpu.memory_space<semaphore_mem>>)
        %dma_wait3A = arith.constant 0 : i32
        %dma_wait3A_33 = tpu.memref_slice %arg8[%multiple_of3A, %dma_wait3A] : memref<10000x16xf32, #tpu.memory_space<vmem_shared>> -> memref<624x16xf32, #tpu.memory_space<vmem_shared>>
        %dma_wait3A_34 = arith.constant 0 : i32
        %dma_wait3A_35 = tpu.memref_slice %arg4[%multiple_of3A, %dma_wait3A_34] : memref<10000x16xf32, #tpu.memory_space<hbm>> -> memref<624x16xf32, #tpu.memory_space<hbm>>
        tpu.wait_dma2 semaphore(%run_scoped3A : memref<!tpu.dma_semaphore, #tpu.memory_space<semaphore_mem>>) src(%dma_wait3A_35 : memref<624x16xf32, #tpu.memory_space<hbm>>) dst(%dma_wait3A_33 : memref<624x16xf32, #tpu.memory_space<vmem_shared>>)
        tpu.yield
      }) : () -> ()
    } else {
    }
    %eq3A = arith.constant 15 : i32
    %eq3A_2 = arith.cmpi eq, %arg1, %eq3A : i32
    %convert_element_type3A_3 = arith.extui %eq3A_2 : i1 to i32
    %cond3A_4 = arith.constant 0 : i32
    %cond3A_5 = arith.cmpi ne, %convert_element_type3A_3, %cond3A_4 : i32
    scf.if %cond3A_5 {
      "tpu.region"() ({
        %run_scoped3A = tpu.sem_alloc : memref<!tpu.dma_semaphore, #tpu.memory_space<semaphore_mem>>
        %dma_start3A = arith.constant 9360 : i32
        %dma_start3A_28 = arith.constant 0 : i32
        %dma_start3A_29 = tpu.memref_slice %arg8[%dma_start3A, %dma_start3A_28] : memref<10000x16xf32, #tpu.memory_space<vmem_shared>> -> memref<640x16xf32, #tpu.memory_space<vmem_shared>>
        %dma_start3A_30 = arith.constant 9360 : i32
        %dma_start3A_31 = arith.constant 0 : i32
        %dma_start3A_32 = tpu.memref_slice %arg4[%dma_start3A_30, %dma_start3A_31] : memref<10000x16xf32, #tpu.memory_space<hbm>> -> memref<640x16xf32, #tpu.memory_space<hbm>>
        tpu.enqueue_dma source(%dma_start3A_32 : memref<640x16xf32, #tpu.memory_space<hbm>>) target(%dma_start3A_29 : memref<640x16xf32, #tpu.memory_space<vmem_shared>>) target_semaphore(%run_scoped3A : memref<!tpu.dma_semaphore, #tpu.memory_space<semaphore_mem>>)
        %dma_wait3A = arith.constant 9360 : i32
        %dma_wait3A_33 = arith.constant 0 : i32
        %dma_wait3A_34 = tpu.memref_slice %arg8[%dma_wait3A, %dma_wait3A_33] : memref<10000x16xf32, #tpu.memory_space<vmem_shared>> -> memref<640x16xf32, #tpu.memory_space<vmem_shared>>
        %dma_wait3A_35 = arith.constant 9360 : i32
        %dma_wait3A_36 = arith.constant 0 : i32
        %dma_wait3A_37 = tpu.memref_slice %arg4[%dma_wait3A_35, %dma_wait3A_36] : memref<10000x16xf32, #tpu.memory_space<hbm>> -> memref<640x16xf32, #tpu.memory_space<hbm>>
        tpu.wait_dma2 semaphore(%run_scoped3A : memref<!tpu.dma_semaphore, #tpu.memory_space<semaphore_mem>>) src(%dma_wait3A_37 : memref<640x16xf32, #tpu.memory_space<hbm>>) dst(%dma_wait3A_34 : memref<640x16xf32, #tpu.memory_space<vmem_shared>>)
        tpu.yield
      }) : () -> ()
    } else {
    }
    "tpu.region"() ({
      %run_scoped3A = tpu.sem_alloc : memref<!tpu.dma_semaphore, #tpu.memory_space<semaphore_mem>>
      tpu.enqueue_dma source(%arg5 : memref<128x16xf32, #tpu.memory_space<hbm>>) target(%arg11 : memref<128x16xf32, #tpu.memory_space<vmem>>) target_semaphore(%run_scoped3A : memref<!tpu.dma_semaphore, #tpu.memory_space<semaphore_mem>>)
      tpu.wait_dma2 semaphore(%run_scoped3A : memref<!tpu.dma_semaphore, #tpu.memory_space<semaphore_mem>>) src(%arg5 : memref<128x16xf32, #tpu.memory_space<hbm>>) dst(%arg11 : memref<128x16xf32, #tpu.memory_space<vmem>>)
      tpu.yield
    }) : () -> ()
    %barrier3A = arith.constant 0 : index
    tpu.barrier barrier_id(%barrier3A)
    %mul3A = arith.constant 20000 : i32
    %mul3A_6 = arith.muli %arg1, %mul3A : i32
    %eq3A_7 = arith.constant 0 : i32
    %eq3A_8 = arith.cmpi eq, %arg0, %eq3A_7 : i32
    %convert_element_type3A_9 = arith.extui %eq3A_8 : i1 to i32
    %cond3A_10 = arith.constant 0 : i32
    %cond3A_11 = arith.cmpi ne, %convert_element_type3A_9, %cond3A_10 : i32
    scf.if %cond3A_11 {
      "tpu.region"() ({
        %run_scoped3A = tpu.sem_alloc : memref<!tpu.dma_semaphore, #tpu.memory_space<semaphore_mem>>
        %dma_start3A = tpu.memref_slice %arg2[%mul3A_6] : memref<320000xi32, #tpu.memory_space<hbm>> -> memref<20000xi32, #tpu.memory_space<hbm>>
        %dma_start3A_45 = tpu.memref_slice %arg2[%mul3A_6] : memref<320000xi32, #tpu.memory_space<hbm>> -> memref<20000xi32, #tpu.memory_space<hbm>>
        tpu.enqueue_dma source(%dma_start3A_45 : memref<20000xi32, #tpu.memory_space<hbm>>) target(%arg12 : memref<20000xi32, #tpu.memory_space<vmem>>) target_semaphore(%run_scoped3A : memref<!tpu.dma_semaphore, #tpu.memory_space<semaphore_mem>>)
        %dma_wait3A = tpu.memref_slice %arg2[%mul3A_6] : memref<320000xi32, #tpu.memory_space<hbm>> -> memref<20000xi32, #tpu.memory_space<hbm>>
        %dma_wait3A_46 = tpu.memref_slice %arg2[%mul3A_6] : memref<320000xi32, #tpu.memory_space<hbm>> -> memref<20000xi32, #tpu.memory_space<hbm>>
        tpu.wait_dma2 semaphore(%run_scoped3A : memref<!tpu.dma_semaphore, #tpu.memory_space<semaphore_mem>>) src(%dma_wait3A_46 : memref<20000xi32, #tpu.memory_space<hbm>>) dst(%arg12 : memref<20000xi32, #tpu.memory_space<vmem>>)
        tpu.yield
      }) : () -> ()
      %scan3A = arith.constant 0 : i32
      %scan3A_28 = arith.constant 0 : i32
      %scan3A_29 = arith.constant 156 : i32
      %scan3A_30 = arith.addi %scan3A_28, %scan3A_29 : i32
      %scan3A_31 = arith.constant 1 : i32
      scf.for %scan3A_45 = %scan3A_28 to %scan3A_30 step %scan3A_31  : i32 {
        %mul3A_46 = arith.constant 128 : i32
        %mul3A_47 = arith.muli %scan3A_45, %mul3A_46 : i32
        %add3A = arith.constant 0 : i32
        %add3A_48 = arith.addi %mul3A_47, %add3A : i32
        %get3A_49 = arith.index_cast %add3A_48 : i32 to index
        %get3A_50 = tpu.vector_load %arg12[%get3A_49] {strides = array<i32>} : memref<20000xi32, #tpu.memory_space<vmem>>, vector<16xi32>,
        %get3A_51 = vector.shape_cast %get3A_50 : vector<16xi32> to vector<16xi32>
        %swap3A_52 = arith.constant 0 : index
        %swap3A_53 = tpu.vector_load %arg9[%swap3A_52] {strides = array<i32>} : memref<128xi32, #tpu.memory_space<vmem>>, vector<16xi32>,
        %swap3A_54 = vector.shape_cast %swap3A_53 : vector<16xi32> to vector<16xi32>
        %swap3A_55 = vector.shape_cast %get3A_51 : vector<16xi32> to vector<16xi32>
        tpu.vector_store %arg9[%swap3A_52], %swap3A_55 {strides = array<i32>} : memref<128xi32, #tpu.memory_space<vmem>>, vector<16xi32>,
        %mul3A_56 = arith.constant 128 : i32
        %mul3A_57 = arith.muli %scan3A_45, %mul3A_56 : i32
        %add3A_58 = arith.constant 16 : i32
        %add3A_59 = arith.addi %mul3A_57, %add3A_58 : i32
        %get3A_60 = arith.index_cast %add3A_59 : i32 to index
        %get3A_61 = tpu.vector_load %arg12[%get3A_60] {strides = array<i32>} : memref<20000xi32, #tpu.memory_space<vmem>>, vector<16xi32>,
        %get3A_62 = vector.shape_cast %get3A_61 : vector<16xi32> to vector<16xi32>
        %swap3A_63 = arith.constant 16 : index
        %swap3A_64 = tpu.vector_load %arg9[%swap3A_63] {strides = array<i32>} : memref<128xi32, #tpu.memory_space<vmem>>, vector<16xi32>,
        %swap3A_65 = vector.shape_cast %swap3A_64 : vector<16xi32> to vector<16xi32>
        %swap3A_66 = vector.shape_cast %get3A_62 : vector<16xi32> to vector<16xi32>
        tpu.vector_store %arg9[%swap3A_63], %swap3A_66 {strides = array<i32>} : memref<128xi32, #tpu.memory_space<vmem>>, vector<16xi32>,
        %mul3A_67 = arith.constant 128 : i32
        %mul3A_68 = arith.muli %scan3A_45, %mul3A_67 : i32
        %add3A_69 = arith.constant 32 : i32
        %add3A_70 = arith.addi %mul3A_68, %add3A_69 : i32
        %get3A_71 = arith.index_cast %add3A_70 : i32 to index
        %get3A_72 = tpu.vector_load %arg12[%get3A_71] {strides = array<i32>} : memref<20000xi32, #tpu.memory_space<vmem>>, vector<16xi32>,
        %get3A_73 = vector.shape_cast %get3A_72 : vector<16xi32> to vector<16xi32>
        %swap3A_74 = arith.constant 32 : index
        %swap3A_75 = tpu.vector_load %arg9[%swap3A_74] {strides = array<i32>} : memref<128xi32, #tpu.memory_space<vmem>>, vector<16xi32>,
        %swap3A_76 = vector.shape_cast %swap3A_75 : vector<16xi32> to vector<16xi32>
        %swap3A_77 = vector.shape_cast %get3A_73 : vector<16xi32> to vector<16xi32>
        tpu.vector_store %arg9[%swap3A_74], %swap3A_77 {strides = array<i32>} : memref<128xi32, #tpu.memory_space<vmem>>, vector<16xi32>,
        %mul3A_78 = arith.constant 128 : i32
        %mul3A_79 = arith.muli %scan3A_45, %mul3A_78 : i32
        %add3A_80 = arith.constant 48 : i32
        %add3A_81 = arith.addi %mul3A_79, %add3A_80 : i32
        %get3A_82 = arith.index_cast %add3A_81 : i32 to index
        %get3A_83 = tpu.vector_load %arg12[%get3A_82] {strides = array<i32>} : memref<20000xi32, #tpu.memory_space<vmem>>, vector<16xi32>,
        %get3A_84 = vector.shape_cast %get3A_83 : vector<16xi32> to vector<16xi32>
        %swap3A_85 = arith.constant 48 : index
        %swap3A_86 = tpu.vector_load %arg9[%swap3A_85] {strides = array<i32>} : memref<128xi32, #tpu.memory_space<vmem>>, vector<16xi32>,
        %swap3A_87 = vector.shape_cast %swap3A_86 : vector<16xi32> to vector<16xi32>
        %swap3A_88 = vector.shape_cast %get3A_84 : vector<16xi32> to vector<16xi32>
        tpu.vector_store %arg9[%swap3A_85], %swap3A_88 {strides = array<i32>} : memref<128xi32, #tpu.memory_space<vmem>>, vector<16xi32>,
        %mul3A_89 = arith.constant 128 : i32
        %mul3A_90 = arith.muli %scan3A_45, %mul3A_89 : i32
        %add3A_91 = arith.constant 64 : i32
        %add3A_92 = arith.addi %mul3A_90, %add3A_91 : i32
        %get3A_93 = arith.index_cast %add3A_92 : i32 to index
        %get3A_94 = tpu.vector_load %arg12[%get3A_93] {strides = array<i32>} : memref<20000xi32, #tpu.memory_space<vmem>>, vector<16xi32>,
        %get3A_95 = vector.shape_cast %get3A_94 : vector<16xi32> to vector<16xi32>
        %swap3A_96 = arith.constant 64 : index
        %swap3A_97 = tpu.vector_load %arg9[%swap3A_96] {strides = array<i32>} : memref<128xi32, #tpu.memory_space<vmem>>, vector<16xi32>,
        %swap3A_98 = vector.shape_cast %swap3A_97 : vector<16xi32> to vector<16xi32>
        %swap3A_99 = vector.shape_cast %get3A_95 : vector<16xi32> to vector<16xi32>
        tpu.vector_store %arg9[%swap3A_96], %swap3A_99 {strides = array<i32>} : memref<128xi32, #tpu.memory_space<vmem>>, vector<16xi32>,
        %mul3A_100 = arith.constant 128 : i32
        %mul3A_101 = arith.muli %scan3A_45, %mul3A_100 : i32
        %add3A_102 = arith.constant 80 : i32
        %add3A_103 = arith.addi %mul3A_101, %add3A_102 : i32
        %get3A_104 = arith.index_cast %add3A_103 : i32 to index
        %get3A_105 = tpu.vector_load %arg12[%get3A_104] {strides = array<i32>} : memref<20000xi32, #tpu.memory_space<vmem>>, vector<16xi32>,
        %get3A_106 = vector.shape_cast %get3A_105 : vector<16xi32> to vector<16xi32>
        %swap3A_107 = arith.constant 80 : index
        %swap3A_108 = tpu.vector_load %arg9[%swap3A_107] {strides = array<i32>} : memref<128xi32, #tpu.memory_space<vmem>>, vector<16xi32>,
        %swap3A_109 = vector.shape_cast %swap3A_108 : vector<16xi32> to vector<16xi32>
        %swap3A_110 = vector.shape_cast %get3A_106 : vector<16xi32> to vector<16xi32>
        tpu.vector_store %arg9[%swap3A_107], %swap3A_110 {strides = array<i32>} : memref<128xi32, #tpu.memory_space<vmem>>, vector<16xi32>,
        %mul3A_111 = arith.constant 128 : i32
        %mul3A_112 = arith.muli %scan3A_45, %mul3A_111 : i32
        %add3A_113 = arith.constant 96 : i32
        %add3A_114 = arith.addi %mul3A_112, %add3A_113 : i32
        %get3A_115 = arith.index_cast %add3A_114 : i32 to index
        %get3A_116 = tpu.vector_load %arg12[%get3A_115] {strides = array<i32>} : memref<20000xi32, #tpu.memory_space<vmem>>, vector<16xi32>,
        %get3A_117 = vector.shape_cast %get3A_116 : vector<16xi32> to vector<16xi32>
        %swap3A_118 = arith.constant 96 : index
        %swap3A_119 = tpu.vector_load %arg9[%swap3A_118] {strides = array<i32>} : memref<128xi32, #tpu.memory_space<vmem>>, vector<16xi32>,
        %swap3A_120 = vector.shape_cast %swap3A_119 : vector<16xi32> to vector<16xi32>
        %swap3A_121 = vector.shape_cast %get3A_117 : vector<16xi32> to vector<16xi32>
        tpu.vector_store %arg9[%swap3A_118], %swap3A_121 {strides = array<i32>} : memref<128xi32, #tpu.memory_space<vmem>>, vector<16xi32>,
        %mul3A_122 = arith.constant 128 : i32
        %mul3A_123 = arith.muli %scan3A_45, %mul3A_122 : i32
        %add3A_124 = arith.constant 112 : i32
        %add3A_125 = arith.addi %mul3A_123, %add3A_124 : i32
        %get3A_126 = arith.index_cast %add3A_125 : i32 to index
        %get3A_127 = tpu.vector_load %arg12[%get3A_126] {strides = array<i32>} : memref<20000xi32, #tpu.memory_space<vmem>>, vector<16xi32>,
        %get3A_128 = vector.shape_cast %get3A_127 : vector<16xi32> to vector<16xi32>
        %swap3A_129 = arith.constant 112 : index
        %swap3A_130 = tpu.vector_load %arg9[%swap3A_129] {strides = array<i32>} : memref<128xi32, #tpu.memory_space<vmem>>, vector<16xi32>,
        %swap3A_131 = vector.shape_cast %swap3A_130 : vector<16xi32> to vector<16xi32>
        %swap3A_132 = vector.shape_cast %get3A_128 : vector<16xi32> to vector<16xi32>
        tpu.vector_store %arg9[%swap3A_129], %swap3A_132 {strides = array<i32>} : memref<128xi32, #tpu.memory_space<vmem>>, vector<16xi32>,
        "tpu.region"() ({
          %run_scoped3A = tpu.sem_alloc : memref<!tpu.dma_semaphore, #tpu.memory_space<semaphore_mem>>
          %dma_start3A = arith.constant 0 : i32
          %dma_start3A_133 = arith.constant 0 : i32
          %dma_start3A_134 = tpu.memref_slice %arg8[%dma_start3A, %dma_start3A_133] : memref<10000x16xf32, #tpu.memory_space<vmem_shared>> -> memref<10000x16xf32, #tpu.memory_space<vmem_shared>>
          tpu.enqueue_indirect_dma source(%arg11 : memref<128x16xf32, #tpu.memory_space<vmem>>) target(%dma_start3A_134 : memref<10000x16xf32, #tpu.memory_space<vmem_shared>>) offsets(%arg9 : memref<128xi32, #tpu.memory_space<vmem>>) semaphore(%run_scoped3A : memref<!tpu.dma_semaphore, #tpu.memory_space<semaphore_mem>>) {add = true}
          %dma_wait3A = arith.constant 0 : i32
          %dma_wait3A_135 = arith.constant 0 : i32
          %dma_wait3A_136 = tpu.memref_slice %arg8[%dma_wait3A, %dma_wait3A_135] : memref<10000x16xf32, #tpu.memory_space<vmem_shared>> -> memref<10000x16xf32, #tpu.memory_space<vmem_shared>>
          tpu.wait_indirect_dma semaphore(%run_scoped3A : memref<!tpu.dma_semaphore, #tpu.memory_space<semaphore_mem>>) src(%arg11 : memref<128x16xf32, #tpu.memory_space<vmem>>) dst(%dma_wait3A_136 : memref<10000x16xf32, #tpu.memory_space<vmem_shared>>)
          tpu.yield
        }) : () -> ()
      }
      %scan3A_32 = arith.constant 156 : i32
      %get3A = arith.constant 19968 : index
      %get3A_33 = tpu.vector_load %arg12[%get3A] {strides = array<i32>} : memref<20000xi32, #tpu.memory_space<vmem>>, vector<16xi32>,
      %get3A_34 = vector.shape_cast %get3A_33 : vector<16xi32> to vector<16xi32>
      %swap3A = arith.constant 0 : index
      %swap3A_35 = tpu.vector_load %arg10[%swap3A] {strides = array<i32>} : memref<32xi32, #tpu.memory_space<vmem>>, vector<16xi32>,
      %swap3A_36 = vector.shape_cast %swap3A_35 : vector<16xi32> to vector<16xi32>
      %swap3A_37 = vector.shape_cast %get3A_34 : vector<16xi32> to vector<16xi32>
      tpu.vector_store %arg10[%swap3A], %swap3A_37 {strides = array<i32>} : memref<32xi32, #tpu.memory_space<vmem>>, vector<16xi32>,
      %get3A_38 = arith.constant 19984 : index
      %get3A_39 = tpu.vector_load %arg12[%get3A_38] {strides = array<i32>} : memref<20000xi32, #tpu.memory_space<vmem>>, vector<16xi32>,
      %get3A_40 = vector.shape_cast %get3A_39 : vector<16xi32> to vector<16xi32>
      %swap3A_41 = arith.constant 16 : index
      %swap3A_42 = tpu.vector_load %arg10[%swap3A_41] {strides = array<i32>} : memref<32xi32, #tpu.memory_space<vmem>>, vector<16xi32>,
      %swap3A_43 = vector.shape_cast %swap3A_42 : vector<16xi32> to vector<16xi32>
      %swap3A_44 = vector.shape_cast %get3A_40 : vector<16xi32> to vector<16xi32>
      tpu.vector_store %arg10[%swap3A_41], %swap3A_44 {strides = array<i32>} : memref<32xi32, #tpu.memory_space<vmem>>, vector<16xi32>,
      "tpu.region"() ({
        %run_scoped3A = tpu.sem_alloc : memref<!tpu.dma_semaphore, #tpu.memory_space<semaphore_mem>>
        %dma_start3A = arith.constant 0 : i32
        %dma_start3A_45 = arith.constant 0 : i32
        %dma_start3A_46 = tpu.memref_slice %arg11[%dma_start3A, %dma_start3A_45] : memref<128x16xf32, #tpu.memory_space<vmem>> -> memref<32x16xf32, #tpu.memory_space<vmem>>
        %dma_start3A_47 = arith.constant 0 : i32
        %dma_start3A_48 = arith.constant 0 : i32
        %dma_start3A_49 = tpu.memref_slice %arg8[%dma_start3A_47, %dma_start3A_48] : memref<10000x16xf32, #tpu.memory_space<vmem_shared>> -> memref<10000x16xf32, #tpu.memory_space<vmem_shared>>
        tpu.enqueue_indirect_dma source(%dma_start3A_46 : memref<32x16xf32, #tpu.memory_space<vmem>>) target(%dma_start3A_49 : memref<10000x16xf32, #tpu.memory_space<vmem_shared>>) offsets(%arg10 : memref<32xi32, #tpu.memory_space<vmem>>) semaphore(%run_scoped3A : memref<!tpu.dma_semaphore, #tpu.memory_space<semaphore_mem>>) {add = true}
        %dma_wait3A = arith.constant 0 : i32
        %dma_wait3A_50 = arith.constant 0 : i32
        %dma_wait3A_51 = tpu.memref_slice %arg11[%dma_wait3A, %dma_wait3A_50] : memref<128x16xf32, #tpu.memory_space<vmem>> -> memref<32x16xf32, #tpu.memory_space<vmem>>
        %dma_wait3A_52 = arith.constant 0 : i32
        %dma_wait3A_53 = arith.constant 0 : i32
        %dma_wait3A_54 = tpu.memref_slice %arg8[%dma_wait3A_52, %dma_wait3A_53] : memref<10000x16xf32, #tpu.memory_space<vmem_shared>> -> memref<10000x16xf32, #tpu.memory_space<vmem_shared>>
        tpu.wait_indirect_dma semaphore(%run_scoped3A : memref<!tpu.dma_semaphore, #tpu.memory_space<semaphore_mem>>) src(%dma_wait3A_51 : memref<32x16xf32, #tpu.memory_space<vmem>>) dst(%dma_wait3A_54 : memref<10000x16xf32, #tpu.memory_space<vmem_shared>>)
        tpu.yield
      }) : () -> ()
    } else {
    }
    %eq3A_12 = arith.constant 1 : i32
    %eq3A_13 = arith.cmpi eq, %arg0, %eq3A_12 : i32
    %convert_element_type3A_14 = arith.extui %eq3A_13 : i1 to i32
    %cond3A_15 = arith.constant 0 : i32
    %cond3A_16 = arith.cmpi ne, %convert_element_type3A_14, %cond3A_15 : i32
    scf.if %cond3A_16 {
      "tpu.region"() ({
        %run_scoped3A = tpu.sem_alloc : memref<!tpu.dma_semaphore, #tpu.memory_space<semaphore_mem>>
        %dma_start3A = tpu.memref_slice %arg3[%mul3A_6] : memref<320000xi32, #tpu.memory_space<hbm>> -> memref<20000xi32, #tpu.memory_space<hbm>>
        %dma_start3A_45 = tpu.memref_slice %arg3[%mul3A_6] : memref<320000xi32, #tpu.memory_space<hbm>> -> memref<20000xi32, #tpu.memory_space<hbm>>
        tpu.enqueue_dma source(%dma_start3A_45 : memref<20000xi32, #tpu.memory_space<hbm>>) target(%arg12 : memref<20000xi32, #tpu.memory_space<vmem>>) target_semaphore(%run_scoped3A : memref<!tpu.dma_semaphore, #tpu.memory_space<semaphore_mem>>)
        %dma_wait3A = tpu.memref_slice %arg3[%mul3A_6] : memref<320000xi32, #tpu.memory_space<hbm>> -> memref<20000xi32, #tpu.memory_space<hbm>>
        %dma_wait3A_46 = tpu.memref_slice %arg3[%mul3A_6] : memref<320000xi32, #tpu.memory_space<hbm>> -> memref<20000xi32, #tpu.memory_space<hbm>>
        tpu.wait_dma2 semaphore(%run_scoped3A : memref<!tpu.dma_semaphore, #tpu.memory_space<semaphore_mem>>) src(%dma_wait3A_46 : memref<20000xi32, #tpu.memory_space<hbm>>) dst(%arg12 : memref<20000xi32, #tpu.memory_space<vmem>>)
        tpu.yield
      }) : () -> ()
      %scan3A = arith.constant 0 : i32
      %scan3A_28 = arith.constant 0 : i32
      %scan3A_29 = arith.constant 156 : i32
      %scan3A_30 = arith.addi %scan3A_28, %scan3A_29 : i32
      %scan3A_31 = arith.constant 1 : i32
      scf.for %scan3A_45 = %scan3A_28 to %scan3A_30 step %scan3A_31  : i32 {
        %mul3A_46 = arith.constant 128 : i32
        %mul3A_47 = arith.muli %scan3A_45, %mul3A_46 : i32
        %add3A = arith.constant 0 : i32
        %add3A_48 = arith.addi %mul3A_47, %add3A : i32
        %get3A_49 = arith.index_cast %add3A_48 : i32 to index
        %get3A_50 = tpu.vector_load %arg12[%get3A_49] {strides = array<i32>} : memref<20000xi32, #tpu.memory_space<vmem>>, vector<16xi32>,
        %get3A_51 = vector.shape_cast %get3A_50 : vector<16xi32> to vector<16xi32>
        %swap3A_52 = arith.constant 0 : index
        %swap3A_53 = tpu.vector_load %arg9[%swap3A_52] {strides = array<i32>} : memref<128xi32, #tpu.memory_space<vmem>>, vector<16xi32>,
        %swap3A_54 = vector.shape_cast %swap3A_53 : vector<16xi32> to vector<16xi32>
        %swap3A_55 = vector.shape_cast %get3A_51 : vector<16xi32> to vector<16xi32>
        tpu.vector_store %arg9[%swap3A_52], %swap3A_55 {strides = array<i32>} : memref<128xi32, #tpu.memory_space<vmem>>, vector<16xi32>,
        %mul3A_56 = arith.constant 128 : i32
        %mul3A_57 = arith.muli %scan3A_45, %mul3A_56 : i32
        %add3A_58 = arith.constant 16 : i32
        %add3A_59 = arith.addi %mul3A_57, %add3A_58 : i32
        %get3A_60 = arith.index_cast %add3A_59 : i32 to index
        %get3A_61 = tpu.vector_load %arg12[%get3A_60] {strides = array<i32>} : memref<20000xi32, #tpu.memory_space<vmem>>, vector<16xi32>,
        %get3A_62 = vector.shape_cast %get3A_61 : vector<16xi32> to vector<16xi32>
        %swap3A_63 = arith.constant 16 : index
        %swap3A_64 = tpu.vector_load %arg9[%swap3A_63] {strides = array<i32>} : memref<128xi32, #tpu.memory_space<vmem>>, vector<16xi32>,
        %swap3A_65 = vector.shape_cast %swap3A_64 : vector<16xi32> to vector<16xi32>
        %swap3A_66 = vector.shape_cast %get3A_62 : vector<16xi32> to vector<16xi32>
        tpu.vector_store %arg9[%swap3A_63], %swap3A_66 {strides = array<i32>} : memref<128xi32, #tpu.memory_space<vmem>>, vector<16xi32>,
        %mul3A_67 = arith.constant 128 : i32
        %mul3A_68 = arith.muli %scan3A_45, %mul3A_67 : i32
        %add3A_69 = arith.constant 32 : i32
        %add3A_70 = arith.addi %mul3A_68, %add3A_69 : i32
        %get3A_71 = arith.index_cast %add3A_70 : i32 to index
        %get3A_72 = tpu.vector_load %arg12[%get3A_71] {strides = array<i32>} : memref<20000xi32, #tpu.memory_space<vmem>>, vector<16xi32>,
        %get3A_73 = vector.shape_cast %get3A_72 : vector<16xi32> to vector<16xi32>
        %swap3A_74 = arith.constant 32 : index
        %swap3A_75 = tpu.vector_load %arg9[%swap3A_74] {strides = array<i32>} : memref<128xi32, #tpu.memory_space<vmem>>, vector<16xi32>,
        %swap3A_76 = vector.shape_cast %swap3A_75 : vector<16xi32> to vector<16xi32>
        %swap3A_77 = vector.shape_cast %get3A_73 : vector<16xi32> to vector<16xi32>
        tpu.vector_store %arg9[%swap3A_74], %swap3A_77 {strides = array<i32>} : memref<128xi32, #tpu.memory_space<vmem>>, vector<16xi32>,
        %mul3A_78 = arith.constant 128 : i32
        %mul3A_79 = arith.muli %scan3A_45, %mul3A_78 : i32
        %add3A_80 = arith.constant 48 : i32
        %add3A_81 = arith.addi %mul3A_79, %add3A_80 : i32
        %get3A_82 = arith.index_cast %add3A_81 : i32 to index
        %get3A_83 = tpu.vector_load %arg12[%get3A_82] {strides = array<i32>} : memref<20000xi32, #tpu.memory_space<vmem>>, vector<16xi32>,
        %get3A_84 = vector.shape_cast %get3A_83 : vector<16xi32> to vector<16xi32>
        %swap3A_85 = arith.constant 48 : index
        %swap3A_86 = tpu.vector_load %arg9[%swap3A_85] {strides = array<i32>} : memref<128xi32, #tpu.memory_space<vmem>>, vector<16xi32>,
        %swap3A_87 = vector.shape_cast %swap3A_86 : vector<16xi32> to vector<16xi32>
        %swap3A_88 = vector.shape_cast %get3A_84 : vector<16xi32> to vector<16xi32>
        tpu.vector_store %arg9[%swap3A_85], %swap3A_88 {strides = array<i32>} : memref<128xi32, #tpu.memory_space<vmem>>, vector<16xi32>,
        %mul3A_89 = arith.constant 128 : i32
        %mul3A_90 = arith.muli %scan3A_45, %mul3A_89 : i32
        %add3A_91 = arith.constant 64 : i32
        %add3A_92 = arith.addi %mul3A_90, %add3A_91 : i32
        %get3A_93 = arith.index_cast %add3A_92 : i32 to index
        %get3A_94 = tpu.vector_load %arg12[%get3A_93] {strides = array<i32>} : memref<20000xi32, #tpu.memory_space<vmem>>, vector<16xi32>,
        %get3A_95 = vector.shape_cast %get3A_94 : vector<16xi32> to vector<16xi32>
        %swap3A_96 = arith.constant 64 : index
        %swap3A_97 = tpu.vector_load %arg9[%swap3A_96] {strides = array<i32>} : memref<128xi32, #tpu.memory_space<vmem>>, vector<16xi32>,
        %swap3A_98 = vector.shape_cast %swap3A_97 : vector<16xi32> to vector<16xi32>
        %swap3A_99 = vector.shape_cast %get3A_95 : vector<16xi32> to vector<16xi32>
        tpu.vector_store %arg9[%swap3A_96], %swap3A_99 {strides = array<i32>} : memref<128xi32, #tpu.memory_space<vmem>>, vector<16xi32>,
        %mul3A_100 = arith.constant 128 : i32
        %mul3A_101 = arith.muli %scan3A_45, %mul3A_100 : i32
        %add3A_102 = arith.constant 80 : i32
        %add3A_103 = arith.addi %mul3A_101, %add3A_102 : i32
        %get3A_104 = arith.index_cast %add3A_103 : i32 to index
        %get3A_105 = tpu.vector_load %arg12[%get3A_104] {strides = array<i32>} : memref<20000xi32, #tpu.memory_space<vmem>>, vector<16xi32>,
        %get3A_106 = vector.shape_cast %get3A_105 : vector<16xi32> to vector<16xi32>
        %swap3A_107 = arith.constant 80 : index
        %swap3A_108 = tpu.vector_load %arg9[%swap3A_107] {strides = array<i32>} : memref<128xi32, #tpu.memory_space<vmem>>, vector<16xi32>,
        %swap3A_109 = vector.shape_cast %swap3A_108 : vector<16xi32> to vector<16xi32>
        %swap3A_110 = vector.shape_cast %get3A_106 : vector<16xi32> to vector<16xi32>
        tpu.vector_store %arg9[%swap3A_107], %swap3A_110 {strides = array<i32>} : memref<128xi32, #tpu.memory_space<vmem>>, vector<16xi32>,
        %mul3A_111 = arith.constant 128 : i32
        %mul3A_112 = arith.muli %scan3A_45, %mul3A_111 : i32
        %add3A_113 = arith.constant 96 : i32
        %add3A_114 = arith.addi %mul3A_112, %add3A_113 : i32
        %get3A_115 = arith.index_cast %add3A_114 : i32 to index
        %get3A_116 = tpu.vector_load %arg12[%get3A_115] {strides = array<i32>} : memref<20000xi32, #tpu.memory_space<vmem>>, vector<16xi32>,
        %get3A_117 = vector.shape_cast %get3A_116 : vector<16xi32> to vector<16xi32>
        %swap3A_118 = arith.constant 96 : index
        %swap3A_119 = tpu.vector_load %arg9[%swap3A_118] {strides = array<i32>} : memref<128xi32, #tpu.memory_space<vmem>>, vector<16xi32>,
        %swap3A_120 = vector.shape_cast %swap3A_119 : vector<16xi32> to vector<16xi32>
        %swap3A_121 = vector.shape_cast %get3A_117 : vector<16xi32> to vector<16xi32>
        tpu.vector_store %arg9[%swap3A_118], %swap3A_121 {strides = array<i32>} : memref<128xi32, #tpu.memory_space<vmem>>, vector<16xi32>,
        %mul3A_122 = arith.constant 128 : i32
        %mul3A_123 = arith.muli %scan3A_45, %mul3A_122 : i32
        %add3A_124 = arith.constant 112 : i32
        %add3A_125 = arith.addi %mul3A_123, %add3A_124 : i32
        %get3A_126 = arith.index_cast %add3A_125 : i32 to index
        %get3A_127 = tpu.vector_load %arg12[%get3A_126] {strides = array<i32>} : memref<20000xi32, #tpu.memory_space<vmem>>, vector<16xi32>,
        %get3A_128 = vector.shape_cast %get3A_127 : vector<16xi32> to vector<16xi32>
        %swap3A_129 = arith.constant 112 : index
        %swap3A_130 = tpu.vector_load %arg9[%swap3A_129] {strides = array<i32>} : memref<128xi32, #tpu.memory_space<vmem>>, vector<16xi32>,
        %swap3A_131 = vector.shape_cast %swap3A_130 : vector<16xi32> to vector<16xi32>
        %swap3A_132 = vector.shape_cast %get3A_128 : vector<16xi32> to vector<16xi32>
        tpu.vector_store %arg9[%swap3A_129], %swap3A_132 {strides = array<i32>} : memref<128xi32, #tpu.memory_space<vmem>>, vector<16xi32>,
        "tpu.region"() ({
          %run_scoped3A = tpu.sem_alloc : memref<!tpu.dma_semaphore, #tpu.memory_space<semaphore_mem>>
          %dma_start3A = arith.constant 0 : i32
          %dma_start3A_133 = arith.constant 0 : i32
          %dma_start3A_134 = tpu.memref_slice %arg8[%dma_start3A, %dma_start3A_133] : memref<10000x16xf32, #tpu.memory_space<vmem_shared>> -> memref<10000x16xf32, #tpu.memory_space<vmem_shared>>
          tpu.enqueue_indirect_dma source(%arg11 : memref<128x16xf32, #tpu.memory_space<vmem>>) target(%dma_start3A_134 : memref<10000x16xf32, #tpu.memory_space<vmem_shared>>) offsets(%arg9 : memref<128xi32, #tpu.memory_space<vmem>>) semaphore(%run_scoped3A : memref<!tpu.dma_semaphore, #tpu.memory_space<semaphore_mem>>) {add = true}
          %dma_wait3A = arith.constant 0 : i32
          %dma_wait3A_135 = arith.constant 0 : i32
          %dma_wait3A_136 = tpu.memref_slice %arg8[%dma_wait3A, %dma_wait3A_135] : memref<10000x16xf32, #tpu.memory_space<vmem_shared>> -> memref<10000x16xf32, #tpu.memory_space<vmem_shared>>
          tpu.wait_indirect_dma semaphore(%run_scoped3A : memref<!tpu.dma_semaphore, #tpu.memory_space<semaphore_mem>>) src(%arg11 : memref<128x16xf32, #tpu.memory_space<vmem>>) dst(%dma_wait3A_136 : memref<10000x16xf32, #tpu.memory_space<vmem_shared>>)
          tpu.yield
        }) : () -> ()
      }
      %scan3A_32 = arith.constant 156 : i32
      %get3A = arith.constant 19968 : index
      %get3A_33 = tpu.vector_load %arg12[%get3A] {strides = array<i32>} : memref<20000xi32, #tpu.memory_space<vmem>>, vector<16xi32>,
      %get3A_34 = vector.shape_cast %get3A_33 : vector<16xi32> to vector<16xi32>
      %swap3A = arith.constant 0 : index
      %swap3A_35 = tpu.vector_load %arg10[%swap3A] {strides = array<i32>} : memref<32xi32, #tpu.memory_space<vmem>>, vector<16xi32>,
      %swap3A_36 = vector.shape_cast %swap3A_35 : vector<16xi32> to vector<16xi32>
      %swap3A_37 = vector.shape_cast %get3A_34 : vector<16xi32> to vector<16xi32>
      tpu.vector_store %arg10[%swap3A], %swap3A_37 {strides = array<i32>} : memref<32xi32, #tpu.memory_space<vmem>>, vector<16xi32>,
      %get3A_38 = arith.constant 19984 : index
      %get3A_39 = tpu.vector_load %arg12[%get3A_38] {strides = array<i32>} : memref<20000xi32, #tpu.memory_space<vmem>>, vector<16xi32>,
      %get3A_40 = vector.shape_cast %get3A_39 : vector<16xi32> to vector<16xi32>
      %swap3A_41 = arith.constant 16 : index
      %swap3A_42 = tpu.vector_load %arg10[%swap3A_41] {strides = array<i32>} : memref<32xi32, #tpu.memory_space<vmem>>, vector<16xi32>,
      %swap3A_43 = vector.shape_cast %swap3A_42 : vector<16xi32> to vector<16xi32>
      %swap3A_44 = vector.shape_cast %get3A_40 : vector<16xi32> to vector<16xi32>
      tpu.vector_store %arg10[%swap3A_41], %swap3A_44 {strides = array<i32>} : memref<32xi32, #tpu.memory_space<vmem>>, vector<16xi32>,
      "tpu.region"() ({
        %run_scoped3A = tpu.sem_alloc : memref<!tpu.dma_semaphore, #tpu.memory_space<semaphore_mem>>
        %dma_start3A = arith.constant 0 : i32
        %dma_start3A_45 = arith.constant 0 : i32
        %dma_start3A_46 = tpu.memref_slice %arg11[%dma_start3A, %dma_start3A_45] : memref<128x16xf32, #tpu.memory_space<vmem>> -> memref<32x16xf32, #tpu.memory_space<vmem>>
        %dma_start3A_47 = arith.constant 0 : i32
        %dma_start3A_48 = arith.constant 0 : i32
        %dma_start3A_49 = tpu.memref_slice %arg8[%dma_start3A_47, %dma_start3A_48] : memref<10000x16xf32, #tpu.memory_space<vmem_shared>> -> memref<10000x16xf32, #tpu.memory_space<vmem_shared>>
        tpu.enqueue_indirect_dma source(%dma_start3A_46 : memref<32x16xf32, #tpu.memory_space<vmem>>) target(%dma_start3A_49 : memref<10000x16xf32, #tpu.memory_space<vmem_shared>>) offsets(%arg10 : memref<32xi32, #tpu.memory_space<vmem>>) semaphore(%run_scoped3A : memref<!tpu.dma_semaphore, #tpu.memory_space<semaphore_mem>>) {add = true}
        %dma_wait3A = arith.constant 0 : i32
        %dma_wait3A_50 = arith.constant 0 : i32
        %dma_wait3A_51 = tpu.memref_slice %arg11[%dma_wait3A, %dma_wait3A_50] : memref<128x16xf32, #tpu.memory_space<vmem>> -> memref<32x16xf32, #tpu.memory_space<vmem>>
        %dma_wait3A_52 = arith.constant 0 : i32
        %dma_wait3A_53 = arith.constant 0 : i32
        %dma_wait3A_54 = tpu.memref_slice %arg8[%dma_wait3A_52, %dma_wait3A_53] : memref<10000x16xf32, #tpu.memory_space<vmem_shared>> -> memref<10000x16xf32, #tpu.memory_space<vmem_shared>>
        tpu.wait_indirect_dma semaphore(%run_scoped3A : memref<!tpu.dma_semaphore, #tpu.memory_space<semaphore_mem>>) src(%dma_wait3A_51 : memref<32x16xf32, #tpu.memory_space<vmem>>) dst(%dma_wait3A_54 : memref<10000x16xf32, #tpu.memory_space<vmem_shared>>)
        tpu.yield
      }) : () -> ()
    } else {
    }
    %barrier3A_17 = arith.constant 0 : index
    tpu.barrier barrier_id(%barrier3A_17)
    %eq3A_18 = arith.constant 0 : i32
    %eq3A_19 = arith.cmpi eq, %arg0, %eq3A_18 : i32
    %convert_element_type3A_20 = arith.extui %eq3A_19 : i1 to i32
    %cond3A_21 = arith.constant 0 : i32
    %cond3A_22 = arith.cmpi ne, %convert_element_type3A_20, %cond3A_21 : i32
    scf.if %cond3A_22 {
      %lt3A_28 = arith.constant 15 : i32
      %lt3A_29 = arith.cmpi slt, %arg1, %lt3A_28 : i32
      %convert_element_type3A_30 = arith.extui %lt3A_29 : i1 to i32
      %cond3A_31 = arith.constant 0 : i32
      %cond3A_32 = arith.cmpi ne, %convert_element_type3A_30, %cond3A_31 : i32
      scf.if %cond3A_32 {
        %mul3A_38 = arith.constant 624 : i32
        %mul3A_39 = arith.muli %arg1, %mul3A_38 : i32
        %multiple_of3A = tpu.assume_multiple %mul3A_39, 8 : i32
        "tpu.region"() ({
          %run_scoped3A = tpu.sem_alloc : memref<!tpu.dma_semaphore, #tpu.memory_space<semaphore_mem>>
          %dma_start3A = arith.constant 0 : i32
          %dma_start3A_40 = tpu.memref_slice %arg6[%multiple_of3A, %dma_start3A] : memref<10000x16xf32, #tpu.memory_space<hbm>> -> memref<624x16xf32, #tpu.memory_space<hbm>>
          %dma_start3A_41 = arith.constant 0 : i32
          %dma_start3A_42 = tpu.memref_slice %arg8[%multiple_of3A, %dma_start3A_41] : memref<10000x16xf32, #tpu.memory_space<vmem_shared>> -> memref<624x16xf32, #tpu.memory_space<vmem_shared>>
          tpu.enqueue_dma source(%dma_start3A_42 : memref<624x16xf32, #tpu.memory_space<vmem_shared>>) target(%dma_start3A_40 : memref<624x16xf32, #tpu.memory_space<hbm>>) target_semaphore(%run_scoped3A : memref<!tpu.dma_semaphore, #tpu.memory_space<semaphore_mem>>)
          %dma_wait3A = arith.constant 0 : i32
          %dma_wait3A_43 = tpu.memref_slice %arg6[%multiple_of3A, %dma_wait3A] : memref<10000x16xf32, #tpu.memory_space<hbm>> -> memref<624x16xf32, #tpu.memory_space<hbm>>
          %dma_wait3A_44 = arith.constant 0 : i32
          %dma_wait3A_45 = tpu.memref_slice %arg8[%multiple_of3A, %dma_wait3A_44] : memref<10000x16xf32, #tpu.memory_space<vmem_shared>> -> memref<624x16xf32, #tpu.memory_space<vmem_shared>>
          tpu.wait_dma2 semaphore(%run_scoped3A : memref<!tpu.dma_semaphore, #tpu.memory_space<semaphore_mem>>) src(%dma_wait3A_45 : memref<624x16xf32, #tpu.memory_space<vmem_shared>>) dst(%dma_wait3A_43 : memref<624x16xf32, #tpu.memory_space<hbm>>)
          tpu.yield
        }) : () -> ()
      } else {
      }
      %eq3A_33 = arith.constant 15 : i32
      %eq3A_34 = arith.cmpi eq, %arg1, %eq3A_33 : i32
      %convert_element_type3A_35 = arith.extui %eq3A_34 : i1 to i32
      %cond3A_36 = arith.constant 0 : i32
      %cond3A_37 = arith.cmpi ne, %convert_element_type3A_35, %cond3A_36 : i32
      scf.if %cond3A_37 {
        "tpu.region"() ({
          %run_scoped3A = tpu.sem_alloc : memref<!tpu.dma_semaphore, #tpu.memory_space<semaphore_mem>>
          %dma_start3A = arith.constant 9360 : i32
          %dma_start3A_38 = arith.constant 0 : i32
          %dma_start3A_39 = tpu.memref_slice %arg6[%dma_start3A, %dma_start3A_38] : memref<10000x16xf32, #tpu.memory_space<hbm>> -> memref<640x16xf32, #tpu.memory_space<hbm>>
          %dma_start3A_40 = arith.constant 9360 : i32
          %dma_start3A_41 = arith.constant 0 : i32
          %dma_start3A_42 = tpu.memref_slice %arg8[%dma_start3A_40, %dma_start3A_41] : memref<10000x16xf32, #tpu.memory_space<vmem_shared>> -> memref<640x16xf32, #tpu.memory_space<vmem_shared>>
          tpu.enqueue_dma source(%dma_start3A_42 : memref<640x16xf32, #tpu.memory_space<vmem_shared>>) target(%dma_start3A_39 : memref<640x16xf32, #tpu.memory_space<hbm>>) target_semaphore(%run_scoped3A : memref<!tpu.dma_semaphore, #tpu.memory_space<semaphore_mem>>)
          %dma_wait3A = arith.constant 9360 : i32
          %dma_wait3A_43 = arith.constant 0 : i32
          %dma_wait3A_44 = tpu.memref_slice %arg6[%dma_wait3A, %dma_wait3A_43] : memref<10000x16xf32, #tpu.memory_space<hbm>> -> memref<640x16xf32, #tpu.memory_space<hbm>>
          %dma_wait3A_45 = arith.constant 9360 : i32
          %dma_wait3A_46 = arith.constant 0 : i32
          %dma_wait3A_47 = tpu.memref_slice %arg8[%dma_wait3A_45, %dma_wait3A_46] : memref<10000x16xf32, #tpu.memory_space<vmem_shared>> -> memref<640x16xf32, #tpu.memory_space<vmem_shared>>
          tpu.wait_dma2 semaphore(%run_scoped3A : memref<!tpu.dma_semaphore, #tpu.memory_space<semaphore_mem>>) src(%dma_wait3A_47 : memref<640x16xf32, #tpu.memory_space<vmem_shared>>) dst(%dma_wait3A_44 : memref<640x16xf32, #tpu.memory_space<hbm>>)
          tpu.yield
        }) : () -> ()
      } else {
      }
    } else {
    }
    %eq3A_23 = arith.constant 1 : i32
    %eq3A_24 = arith.cmpi eq, %arg0, %eq3A_23 : i32
    %convert_element_type3A_25 = arith.extui %eq3A_24 : i1 to i32
    %cond3A_26 = arith.constant 0 : i32
    %cond3A_27 = arith.cmpi ne, %convert_element_type3A_25, %cond3A_26 : i32
    scf.if %cond3A_27 {
      %lt3A_28 = arith.constant 15 : i32
      %lt3A_29 = arith.cmpi slt, %arg1, %lt3A_28 : i32
      %convert_element_type3A_30 = arith.extui %lt3A_29 : i1 to i32
      %cond3A_31 = arith.constant 0 : i32
      %cond3A_32 = arith.cmpi ne, %convert_element_type3A_30, %cond3A_31 : i32
      scf.if %cond3A_32 {
        %mul3A_38 = arith.constant 624 : i32
        %mul3A_39 = arith.muli %arg1, %mul3A_38 : i32
        %multiple_of3A = tpu.assume_multiple %mul3A_39, 8 : i32
        "tpu.region"() ({
          %run_scoped3A = tpu.sem_alloc : memref<!tpu.dma_semaphore, #tpu.memory_space<semaphore_mem>>
          %dma_start3A = arith.constant 0 : i32
          %dma_start3A_40 = tpu.memref_slice %arg7[%multiple_of3A, %dma_start3A] : memref<10000x16xf32, #tpu.memory_space<hbm>> -> memref<624x16xf32, #tpu.memory_space<hbm>>
          %dma_start3A_41 = arith.constant 0 : i32
          %dma_start3A_42 = tpu.memref_slice %arg8[%multiple_of3A, %dma_start3A_41] : memref<10000x16xf32, #tpu.memory_space<vmem_shared>> -> memref<624x16xf32, #tpu.memory_space<vmem_shared>>
          tpu.enqueue_dma source(%dma_start3A_42 : memref<624x16xf32, #tpu.memory_space<vmem_shared>>) target(%dma_start3A_40 : memref<624x16xf32, #tpu.memory_space<hbm>>) target_semaphore(%run_scoped3A : memref<!tpu.dma_semaphore, #tpu.memory_space<semaphore_mem>>)
          %dma_wait3A = arith.constant 0 : i32
          %dma_wait3A_43 = tpu.memref_slice %arg7[%multiple_of3A, %dma_wait3A] : memref<10000x16xf32, #tpu.memory_space<hbm>> -> memref<624x16xf32, #tpu.memory_space<hbm>>
          %dma_wait3A_44 = arith.constant 0 : i32
          %dma_wait3A_45 = tpu.memref_slice %arg8[%multiple_of3A, %dma_wait3A_44] : memref<10000x16xf32, #tpu.memory_space<vmem_shared>> -> memref<624x16xf32, #tpu.memory_space<vmem_shared>>
          tpu.wait_dma2 semaphore(%run_scoped3A : memref<!tpu.dma_semaphore, #tpu.memory_space<semaphore_mem>>) src(%dma_wait3A_45 : memref<624x16xf32, #tpu.memory_space<vmem_shared>>) dst(%dma_wait3A_43 : memref<624x16xf32, #tpu.memory_space<hbm>>)
          tpu.yield
        }) : () -> ()
      } else {
      }
      %eq3A_33 = arith.constant 15 : i32
      %eq3A_34 = arith.cmpi eq, %arg1, %eq3A_33 : i32
      %convert_element_type3A_35 = arith.extui %eq3A_34 : i1 to i32
      %cond3A_36 = arith.constant 0 : i32
      %cond3A_37 = arith.cmpi ne, %convert_element_type3A_35, %cond3A_36 : i32
      scf.if %cond3A_37 {
        "tpu.region"() ({
          %run_scoped3A = tpu.sem_alloc : memref<!tpu.dma_semaphore, #tpu.memory_space<semaphore_mem>>
          %dma_start3A = arith.constant 9360 : i32
          %dma_start3A_38 = arith.constant 0 : i32
          %dma_start3A_39 = tpu.memref_slice %arg7[%dma_start3A, %dma_start3A_38] : memref<10000x16xf32, #tpu.memory_space<hbm>> -> memref<640x16xf32, #tpu.memory_space<hbm>>
          %dma_start3A_40 = arith.constant 9360 : i32
          %dma_start3A_41 = arith.constant 0 : i32
          %dma_start3A_42 = tpu.memref_slice %arg8[%dma_start3A_40, %dma_start3A_41] : memref<10000x16xf32, #tpu.memory_space<vmem_shared>> -> memref<640x16xf32, #tpu.memory_space<vmem_shared>>
          tpu.enqueue_dma source(%dma_start3A_42 : memref<640x16xf32, #tpu.memory_space<vmem_shared>>) target(%dma_start3A_39 : memref<640x16xf32, #tpu.memory_space<hbm>>) target_semaphore(%run_scoped3A : memref<!tpu.dma_semaphore, #tpu.memory_space<semaphore_mem>>)
          %dma_wait3A = arith.constant 9360 : i32
          %dma_wait3A_43 = arith.constant 0 : i32
          %dma_wait3A_44 = tpu.memref_slice %arg7[%dma_wait3A, %dma_wait3A_43] : memref<10000x16xf32, #tpu.memory_space<hbm>> -> memref<640x16xf32, #tpu.memory_space<hbm>>
          %dma_wait3A_45 = arith.constant 9360 : i32
          %dma_wait3A_46 = arith.constant 0 : i32
          %dma_wait3A_47 = tpu.memref_slice %arg8[%dma_wait3A_45, %dma_wait3A_46] : memref<10000x16xf32, #tpu.memory_space<vmem_shared>> -> memref<640x16xf32, #tpu.memory_space<vmem_shared>>
          tpu.wait_dma2 semaphore(%run_scoped3A : memref<!tpu.dma_semaphore, #tpu.memory_space<semaphore_mem>>) src(%dma_wait3A_47 : memref<640x16xf32, #tpu.memory_space<vmem_shared>>) dst(%dma_wait3A_44 : memref<640x16xf32, #tpu.memory_space<hbm>>)
          tpu.yield
        }) : () -> ()
      } else {
      }
    } else {
    }
    return
  }
}

module attributes {stable_mosaic.version = 14 : i64} {
  func.func @body(%arg0: i32, %arg1: memref<2000x128xf32, #tpu.memory_space<vmem>>, %arg2: memref<128x128xf32, #tpu.memory_space<vmem>>, %arg3: memref<1024x128xf32, #tpu.memory_space<vmem>>, %arg4: memref<128x128xf32, #tpu.memory_space<vmem>>, %arg5: memref<1024x128xf32, #tpu.memory_space<vmem>>, %arg6: memref<128x128xf32, #tpu.memory_space<vmem>>, %arg7: memref<1024x128xf32, #tpu.memory_space<vmem>>, %arg8: memref<2000x128xf32, #tpu.memory_space<vmem>>, %arg9: memref<2000x128xf32, #tpu.memory_space<vmem>>, %arg10: memref<2000x128xf32, #tpu.memory_space<vmem>>) attributes {dimension_semantics = [#tpu.dimension_semantics<arbitrary>], iteration_bounds = array<i64: 5>, scalar_prefetch = 0 : i64, scratch_operands = 0 : i64, tpu.core_type = #tpu.core_type<tc>, window_params = [{transform_indices = @transform_0, window_bounds = array<i64: 2000, 128>}, {pipeline_mode = #tpu.pipeline_mode<synchronous>, transform_indices = @transform_1, window_bounds = array<i64: 128, 128>}, {pipeline_mode = #tpu.pipeline_mode<synchronous>, transform_indices = @transform_2, window_bounds = array<i64: 1024, 128>}, {pipeline_mode = #tpu.pipeline_mode<synchronous>, transform_indices = @transform_3, window_bounds = array<i64: 128, 128>}, {pipeline_mode = #tpu.pipeline_mode<synchronous>, transform_indices = @transform_4, window_bounds = array<i64: 1024, 128>}, {pipeline_mode = #tpu.pipeline_mode<synchronous>, transform_indices = @transform_5, window_bounds = array<i64: 128, 128>}, {pipeline_mode = #tpu.pipeline_mode<synchronous>, transform_indices = @transform_6, window_bounds = array<i64: 1024, 128>}, {transform_indices = @transform_7, window_bounds = array<i64: 2000, 128>}, {transform_indices = @transform_8, window_bounds = array<i64: 2000, 128>}, {transform_indices = @transform_9, window_bounds = array<i64: 2000, 128>}]} {
    %get3A = arith.constant 0 : index
    %get3A_0 = arith.constant 0 : index
    %get3A_1 = vector.load %arg1[%get3A, %get3A_0] : memref<2000x128xf32, #tpu.memory_space<vmem>>, vector<2000x128xf32>
    %logistic3A = arith.negf %get3A_1 : vector<2000x128xf32>
    %logistic3A_2 = math.exp %logistic3A : vector<2000x128xf32>
    %logistic3A_3 = arith.constant 1.000000e+00 : f32
    %logistic3A_4 = vector.broadcast %logistic3A_3 : f32 to vector<2000x128xf32>
    %logistic3A_5 = arith.addf %logistic3A_4, %logistic3A_2 : vector<2000x128xf32>
    %logistic3A_6 = arith.divf %logistic3A_4, %logistic3A_5 : vector<2000x128xf32>
    %mul3A = arith.mulf %get3A_1, %logistic3A_6 : vector<2000x128xf32>
    %sub3A = arith.constant -2.200000e+00 : f32
    %sub3A_7 = vector.broadcast %sub3A : f32 to vector<2000x128xf32>
    %sub3A_8 = arith.subf %get3A_1, %sub3A_7 : vector<2000x128xf32>
    %sub3A_9 = arith.constant -1.800000e+00 : f32
    %sub3A_10 = vector.broadcast %sub3A_9 : f32 to vector<2000x128xf32>
    %sub3A_11 = arith.subf %get3A_1, %sub3A_10 : vector<2000x128xf32>
    %sub3A_12 = arith.constant -1.400000e+00 : f32
    %sub3A_13 = vector.broadcast %sub3A_12 : f32 to vector<2000x128xf32>
    %sub3A_14 = arith.subf %get3A_1, %sub3A_13 : vector<2000x128xf32>
    %sub3A_15 = arith.constant -1.000000e+00 : f32
    %sub3A_16 = vector.broadcast %sub3A_15 : f32 to vector<2000x128xf32>
    %sub3A_17 = arith.subf %get3A_1, %sub3A_16 : vector<2000x128xf32>
    %sub3A_18 = arith.constant -6.000000e-01 : f32
    %sub3A_19 = vector.broadcast %sub3A_18 : f32 to vector<2000x128xf32>
    %sub3A_20 = arith.subf %get3A_1, %sub3A_19 : vector<2000x128xf32>
    %sub3A_21 = arith.constant -0.199999988 : f32
    %sub3A_22 = vector.broadcast %sub3A_21 : f32 to vector<2000x128xf32>
    %sub3A_23 = arith.subf %get3A_1, %sub3A_22 : vector<2000x128xf32>
    %sub3A_24 = arith.constant 0.200000048 : f32
    %sub3A_25 = vector.broadcast %sub3A_24 : f32 to vector<2000x128xf32>
    %sub3A_26 = arith.subf %get3A_1, %sub3A_25 : vector<2000x128xf32>
    %sub3A_27 = arith.constant 6.000000e-01 : f32
    %sub3A_28 = vector.broadcast %sub3A_27 : f32 to vector<2000x128xf32>
    %sub3A_29 = arith.subf %get3A_1, %sub3A_28 : vector<2000x128xf32>
    %sub3A_30 = arith.constant 1.000000e+00 : f32
    %sub3A_31 = vector.broadcast %sub3A_30 : f32 to vector<2000x128xf32>
    %sub3A_32 = arith.subf %get3A_1, %sub3A_31 : vector<2000x128xf32>
    %sub3A_33 = arith.constant 1.4000001 : f32
    %sub3A_34 = vector.broadcast %sub3A_33 : f32 to vector<2000x128xf32>
    %sub3A_35 = arith.subf %get3A_1, %sub3A_34 : vector<2000x128xf32>
    %sub3A_36 = arith.constant 1.800000e+00 : f32
    %sub3A_37 = vector.broadcast %sub3A_36 : f32 to vector<2000x128xf32>
    %sub3A_38 = arith.subf %get3A_1, %sub3A_37 : vector<2000x128xf32>
    %sub3A_39 = arith.constant 2.200000e+00 : f32
    %sub3A_40 = vector.broadcast %sub3A_39 : f32 to vector<2000x128xf32>
    %sub3A_41 = arith.subf %get3A_1, %sub3A_40 : vector<2000x128xf32>
    %ge3A = arith.constant -2.200000e+00 : f32
    %ge3A_42 = vector.broadcast %ge3A : f32 to vector<2000x128xf32>
    %ge3A_43 = arith.cmpf oge, %get3A_1, %ge3A_42 : vector<2000x128xf32>
    %lt3A = arith.constant -1.800000e+00 : f32
    %lt3A_44 = vector.broadcast %lt3A : f32 to vector<2000x128xf32>
    %lt3A_45 = arith.cmpf olt, %get3A_1, %lt3A_44 : vector<2000x128xf32>
    %and3A = arith.andi %ge3A_43, %lt3A_45 : vector<2000x128xi1>
    %convert_element_type3A = arith.extui %and3A : vector<2000x128xi1> to vector<2000x128xi32>
    %convert_element_type3A_46 = arith.sitofp %convert_element_type3A : vector<2000x128xi32> to vector<2000x128xf32>
    %ge3A_47 = arith.constant -1.800000e+00 : f32
    %ge3A_48 = vector.broadcast %ge3A_47 : f32 to vector<2000x128xf32>
    %ge3A_49 = arith.cmpf oge, %get3A_1, %ge3A_48 : vector<2000x128xf32>
    %lt3A_50 = arith.constant -1.400000e+00 : f32
    %lt3A_51 = vector.broadcast %lt3A_50 : f32 to vector<2000x128xf32>
    %lt3A_52 = arith.cmpf olt, %get3A_1, %lt3A_51 : vector<2000x128xf32>
    %and3A_53 = arith.andi %ge3A_49, %lt3A_52 : vector<2000x128xi1>
    %convert_element_type3A_54 = arith.extui %and3A_53 : vector<2000x128xi1> to vector<2000x128xi32>
    %convert_element_type3A_55 = arith.sitofp %convert_element_type3A_54 : vector<2000x128xi32> to vector<2000x128xf32>
    %ge3A_56 = arith.constant -1.400000e+00 : f32
    %ge3A_57 = vector.broadcast %ge3A_56 : f32 to vector<2000x128xf32>
    %ge3A_58 = arith.cmpf oge, %get3A_1, %ge3A_57 : vector<2000x128xf32>
    %lt3A_59 = arith.constant -1.000000e+00 : f32
    %lt3A_60 = vector.broadcast %lt3A_59 : f32 to vector<2000x128xf32>
    %lt3A_61 = arith.cmpf olt, %get3A_1, %lt3A_60 : vector<2000x128xf32>
    %and3A_62 = arith.andi %ge3A_58, %lt3A_61 : vector<2000x128xi1>
    %convert_element_type3A_63 = arith.extui %and3A_62 : vector<2000x128xi1> to vector<2000x128xi32>
    %convert_element_type3A_64 = arith.sitofp %convert_element_type3A_63 : vector<2000x128xi32> to vector<2000x128xf32>
    %ge3A_65 = arith.constant -1.000000e+00 : f32
    %ge3A_66 = vector.broadcast %ge3A_65 : f32 to vector<2000x128xf32>
    %ge3A_67 = arith.cmpf oge, %get3A_1, %ge3A_66 : vector<2000x128xf32>
    %lt3A_68 = arith.constant -6.000000e-01 : f32
    %lt3A_69 = vector.broadcast %lt3A_68 : f32 to vector<2000x128xf32>
    %lt3A_70 = arith.cmpf olt, %get3A_1, %lt3A_69 : vector<2000x128xf32>
    %and3A_71 = arith.andi %ge3A_67, %lt3A_70 : vector<2000x128xi1>
    %convert_element_type3A_72 = arith.extui %and3A_71 : vector<2000x128xi1> to vector<2000x128xi32>
    %convert_element_type3A_73 = arith.sitofp %convert_element_type3A_72 : vector<2000x128xi32> to vector<2000x128xf32>
    %ge3A_74 = arith.constant -6.000000e-01 : f32
    %ge3A_75 = vector.broadcast %ge3A_74 : f32 to vector<2000x128xf32>
    %ge3A_76 = arith.cmpf oge, %get3A_1, %ge3A_75 : vector<2000x128xf32>
    %lt3A_77 = arith.constant -0.199999988 : f32
    %lt3A_78 = vector.broadcast %lt3A_77 : f32 to vector<2000x128xf32>
    %lt3A_79 = arith.cmpf olt, %get3A_1, %lt3A_78 : vector<2000x128xf32>
    %and3A_80 = arith.andi %ge3A_76, %lt3A_79 : vector<2000x128xi1>
    %convert_element_type3A_81 = arith.extui %and3A_80 : vector<2000x128xi1> to vector<2000x128xi32>
    %convert_element_type3A_82 = arith.sitofp %convert_element_type3A_81 : vector<2000x128xi32> to vector<2000x128xf32>
    %ge3A_83 = arith.constant -0.199999988 : f32
    %ge3A_84 = vector.broadcast %ge3A_83 : f32 to vector<2000x128xf32>
    %ge3A_85 = arith.cmpf oge, %get3A_1, %ge3A_84 : vector<2000x128xf32>
    %lt3A_86 = arith.constant 0.200000048 : f32
    %lt3A_87 = vector.broadcast %lt3A_86 : f32 to vector<2000x128xf32>
    %lt3A_88 = arith.cmpf olt, %get3A_1, %lt3A_87 : vector<2000x128xf32>
    %and3A_89 = arith.andi %ge3A_85, %lt3A_88 : vector<2000x128xi1>
    %convert_element_type3A_90 = arith.extui %and3A_89 : vector<2000x128xi1> to vector<2000x128xi32>
    %convert_element_type3A_91 = arith.sitofp %convert_element_type3A_90 : vector<2000x128xi32> to vector<2000x128xf32>
    %ge3A_92 = arith.constant 0.200000048 : f32
    %ge3A_93 = vector.broadcast %ge3A_92 : f32 to vector<2000x128xf32>
    %ge3A_94 = arith.cmpf oge, %get3A_1, %ge3A_93 : vector<2000x128xf32>
    %lt3A_95 = arith.constant 6.000000e-01 : f32
    %lt3A_96 = vector.broadcast %lt3A_95 : f32 to vector<2000x128xf32>
    %lt3A_97 = arith.cmpf olt, %get3A_1, %lt3A_96 : vector<2000x128xf32>
    %and3A_98 = arith.andi %ge3A_94, %lt3A_97 : vector<2000x128xi1>
    %convert_element_type3A_99 = arith.extui %and3A_98 : vector<2000x128xi1> to vector<2000x128xi32>
    %convert_element_type3A_100 = arith.sitofp %convert_element_type3A_99 : vector<2000x128xi32> to vector<2000x128xf32>
    %ge3A_101 = arith.constant 6.000000e-01 : f32
    %ge3A_102 = vector.broadcast %ge3A_101 : f32 to vector<2000x128xf32>
    %ge3A_103 = arith.cmpf oge, %get3A_1, %ge3A_102 : vector<2000x128xf32>
    %lt3A_104 = arith.constant 1.000000e+00 : f32
    %lt3A_105 = vector.broadcast %lt3A_104 : f32 to vector<2000x128xf32>
    %lt3A_106 = arith.cmpf olt, %get3A_1, %lt3A_105 : vector<2000x128xf32>
    %and3A_107 = arith.andi %ge3A_103, %lt3A_106 : vector<2000x128xi1>
    %convert_element_type3A_108 = arith.extui %and3A_107 : vector<2000x128xi1> to vector<2000x128xi32>
    %convert_element_type3A_109 = arith.sitofp %convert_element_type3A_108 : vector<2000x128xi32> to vector<2000x128xf32>
    %ge3A_110 = arith.constant 1.000000e+00 : f32
    %ge3A_111 = vector.broadcast %ge3A_110 : f32 to vector<2000x128xf32>
    %ge3A_112 = arith.cmpf oge, %get3A_1, %ge3A_111 : vector<2000x128xf32>
    %lt3A_113 = arith.constant 1.4000001 : f32
    %lt3A_114 = vector.broadcast %lt3A_113 : f32 to vector<2000x128xf32>
    %lt3A_115 = arith.cmpf olt, %get3A_1, %lt3A_114 : vector<2000x128xf32>
    %and3A_116 = arith.andi %ge3A_112, %lt3A_115 : vector<2000x128xi1>
    %convert_element_type3A_117 = arith.extui %and3A_116 : vector<2000x128xi1> to vector<2000x128xi32>
    %convert_element_type3A_118 = arith.sitofp %convert_element_type3A_117 : vector<2000x128xi32> to vector<2000x128xf32>
    %ge3A_119 = arith.constant 1.4000001 : f32
    %ge3A_120 = vector.broadcast %ge3A_119 : f32 to vector<2000x128xf32>
    %ge3A_121 = arith.cmpf oge, %get3A_1, %ge3A_120 : vector<2000x128xf32>
    %lt3A_122 = arith.constant 1.800000e+00 : f32
    %lt3A_123 = vector.broadcast %lt3A_122 : f32 to vector<2000x128xf32>
    %lt3A_124 = arith.cmpf olt, %get3A_1, %lt3A_123 : vector<2000x128xf32>
    %and3A_125 = arith.andi %ge3A_121, %lt3A_124 : vector<2000x128xi1>
    %convert_element_type3A_126 = arith.extui %and3A_125 : vector<2000x128xi1> to vector<2000x128xi32>
    %convert_element_type3A_127 = arith.sitofp %convert_element_type3A_126 : vector<2000x128xi32> to vector<2000x128xf32>
    %ge3A_128 = arith.constant 1.800000e+00 : f32
    %ge3A_129 = vector.broadcast %ge3A_128 : f32 to vector<2000x128xf32>
    %ge3A_130 = arith.cmpf oge, %get3A_1, %ge3A_129 : vector<2000x128xf32>
    %lt3A_131 = arith.constant 2.200000e+00 : f32
    %lt3A_132 = vector.broadcast %lt3A_131 : f32 to vector<2000x128xf32>
    %lt3A_133 = arith.cmpf olt, %get3A_1, %lt3A_132 : vector<2000x128xf32>
    %and3A_134 = arith.andi %ge3A_130, %lt3A_133 : vector<2000x128xi1>
    %convert_element_type3A_135 = arith.extui %and3A_134 : vector<2000x128xi1> to vector<2000x128xi32>
    %convert_element_type3A_136 = arith.sitofp %convert_element_type3A_135 : vector<2000x128xi32> to vector<2000x128xf32>
    %mul3A_137 = arith.mulf %sub3A_8, %convert_element_type3A_46 : vector<2000x128xf32>
    %mul3A_138 = arith.mulf %sub3A_14, %convert_element_type3A_55 : vector<2000x128xf32>
    %sub3A_139 = arith.subf %mul3A_137, %mul3A_138 : vector<2000x128xf32>
    %mul3A_140 = arith.mulf %sub3A_11, %convert_element_type3A_55 : vector<2000x128xf32>
    %mul3A_141 = arith.mulf %sub3A_17, %convert_element_type3A_64 : vector<2000x128xf32>
    %sub3A_142 = arith.subf %mul3A_140, %mul3A_141 : vector<2000x128xf32>
    %mul3A_143 = arith.mulf %sub3A_14, %convert_element_type3A_64 : vector<2000x128xf32>
    %mul3A_144 = arith.mulf %sub3A_20, %convert_element_type3A_73 : vector<2000x128xf32>
    %sub3A_145 = arith.subf %mul3A_143, %mul3A_144 : vector<2000x128xf32>
    %mul3A_146 = arith.mulf %sub3A_17, %convert_element_type3A_73 : vector<2000x128xf32>
    %mul3A_147 = arith.mulf %sub3A_23, %convert_element_type3A_82 : vector<2000x128xf32>
    %sub3A_148 = arith.subf %mul3A_146, %mul3A_147 : vector<2000x128xf32>
    %mul3A_149 = arith.mulf %sub3A_20, %convert_element_type3A_82 : vector<2000x128xf32>
    %mul3A_150 = arith.mulf %sub3A_26, %convert_element_type3A_91 : vector<2000x128xf32>
    %sub3A_151 = arith.subf %mul3A_149, %mul3A_150 : vector<2000x128xf32>
    %mul3A_152 = arith.mulf %sub3A_23, %convert_element_type3A_91 : vector<2000x128xf32>
    %mul3A_153 = arith.mulf %sub3A_29, %convert_element_type3A_100 : vector<2000x128xf32>
    %sub3A_154 = arith.subf %mul3A_152, %mul3A_153 : vector<2000x128xf32>
    %mul3A_155 = arith.mulf %sub3A_26, %convert_element_type3A_100 : vector<2000x128xf32>
    %mul3A_156 = arith.mulf %sub3A_32, %convert_element_type3A_109 : vector<2000x128xf32>
    %sub3A_157 = arith.subf %mul3A_155, %mul3A_156 : vector<2000x128xf32>
    %mul3A_158 = arith.mulf %sub3A_29, %convert_element_type3A_109 : vector<2000x128xf32>
    %mul3A_159 = arith.mulf %sub3A_35, %convert_element_type3A_118 : vector<2000x128xf32>
    %sub3A_160 = arith.subf %mul3A_158, %mul3A_159 : vector<2000x128xf32>
    %mul3A_161 = arith.mulf %sub3A_32, %convert_element_type3A_118 : vector<2000x128xf32>
    %mul3A_162 = arith.mulf %sub3A_38, %convert_element_type3A_127 : vector<2000x128xf32>
    %sub3A_163 = arith.subf %mul3A_161, %mul3A_162 : vector<2000x128xf32>
    %mul3A_164 = arith.mulf %sub3A_35, %convert_element_type3A_127 : vector<2000x128xf32>
    %mul3A_165 = arith.mulf %sub3A_41, %convert_element_type3A_136 : vector<2000x128xf32>
    %sub3A_166 = arith.subf %mul3A_164, %mul3A_165 : vector<2000x128xf32>
    %mul3A_167 = arith.mulf %sub3A_8, %sub3A_139 : vector<2000x128xf32>
    %mul3A_168 = arith.mulf %sub3A_17, %sub3A_142 : vector<2000x128xf32>
    %sub3A_169 = arith.subf %mul3A_167, %mul3A_168 : vector<2000x128xf32>
    %mul3A_170 = arith.mulf %sub3A_11, %sub3A_142 : vector<2000x128xf32>
    %mul3A_171 = arith.mulf %sub3A_20, %sub3A_145 : vector<2000x128xf32>
    %sub3A_172 = arith.subf %mul3A_170, %mul3A_171 : vector<2000x128xf32>
    %mul3A_173 = arith.mulf %sub3A_14, %sub3A_145 : vector<2000x128xf32>
    %mul3A_174 = arith.mulf %sub3A_23, %sub3A_148 : vector<2000x128xf32>
    %sub3A_175 = arith.subf %mul3A_173, %mul3A_174 : vector<2000x128xf32>
    %mul3A_176 = arith.mulf %sub3A_17, %sub3A_148 : vector<2000x128xf32>
    %mul3A_177 = arith.mulf %sub3A_26, %sub3A_151 : vector<2000x128xf32>
    %sub3A_178 = arith.subf %mul3A_176, %mul3A_177 : vector<2000x128xf32>
    %mul3A_179 = arith.mulf %sub3A_20, %sub3A_151 : vector<2000x128xf32>
    %mul3A_180 = arith.mulf %sub3A_29, %sub3A_154 : vector<2000x128xf32>
    %sub3A_181 = arith.subf %mul3A_179, %mul3A_180 : vector<2000x128xf32>
    %mul3A_182 = arith.mulf %sub3A_23, %sub3A_154 : vector<2000x128xf32>
    %mul3A_183 = arith.mulf %sub3A_32, %sub3A_157 : vector<2000x128xf32>
    %sub3A_184 = arith.subf %mul3A_182, %mul3A_183 : vector<2000x128xf32>
    %mul3A_185 = arith.mulf %sub3A_26, %sub3A_157 : vector<2000x128xf32>
    %mul3A_186 = arith.mulf %sub3A_35, %sub3A_160 : vector<2000x128xf32>
    %sub3A_187 = arith.subf %mul3A_185, %mul3A_186 : vector<2000x128xf32>
    %mul3A_188 = arith.mulf %sub3A_29, %sub3A_160 : vector<2000x128xf32>
    %mul3A_189 = arith.mulf %sub3A_38, %sub3A_163 : vector<2000x128xf32>
    %sub3A_190 = arith.subf %mul3A_188, %mul3A_189 : vector<2000x128xf32>
    %mul3A_191 = arith.mulf %sub3A_32, %sub3A_163 : vector<2000x128xf32>
    %mul3A_192 = arith.mulf %sub3A_41, %sub3A_166 : vector<2000x128xf32>
    %sub3A_193 = arith.subf %mul3A_191, %mul3A_192 : vector<2000x128xf32>
    %mul3A_194 = arith.mulf %sub3A_8, %sub3A_169 : vector<2000x128xf32>
    %mul3A_195 = arith.mulf %sub3A_20, %sub3A_172 : vector<2000x128xf32>
    %sub3A_196 = arith.subf %mul3A_194, %mul3A_195 : vector<2000x128xf32>
    %mul3A_197 = arith.mulf %sub3A_11, %sub3A_172 : vector<2000x128xf32>
    %mul3A_198 = arith.mulf %sub3A_23, %sub3A_175 : vector<2000x128xf32>
    %sub3A_199 = arith.subf %mul3A_197, %mul3A_198 : vector<2000x128xf32>
    %mul3A_200 = arith.mulf %sub3A_14, %sub3A_175 : vector<2000x128xf32>
    %mul3A_201 = arith.mulf %sub3A_26, %sub3A_178 : vector<2000x128xf32>
    %sub3A_202 = arith.subf %mul3A_200, %mul3A_201 : vector<2000x128xf32>
    %mul3A_203 = arith.mulf %sub3A_17, %sub3A_178 : vector<2000x128xf32>
    %mul3A_204 = arith.mulf %sub3A_29, %sub3A_181 : vector<2000x128xf32>
    %sub3A_205 = arith.subf %mul3A_203, %mul3A_204 : vector<2000x128xf32>
    %mul3A_206 = arith.mulf %sub3A_20, %sub3A_181 : vector<2000x128xf32>
    %mul3A_207 = arith.mulf %sub3A_32, %sub3A_184 : vector<2000x128xf32>
    %sub3A_208 = arith.subf %mul3A_206, %mul3A_207 : vector<2000x128xf32>
    %mul3A_209 = arith.mulf %sub3A_23, %sub3A_184 : vector<2000x128xf32>
    %mul3A_210 = arith.mulf %sub3A_35, %sub3A_187 : vector<2000x128xf32>
    %sub3A_211 = arith.subf %mul3A_209, %mul3A_210 : vector<2000x128xf32>
    %mul3A_212 = arith.mulf %sub3A_26, %sub3A_187 : vector<2000x128xf32>
    %mul3A_213 = arith.mulf %sub3A_38, %sub3A_190 : vector<2000x128xf32>
    %sub3A_214 = arith.subf %mul3A_212, %mul3A_213 : vector<2000x128xf32>
    %mul3A_215 = arith.mulf %sub3A_29, %sub3A_190 : vector<2000x128xf32>
    %mul3A_216 = arith.mulf %sub3A_41, %sub3A_193 : vector<2000x128xf32>
    %sub3A_217 = arith.subf %mul3A_215, %mul3A_216 : vector<2000x128xf32>
    %concatenate3A = tpu.concatenate %sub3A_196, %sub3A_199, %sub3A_202, %sub3A_205, %sub3A_208, %sub3A_211, %sub3A_214, %sub3A_217 in 1 : vector<2000x128xf32>, vector<2000x128xf32>, vector<2000x128xf32>, vector<2000x128xf32>, vector<2000x128xf32>, vector<2000x128xf32>, vector<2000x128xf32>, vector<2000x128xf32> -> vector<2000x1024xf32>
    %get3A_218 = arith.constant 0 : index
    %get3A_219 = arith.constant 0 : index
    %get3A_220 = vector.load %arg2[%get3A_218, %get3A_219] : memref<128x128xf32, #tpu.memory_space<vmem>>, vector<128x128xf32>
    %dot_general3A = arith.constant dense<0.000000e+00> : vector<2000x128xf32>
    %dot_general3A_221 = tpu.matmul %mul3A, %get3A_220, %dot_general3A {dimension_numbers = #tpu.dot_dimension_numbers<[1], [0], [0], [1], [0, 0, 1, 1], [], []>, transpose_lhs_hint = false} : vector<2000x128xf32>, vector<128x128xf32>, vector<2000x128xf32> -> vector<2000x128xf32>
    %get3A_222 = arith.constant 0 : index
    %get3A_223 = arith.constant 0 : index
    %get3A_224 = vector.load %arg3[%get3A_222, %get3A_223] : memref<1024x128xf32, #tpu.memory_space<vmem>>, vector<1024x128xf32>
    %dot_general3A_225 = arith.constant dense<0.000000e+00> : vector<2000x128xf32>
    %dot_general3A_226 = tpu.matmul %concatenate3A, %get3A_224, %dot_general3A_225 {dimension_numbers = #tpu.dot_dimension_numbers<[1], [0], [0], [1], [0, 0, 1, 1], [], []>, transpose_lhs_hint = false} : vector<2000x1024xf32>, vector<1024x128xf32>, vector<2000x128xf32> -> vector<2000x128xf32>
    %add3A = arith.addf %dot_general3A_221, %dot_general3A_226 : vector<2000x128xf32>
    %get3A_227 = arith.constant 0 : index
    %get3A_228 = arith.constant 0 : index
    %get3A_229 = vector.load %arg4[%get3A_227, %get3A_228] : memref<128x128xf32, #tpu.memory_space<vmem>>, vector<128x128xf32>
    %dot_general3A_230 = arith.constant dense<0.000000e+00> : vector<2000x128xf32>
    %dot_general3A_231 = tpu.matmul %mul3A, %get3A_229, %dot_general3A_230 {dimension_numbers = #tpu.dot_dimension_numbers<[1], [0], [0], [1], [0, 0, 1, 1], [], []>, transpose_lhs_hint = false} : vector<2000x128xf32>, vector<128x128xf32>, vector<2000x128xf32> -> vector<2000x128xf32>
    %get3A_232 = arith.constant 0 : index
    %get3A_233 = arith.constant 0 : index
    %get3A_234 = vector.load %arg5[%get3A_232, %get3A_233] : memref<1024x128xf32, #tpu.memory_space<vmem>>, vector<1024x128xf32>
    %dot_general3A_235 = arith.constant dense<0.000000e+00> : vector<2000x128xf32>
    %dot_general3A_236 = tpu.matmul %concatenate3A, %get3A_234, %dot_general3A_235 {dimension_numbers = #tpu.dot_dimension_numbers<[1], [0], [0], [1], [0, 0, 1, 1], [], []>, transpose_lhs_hint = false} : vector<2000x1024xf32>, vector<1024x128xf32>, vector<2000x128xf32> -> vector<2000x128xf32>
    %add3A_237 = arith.addf %dot_general3A_231, %dot_general3A_236 : vector<2000x128xf32>
    %get3A_238 = arith.constant 0 : index
    %get3A_239 = arith.constant 0 : index
    %get3A_240 = vector.load %arg6[%get3A_238, %get3A_239] : memref<128x128xf32, #tpu.memory_space<vmem>>, vector<128x128xf32>
    %dot_general3A_241 = arith.constant dense<0.000000e+00> : vector<2000x128xf32>
    %dot_general3A_242 = tpu.matmul %mul3A, %get3A_240, %dot_general3A_241 {dimension_numbers = #tpu.dot_dimension_numbers<[1], [0], [0], [1], [0, 0, 1, 1], [], []>, transpose_lhs_hint = false} : vector<2000x128xf32>, vector<128x128xf32>, vector<2000x128xf32> -> vector<2000x128xf32>
    %get3A_243 = arith.constant 0 : index
    %get3A_244 = arith.constant 0 : index
    %get3A_245 = vector.load %arg7[%get3A_243, %get3A_244] : memref<1024x128xf32, #tpu.memory_space<vmem>>, vector<1024x128xf32>
    %dot_general3A_246 = arith.constant dense<0.000000e+00> : vector<2000x128xf32>
    %dot_general3A_247 = tpu.matmul %concatenate3A, %get3A_245, %dot_general3A_246 {dimension_numbers = #tpu.dot_dimension_numbers<[1], [0], [0], [1], [0, 0, 1, 1], [], []>, transpose_lhs_hint = false} : vector<2000x1024xf32>, vector<1024x128xf32>, vector<2000x128xf32> -> vector<2000x128xf32>
    %add3A_248 = arith.addf %dot_general3A_242, %dot_general3A_247 : vector<2000x128xf32>
    %swap3A = arith.constant 0 : index
    %swap3A_249 = arith.constant 0 : index
    %swap3A_250 = vector.load %arg8[%swap3A, %swap3A_249] : memref<2000x128xf32, #tpu.memory_space<vmem>>, vector<2000x128xf32>
    tpu.vector_store %arg8[%swap3A, %swap3A_249], %add3A {strides = array<i32>} : memref<2000x128xf32, #tpu.memory_space<vmem>>, vector<2000x128xf32>,
    %swap3A_251 = arith.constant 0 : index
    %swap3A_252 = arith.constant 0 : index
    %swap3A_253 = vector.load %arg9[%swap3A_251, %swap3A_252] : memref<2000x128xf32, #tpu.memory_space<vmem>>, vector<2000x128xf32>
    tpu.vector_store %arg9[%swap3A_251, %swap3A_252], %add3A_237 {strides = array<i32>} : memref<2000x128xf32, #tpu.memory_space<vmem>>, vector<2000x128xf32>,
    %swap3A_254 = arith.constant 0 : index
    %swap3A_255 = arith.constant 0 : index
    %swap3A_256 = vector.load %arg10[%swap3A_254, %swap3A_255] : memref<2000x128xf32, #tpu.memory_space<vmem>>, vector<2000x128xf32>
    tpu.vector_store %arg10[%swap3A_254, %swap3A_255], %add3A_248 {strides = array<i32>} : memref<2000x128xf32, #tpu.memory_space<vmem>>, vector<2000x128xf32>,
    return
  }
  func.func @transform_0(%arg0: i32) -> (i32, i32) {
    %c0_i32 = arith.constant 0 : i32
    %c0_i32_0 = arith.constant 0 : i32
    return %arg0, %c0_i32 : i32, i32
  }
  func.func @transform_1(%arg0: i32) -> (i32, i32) {
    %c0_i32 = arith.constant 0 : i32
    %c0_i32_0 = arith.constant 0 : i32
    %c0_i32_1 = arith.constant 0 : i32
    return %c0_i32, %c0_i32_0 : i32, i32
  }
  func.func @transform_2(%arg0: i32) -> (i32, i32) {
    %c0_i32 = arith.constant 0 : i32
    %c0_i32_0 = arith.constant 0 : i32
    %c0_i32_1 = arith.constant 0 : i32
    return %c0_i32, %c0_i32_0 : i32, i32
  }
  func.func @transform_3(%arg0: i32) -> (i32, i32) {
    %c0_i32 = arith.constant 0 : i32
    %c0_i32_0 = arith.constant 0 : i32
    %c0_i32_1 = arith.constant 0 : i32
    return %c0_i32, %c0_i32_0 : i32, i32
  }
  func.func @transform_4(%arg0: i32) -> (i32, i32) {
    %c0_i32 = arith.constant 0 : i32
    %c0_i32_0 = arith.constant 0 : i32
    %c0_i32_1 = arith.constant 0 : i32
    return %c0_i32, %c0_i32_0 : i32, i32
  }
  func.func @transform_5(%arg0: i32) -> (i32, i32) {
    %c0_i32 = arith.constant 0 : i32
    %c0_i32_0 = arith.constant 0 : i32
    %c0_i32_1 = arith.constant 0 : i32
    return %c0_i32, %c0_i32_0 : i32, i32
  }
  func.func @transform_6(%arg0: i32) -> (i32, i32) {
    %c0_i32 = arith.constant 0 : i32
    %c0_i32_0 = arith.constant 0 : i32
    %c0_i32_1 = arith.constant 0 : i32
    return %c0_i32, %c0_i32_0 : i32, i32
  }
  func.func @transform_7(%arg0: i32) -> (i32, i32) {
    %c0_i32 = arith.constant 0 : i32
    %c0_i32_0 = arith.constant 0 : i32
    return %arg0, %c0_i32 : i32, i32
  }
  func.func @transform_8(%arg0: i32) -> (i32, i32) {
    %c0_i32 = arith.constant 0 : i32
    %c0_i32_0 = arith.constant 0 : i32
    return %arg0, %c0_i32 : i32, i32
  }
  func.func @transform_9(%arg0: i32) -> (i32, i32) {
    %c0_i32 = arith.constant 0 : i32
    %c0_i32_0 = arith.constant 0 : i32
    return %arg0, %c0_i32 : i32, i32
  }
}

module attributes {stable_mosaic.version = 14 : i64} {
  func.func @body(%arg0: i32, %arg1: memref<2000x128xf32, #tpu.memory_space<vmem>>, %arg2: memref<2000x128xf32, #tpu.memory_space<vmem>>, %arg3: memref<2000x16xf32, #tpu.memory_space<vmem>>, %arg4: memref<2000x16xf32, #tpu.memory_space<vmem>>, %arg5: memref<2000x128xf32, #tpu.memory_space<vmem>>, %arg6: memref<2000x128xf32, #tpu.memory_space<vmem>>) attributes {dimension_semantics = [#tpu.dimension_semantics<arbitrary>], iteration_bounds = array<i64: 5>, scalar_prefetch = 0 : i64, scratch_operands = 0 : i64, tpu.core_type = #tpu.core_type<tc>, window_params = [{transform_indices = @transform_0, window_bounds = array<i64: 2000, 128>}, {transform_indices = @transform_1, window_bounds = array<i64: 2000, 128>}, {transform_indices = @transform_2, window_bounds = array<i64: 2000, 16>}, {transform_indices = @transform_3, window_bounds = array<i64: 2000, 16>}, {transform_indices = @transform_4, window_bounds = array<i64: 2000, 128>}, {transform_indices = @transform_5, window_bounds = array<i64: 2000, 128>}]} {
    %get3A = arith.constant 0 : index
    %get3A_0 = arith.constant 0 : index
    %get3A_1 = vector.load %arg1[%get3A, %get3A_0] : memref<2000x128xf32, #tpu.memory_space<vmem>>, vector<2000x128xf32>
    %get3A_2 = arith.constant 0 : index
    %get3A_3 = arith.constant 0 : index
    %get3A_4 = vector.load %arg3[%get3A_2, %get3A_3] : memref<2000x16xf32, #tpu.memory_space<vmem>>, vector<2000x16xf32>
    %slice3A = vector.extract_strided_slice %get3A_4 {offsets = [0, 0], sizes = [2000, 1], strides = [1, 1]} : vector<2000x16xf32> to vector<2000x1xf32>
    %gt3A = arith.constant 0.000000e+00 : f32
    %gt3A_5 = vector.broadcast %gt3A : f32 to vector<2000x1xf32>
    %gt3A_6 = arith.cmpf ogt, %slice3A, %gt3A_5 : vector<2000x1xf32>
    %rsqrt3A = math.rsqrt %slice3A : vector<2000x1xf32>
    %jit3A = arith.constant 0.000000e+00 : f32
    %broadcast_in_dim3A = vector.broadcast %jit3A : f32 to vector<2000x1xf32>
    %select_n3A = arith.select %gt3A_6, %rsqrt3A, %broadcast_in_dim3A : vector<2000x1xi1>, vector<2000x1xf32>
    %mul3A = vector.broadcast %select_n3A : vector<2000x1xf32> to vector<2000x128xf32>
    %mul3A_7 = arith.mulf %get3A_1, %mul3A : vector<2000x128xf32>
    %swap3A = arith.constant 0 : index
    %swap3A_8 = arith.constant 0 : index
    %swap3A_9 = vector.load %arg5[%swap3A, %swap3A_8] : memref<2000x128xf32, #tpu.memory_space<vmem>>, vector<2000x128xf32>
    tpu.vector_store %arg5[%swap3A, %swap3A_8], %mul3A_7 {strides = array<i32>} : memref<2000x128xf32, #tpu.memory_space<vmem>>, vector<2000x128xf32>,
    %get3A_10 = arith.constant 0 : index
    %get3A_11 = arith.constant 0 : index
    %get3A_12 = vector.load %arg2[%get3A_10, %get3A_11] : memref<2000x128xf32, #tpu.memory_space<vmem>>, vector<2000x128xf32>
    %get3A_13 = arith.constant 0 : index
    %get3A_14 = arith.constant 0 : index
    %get3A_15 = vector.load %arg4[%get3A_13, %get3A_14] : memref<2000x16xf32, #tpu.memory_space<vmem>>, vector<2000x16xf32>
    %slice3A_16 = vector.extract_strided_slice %get3A_15 {offsets = [0, 0], sizes = [2000, 1], strides = [1, 1]} : vector<2000x16xf32> to vector<2000x1xf32>
    %gt3A_17 = arith.constant 0.000000e+00 : f32
    %gt3A_18 = vector.broadcast %gt3A_17 : f32 to vector<2000x1xf32>
    %gt3A_19 = arith.cmpf ogt, %slice3A_16, %gt3A_18 : vector<2000x1xf32>
    %rsqrt3A_20 = math.rsqrt %slice3A_16 : vector<2000x1xf32>
    %jit3A_21 = arith.constant 0.000000e+00 : f32
    %broadcast_in_dim3A_22 = vector.broadcast %jit3A_21 : f32 to vector<2000x1xf32>
    %select_n3A_23 = arith.select %gt3A_19, %rsqrt3A_20, %broadcast_in_dim3A_22 : vector<2000x1xi1>, vector<2000x1xf32>
    %mul3A_24 = vector.broadcast %select_n3A_23 : vector<2000x1xf32> to vector<2000x128xf32>
    %mul3A_25 = arith.mulf %get3A_12, %mul3A_24 : vector<2000x128xf32>
    %swap3A_26 = arith.constant 0 : index
    %swap3A_27 = arith.constant 0 : index
    %swap3A_28 = vector.load %arg6[%swap3A_26, %swap3A_27] : memref<2000x128xf32, #tpu.memory_space<vmem>>, vector<2000x128xf32>
    tpu.vector_store %arg6[%swap3A_26, %swap3A_27], %mul3A_25 {strides = array<i32>} : memref<2000x128xf32, #tpu.memory_space<vmem>>, vector<2000x128xf32>,
    return
  }
  func.func @transform_0(%arg0: i32) -> (i32, i32) {
    %c0_i32 = arith.constant 0 : i32
    %c0_i32_0 = arith.constant 0 : i32
    return %arg0, %c0_i32 : i32, i32
  }
  func.func @transform_1(%arg0: i32) -> (i32, i32) {
    %c0_i32 = arith.constant 0 : i32
    %c0_i32_0 = arith.constant 0 : i32
    return %arg0, %c0_i32 : i32, i32
  }
  func.func @transform_2(%arg0: i32) -> (i32, i32) {
    %c0_i32 = arith.constant 0 : i32
    %c0_i32_0 = arith.constant 0 : i32
    return %arg0, %c0_i32 : i32, i32
  }
  func.func @transform_3(%arg0: i32) -> (i32, i32) {
    %c0_i32 = arith.constant 0 : i32
    %c0_i32_0 = arith.constant 0 : i32
    return %arg0, %c0_i32 : i32, i32
  }
  func.func @transform_4(%arg0: i32) -> (i32, i32) {
    %c0_i32 = arith.constant 0 : i32
    %c0_i32_0 = arith.constant 0 : i32
    return %arg0, %c0_i32 : i32, i32
  }
  func.func @transform_5(%arg0: i32) -> (i32, i32) {
    %c0_i32 = arith.constant 0 : i32
    %c0_i32_0 = arith.constant 0 : i32
    return %arg0, %c0_i32 : i32, i32
  }
}

module attributes {stable_mosaic.version = 14 : i64} {
  func.func @body(%arg0: i32, %arg1: memref<2000x128xf32, #tpu.memory_space<vmem>>, %arg2: memref<2000x128xf32, #tpu.memory_space<vmem>>, %arg3: memref<2000x128xf32, #tpu.memory_space<vmem>>, %arg4: memref<2000x16xf32, #tpu.memory_space<vmem>>, %arg5: memref<2000x16xf32, #tpu.memory_space<vmem>>, %arg6: memref<128x128xf32, #tpu.memory_space<vmem>>, %arg7: memref<1024x128xf32, #tpu.memory_space<vmem>>, %arg8: memref<128x128xf32, #tpu.memory_space<vmem>>, %arg9: memref<1024x128xf32, #tpu.memory_space<vmem>>, %arg10: memref<128x128xf32, #tpu.memory_space<vmem>>, %arg11: memref<1024x128xf32, #tpu.memory_space<vmem>>, %arg12: memref<2000x128xf32, #tpu.memory_space<vmem>>, %arg13: memref<2000x128xf32, #tpu.memory_space<vmem>>, %arg14: memref<2000x128xf32, #tpu.memory_space<vmem>>) attributes {dimension_semantics = [#tpu.dimension_semantics<arbitrary>], iteration_bounds = array<i64: 5>, scalar_prefetch = 0 : i64, scratch_operands = 0 : i64, tpu.core_type = #tpu.core_type<tc>, window_params = [{transform_indices = @transform_0, window_bounds = array<i64: 2000, 128>}, {transform_indices = @transform_1, window_bounds = array<i64: 2000, 128>}, {transform_indices = @transform_2, window_bounds = array<i64: 2000, 128>}, {transform_indices = @transform_3, window_bounds = array<i64: 2000, 16>}, {transform_indices = @transform_4, window_bounds = array<i64: 2000, 16>}, {pipeline_mode = #tpu.pipeline_mode<synchronous>, transform_indices = @transform_5, window_bounds = array<i64: 128, 128>}, {pipeline_mode = #tpu.pipeline_mode<synchronous>, transform_indices = @transform_6, window_bounds = array<i64: 1024, 128>}, {pipeline_mode = #tpu.pipeline_mode<synchronous>, transform_indices = @transform_7, window_bounds = array<i64: 128, 128>}, {pipeline_mode = #tpu.pipeline_mode<synchronous>, transform_indices = @transform_8, window_bounds = array<i64: 1024, 128>}, {pipeline_mode = #tpu.pipeline_mode<synchronous>, transform_indices = @transform_9, window_bounds = array<i64: 128, 128>}, {pipeline_mode = #tpu.pipeline_mode<synchronous>, transform_indices = @transform_10, window_bounds = array<i64: 1024, 128>}, {transform_indices = @transform_11, window_bounds = array<i64: 2000, 128>}, {transform_indices = @transform_12, window_bounds = array<i64: 2000, 128>}, {transform_indices = @transform_13, window_bounds = array<i64: 2000, 128>}]} {
    %get3A = arith.constant 0 : index
    %get3A_0 = arith.constant 0 : index
    %get3A_1 = vector.load %arg4[%get3A, %get3A_0] : memref<2000x16xf32, #tpu.memory_space<vmem>>, vector<2000x16xf32>
    %slice3A = vector.extract_strided_slice %get3A_1 {offsets = [0, 0], sizes = [2000, 1], strides = [1, 1]} : vector<2000x16xf32> to vector<2000x1xf32>
    %gt3A = arith.constant 0.000000e+00 : f32
    %gt3A_2 = vector.broadcast %gt3A : f32 to vector<2000x1xf32>
    %gt3A_3 = arith.cmpf ogt, %slice3A, %gt3A_2 : vector<2000x1xf32>
    %rsqrt3A = math.rsqrt %slice3A : vector<2000x1xf32>
    %jit3A = arith.constant 0.000000e+00 : f32
    %broadcast_in_dim3A = vector.broadcast %jit3A : f32 to vector<2000x1xf32>
    %select_n3A = arith.select %gt3A_3, %rsqrt3A, %broadcast_in_dim3A : vector<2000x1xi1>, vector<2000x1xf32>
    %get3A_4 = arith.constant 0 : index
    %get3A_5 = arith.constant 0 : index
    %get3A_6 = vector.load %arg5[%get3A_4, %get3A_5] : memref<2000x16xf32, #tpu.memory_space<vmem>>, vector<2000x16xf32>
    %slice3A_7 = vector.extract_strided_slice %get3A_6 {offsets = [0, 0], sizes = [2000, 1], strides = [1, 1]} : vector<2000x16xf32> to vector<2000x1xf32>
    %gt3A_8 = arith.constant 0.000000e+00 : f32
    %gt3A_9 = vector.broadcast %gt3A_8 : f32 to vector<2000x1xf32>
    %gt3A_10 = arith.cmpf ogt, %slice3A_7, %gt3A_9 : vector<2000x1xf32>
    %rsqrt3A_11 = math.rsqrt %slice3A_7 : vector<2000x1xf32>
    %jit3A_12 = arith.constant 0.000000e+00 : f32
    %broadcast_in_dim3A_13 = vector.broadcast %jit3A_12 : f32 to vector<2000x1xf32>
    %select_n3A_14 = arith.select %gt3A_10, %rsqrt3A_11, %broadcast_in_dim3A_13 : vector<2000x1xi1>, vector<2000x1xf32>
    %get3A_15 = arith.constant 0 : index
    %get3A_16 = arith.constant 0 : index
    %get3A_17 = vector.load %arg1[%get3A_15, %get3A_16] : memref<2000x128xf32, #tpu.memory_space<vmem>>, vector<2000x128xf32>
    %get3A_18 = arith.constant 0 : index
    %get3A_19 = arith.constant 0 : index
    %get3A_20 = vector.load %arg2[%get3A_18, %get3A_19] : memref<2000x128xf32, #tpu.memory_space<vmem>>, vector<2000x128xf32>
    %mul3A = vector.broadcast %select_n3A : vector<2000x1xf32> to vector<2000x128xf32>
    %mul3A_21 = arith.mulf %mul3A, %get3A_20 : vector<2000x128xf32>
    %add3A = arith.addf %get3A_17, %mul3A_21 : vector<2000x128xf32>
    %get3A_22 = arith.constant 0 : index
    %get3A_23 = arith.constant 0 : index
    %get3A_24 = vector.load %arg3[%get3A_22, %get3A_23] : memref<2000x128xf32, #tpu.memory_space<vmem>>, vector<2000x128xf32>
    %mul3A_25 = vector.broadcast %select_n3A_14 : vector<2000x1xf32> to vector<2000x128xf32>
    %mul3A_26 = arith.mulf %mul3A_25, %get3A_24 : vector<2000x128xf32>
    %add3A_27 = arith.addf %add3A, %mul3A_26 : vector<2000x128xf32>
    %max3A = arith.constant 0.000000e+00 : f32
    %max3A_28 = vector.broadcast %max3A : f32 to vector<2000x128xf32>
    %max3A_29 = arith.maximumf %add3A_27, %max3A_28 : vector<2000x128xf32>
    %logistic3A = arith.negf %max3A_29 : vector<2000x128xf32>
    %logistic3A_30 = math.exp %logistic3A : vector<2000x128xf32>
    %logistic3A_31 = arith.constant 1.000000e+00 : f32
    %logistic3A_32 = vector.broadcast %logistic3A_31 : f32 to vector<2000x128xf32>
    %logistic3A_33 = arith.addf %logistic3A_32, %logistic3A_30 : vector<2000x128xf32>
    %logistic3A_34 = arith.divf %logistic3A_32, %logistic3A_33 : vector<2000x128xf32>
    %mul3A_35 = arith.mulf %max3A_29, %logistic3A_34 : vector<2000x128xf32>
    %sub3A = arith.constant -2.200000e+00 : f32
    %sub3A_36 = vector.broadcast %sub3A : f32 to vector<2000x128xf32>
    %sub3A_37 = arith.subf %max3A_29, %sub3A_36 : vector<2000x128xf32>
    %sub3A_38 = arith.constant -1.800000e+00 : f32
    %sub3A_39 = vector.broadcast %sub3A_38 : f32 to vector<2000x128xf32>
    %sub3A_40 = arith.subf %max3A_29, %sub3A_39 : vector<2000x128xf32>
    %sub3A_41 = arith.constant -1.400000e+00 : f32
    %sub3A_42 = vector.broadcast %sub3A_41 : f32 to vector<2000x128xf32>
    %sub3A_43 = arith.subf %max3A_29, %sub3A_42 : vector<2000x128xf32>
    %sub3A_44 = arith.constant -1.000000e+00 : f32
    %sub3A_45 = vector.broadcast %sub3A_44 : f32 to vector<2000x128xf32>
    %sub3A_46 = arith.subf %max3A_29, %sub3A_45 : vector<2000x128xf32>
    %sub3A_47 = arith.constant -6.000000e-01 : f32
    %sub3A_48 = vector.broadcast %sub3A_47 : f32 to vector<2000x128xf32>
    %sub3A_49 = arith.subf %max3A_29, %sub3A_48 : vector<2000x128xf32>
    %sub3A_50 = arith.constant -0.199999988 : f32
    %sub3A_51 = vector.broadcast %sub3A_50 : f32 to vector<2000x128xf32>
    %sub3A_52 = arith.subf %max3A_29, %sub3A_51 : vector<2000x128xf32>
    %sub3A_53 = arith.constant 0.200000048 : f32
    %sub3A_54 = vector.broadcast %sub3A_53 : f32 to vector<2000x128xf32>
    %sub3A_55 = arith.subf %max3A_29, %sub3A_54 : vector<2000x128xf32>
    %sub3A_56 = arith.constant 6.000000e-01 : f32
    %sub3A_57 = vector.broadcast %sub3A_56 : f32 to vector<2000x128xf32>
    %sub3A_58 = arith.subf %max3A_29, %sub3A_57 : vector<2000x128xf32>
    %sub3A_59 = arith.constant 1.000000e+00 : f32
    %sub3A_60 = vector.broadcast %sub3A_59 : f32 to vector<2000x128xf32>
    %sub3A_61 = arith.subf %max3A_29, %sub3A_60 : vector<2000x128xf32>
    %sub3A_62 = arith.constant 1.4000001 : f32
    %sub3A_63 = vector.broadcast %sub3A_62 : f32 to vector<2000x128xf32>
    %sub3A_64 = arith.subf %max3A_29, %sub3A_63 : vector<2000x128xf32>
    %sub3A_65 = arith.constant 1.800000e+00 : f32
    %sub3A_66 = vector.broadcast %sub3A_65 : f32 to vector<2000x128xf32>
    %sub3A_67 = arith.subf %max3A_29, %sub3A_66 : vector<2000x128xf32>
    %sub3A_68 = arith.constant 2.200000e+00 : f32
    %sub3A_69 = vector.broadcast %sub3A_68 : f32 to vector<2000x128xf32>
    %sub3A_70 = arith.subf %max3A_29, %sub3A_69 : vector<2000x128xf32>
    %ge3A = arith.constant -2.200000e+00 : f32
    %ge3A_71 = vector.broadcast %ge3A : f32 to vector<2000x128xf32>
    %ge3A_72 = arith.cmpf oge, %max3A_29, %ge3A_71 : vector<2000x128xf32>
    %lt3A = arith.constant -1.800000e+00 : f32
    %lt3A_73 = vector.broadcast %lt3A : f32 to vector<2000x128xf32>
    %lt3A_74 = arith.cmpf olt, %max3A_29, %lt3A_73 : vector<2000x128xf32>
    %and3A = arith.andi %ge3A_72, %lt3A_74 : vector<2000x128xi1>
    %convert_element_type3A = arith.extui %and3A : vector<2000x128xi1> to vector<2000x128xi32>
    %convert_element_type3A_75 = arith.sitofp %convert_element_type3A : vector<2000x128xi32> to vector<2000x128xf32>
    %ge3A_76 = arith.constant -1.800000e+00 : f32
    %ge3A_77 = vector.broadcast %ge3A_76 : f32 to vector<2000x128xf32>
    %ge3A_78 = arith.cmpf oge, %max3A_29, %ge3A_77 : vector<2000x128xf32>
    %lt3A_79 = arith.constant -1.400000e+00 : f32
    %lt3A_80 = vector.broadcast %lt3A_79 : f32 to vector<2000x128xf32>
    %lt3A_81 = arith.cmpf olt, %max3A_29, %lt3A_80 : vector<2000x128xf32>
    %and3A_82 = arith.andi %ge3A_78, %lt3A_81 : vector<2000x128xi1>
    %convert_element_type3A_83 = arith.extui %and3A_82 : vector<2000x128xi1> to vector<2000x128xi32>
    %convert_element_type3A_84 = arith.sitofp %convert_element_type3A_83 : vector<2000x128xi32> to vector<2000x128xf32>
    %ge3A_85 = arith.constant -1.400000e+00 : f32
    %ge3A_86 = vector.broadcast %ge3A_85 : f32 to vector<2000x128xf32>
    %ge3A_87 = arith.cmpf oge, %max3A_29, %ge3A_86 : vector<2000x128xf32>
    %lt3A_88 = arith.constant -1.000000e+00 : f32
    %lt3A_89 = vector.broadcast %lt3A_88 : f32 to vector<2000x128xf32>
    %lt3A_90 = arith.cmpf olt, %max3A_29, %lt3A_89 : vector<2000x128xf32>
    %and3A_91 = arith.andi %ge3A_87, %lt3A_90 : vector<2000x128xi1>
    %convert_element_type3A_92 = arith.extui %and3A_91 : vector<2000x128xi1> to vector<2000x128xi32>
    %convert_element_type3A_93 = arith.sitofp %convert_element_type3A_92 : vector<2000x128xi32> to vector<2000x128xf32>
    %ge3A_94 = arith.constant -1.000000e+00 : f32
    %ge3A_95 = vector.broadcast %ge3A_94 : f32 to vector<2000x128xf32>
    %ge3A_96 = arith.cmpf oge, %max3A_29, %ge3A_95 : vector<2000x128xf32>
    %lt3A_97 = arith.constant -6.000000e-01 : f32
    %lt3A_98 = vector.broadcast %lt3A_97 : f32 to vector<2000x128xf32>
    %lt3A_99 = arith.cmpf olt, %max3A_29, %lt3A_98 : vector<2000x128xf32>
    %and3A_100 = arith.andi %ge3A_96, %lt3A_99 : vector<2000x128xi1>
    %convert_element_type3A_101 = arith.extui %and3A_100 : vector<2000x128xi1> to vector<2000x128xi32>
    %convert_element_type3A_102 = arith.sitofp %convert_element_type3A_101 : vector<2000x128xi32> to vector<2000x128xf32>
    %ge3A_103 = arith.constant -6.000000e-01 : f32
    %ge3A_104 = vector.broadcast %ge3A_103 : f32 to vector<2000x128xf32>
    %ge3A_105 = arith.cmpf oge, %max3A_29, %ge3A_104 : vector<2000x128xf32>
    %lt3A_106 = arith.constant -0.199999988 : f32
    %lt3A_107 = vector.broadcast %lt3A_106 : f32 to vector<2000x128xf32>
    %lt3A_108 = arith.cmpf olt, %max3A_29, %lt3A_107 : vector<2000x128xf32>
    %and3A_109 = arith.andi %ge3A_105, %lt3A_108 : vector<2000x128xi1>
    %convert_element_type3A_110 = arith.extui %and3A_109 : vector<2000x128xi1> to vector<2000x128xi32>
    %convert_element_type3A_111 = arith.sitofp %convert_element_type3A_110 : vector<2000x128xi32> to vector<2000x128xf32>
    %ge3A_112 = arith.constant -0.199999988 : f32
    %ge3A_113 = vector.broadcast %ge3A_112 : f32 to vector<2000x128xf32>
    %ge3A_114 = arith.cmpf oge, %max3A_29, %ge3A_113 : vector<2000x128xf32>
    %lt3A_115 = arith.constant 0.200000048 : f32
    %lt3A_116 = vector.broadcast %lt3A_115 : f32 to vector<2000x128xf32>
    %lt3A_117 = arith.cmpf olt, %max3A_29, %lt3A_116 : vector<2000x128xf32>
    %and3A_118 = arith.andi %ge3A_114, %lt3A_117 : vector<2000x128xi1>
    %convert_element_type3A_119 = arith.extui %and3A_118 : vector<2000x128xi1> to vector<2000x128xi32>
    %convert_element_type3A_120 = arith.sitofp %convert_element_type3A_119 : vector<2000x128xi32> to vector<2000x128xf32>
    %ge3A_121 = arith.constant 0.200000048 : f32
    %ge3A_122 = vector.broadcast %ge3A_121 : f32 to vector<2000x128xf32>
    %ge3A_123 = arith.cmpf oge, %max3A_29, %ge3A_122 : vector<2000x128xf32>
    %lt3A_124 = arith.constant 6.000000e-01 : f32
    %lt3A_125 = vector.broadcast %lt3A_124 : f32 to vector<2000x128xf32>
    %lt3A_126 = arith.cmpf olt, %max3A_29, %lt3A_125 : vector<2000x128xf32>
    %and3A_127 = arith.andi %ge3A_123, %lt3A_126 : vector<2000x128xi1>
    %convert_element_type3A_128 = arith.extui %and3A_127 : vector<2000x128xi1> to vector<2000x128xi32>
    %convert_element_type3A_129 = arith.sitofp %convert_element_type3A_128 : vector<2000x128xi32> to vector<2000x128xf32>
    %ge3A_130 = arith.constant 6.000000e-01 : f32
    %ge3A_131 = vector.broadcast %ge3A_130 : f32 to vector<2000x128xf32>
    %ge3A_132 = arith.cmpf oge, %max3A_29, %ge3A_131 : vector<2000x128xf32>
    %lt3A_133 = arith.constant 1.000000e+00 : f32
    %lt3A_134 = vector.broadcast %lt3A_133 : f32 to vector<2000x128xf32>
    %lt3A_135 = arith.cmpf olt, %max3A_29, %lt3A_134 : vector<2000x128xf32>
    %and3A_136 = arith.andi %ge3A_132, %lt3A_135 : vector<2000x128xi1>
    %convert_element_type3A_137 = arith.extui %and3A_136 : vector<2000x128xi1> to vector<2000x128xi32>
    %convert_element_type3A_138 = arith.sitofp %convert_element_type3A_137 : vector<2000x128xi32> to vector<2000x128xf32>
    %ge3A_139 = arith.constant 1.000000e+00 : f32
    %ge3A_140 = vector.broadcast %ge3A_139 : f32 to vector<2000x128xf32>
    %ge3A_141 = arith.cmpf oge, %max3A_29, %ge3A_140 : vector<2000x128xf32>
    %lt3A_142 = arith.constant 1.4000001 : f32
    %lt3A_143 = vector.broadcast %lt3A_142 : f32 to vector<2000x128xf32>
    %lt3A_144 = arith.cmpf olt, %max3A_29, %lt3A_143 : vector<2000x128xf32>
    %and3A_145 = arith.andi %ge3A_141, %lt3A_144 : vector<2000x128xi1>
    %convert_element_type3A_146 = arith.extui %and3A_145 : vector<2000x128xi1> to vector<2000x128xi32>
    %convert_element_type3A_147 = arith.sitofp %convert_element_type3A_146 : vector<2000x128xi32> to vector<2000x128xf32>
    %ge3A_148 = arith.constant 1.4000001 : f32
    %ge3A_149 = vector.broadcast %ge3A_148 : f32 to vector<2000x128xf32>
    %ge3A_150 = arith.cmpf oge, %max3A_29, %ge3A_149 : vector<2000x128xf32>
    %lt3A_151 = arith.constant 1.800000e+00 : f32
    %lt3A_152 = vector.broadcast %lt3A_151 : f32 to vector<2000x128xf32>
    %lt3A_153 = arith.cmpf olt, %max3A_29, %lt3A_152 : vector<2000x128xf32>
    %and3A_154 = arith.andi %ge3A_150, %lt3A_153 : vector<2000x128xi1>
    %convert_element_type3A_155 = arith.extui %and3A_154 : vector<2000x128xi1> to vector<2000x128xi32>
    %convert_element_type3A_156 = arith.sitofp %convert_element_type3A_155 : vector<2000x128xi32> to vector<2000x128xf32>
    %ge3A_157 = arith.constant 1.800000e+00 : f32
    %ge3A_158 = vector.broadcast %ge3A_157 : f32 to vector<2000x128xf32>
    %ge3A_159 = arith.cmpf oge, %max3A_29, %ge3A_158 : vector<2000x128xf32>
    %lt3A_160 = arith.constant 2.200000e+00 : f32
    %lt3A_161 = vector.broadcast %lt3A_160 : f32 to vector<2000x128xf32>
    %lt3A_162 = arith.cmpf olt, %max3A_29, %lt3A_161 : vector<2000x128xf32>
    %and3A_163 = arith.andi %ge3A_159, %lt3A_162 : vector<2000x128xi1>
    %convert_element_type3A_164 = arith.extui %and3A_163 : vector<2000x128xi1> to vector<2000x128xi32>
    %convert_element_type3A_165 = arith.sitofp %convert_element_type3A_164 : vector<2000x128xi32> to vector<2000x128xf32>
    %mul3A_166 = arith.mulf %sub3A_37, %convert_element_type3A_75 : vector<2000x128xf32>
    %mul3A_167 = arith.mulf %sub3A_43, %convert_element_type3A_84 : vector<2000x128xf32>
    %sub3A_168 = arith.subf %mul3A_166, %mul3A_167 : vector<2000x128xf32>
    %mul3A_169 = arith.mulf %sub3A_40, %convert_element_type3A_84 : vector<2000x128xf32>
    %mul3A_170 = arith.mulf %sub3A_46, %convert_element_type3A_93 : vector<2000x128xf32>
    %sub3A_171 = arith.subf %mul3A_169, %mul3A_170 : vector<2000x128xf32>
    %mul3A_172 = arith.mulf %sub3A_43, %convert_element_type3A_93 : vector<2000x128xf32>
    %mul3A_173 = arith.mulf %sub3A_49, %convert_element_type3A_102 : vector<2000x128xf32>
    %sub3A_174 = arith.subf %mul3A_172, %mul3A_173 : vector<2000x128xf32>
    %mul3A_175 = arith.mulf %sub3A_46, %convert_element_type3A_102 : vector<2000x128xf32>
    %mul3A_176 = arith.mulf %sub3A_52, %convert_element_type3A_111 : vector<2000x128xf32>
    %sub3A_177 = arith.subf %mul3A_175, %mul3A_176 : vector<2000x128xf32>
    %mul3A_178 = arith.mulf %sub3A_49, %convert_element_type3A_111 : vector<2000x128xf32>
    %mul3A_179 = arith.mulf %sub3A_55, %convert_element_type3A_120 : vector<2000x128xf32>
    %sub3A_180 = arith.subf %mul3A_178, %mul3A_179 : vector<2000x128xf32>
    %mul3A_181 = arith.mulf %sub3A_52, %convert_element_type3A_120 : vector<2000x128xf32>
    %mul3A_182 = arith.mulf %sub3A_58, %convert_element_type3A_129 : vector<2000x128xf32>
    %sub3A_183 = arith.subf %mul3A_181, %mul3A_182 : vector<2000x128xf32>
    %mul3A_184 = arith.mulf %sub3A_55, %convert_element_type3A_129 : vector<2000x128xf32>
    %mul3A_185 = arith.mulf %sub3A_61, %convert_element_type3A_138 : vector<2000x128xf32>
    %sub3A_186 = arith.subf %mul3A_184, %mul3A_185 : vector<2000x128xf32>
    %mul3A_187 = arith.mulf %sub3A_58, %convert_element_type3A_138 : vector<2000x128xf32>
    %mul3A_188 = arith.mulf %sub3A_64, %convert_element_type3A_147 : vector<2000x128xf32>
    %sub3A_189 = arith.subf %mul3A_187, %mul3A_188 : vector<2000x128xf32>
    %mul3A_190 = arith.mulf %sub3A_61, %convert_element_type3A_147 : vector<2000x128xf32>
    %mul3A_191 = arith.mulf %sub3A_67, %convert_element_type3A_156 : vector<2000x128xf32>
    %sub3A_192 = arith.subf %mul3A_190, %mul3A_191 : vector<2000x128xf32>
    %mul3A_193 = arith.mulf %sub3A_64, %convert_element_type3A_156 : vector<2000x128xf32>
    %mul3A_194 = arith.mulf %sub3A_70, %convert_element_type3A_165 : vector<2000x128xf32>
    %sub3A_195 = arith.subf %mul3A_193, %mul3A_194 : vector<2000x128xf32>
    %mul3A_196 = arith.mulf %sub3A_37, %sub3A_168 : vector<2000x128xf32>
    %mul3A_197 = arith.mulf %sub3A_46, %sub3A_171 : vector<2000x128xf32>
    %sub3A_198 = arith.subf %mul3A_196, %mul3A_197 : vector<2000x128xf32>
    %mul3A_199 = arith.mulf %sub3A_40, %sub3A_171 : vector<2000x128xf32>
    %mul3A_200 = arith.mulf %sub3A_49, %sub3A_174 : vector<2000x128xf32>
    %sub3A_201 = arith.subf %mul3A_199, %mul3A_200 : vector<2000x128xf32>
    %mul3A_202 = arith.mulf %sub3A_43, %sub3A_174 : vector<2000x128xf32>
    %mul3A_203 = arith.mulf %sub3A_52, %sub3A_177 : vector<2000x128xf32>
    %sub3A_204 = arith.subf %mul3A_202, %mul3A_203 : vector<2000x128xf32>
    %mul3A_205 = arith.mulf %sub3A_46, %sub3A_177 : vector<2000x128xf32>
    %mul3A_206 = arith.mulf %sub3A_55, %sub3A_180 : vector<2000x128xf32>
    %sub3A_207 = arith.subf %mul3A_205, %mul3A_206 : vector<2000x128xf32>
    %mul3A_208 = arith.mulf %sub3A_49, %sub3A_180 : vector<2000x128xf32>
    %mul3A_209 = arith.mulf %sub3A_58, %sub3A_183 : vector<2000x128xf32>
    %sub3A_210 = arith.subf %mul3A_208, %mul3A_209 : vector<2000x128xf32>
    %mul3A_211 = arith.mulf %sub3A_52, %sub3A_183 : vector<2000x128xf32>
    %mul3A_212 = arith.mulf %sub3A_61, %sub3A_186 : vector<2000x128xf32>
    %sub3A_213 = arith.subf %mul3A_211, %mul3A_212 : vector<2000x128xf32>
    %mul3A_214 = arith.mulf %sub3A_55, %sub3A_186 : vector<2000x128xf32>
    %mul3A_215 = arith.mulf %sub3A_64, %sub3A_189 : vector<2000x128xf32>
    %sub3A_216 = arith.subf %mul3A_214, %mul3A_215 : vector<2000x128xf32>
    %mul3A_217 = arith.mulf %sub3A_58, %sub3A_189 : vector<2000x128xf32>
    %mul3A_218 = arith.mulf %sub3A_67, %sub3A_192 : vector<2000x128xf32>
    %sub3A_219 = arith.subf %mul3A_217, %mul3A_218 : vector<2000x128xf32>
    %mul3A_220 = arith.mulf %sub3A_61, %sub3A_192 : vector<2000x128xf32>
    %mul3A_221 = arith.mulf %sub3A_70, %sub3A_195 : vector<2000x128xf32>
    %sub3A_222 = arith.subf %mul3A_220, %mul3A_221 : vector<2000x128xf32>
    %mul3A_223 = arith.mulf %sub3A_37, %sub3A_198 : vector<2000x128xf32>
    %mul3A_224 = arith.mulf %sub3A_49, %sub3A_201 : vector<2000x128xf32>
    %sub3A_225 = arith.subf %mul3A_223, %mul3A_224 : vector<2000x128xf32>
    %mul3A_226 = arith.mulf %sub3A_40, %sub3A_201 : vector<2000x128xf32>
    %mul3A_227 = arith.mulf %sub3A_52, %sub3A_204 : vector<2000x128xf32>
    %sub3A_228 = arith.subf %mul3A_226, %mul3A_227 : vector<2000x128xf32>
    %mul3A_229 = arith.mulf %sub3A_43, %sub3A_204 : vector<2000x128xf32>
    %mul3A_230 = arith.mulf %sub3A_55, %sub3A_207 : vector<2000x128xf32>
    %sub3A_231 = arith.subf %mul3A_229, %mul3A_230 : vector<2000x128xf32>
    %mul3A_232 = arith.mulf %sub3A_46, %sub3A_207 : vector<2000x128xf32>
    %mul3A_233 = arith.mulf %sub3A_58, %sub3A_210 : vector<2000x128xf32>
    %sub3A_234 = arith.subf %mul3A_232, %mul3A_233 : vector<2000x128xf32>
    %mul3A_235 = arith.mulf %sub3A_49, %sub3A_210 : vector<2000x128xf32>
    %mul3A_236 = arith.mulf %sub3A_61, %sub3A_213 : vector<2000x128xf32>
    %sub3A_237 = arith.subf %mul3A_235, %mul3A_236 : vector<2000x128xf32>
    %mul3A_238 = arith.mulf %sub3A_52, %sub3A_213 : vector<2000x128xf32>
    %mul3A_239 = arith.mulf %sub3A_64, %sub3A_216 : vector<2000x128xf32>
    %sub3A_240 = arith.subf %mul3A_238, %mul3A_239 : vector<2000x128xf32>
    %mul3A_241 = arith.mulf %sub3A_55, %sub3A_216 : vector<2000x128xf32>
    %mul3A_242 = arith.mulf %sub3A_67, %sub3A_219 : vector<2000x128xf32>
    %sub3A_243 = arith.subf %mul3A_241, %mul3A_242 : vector<2000x128xf32>
    %mul3A_244 = arith.mulf %sub3A_58, %sub3A_219 : vector<2000x128xf32>
    %mul3A_245 = arith.mulf %sub3A_70, %sub3A_222 : vector<2000x128xf32>
    %sub3A_246 = arith.subf %mul3A_244, %mul3A_245 : vector<2000x128xf32>
    %concatenate3A = tpu.concatenate %sub3A_225, %sub3A_228, %sub3A_231, %sub3A_234, %sub3A_237, %sub3A_240, %sub3A_243, %sub3A_246 in 1 : vector<2000x128xf32>, vector<2000x128xf32>, vector<2000x128xf32>, vector<2000x128xf32>, vector<2000x128xf32>, vector<2000x128xf32>, vector<2000x128xf32>, vector<2000x128xf32> -> vector<2000x1024xf32>
    %get3A_247 = arith.constant 0 : index
    %get3A_248 = arith.constant 0 : index
    %get3A_249 = vector.load %arg6[%get3A_247, %get3A_248] : memref<128x128xf32, #tpu.memory_space<vmem>>, vector<128x128xf32>
    %dot_general3A = arith.constant dense<0.000000e+00> : vector<2000x128xf32>
    %dot_general3A_250 = tpu.matmul %mul3A_35, %get3A_249, %dot_general3A {dimension_numbers = #tpu.dot_dimension_numbers<[1], [0], [0], [1], [0, 0, 1, 1], [], []>, transpose_lhs_hint = false} : vector<2000x128xf32>, vector<128x128xf32>, vector<2000x128xf32> -> vector<2000x128xf32>
    %get3A_251 = arith.constant 0 : index
    %get3A_252 = arith.constant 0 : index
    %get3A_253 = vector.load %arg7[%get3A_251, %get3A_252] : memref<1024x128xf32, #tpu.memory_space<vmem>>, vector<1024x128xf32>
    %dot_general3A_254 = arith.constant dense<0.000000e+00> : vector<2000x128xf32>
    %dot_general3A_255 = tpu.matmul %concatenate3A, %get3A_253, %dot_general3A_254 {dimension_numbers = #tpu.dot_dimension_numbers<[1], [0], [0], [1], [0, 0, 1, 1], [], []>, transpose_lhs_hint = false} : vector<2000x1024xf32>, vector<1024x128xf32>, vector<2000x128xf32> -> vector<2000x128xf32>
    %add3A_256 = arith.addf %dot_general3A_250, %dot_general3A_255 : vector<2000x128xf32>
    %get3A_257 = arith.constant 0 : index
    %get3A_258 = arith.constant 0 : index
    %get3A_259 = vector.load %arg8[%get3A_257, %get3A_258] : memref<128x128xf32, #tpu.memory_space<vmem>>, vector<128x128xf32>
    %dot_general3A_260 = arith.constant dense<0.000000e+00> : vector<2000x128xf32>
    %dot_general3A_261 = tpu.matmul %mul3A_35, %get3A_259, %dot_general3A_260 {dimension_numbers = #tpu.dot_dimension_numbers<[1], [0], [0], [1], [0, 0, 1, 1], [], []>, transpose_lhs_hint = false} : vector<2000x128xf32>, vector<128x128xf32>, vector<2000x128xf32> -> vector<2000x128xf32>
    %get3A_262 = arith.constant 0 : index
    %get3A_263 = arith.constant 0 : index
    %get3A_264 = vector.load %arg9[%get3A_262, %get3A_263] : memref<1024x128xf32, #tpu.memory_space<vmem>>, vector<1024x128xf32>
    %dot_general3A_265 = arith.constant dense<0.000000e+00> : vector<2000x128xf32>
    %dot_general3A_266 = tpu.matmul %concatenate3A, %get3A_264, %dot_general3A_265 {dimension_numbers = #tpu.dot_dimension_numbers<[1], [0], [0], [1], [0, 0, 1, 1], [], []>, transpose_lhs_hint = false} : vector<2000x1024xf32>, vector<1024x128xf32>, vector<2000x128xf32> -> vector<2000x128xf32>
    %add3A_267 = arith.addf %dot_general3A_261, %dot_general3A_266 : vector<2000x128xf32>
    %get3A_268 = arith.constant 0 : index
    %get3A_269 = arith.constant 0 : index
    %get3A_270 = vector.load %arg10[%get3A_268, %get3A_269] : memref<128x128xf32, #tpu.memory_space<vmem>>, vector<128x128xf32>
    %dot_general3A_271 = arith.constant dense<0.000000e+00> : vector<2000x128xf32>
    %dot_general3A_272 = tpu.matmul %mul3A_35, %get3A_270, %dot_general3A_271 {dimension_numbers = #tpu.dot_dimension_numbers<[1], [0], [0], [1], [0, 0, 1, 1], [], []>, transpose_lhs_hint = false} : vector<2000x128xf32>, vector<128x128xf32>, vector<2000x128xf32> -> vector<2000x128xf32>
    %get3A_273 = arith.constant 0 : index
    %get3A_274 = arith.constant 0 : index
    %get3A_275 = vector.load %arg11[%get3A_273, %get3A_274] : memref<1024x128xf32, #tpu.memory_space<vmem>>, vector<1024x128xf32>
    %dot_general3A_276 = arith.constant dense<0.000000e+00> : vector<2000x128xf32>
    %dot_general3A_277 = tpu.matmul %concatenate3A, %get3A_275, %dot_general3A_276 {dimension_numbers = #tpu.dot_dimension_numbers<[1], [0], [0], [1], [0, 0, 1, 1], [], []>, transpose_lhs_hint = false} : vector<2000x1024xf32>, vector<1024x128xf32>, vector<2000x128xf32> -> vector<2000x128xf32>
    %add3A_278 = arith.addf %dot_general3A_272, %dot_general3A_277 : vector<2000x128xf32>
    %swap3A = arith.constant 0 : index
    %swap3A_279 = arith.constant 0 : index
    %swap3A_280 = vector.load %arg12[%swap3A, %swap3A_279] : memref<2000x128xf32, #tpu.memory_space<vmem>>, vector<2000x128xf32>
    tpu.vector_store %arg12[%swap3A, %swap3A_279], %add3A_256 {strides = array<i32>} : memref<2000x128xf32, #tpu.memory_space<vmem>>, vector<2000x128xf32>,
    %mul3A_281 = vector.broadcast %select_n3A : vector<2000x1xf32> to vector<2000x128xf32>
    %mul3A_282 = arith.mulf %add3A_267, %mul3A_281 : vector<2000x128xf32>
    %swap3A_283 = arith.constant 0 : index
    %swap3A_284 = arith.constant 0 : index
    %swap3A_285 = vector.load %arg13[%swap3A_283, %swap3A_284] : memref<2000x128xf32, #tpu.memory_space<vmem>>, vector<2000x128xf32>
    tpu.vector_store %arg13[%swap3A_283, %swap3A_284], %mul3A_282 {strides = array<i32>} : memref<2000x128xf32, #tpu.memory_space<vmem>>, vector<2000x128xf32>,
    %mul3A_286 = vector.broadcast %select_n3A_14 : vector<2000x1xf32> to vector<2000x128xf32>
    %mul3A_287 = arith.mulf %add3A_278, %mul3A_286 : vector<2000x128xf32>
    %swap3A_288 = arith.constant 0 : index
    %swap3A_289 = arith.constant 0 : index
    %swap3A_290 = vector.load %arg14[%swap3A_288, %swap3A_289] : memref<2000x128xf32, #tpu.memory_space<vmem>>, vector<2000x128xf32>
    tpu.vector_store %arg14[%swap3A_288, %swap3A_289], %mul3A_287 {strides = array<i32>} : memref<2000x128xf32, #tpu.memory_space<vmem>>, vector<2000x128xf32>,
    return
  }
  func.func @transform_0(%arg0: i32) -> (i32, i32) {
    %c0_i32 = arith.constant 0 : i32
    %c0_i32_0 = arith.constant 0 : i32
    return %arg0, %c0_i32 : i32, i32
  }
  func.func @transform_1(%arg0: i32) -> (i32, i32) {
    %c0_i32 = arith.constant 0 : i32
    %c0_i32_0 = arith.constant 0 : i32
    return %arg0, %c0_i32 : i32, i32
  }
  func.func @transform_2(%arg0: i32) -> (i32, i32) {
    %c0_i32 = arith.constant 0 : i32
    %c0_i32_0 = arith.constant 0 : i32
    return %arg0, %c0_i32 : i32, i32
  }
  func.func @transform_3(%arg0: i32) -> (i32, i32) {
    %c0_i32 = arith.constant 0 : i32
    %c0_i32_0 = arith.constant 0 : i32
    return %arg0, %c0_i32 : i32, i32
  }
  func.func @transform_4(%arg0: i32) -> (i32, i32) {
    %c0_i32 = arith.constant 0 : i32
    %c0_i32_0 = arith.constant 0 : i32
    return %arg0, %c0_i32 : i32, i32
  }
  func.func @transform_5(%arg0: i32) -> (i32, i32) {
    %c0_i32 = arith.constant 0 : i32
    %c0_i32_0 = arith.constant 0 : i32
    %c0_i32_1 = arith.constant 0 : i32
    return %c0_i32, %c0_i32_0 : i32, i32
  }
  func.func @transform_6(%arg0: i32) -> (i32, i32) {
    %c0_i32 = arith.constant 0 : i32
    %c0_i32_0 = arith.constant 0 : i32
    %c0_i32_1 = arith.constant 0 : i32
    return %c0_i32, %c0_i32_0 : i32, i32
  }
  func.func @transform_7(%arg0: i32) -> (i32, i32) {
    %c0_i32 = arith.constant 0 : i32
    %c0_i32_0 = arith.constant 0 : i32
    %c0_i32_1 = arith.constant 0 : i32
    return %c0_i32, %c0_i32_0 : i32, i32
  }
  func.func @transform_8(%arg0: i32) -> (i32, i32) {
    %c0_i32 = arith.constant 0 : i32
    %c0_i32_0 = arith.constant 0 : i32
    %c0_i32_1 = arith.constant 0 : i32
    return %c0_i32, %c0_i32_0 : i32, i32
  }
  func.func @transform_9(%arg0: i32) -> (i32, i32) {
    %c0_i32 = arith.constant 0 : i32
    %c0_i32_0 = arith.constant 0 : i32
    %c0_i32_1 = arith.constant 0 : i32
    return %c0_i32, %c0_i32_0 : i32, i32
  }
  func.func @transform_10(%arg0: i32) -> (i32, i32) {
    %c0_i32 = arith.constant 0 : i32
    %c0_i32_0 = arith.constant 0 : i32
    %c0_i32_1 = arith.constant 0 : i32
    return %c0_i32, %c0_i32_0 : i32, i32
  }
  func.func @transform_11(%arg0: i32) -> (i32, i32) {
    %c0_i32 = arith.constant 0 : i32
    %c0_i32_0 = arith.constant 0 : i32
    return %arg0, %c0_i32 : i32, i32
  }
  func.func @transform_12(%arg0: i32) -> (i32, i32) {
    %c0_i32 = arith.constant 0 : i32
    %c0_i32_0 = arith.constant 0 : i32
    return %arg0, %c0_i32 : i32, i32
  }
  func.func @transform_13(%arg0: i32) -> (i32, i32) {
    %c0_i32 = arith.constant 0 : i32
    %c0_i32_0 = arith.constant 0 : i32
    return %arg0, %c0_i32 : i32, i32
  }
}

module attributes {stable_mosaic.version = 14 : i64} {
  func.func @body(%arg0: i32, %arg1: memref<2000x128xf32, #tpu.memory_space<vmem>>, %arg2: memref<2000x128xf32, #tpu.memory_space<vmem>>, %arg3: memref<2000x128xf32, #tpu.memory_space<vmem>>, %arg4: memref<2000x16xf32, #tpu.memory_space<vmem>>, %arg5: memref<2000x16xf32, #tpu.memory_space<vmem>>, %arg6: memref<2000x128xf32, #tpu.memory_space<vmem>>) attributes {dimension_semantics = [#tpu.dimension_semantics<arbitrary>], iteration_bounds = array<i64: 5>, scalar_prefetch = 0 : i64, scratch_operands = 0 : i64, tpu.core_type = #tpu.core_type<tc>, window_params = [{transform_indices = @transform_0, window_bounds = array<i64: 2000, 128>}, {transform_indices = @transform_1, window_bounds = array<i64: 2000, 128>}, {transform_indices = @transform_2, window_bounds = array<i64: 2000, 128>}, {transform_indices = @transform_3, window_bounds = array<i64: 2000, 16>}, {transform_indices = @transform_4, window_bounds = array<i64: 2000, 16>}, {transform_indices = @transform_5, window_bounds = array<i64: 2000, 128>}]} {
    %get3A = arith.constant 0 : index
    %get3A_0 = arith.constant 0 : index
    %get3A_1 = vector.load %arg4[%get3A, %get3A_0] : memref<2000x16xf32, #tpu.memory_space<vmem>>, vector<2000x16xf32>
    %slice3A = vector.extract_strided_slice %get3A_1 {offsets = [0, 0], sizes = [2000, 1], strides = [1, 1]} : vector<2000x16xf32> to vector<2000x1xf32>
    %gt3A = arith.constant 0.000000e+00 : f32
    %gt3A_2 = vector.broadcast %gt3A : f32 to vector<2000x1xf32>
    %gt3A_3 = arith.cmpf ogt, %slice3A, %gt3A_2 : vector<2000x1xf32>
    %rsqrt3A = math.rsqrt %slice3A : vector<2000x1xf32>
    %jit3A = arith.constant 0.000000e+00 : f32
    %broadcast_in_dim3A = vector.broadcast %jit3A : f32 to vector<2000x1xf32>
    %select_n3A = arith.select %gt3A_3, %rsqrt3A, %broadcast_in_dim3A : vector<2000x1xi1>, vector<2000x1xf32>
    %get3A_4 = arith.constant 0 : index
    %get3A_5 = arith.constant 0 : index
    %get3A_6 = vector.load %arg5[%get3A_4, %get3A_5] : memref<2000x16xf32, #tpu.memory_space<vmem>>, vector<2000x16xf32>
    %slice3A_7 = vector.extract_strided_slice %get3A_6 {offsets = [0, 0], sizes = [2000, 1], strides = [1, 1]} : vector<2000x16xf32> to vector<2000x1xf32>
    %gt3A_8 = arith.constant 0.000000e+00 : f32
    %gt3A_9 = vector.broadcast %gt3A_8 : f32 to vector<2000x1xf32>
    %gt3A_10 = arith.cmpf ogt, %slice3A_7, %gt3A_9 : vector<2000x1xf32>
    %rsqrt3A_11 = math.rsqrt %slice3A_7 : vector<2000x1xf32>
    %jit3A_12 = arith.constant 0.000000e+00 : f32
    %broadcast_in_dim3A_13 = vector.broadcast %jit3A_12 : f32 to vector<2000x1xf32>
    %select_n3A_14 = arith.select %gt3A_10, %rsqrt3A_11, %broadcast_in_dim3A_13 : vector<2000x1xi1>, vector<2000x1xf32>
    %get3A_15 = arith.constant 0 : index
    %get3A_16 = arith.constant 0 : index
    %get3A_17 = vector.load %arg1[%get3A_15, %get3A_16] : memref<2000x128xf32, #tpu.memory_space<vmem>>, vector<2000x128xf32>
    %get3A_18 = arith.constant 0 : index
    %get3A_19 = arith.constant 0 : index
    %get3A_20 = vector.load %arg2[%get3A_18, %get3A_19] : memref<2000x128xf32, #tpu.memory_space<vmem>>, vector<2000x128xf32>
    %mul3A = vector.broadcast %select_n3A : vector<2000x1xf32> to vector<2000x128xf32>
    %mul3A_21 = arith.mulf %mul3A, %get3A_20 : vector<2000x128xf32>
    %add3A = arith.addf %get3A_17, %mul3A_21 : vector<2000x128xf32>
    %get3A_22 = arith.constant 0 : index
    %get3A_23 = arith.constant 0 : index
    %get3A_24 = vector.load %arg3[%get3A_22, %get3A_23] : memref<2000x128xf32, #tpu.memory_space<vmem>>, vector<2000x128xf32>
    %mul3A_25 = vector.broadcast %select_n3A_14 : vector<2000x1xf32> to vector<2000x128xf32>
    %mul3A_26 = arith.mulf %mul3A_25, %get3A_24 : vector<2000x128xf32>
    %add3A_27 = arith.addf %add3A, %mul3A_26 : vector<2000x128xf32>
    %max3A = arith.constant 0.000000e+00 : f32
    %max3A_28 = vector.broadcast %max3A : f32 to vector<2000x128xf32>
    %max3A_29 = arith.maximumf %add3A_27, %max3A_28 : vector<2000x128xf32>
    %swap3A = arith.constant 0 : index
    %swap3A_30 = arith.constant 0 : index
    %swap3A_31 = vector.load %arg6[%swap3A, %swap3A_30] : memref<2000x128xf32, #tpu.memory_space<vmem>>, vector<2000x128xf32>
    tpu.vector_store %arg6[%swap3A, %swap3A_30], %max3A_29 {strides = array<i32>} : memref<2000x128xf32, #tpu.memory_space<vmem>>, vector<2000x128xf32>,
    return
  }
  func.func @transform_0(%arg0: i32) -> (i32, i32) {
    %c0_i32 = arith.constant 0 : i32
    %c0_i32_0 = arith.constant 0 : i32
    return %arg0, %c0_i32 : i32, i32
  }
  func.func @transform_1(%arg0: i32) -> (i32, i32) {
    %c0_i32 = arith.constant 0 : i32
    %c0_i32_0 = arith.constant 0 : i32
    return %arg0, %c0_i32 : i32, i32
  }
  func.func @transform_2(%arg0: i32) -> (i32, i32) {
    %c0_i32 = arith.constant 0 : i32
    %c0_i32_0 = arith.constant 0 : i32
    return %arg0, %c0_i32 : i32, i32
  }
  func.func @transform_3(%arg0: i32) -> (i32, i32) {
    %c0_i32 = arith.constant 0 : i32
    %c0_i32_0 = arith.constant 0 : i32
    return %arg0, %c0_i32 : i32, i32
  }
  func.func @transform_4(%arg0: i32) -> (i32, i32) {
    %c0_i32 = arith.constant 0 : i32
    %c0_i32_0 = arith.constant 0 : i32
    return %arg0, %c0_i32 : i32, i32
  }
  func.func @transform_5(%arg0: i32) -> (i32, i32) {
    %c0_i32 = arith.constant 0 : i32
    %c0_i32_0 = arith.constant 0 : i32
    return %arg0, %c0_i32 : i32, i32
  }
}

</mosaic_0001>

<sc_bundles>
// kernel: kernel.12.cloned.1.call-start
scs
__scs_entry_jumppad:
0x0: {  	(pc) =	sbr.rel $0x88, $3  }
0x1: {  	(tag) =	ssettag $0x0;
	lr =	simm.s32 $0x1  }
0x2: {  	[smem:$0x3F92] =	sst lr;
	_ =	strace $0xD0000000  }
0x3: {  	_ = 	snop  }
0x4: {  	_ = 	snop  }
0x5: {  	_ = 	snop  }
0x6: {  	_ = 	snop  }
0x7: {  	_ = 	snop  }
__scs_overlays_trampoline_lowered:
0x8: {  	[smem:$0x3FA1] =	sst s0  }
0x9: {  	[smem:$0x3FA2] =	sst s1  }
0xa: {  	[smem:$0x3FA3] =	sst s2  }
0xb: {  	[smem:$0x3FA4] =	sst s3  }
0xc: {  	[smem:$0x3FA5] =	sst s4  }
0xd: {  	[smem:$0x3FA6] =	sst s5  }
0xe: {  	[smem:$0x3FA7] =	sst s6  }
0xf: {  	[smem:$0x3FA8] =	sst s7  }
0x10: {  	[smem:$0x3FA9] =	sst s8  }
0x11: {  	[smem:$0x3FAA] =	sst s9;
	s0 =	simm.s32 @!p0 $0x0  }
0x12: {  	s1 =	sld [smem:$0x3F90];
	s0 =	simm.s32 @p0 $0x1  }
0x13: {  	[smem:$0x3FAB] =	sst s0;
	s0 =	simm.s32 @!p1 $0x0  }
0x14: {  	s2 =	sld [smem:$0x3F8F];
	s0 =	simm.s32 @p1 $0x1  }
0x15: {  	[smem:$0x3FAC] =	sst s0;
	s0 =	simm.s32 @!p2 $0x0  }
0x16: {  	s3 =	sld [smem:$0x3FDB];
	s0 =	simm.s32 @p2 $0x1  }
0x17: {  	s4 =	simm.s32 $0x1BF5;
	[smem:$0x3FAE] =	sst s0  }
0x18: {  	s0 =	sld [smem:$0x3F91];
	_ =	swait.ge [sflag:s4], $0x0  }
0x19: {  	s7 =	sld [smem:$0x3F92]  }
0x1a: {  	s8 =	sadd.s32 $0xFFFFE003, lr  }
0x1b: {  	s9 =	sadd.s32 $0xFFFFFEF7, lr;
	s5 =	simm.s32 $0xFFFFFFFF;
	p2 =	slt.u32 s8, $0xFFFFF086  }
0x1c: {  	p1 =	slt.u32 s9, $0xF7A;
	s5 =	simm.s32 @!p2 $0x0  }
0x1d: {  	s5 =	simm.s32 @p1 $0x1;
	p0 =	seq.s32 s7, s2  }
0x1e: {  	s7 =	smul.u32 @!p0 $0xF7A, s2;
	p2 =	seq.s32 @!p0 s5, $0x0  }
0x1f: {  	s9 =	smul.u32 $0xF7A, s1;
	s8 =	simm.s32 @!p0 $0x1BF5;
	p2 =	por !p2, p0  }
0x20: {  	[sflag:s8] =	ssyncset.s32 @!p0 $0xFFFFF086;
	s6 =	sadd.s32 @!p0 s3, s7;
	s7 =	simm.s32 @!p0 $0x108  }
0x21: {  	s3 =	sadd.s32 s3, s9;
	s6 =	sadd.s32 @!p0 $0x88, s6;
	s7 =	simm.s32 @p2 $0x1082  }
0x22: {  	[simem:s7], [sflag:s8] =	dma.local @!p0 [hbm:s6], $0xF7A  }
0x23: {  	s9 =	sor.u32 $0xD0000000, s2;
	s6 =	simm.s32 $0x108;
	_ =	swait.ge @!p0 [sflag:s8], $0x0  }
0x24: {  	s3 =	sadd.s32 $0x88, s3;
	s6 =	simm.s32 @!p1 $0x1082;
	[sflag:s4] =	ssyncset.s32 $0xFFFFF086  }
0x25: {  	[simem:s6], [sflag:s4] =	dma.local [hbm:s3], $0xF7A  }
0x26: {  	[smem:$0x3F92] =	sst s1;
	(tag) =	ssettag s2;
	_ =	strace s9  }
0x27: {  	s1 =	sld [smem:$0x3FA2]  }
0x28: {  	s2 =	sld [smem:$0x3FA3]  }
0x29: {  	s4 =	sld [smem:$0x3FA5]  }
0x2a: {  	p0 =	seq.s32 s5, $0x0;
	s5 =	sld [smem:$0x3FA6]  }
0x2b: {  	s6 =	sld [smem:$0x3FA7]  }
0x2c: {  	s7 =	sld [smem:$0x3FA8]  }
0x2d: {  	s3 =	simm.s32 $0x108;
	s8 =	sld [smem:$0x3FA9]  }
0x2e: {  	s3 =	simm.s32 @!p0 $0x1082;
	s9 =	sld [smem:$0x3FAA]  }
0x2f: {  	lr =	sadd.s32 s0, s3;
	s0 =	sld [smem:$0x3FA1]  }
0x30: {  	s3 =	sld [smem:$0x3FA4]  }
0x31: {  	[smem:$0x3FAD] =	sst s10  }
0x32: {  	s10 =	sld [smem:$0x3FAB];
	_ =	sdelay $0x3  }
0x33: {  	p0 =	seq.s32 s10, $0x1;
	s10 =	sld [smem:$0x3FAD];
	_ =	sdelay $0x3  }
0x34: {  	[smem:$0x3FAD] =	sst s10  }
0x35: {  	s10 =	sld [smem:$0x3FAC];
	_ =	sdelay $0x3  }
0x36: {  	p1 =	seq.s32 s10, $0x1;
	s10 =	sld [smem:$0x3FAD];
	_ =	sdelay $0x3  }
0x37: {  	[smem:$0x3FAD] =	sst s10  }
0x38: {  	s10 =	sld [smem:$0x3FAE]  }
0x39: {  	_ = 	snop;
	(pc) =	sbr.ind lr, $3  }
0x3a: {  	_ = 	snop  }
0x3b: {  	_ = 	snop  }
0x3c: {  	p2 =	seq.s32 s10, $0x1;
	s10 =	sld [smem:$0x3FAD]  }
0x3d: {  	_ =	shalt  }
0x3e: {  	_ =	shalt  }
0x3f: {  	_ =	shalt  }
0x40: {  	_ =	shalt  }
0x41: {  	_ =	shalt  }
0x42: {  	_ =	shalt  }
0x43: {  	_ =	shalt  }
0x44: {  	_ =	shalt  }
0x45: {  	_ =	shalt  }
0x46: {  	_ =	shalt  }
0x47: {  	_ =	shalt  }
0x48: {  	_ =	shalt  }
0x49: {  	_ =	shalt  }
0x4a: {  	_ =	shalt  }
0x4b: {  	_ =	shalt  }
0x4c: {  	_ =	shalt  }
0x4d: {  	_ =	shalt  }
0x4e: {  	_ =	shalt  }
0x4f: {  	_ =	shalt  }
0x50: {  	_ =	shalt  }
0x51: {  	_ =	shalt  }
0x52: {  	_ =	shalt  }
0x53: {  	_ =	shalt  }
0x54: {  	_ =	shalt  }
0x55: {  	_ =	shalt  }
0x56: {  	_ =	shalt  }
0x57: {  	_ =	shalt  }
0x58: {  	_ =	shalt  }
0x59: {  	_ =	shalt  }
0x5a: {  	_ =	shalt  }
0x5b: {  	_ =	shalt  }
0x5c: {  	_ =	shalt  }
0x5d: {  	_ =	shalt  }
0x5e: {  	_ =	shalt  }
0x5f: {  	_ =	shalt  }
0x60: {  	_ =	shalt  }
0x61: {  	_ =	shalt  }
0x62: {  	_ =	shalt  }
0x63: {  	_ =	shalt  }
0x64: {  	_ =	shalt  }
0x65: {  	_ =	shalt  }
0x66: {  	_ =	shalt  }
0x67: {  	_ =	shalt  }
0x68: {  	_ =	shalt  }
0x69: {  	_ =	shalt  }
0x6a: {  	_ =	shalt  }
0x6b: {  	_ =	shalt  }
0x6c: {  	_ =	shalt  }
0x6d: {  	_ =	shalt  }
0x6e: {  	_ =	shalt  }
0x6f: {  	_ =	shalt  }
0x70: {  	_ =	shalt  }
0x71: {  	_ =	shalt  }
0x72: {  	_ =	shalt  }
0x73: {  	_ =	shalt  }
0x74: {  	_ =	shalt  }
0x75: {  	_ =	shalt  }
0x76: {  	_ =	shalt  }
0x77: {  	_ =	shalt  }
0x78: {  	_ =	shalt  }
0x79: {  	_ =	shalt  }
0x7a: {  	_ =	shalt  }
0x7b: {  	_ =	shalt  }
0x7c: {  	_ =	shalt  }
0x7d: {  	_ =	shalt  }
0x7e: {  	_ =	shalt  }
0x7f: {  	_ =	shalt  }
0x80: {  	_ =	shalt  }
0x81: {  	_ =	shalt  }
0x82: {  	_ =	shalt  }
0x83: {  	_ =	shalt  }
0x84: {  	_ =	shalt  }
0x85: {  	_ =	shalt  }
0x86: {  	_ =	shalt  }
0x87: {  	_ =	shalt  }
.Lfunc_end0:
.L_simem_size_0:
called_computation.1_lowered:
.L_overlay_start_0:
0x88: {  	s2 =	sld [smem:$0x3FD9]  }
0x89: {  	s3 =	sld [smem:$0x3FFE];
	_ =	sdelay $0x1  }
0x8a: {  	s1 =	srdreg.scid  }
0x8b: {  	s0 =	sand.u32 $0x1, s1  }
0x8c: {  	s16 =	sshll.u32 s0, $0xA;
	s2 =	sadd.s32 s3, s2  }
0x8d: {  	s2 =	sadd.s32 s2, s16  }
0x8e: {  	[smem:$0x3FB9] =	sst s2  }
0x8f: {  	_ = 	snop  }
0x90: {  	(tm) =	ssettm $0x1  }
0x91: {  	s17 =	sld [smem:$0x3FFB];
	_ =	sdelay $0x3  }
0x92: {  	_ =	strace s17  }
0x93: {  	s2 =	sld [smem:$0x3FFC];
	_ =	sdelay $0x3  }
0x94: {  	_ =	strace s2  }
0x95: {  	s2 =	sld [smem:$0x3FFD];
	_ =	sdelay $0x3  }
0x96: {  	_ =	strace s2  }
0x97: {  	_ =	strace $0x8FFFFFFF  }
0x98: {  	s18 =	sld [smem:$0x3FDB];
	_ =	sdelay $0x1  }
0x99: {  	s19 =	simm.s32 $_scs_section_size  }
0x9a: {  	s4 =	simm.s32 $_size__tile_overlayer_lowered;
	s5 =	simm.s32 $_tile_overlayer_lowered  }
0x9b: {  	s22 =	simm.s32 $0x1BFF;
	s21 =	sshll.u32 s5, $0x1;
	s2 =	sadd.s32 s19, s18  }
0x9c: {  	s6 =	simm.s32 $0x0;
	s20 =	sshll.u32 s4, $0x1;
	s4 =	sadd.s32 s21, s2  }
0x9d: {  	[timem:s6], [sflag:s22] =	dma.local [hbm:s4], s20  }
0x9e: {  	_ =	swait.ge [sflag:s22], s20  }
0x9f: {  	s3 =	ssub.s32 $0x0, s20;
	[sflag:s22] =	ssyncset.done $0x0  }
0xa0: {  	[sflag:s22] =	ssyncadd.s32 s3;
	_ =	sdelay $0x1  }
0xa1: {  	s23 =	simm.s32 $0x1B8B  }
0xa2: {  	_ =	swait.ge [sflag:s23], $0x1  }
0xa3: {  	[sflag:s23] =	ssyncset.done $0x0  }
0xa4: {  	s25 =	simm.s32 $0x1B8E;
	s24 =	sld [smem:$0x3FFE];
	[sflag:s23] =	ssyncadd.s32 $0xFFFFFFFF  }
0xa5: {  	s26 =	simm.s32 $execute0_lowered;
	[smem:$0x3FD2] =	sst s25  }
0xa6: {  	s4 =	sshll.u32 s26, $0x1;
	_ =	strace $0x80000049;
	[dreg:$0x1] =	wrdreg $0xFFFFFFFF  }
0xa7: {  	s28 =	simm.s32 $_size_execute0_lowered;
	s2 =	sadd.s32 s2, s4;
	[dreg:$0x0] =	wrdreg $0x0  }
0xa8: {  	s4 =	sshll.u32 s28, $0x1;
	[dreg:$0x2] =	wrdreg s2  }
0xa9: {  	[dreg:$0x3] =	wrdreg s4  }
0xaa: {  	[dreg:$0x4] =	wrdreg $0xC0  }
0xab: {  	_ =	task [dreg:s6], $0x5FFFF  }
0xac: {  	[dreg:$0x1] =	wrdreg $0xFFFFFFFF  }
0xad: {  	[dreg:$0x0] =	wrdreg $0x60  }
0xae: {  	[dreg:$0x2] =	wrdreg s24  }
0xaf: {  	[dreg:$0x3] =	wrdreg $0x0  }
0xb0: {  	[dreg:$0x4] =	wrdreg $0x9  }
0xb1: {  	_ =	task.clear_ibuf [dreg:s6], $0x5FFFF;
	_ =	strace $0x90000049  }
0xb2: {  	s29 =	simm.s32 $0x9;
	_ =	strace $0x8000004B  }
0xb3: {  	_ =	swait.ge [sflag:s29], $0x1  }
0xb4: {  	[sflag:s29] =	ssyncadd.s32 $0xFFFFFFFF  }
0xb5: {  	_ =	strace $0x9000004B  }
0xb6: {  	_ =	sfence  }
0xb7: {  	s30 =	sld [smem:$0x0];
	_ =	sdelay $0x2  }
0xb8: {  	s31 =	sshll.u32 s1, $0xD;
	s1 =	sshrl.u32 s1, $0x2  }
0xb9: {  	s3 =	sand.u32 $0x4000, s31;
	s1 =	sadd.s32 s1, s30  }
0xba: {  	s0 =	sor.u32 s3, s0;
	s1 =	sshll.u32 s1, $0x11  }
0xbb: {  	s0 =	sor.u32 s1, s0  }
0xbc: {  	s0 =	sadd.s32 $0x8F2B, s0  }
0xbd: {  	[sflag:s0] =	ssyncadd.remote.s32 $0x1  }
0xbe: {  	_ =	sfence.sel $0xFFFF  }
0xbf: {  	[dreg:$0x0] =	wrdreg $0xFFFFFFFF;
	(pc) =	sbr.abs _section_cstart, $3  }
0xc0: {  	[dreg:$0x1] =	wrdreg $0xFFFFFFFF  }
0xc1: {  	_ =	task.clear_ibuf [dreg:s6], $0x2FFFF;
	_ =	strace $0x9FFFFFFF  }
0xc2: {  	(tm) =	ssettm $0x7FFFFFFF  }
0xc3: {  	_ =	shalt  }
tec
execute0_lowered:
.L_overlay_start_1:
0x0: {  	(tag) =	ssettag $0x1  }
0x1: {  	s0 =	rddreg [dreg:$0x0]  }
0x2: {  	s1 =	rddreg [dreg:$0x1];
	s2 =	simm.s32 $0x0  }
0x3: {  	s16 =	stileid.u32;
	s3 =	srdreg.scid;
	s29 =	simm.s32 $0x1CB80  }
0x4: {  	s30 =	simm.s32 $0x3;
	s31 =	simm.s32 $0x1D180;
	[smem:$0x7FF] =	sst s2  }
0x5: {  	s4 =	sadd.s32 $0x83E00, s0;
	s5 =	sadd.s32 $0x5CC00, s0;
	s6 =	sadd.s32 $0x21A00, s0  }
0x6: {  	s7 =	sadd.s32 $0x17C00, s0;
	s10 =	smul.u32 $0x2700, s16;
	s3 =	sand.u32 $0x1, s3  }
0x7: {  	s8 =	sadd.s32 $0x4000, s0;
	s12 =	smul.u32 $0x4E000, s16;
	s9 =	sadd.s32 $0xDE00, s0  }
0x8: {  	s14 =	smul.u32 $0x4E20, s16;
	s28 =	sadd.s32 $0xCF900, s0;
	_ =	strace $0x8000004A  }
0x9: {  	[dreg:$0x5] =	wrdreg s28;
	s28 =	sadd.s32 $0x124800, s1;
	s12 =	sshrl.u32 s12, $0x2  }
0xa: {  	s10 =	sadd.s32 s10, s0;
	[dreg:$0x13] =	wrdreg s28;
	s12 =	sadd.s32 s12, s1  }
0xb: {  	s26 =	sshrl.u32 s14, $0x3;
	s25 =	sadd.s32 $0xAB000, s10;
	[dreg:$0x3] =	wrdreg s12  }
0xc: {  	p1 =	seq.s32 s16, $0xF;
	s15 =	sadd.s32 s8, s26;
	[dreg:$0x4] =	wrdreg s25  }
0xd: {  	s16 =	simm.s32 $0x13900;
	s20 =	sadd.s32 $0xF9400, s10;
	[dreg:$0x6] =	wrdreg s15  }
0xe: {  	s11 =	ssub.s32 $0x2, s3;
	s21 =	sadd.s32 s6, s26;
	[dreg:$0xa] =	wrdreg s20  }
0xf: {  	p0 =	sne.s32 s3, $0x0;
	s24 =	sadd.s32 $0xD2200, s10;
	[dreg:$0xb] =	wrdreg s21  }
0x10: {  	s17 =	sadd.s32 $0x9C0, s26;
	s15 =	sadd.s32 s9, s26;
	[dreg:$0xf] =	wrdreg s24  }
0x11: {  	s3 =	simm.s32 $0x0;
	s18 =	sadd.s32 s8, s17;
	[dreg:$0x7] =	wrdreg s15  }
0x12: {  	s13 =	sshrl.u32 s11, $0x1;
	s19 =	sadd.s32 s9, s17;
	[dreg:$0x8] =	wrdreg s18  }
0x13: {  	s11 =	ssub.s32 s11, s13;
	s12 =	sadd.s32 s7, s26;
	[dreg:$0x9] =	wrdreg s19  }
0x14: {  	s13 =	simm.s32 $0x13880;
	s22 =	sadd.s32 s6, s17;
	[dreg:$0xc] =	wrdreg s12  }
0x15: {  	s23 =	sadd.s32 s7, s17;
	s25 =	sadd.s32 $0x11DD00, s0;
	[dreg:$0xd] =	wrdreg s22  }
.Ltmp0:
0x16: {  	s0 =	sadd.s32 $0xF6B00, s0;
	[dreg:$0xe] =	wrdreg s23;
	(pc) =	sbr.rel .LBB2_1-.Ltmp0, $4  }
0x17: {  	s26 =	smax.u32 s11, $0x1;
	s17 =	simm.s32 $0x17B80;
	[dreg:$0x10] =	wrdreg s25  }
0x18: {  	s20 =	simm.s32 $0x2;
	s21 =	simm.s32 $0x13A00;
	[dreg:$0x11] =	wrdreg s0  }
0x19: {  	s15 =	sadd.s32 $0x600, s14;
	[dreg:$0x12] =	wrdreg s26;
	s0 =	simm.s32 $0x80  }
0x1a: {  	s14 =	simm.s32 $0x13B80;
	s18 =	simm.s32 $0x1;
	s19 =	simm.s32 $0x13980  }
.LBB2_15:
0x1b: {  	s10 =	rddreg [dreg:$0x8];
	s11 =	simm.s32 $0x13A80  }
0x1c: {  	[tilespmem:s11], [sflag:$0x3] =	stream.linear.gather [hbm4b:s10+s2], $0x20, $0x38;
	[tilespmem:$0x1D780] =	vst v63  }
0x1d: {  	_ =	swait.ge [sflag:s30], $0x20  }
0x1e: {  	[sflag:s30] =	ssyncset.done $0x0  }
0x1f: {  	s12 =	simm.s32 $0x13B00;
	s26 =	rddreg [dreg:$0x9];
	[sflag:s30] =	ssyncadd.s32 $0xFFFFFFE0  }
0x20: {  	[tilespmem:s12], [sflag:$0x3] =	stream.linear.gather [hbm4b:s26+s2], $0x20, $0x38;
	[tilespmem:$0x1D780] =	vst v63  }
0x21: {  	_ =	swait.ge [sflag:s30], $0x20  }
0x22: {  	[sflag:s30] =	ssyncset.done $0x0  }
0x23: {  	s28 =	simm.s32 $0x20;
	s22 =	simm.s32 $0x1BB80;
	[sflag:s30] =	ssyncadd.s32 $0xFFFFFFE0  }
0x24: {  	[tilespmem:s22], [sflag:$0x1] =	stream.indirect.gather [hbm4b:s5+s28], $0x80, s11, s28, $0xb8;
	[tilespmem:$0x1D780] =	vst v63  }
0x25: {  	_ =	swait.ge [sflag:s18], $0x1000  }
0x26: {  	[sflag:s18] =	ssyncset.done $0x0  }
0x27: {  	[sflag:s18] =	ssyncadd.s32 $0xFFFFF000  }
0x28: {  	[spmem:s1] =	stream.indirect.scatter.add.f32 [tilespmem:s22], [sflag:$0x3], $0x80, s12, s28, $0xb8;
	[tilespmem:$0x1D780] =	vst v63  }
0x29: {  	_ =	swait.ge [sflag:s30], $0x1000  }
0x2a: {  	[sflag:s30] =	ssyncset.done $0x0  }
0x2b: {  	[sflag:s30] =	ssyncadd.s32 $0xFFFFF000  }
0x2c: {  	[bflag:$0x0] =	sbarrier.arrive $0xFFFF  }
0x2d: {  	s11 =	rddreg [dreg:$0x10]  }
0x2e: {  	s10 =	simm.s32 @p1 $0x1FC3;
	s12 =	rddreg [dreg:$0x16]  }
0x2f: {  	[hbm:s11], [sflag:s10] =	dma.local @p1 [spmem:s12], $0x2800  }
0x30: {  	s10 =	simm.s32 @p1 $0x3  }
0x31: {  	_ =	swait.ge @p1 [sflag:s10], $0x2800  }
0x32: {  	s11 =	rddreg [dreg:$0x14]  }
0x33: {  	[sflag:s10] =	ssyncset.done @p1 $0x0;
	s12 =	rddreg [dreg:$0x15]  }
0x34: {  	[sflag:s10] =	ssyncadd.s32 @p1 $0xFFFFD800;
	s10 =	rddreg [dreg:$0xa]  }
0x35: {  	[hbm:s10], [sflag:s11] =	dma.local @!p1 [spmem:s12], $0x2700  }
0x36: {  	s10 =	simm.s32 @!p1 $0x3  }
0x37: {  	_ =	swait.ge @!p1 [sflag:s10], $0x2700  }
0x38: {  	[sflag:s10] =	ssyncset.done @!p1 $0x0  }
0x39: {  	[sflag:s10] =	ssyncadd.s32 @!p1 $0xFFFFD900  }
.LBB2_16:
0x3a: {  	s3 =	sadd.s32 $0x1, s3;
	s10 =	rddreg [dreg:$0x12]  }
0x3b: {  	p2 =	sne.s32 s3, s10  }
.Ltmp1:
0x3c: {  	_ = 	snop;
	(pc) =	sbr.rel @!p2 .LBB2_17-.Ltmp1, $1  }
0x3d: {  	_ =	sdelay $0x3  }
.LBB2_1:
0x3e: {  	s10 =	rddreg [dreg:$0x13]  }
0x3f: {  	s11 =	rddreg [dreg:$0x5];
	s12 =	sshrl.u32 @p1 s10, $0x3  }
0x40: {  	s10 =	simm.s32 @p1 $0x1FC3;
	[dreg:$0x16] =	wrdreg s12  }
0x41: {  	[spmem:s12], [sflag:s10] =	dma.local @p1 [hbm:s11], $0x2800  }
0x42: {  	s10 =	simm.s32 @p1 $0x3  }
0x43: {  	s11 =	stileid.u32;
	_ =	swait.ge @p1 [sflag:s10], $0x2800  }
0x44: {  	s11 =	sshll.u32 @!p1 s11, $0x6;
	[sflag:s10] =	ssyncset.done @p1 $0x0  }
0x45: {  	s11 =	sor.u32 @!p1 $0x1C03, s11;
	[sflag:s10] =	ssyncadd.s32 @p1 $0xFFFFD800;
	s10 =	rddreg [dreg:$0x3]  }
0x46: {  	[dreg:$0x14] =	wrdreg s11  }
0x47: {  	s12 =	sshrl.u32 @!p1 s10, $0x3;
	s10 =	rddreg [dreg:$0x4]  }
0x48: {  	s22 =	simm.s32 @!p1 $0x3;
	[dreg:$0x15] =	wrdreg s12  }
0x49: {  	[spmem:s12], [sflag:s11] =	dma.local @!p1 [hbm:s10], $0x2700  }
.Ltmp2:
0x4a: {  	_ =	swait.ge @!p1 [sflag:s22], $0x2700;
	(pc) =	sbr.rel @p0 .LBB2_9-.Ltmp2, $4  }
0x4b: {  	[sflag:s22] =	ssyncset.done @!p1 $0x0  }
0x4c: {  	[sflag:s22] =	ssyncadd.s32 @!p1 $0xFFFFD900  }
0x4d: {  	[bflag:$0x0] =	sbarrier.arrive $0xFFFF  }
0x4e: {  	s26 =	simm.s32 $0x0  }
0x4f: {  	s10 =	rddreg [dreg:$0xb]  }
0x50: {  	[tilespmem:s29], [sflag:$0x3] =	stream.linear.gather [hbm4b:s10+s26], $0x600, $0x38;
	[tilespmem:$0x1D780] =	vst v63  }
0x51: {  	_ =	swait.ge [sflag:s30], $0x600  }
0x52: {  	[sflag:s30] =	ssyncset.done $0x0  }
0x53: {  	s25 =	rddreg [dreg:$0xc];
	[sflag:s30] =	ssyncadd.s32 $0xFFFFFA00  }
0x54: {  	[tilespmem:s31], [sflag:$0x3] =	stream.linear.gather [hbm4b:s25+s26], $0x600, $0x38;
	[tilespmem:$0x1D780] =	vst v63  }
0x55: {  	_ =	swait.ge [sflag:s30], $0x600  }
0x56: {  	[sflag:s30] =	ssyncset.done $0x0  }
0x57: {  	[sflag:s30] =	ssyncadd.s32 $0xFFFFFA00  }
0x58: {  	v0 =	vld [tilespmem:$0x1CB80]  }
0x59: {  	v1 =	vld [tilespmem:$0x1D180]  }
0x5a: {  	v2 =	vld [tilespmem:$0x1CB90]  }
0x5b: {  	v3 =	vld [tilespmem:$0x1D190]  }
0x5c: {  	v4 =	vld [tilespmem:$0x1CBA0]  }
0x5d: {  	v53 =	vld [tilespmem:$0x1D1A0];
	[tilespmem:$0x13880] =	vst v0  }
0x5e: {  	v54 =	vld [tilespmem:$0x1CBB0];
	[tilespmem:$0x13980] =	vst v1  }
0x5f: {  	v55 =	vld [tilespmem:$0x1D1B0];
	[tilespmem:$0x13890] =	vst v2  }
0x60: {  	v56 =	vld [tilespmem:$0x1CBC0];
	[tilespmem:$0x13990] =	vst v3  }
0x61: {  	v57 =	vld [tilespmem:$0x1D1C0];
	[tilespmem:$0x138A0] =	vst v4  }
0x62: {  	v58 =	vld [tilespmem:$0x1CBD0];
	[tilespmem:$0x139A0] =	vst v53  }
0x63: {  	v59 =	vld [tilespmem:$0x1D1D0];
	[tilespmem:$0x138B0] =	vst v54  }
0x64: {  	v60 =	vld [tilespmem:$0x1CBE0];
	[tilespmem:$0x139B0] =	vst v55  }
0x65: {  	v61 =	vld [tilespmem:$0x1D1E0];
	[tilespmem:$0x138C0] =	vst v56  }
0x66: {  	v62 =	vld [tilespmem:$0x1CBF0];
	[tilespmem:$0x139C0] =	vst v57  }
0x67: {  	v63 =	vld [tilespmem:$0x1D1F0];
	[tilespmem:$0x138D0] =	vst v58  }
0x68: {  	[tilespmem:$0x139D0] =	vst v59  }
.Ltmp3:
0x69: {  	[tilespmem:$0x138E0] =	vst v60;
	(pc) =	sbr.rel .LBB2_3-.Ltmp3, $4  }
0x6a: {  	[tilespmem:$0x139E0] =	vst v61  }
0x6b: {  	[tilespmem:$0x138F0] =	vst v62  }
0x6c: {  	s28 =	simm.s32 $0x2;
	s22 =	simm.s32 $0x0;
	[tilespmem:$0x139F0] =	vst v63  }
0x6d: {  	[tilespmem:s14], [sflag:$0x1] =	stream.indirect.gather [hbm4b:s4+s0], $0x80, s13, s0, $0xb8;
	[tilespmem:$0x1D780] =	vst v63  }
.LBB2_4:
0x6e: {  	s10 =	smul.u32 $0x600, s25;
	_ =	sdelay $0x1  }
0x6f: {  	s10 =	sadd.s32 s10, s15  }
0x70: {  	s10 =	sshrl.u32 s10, $0x3  }
0x71: {  	s11 =	sadd.s32 s6, s10  }
0x72: {  	[tilespmem:s29], [sflag:$0x3] =	stream.linear.gather [hbm4b:s11+s2], $0x600, $0x38;
	[tilespmem:$0x1D780] =	vst v63  }
0x73: {  	_ =	swait.ge [sflag:s30], $0x600  }
0x74: {  	[sflag:s30] =	ssyncset.done $0x0  }
0x75: {  	s10 =	sadd.s32 s7, s10;
	[sflag:s30] =	ssyncadd.s32 $0xFFFFFA00  }
0x76: {  	[tilespmem:s31], [sflag:$0x3] =	stream.linear.gather [hbm4b:s10+s2], $0x600, $0x38;
	[tilespmem:$0x1D780] =	vst v63  }
0x77: {  	_ =	swait.ge [sflag:s30], $0x600  }
0x78: {  	[sflag:s30] =	ssyncset.done $0x0  }
0x79: {  	[sflag:s30] =	ssyncadd.s32 $0xFFFFFA00  }
.LBB2_6:
0x7a: {  	s10 =	smulhi.u32 $0xAAAAAAAB, s28;
	_ =	sdelay $0x1  }
0x7b: {  	s10 =	sshrl.u32 s10, $0x3  }
0x7c: {  	s11 =	smul.u32 $0xFFFFE800, s10;
	_ =	sdelay $0x1  }
0x7d: {  	s11 =	sshra.s32 s11, $0x2  }
0x7e: {  	s12 =	sadd.s32 $0x1CB80, s11  }
0x7f: {  	s12 =	sadd.s32 s24, s12  }
0x80: {  	v0 =	vld [tilespmem:s12+$0x100];
	_ =	sdelay $0x3  }
0x81: {  	s11 =	sadd.s32 $0x1D180, s11  }
0x82: {  	s11 =	sadd.s32 s24, s11;
	[tilespmem:$0x13880] =	vst v0  }
0x83: {  	v0 =	vld [tilespmem:s11+$0x100]  }
0x84: {  	s10 =	smul.u32 $0x1800, s10;
	_ =	sdelay $0x1  }
0x85: {  	s24 =	ssub.s32 $0x440, s10  }
0x86: {  	s12 =	sshra.s32 s24, $0x2  }
0x87: {  	s12 =	sadd.s32 s12, s23;
	[tilespmem:$0x13980] =	vst v0  }
0x88: {  	v0 =	vld [tilespmem:s12+$0x0];
	_ =	sdelay $0x4  }
0x89: {  	[tilespmem:$0x13890] =	vst v0  }
0x8a: {  	v0 =	vld [tilespmem:s11+$0x110];
	_ =	sdelay $0x2  }
0x8b: {  	s25 =	ssub.s32 $0x480, s10  }
0x8c: {  	s12 =	sshra.s32 s25, $0x2  }
0x8d: {  	s12 =	sadd.s32 s12, s23;
	[tilespmem:$0x13990] =	vst v0  }
0x8e: {  	v0 =	vld [tilespmem:s12+$0x0];
	_ =	sdelay $0x4  }
0x8f: {  	[tilespmem:$0x138A0] =	vst v0  }
0x90: {  	v0 =	vld [tilespmem:s11+$0x120];
	_ =	sdelay $0x2  }
0x91: {  	s24 =	ssub.s32 $0x4C0, s10  }
0x92: {  	s12 =	sshra.s32 s24, $0x2  }
0x93: {  	s12 =	sadd.s32 s12, s23;
	[tilespmem:$0x139A0] =	vst v0  }
0x94: {  	v0 =	vld [tilespmem:s12+$0x0];
	_ =	sdelay $0x4  }
0x95: {  	[tilespmem:$0x138B0] =	vst v0  }
0x96: {  	v0 =	vld [tilespmem:s11+$0x130];
	_ =	sdelay $0x2  }
0x97: {  	s25 =	ssub.s32 $0x500, s10  }
0x98: {  	s12 =	sshra.s32 s25, $0x2  }
0x99: {  	s12 =	sadd.s32 s12, s23;
	[tilespmem:$0x139B0] =	vst v0  }
0x9a: {  	v0 =	vld [tilespmem:s12+$0x0];
	_ =	sdelay $0x4  }
0x9b: {  	[tilespmem:$0x138C0] =	vst v0  }
0x9c: {  	v0 =	vld [tilespmem:s11+$0x140];
	_ =	sdelay $0x2  }
0x9d: {  	s24 =	ssub.s32 $0x540, s10  }
0x9e: {  	s12 =	sshra.s32 s24, $0x2  }
0x9f: {  	s12 =	sadd.s32 s12, s23;
	[tilespmem:$0x139C0] =	vst v0  }
0xa0: {  	v0 =	vld [tilespmem:s12+$0x0];
	_ =	sdelay $0x4  }
0xa1: {  	[tilespmem:$0x138D0] =	vst v0  }
0xa2: {  	v0 =	vld [tilespmem:s11+$0x150];
	_ =	sdelay $0x2  }
0xa3: {  	s25 =	ssub.s32 $0x580, s10  }
0xa4: {  	s12 =	sshra.s32 s25, $0x2  }
0xa5: {  	s12 =	sadd.s32 s12, s23;
	[tilespmem:$0x139D0] =	vst v0  }
0xa6: {  	v0 =	vld [tilespmem:s12+$0x0];
	_ =	sdelay $0x4  }
0xa7: {  	[tilespmem:$0x138E0] =	vst v0  }
0xa8: {  	v0 =	vld [tilespmem:s11+$0x160];
	_ =	sdelay $0x2  }
0xa9: {  	s10 =	ssub.s32 $0x5C0, s10  }
0xaa: {  	s10 =	sshra.s32 s10, $0x2  }
0xab: {  	s10 =	sadd.s32 s10, s23;
	[tilespmem:$0x139E0] =	vst v0  }
0xac: {  	v0 =	vld [tilespmem:s10+$0x0];
	_ =	sdelay $0x4  }
0xad: {  	[tilespmem:$0x138F0] =	vst v0  }
0xae: {  	v0 =	vld [tilespmem:s11+$0x170];
	_ =	sdelay $0x4  }
0xaf: {  	[tilespmem:$0x139F0] =	vst v0  }
0xb0: {  	[tilespmem:s14], [sflag:$0x1] =	stream.indirect.gather [hbm4b:s4+s0], $0x80, s13, s0, $0xb8;
	[tilespmem:$0x1D780] =	vst v63  }
.LBB2_7:
0xb1: {  	_ =	swait.ge [sflag:s20], $0x4000;
	s26 =	sadd.s32 $0x400, s26  }
0xb2: {  	[sflag:s20] =	ssyncset.done $0x0;
	p2 =	sne.s32 s26, $0x13800  }
.Ltmp4:
0xb3: {  	[sflag:s20] =	ssyncadd.s32 $0xFFFFC000;
	(pc) =	sbr.rel @!p2 .LBB2_8-.Ltmp4, $4  }
0xb4: {  	[spmem:s1] =	stream.indirect.scatter.add.f32 [tilespmem:s17], [sflag:$0x3], $0x80, s21, s0, $0xb8;
	[tilespmem:$0x1D780] =	vst v63  }
0xb5: {  	_ =	swait.ge [sflag:s30], $0x4000  }
0xb6: {  	[sflag:s30] =	ssyncset.done $0x0  }
0xb7: {  	s22 =	sadd.s32 $0x1, s22;
	s28 =	sadd.s32 $0x2, s28;
	[sflag:s30] =	ssyncadd.s32 $0xFFFFC000  }
.LBB2_3:
0xb8: {  	s23 =	smulhi.u32 $0xAAAAAAAB, s22;
	_ =	sdelay $0x1  }
0xb9: {  	s23 =	sshrl.u32 s23, $0x2  }
0xba: {  	s24 =	smul.u32 $0xFFFFE800, s23;
	_ =	sdelay $0x1  }
0xbb: {  	s25 =	sshra.s32 s24, $0x2;
	s24 =	sshra.s32 s26, $0x2  }
0xbc: {  	s25 =	sadd.s32 s24, s25  }
0xbd: {  	s10 =	sadd.s32 $0x1CB80, s25  }
0xbe: {  	v0 =	vld [tilespmem:s10+$0x80];
	_ =	sdelay $0x4  }
0xbf: {  	s25 =	sadd.s32 $0x1D180, s25;
	[tilespmem:$0x13900] =	vst v0  }
0xc0: {  	v0 =	vld [tilespmem:s25+$0x80]  }
0xc1: {  	s11 =	smul.u32 $0x1800, s23;
	_ =	sdelay $0x1  }
0xc2: {  	s12 =	ssub.s32 $0x240, s11  }
0xc3: {  	s23 =	sadd.s32 $0x1CB80, s24;
	s12 =	sshra.s32 s12, $0x2  }
0xc4: {  	s12 =	sadd.s32 s12, s23;
	[tilespmem:$0x13A00] =	vst v0  }
0xc5: {  	v0 =	vld [tilespmem:s12+$0x0];
	_ =	sdelay $0x4  }
0xc6: {  	[tilespmem:$0x13910] =	vst v0  }
0xc7: {  	v0 =	vld [tilespmem:s25+$0x90];
	_ =	sdelay $0x2  }
0xc8: {  	s12 =	ssub.s32 $0x280, s11  }
0xc9: {  	s12 =	sshra.s32 s12, $0x2  }
0xca: {  	s12 =	sadd.s32 s12, s23;
	[tilespmem:$0x13A10] =	vst v0  }
0xcb: {  	v0 =	vld [tilespmem:s12+$0x0];
	_ =	sdelay $0x4  }
0xcc: {  	[tilespmem:$0x13920] =	vst v0  }
0xcd: {  	v0 =	vld [tilespmem:s25+$0xA0];
	_ =	sdelay $0x2  }
0xce: {  	s12 =	ssub.s32 $0x2C0, s11  }
0xcf: {  	s12 =	sshra.s32 s12, $0x2  }
0xd0: {  	s12 =	sadd.s32 s12, s23;
	[tilespmem:$0x13A20] =	vst v0  }
0xd1: {  	v0 =	vld [tilespmem:s12+$0x0];
	_ =	sdelay $0x4  }
0xd2: {  	[tilespmem:$0x13930] =	vst v0  }
0xd3: {  	v0 =	vld [tilespmem:s25+$0xB0];
	_ =	sdelay $0x2  }
0xd4: {  	s12 =	ssub.s32 $0x300, s11  }
0xd5: {  	s12 =	sshra.s32 s12, $0x2  }
0xd6: {  	s12 =	sadd.s32 s12, s23;
	[tilespmem:$0x13A30] =	vst v0  }
0xd7: {  	v0 =	vld [tilespmem:s12+$0x0];
	_ =	sdelay $0x4  }
0xd8: {  	[tilespmem:$0x13940] =	vst v0  }
0xd9: {  	v0 =	vld [tilespmem:s25+$0xC0];
	_ =	sdelay $0x2  }
0xda: {  	s12 =	ssub.s32 $0x340, s11  }
0xdb: {  	s12 =	sshra.s32 s12, $0x2  }
0xdc: {  	s12 =	sadd.s32 s12, s23;
	[tilespmem:$0x13A40] =	vst v0  }
0xdd: {  	v0 =	vld [tilespmem:s12+$0x0];
	_ =	sdelay $0x4  }
0xde: {  	[tilespmem:$0x13950] =	vst v0  }
0xdf: {  	v0 =	vld [tilespmem:s25+$0xD0];
	_ =	sdelay $0x2  }
0xe0: {  	s11 =	ssub.s32 $0x380, s11  }
0xe1: {  	s11 =	sshra.s32 s11, $0x2  }
0xe2: {  	s11 =	sadd.s32 s11, s23;
	[tilespmem:$0x13A50] =	vst v0  }
0xe3: {  	v0 =	vld [tilespmem:s11+$0x0];
	_ =	sdelay $0x4  }
0xe4: {  	[tilespmem:$0x13960] =	vst v0  }
0xe5: {  	v0 =	vld [tilespmem:s25+$0xE0];
	_ =	sdelay $0x4  }
0xe6: {  	[tilespmem:$0x13A60] =	vst v0  }
0xe7: {  	v0 =	vld [tilespmem:s10+$0xF0];
	_ =	sdelay $0x4  }
0xe8: {  	[tilespmem:$0x13970] =	vst v0  }
0xe9: {  	v0 =	vld [tilespmem:s25+$0xF0]  }
0xea: {  	s25 =	smul.u32 $0xAB, s22;
	_ =	sdelay $0x1  }
0xeb: {  	s10 =	sshrl.u32 s25, $0xA  }
0xec: {  	s25 =	sand.u32 $0x3F, s10  }
0xed: {  	s10 =	smul.u32 $0x6, s25;
	[tilespmem:$0x13A70] =	vst v0  }
0xee: {  	[tilespmem:s17], [sflag:$0x2] =	stream.indirect.gather [hbm4b:s4+s0], $0x80, s16, s0, $0xb8;
	[tilespmem:$0x1D780] =	vst v63  }
0xef: {  	p2 =	seq.s32 s26, $0x13400;
	s10 =	ssub.s32 s22, s10  }
0xf0: {  	s10 =	sand.u32 @!p2 $0xFF, s10  }
0xf1: {  	_ =	swait.ge [sflag:s18], $0x4000;
	p3 =	sne.s32 @!p2 s10, $0x5  }
0xf2: {  	[sflag:s18] =	ssyncset.done $0x0;
	p3 =	por p2, p3  }
.Ltmp5:
0xf3: {  	[sflag:s18] =	ssyncadd.s32 $0xFFFFC000;
	(pc) =	sbr.rel @!p3 .LBB2_4-.Ltmp5, $4  }
0xf4: {  	[spmem:s1] =	stream.indirect.scatter.add.f32 [tilespmem:s14], [sflag:$0x3], $0x80, s19, s0, $0xb8;
	[tilespmem:$0x1D780] =	vst v63  }
0xf5: {  	_ =	swait.ge [sflag:s30], $0x4000  }
0xf6: {  	[sflag:s30] =	ssyncset.done $0x0  }
0xf7: {  	[sflag:s30] =	ssyncadd.s32 $0xFFFFC000  }
.Ltmp6:
0xf8: {  	(pc) =	sbr.rel @p2 .LBB2_7-.Ltmp6, $4  }
.Ltmp7:
0xf9: {  	(pc) =	sbr.rel @!p2 .LBB2_6-.Ltmp7, $4  }
0xfa: {  	_ = 	snop  }
0xfb: {  	_ = 	snop  }
0xfc: {  	_ = 	snop  }
0xfd: {  	_ = 	snop  }
.LBB2_9:
0xfe: {  	s10 =	rddreg [dreg:$0x6]  }
0xff: {  	[tilespmem:s29], [sflag:$0x3] =	stream.linear.gather [hbm4b:s10+s26], $0x600, $0x38;
	[tilespmem:$0x1D780] =	vst v63  }
0x100: {  	_ =	swait.ge [sflag:s30], $0x600  }
0x101: {  	[sflag:s30] =	ssyncset.done $0x0  }
0x102: {  	s25 =	rddreg [dreg:$0x7];
	[sflag:s30] =	ssyncadd.s32 $0xFFFFFA00  }
0x103: {  	[tilespmem:s31], [sflag:$0x3] =	stream.linear.gather [hbm4b:s25+s26], $0x600, $0x38;
	[tilespmem:$0x1D780] =	vst v63  }
0x104: {  	_ =	swait.ge [sflag:s30], $0x600  }
0x105: {  	[sflag:s30] =	ssyncset.done $0x0  }
0x106: {  	[sflag:s30] =	ssyncadd.s32 $0xFFFFFA00  }
0x107: {  	v0 =	vld [tilespmem:$0x1CB80]  }
0x108: {  	v1 =	vld [tilespmem:$0x1D180]  }
0x109: {  	v2 =	vld [tilespmem:$0x1CB90]  }
0x10a: {  	v3 =	vld [tilespmem:$0x1D190]  }
0x10b: {  	v4 =	vld [tilespmem:$0x1CBA0]  }
0x10c: {  	v53 =	vld [tilespmem:$0x1D1A0];
	[tilespmem:$0x13880] =	vst v0  }
0x10d: {  	v54 =	vld [tilespmem:$0x1CBB0];
	[tilespmem:$0x13980] =	vst v1  }
0x10e: {  	v55 =	vld [tilespmem:$0x1D1B0];
	[tilespmem:$0x13890] =	vst v2  }
0x10f: {  	v56 =	vld [tilespmem:$0x1CBC0];
	[tilespmem:$0x13990] =	vst v3  }
0x110: {  	v57 =	vld [tilespmem:$0x1D1C0];
	[tilespmem:$0x138A0] =	vst v4  }
0x111: {  	v58 =	vld [tilespmem:$0x1CBD0];
	[tilespmem:$0x139A0] =	vst v53  }
0x112: {  	v59 =	vld [tilespmem:$0x1D1D0];
	[tilespmem:$0x138B0] =	vst v54  }
0x113: {  	v60 =	vld [tilespmem:$0x1CBE0];
	[tilespmem:$0x139B0] =	vst v55  }
0x114: {  	v61 =	vld [tilespmem:$0x1D1E0];
	[tilespmem:$0x138C0] =	vst v56  }
0x115: {  	v62 =	vld [tilespmem:$0x1CBF0];
	[tilespmem:$0x139C0] =	vst v57  }
0x116: {  	v63 =	vld [tilespmem:$0x1D1F0];
	[tilespmem:$0x138D0] =	vst v58  }
0x117: {  	[tilespmem:$0x139D0] =	vst v59  }
.Ltmp8:
0x118: {  	[tilespmem:$0x138E0] =	vst v60;
	(pc) =	sbr.rel .LBB2_10-.Ltmp8, $4  }
0x119: {  	[tilespmem:$0x139E0] =	vst v61  }
0x11a: {  	[tilespmem:$0x138F0] =	vst v62  }
0x11b: {  	s28 =	simm.s32 $0x2;
	s22 =	simm.s32 $0x0;
	[tilespmem:$0x139F0] =	vst v63  }
0x11c: {  	[tilespmem:s14], [sflag:$0x1] =	stream.indirect.gather [hbm4b:s5+s0], $0x80, s13, s0, $0xb8;
	[tilespmem:$0x1D780] =	vst v63  }
.LBB2_11:
0x11d: {  	s10 =	smul.u32 $0x600, s25;
	_ =	sdelay $0x1  }
0x11e: {  	s10 =	sadd.s32 s10, s15  }
0x11f: {  	s10 =	sshrl.u32 s10, $0x3  }
0x120: {  	s11 =	sadd.s32 s8, s10  }
0x121: {  	[tilespmem:s29], [sflag:$0x3] =	stream.linear.gather [hbm4b:s11+s2], $0x600, $0x38;
	[tilespmem:$0x1D780] =	vst v63  }
0x122: {  	_ =	swait.ge [sflag:s30], $0x600  }
0x123: {  	[sflag:s30] =	ssyncset.done $0x0  }
0x124: {  	s10 =	sadd.s32 s9, s10;
	[sflag:s30] =	ssyncadd.s32 $0xFFFFFA00  }
0x125: {  	[tilespmem:s31], [sflag:$0x3] =	stream.linear.gather [hbm4b:s10+s2], $0x600, $0x38;
	[tilespmem:$0x1D780] =	vst v63  }
0x126: {  	_ =	swait.ge [sflag:s30], $0x600  }
0x127: {  	[sflag:s30] =	ssyncset.done $0x0  }
0x128: {  	[sflag:s30] =	ssyncadd.s32 $0xFFFFFA00  }
.LBB2_13:
0x129: {  	s10 =	smulhi.u32 $0xAAAAAAAB, s28;
	_ =	sdelay $0x1  }
0x12a: {  	s10 =	sshrl.u32 s10, $0x3  }
0x12b: {  	s11 =	smul.u32 $0xFFFFE800, s10;
	_ =	sdelay $0x1  }
0x12c: {  	s11 =	sshra.s32 s11, $0x2  }
0x12d: {  	s12 =	sadd.s32 $0x1CB80, s11  }
0x12e: {  	s12 =	sadd.s32 s24, s12  }
0x12f: {  	v0 =	vld [tilespmem:s12+$0x100];
	_ =	sdelay $0x3  }
0x130: {  	s11 =	sadd.s32 $0x1D180, s11  }
0x131: {  	s11 =	sadd.s32 s24, s11;
	[tilespmem:$0x13880] =	vst v0  }
0x132: {  	v0 =	vld [tilespmem:s11+$0x100]  }
0x133: {  	s10 =	smul.u32 $0x1800, s10;
	_ =	sdelay $0x1  }
0x134: {  	s24 =	ssub.s32 $0x440, s10  }
0x135: {  	s12 =	sshra.s32 s24, $0x2  }
0x136: {  	s12 =	sadd.s32 s12, s23;
	[tilespmem:$0x13980] =	vst v0  }
0x137: {  	v0 =	vld [tilespmem:s12+$0x0];
	_ =	sdelay $0x4  }
0x138: {  	[tilespmem:$0x13890] =	vst v0  }
0x139: {  	v0 =	vld [tilespmem:s11+$0x110];
	_ =	sdelay $0x2  }
0x13a: {  	s25 =	ssub.s32 $0x480, s10  }
0x13b: {  	s12 =	sshra.s32 s25, $0x2  }
0x13c: {  	s12 =	sadd.s32 s12, s23;
	[tilespmem:$0x13990] =	vst v0  }
0x13d: {  	v0 =	vld [tilespmem:s12+$0x0];
	_ =	sdelay $0x4  }
0x13e: {  	[tilespmem:$0x138A0] =	vst v0  }
0x13f: {  	v0 =	vld [tilespmem:s11+$0x120];
	_ =	sdelay $0x2  }
0x140: {  	s24 =	ssub.s32 $0x4C0, s10  }
0x141: {  	s12 =	sshra.s32 s24, $0x2  }
0x142: {  	s12 =	sadd.s32 s12, s23;
	[tilespmem:$0x139A0] =	vst v0  }
0x143: {  	v0 =	vld [tilespmem:s12+$0x0];
	_ =	sdelay $0x4  }
0x144: {  	[tilespmem:$0x138B0] =	vst v0  }
0x145: {  	v0 =	vld [tilespmem:s11+$0x130];
	_ =	sdelay $0x2  }
0x146: {  	s25 =	ssub.s32 $0x500, s10  }
0x147: {  	s12 =	sshra.s32 s25, $0x2  }
0x148: {  	s12 =	sadd.s32 s12, s23;
	[tilespmem:$0x139B0] =	vst v0  }
0x149: {  	v0 =	vld [tilespmem:s12+$0x0];
	_ =	sdelay $0x4  }
0x14a: {  	[tilespmem:$0x138C0] =	vst v0  }
0x14b: {  	v0 =	vld [tilespmem:s11+$0x140];
	_ =	sdelay $0x2  }
0x14c: {  	s24 =	ssub.s32 $0x540, s10  }
0x14d: {  	s12 =	sshra.s32 s24, $0x2  }
0x14e: {  	s12 =	sadd.s32 s12, s23;
	[tilespmem:$0x139C0] =	vst v0  }
0x14f: {  	v0 =	vld [tilespmem:s12+$0x0];
	_ =	sdelay $0x4  }
0x150: {  	[tilespmem:$0x138D0] =	vst v0  }
0x151: {  	v0 =	vld [tilespmem:s11+$0x150];
	_ =	sdelay $0x2  }
0x152: {  	s25 =	ssub.s32 $0x580, s10  }
0x153: {  	s12 =	sshra.s32 s25, $0x2  }
0x154: {  	s12 =	sadd.s32 s12, s23;
	[tilespmem:$0x139D0] =	vst v0  }
0x155: {  	v0 =	vld [tilespmem:s12+$0x0];
	_ =	sdelay $0x4  }
0x156: {  	[tilespmem:$0x138E0] =	vst v0  }
0x157: {  	v0 =	vld [tilespmem:s11+$0x160];
	_ =	sdelay $0x2  }
0x158: {  	s10 =	ssub.s32 $0x5C0, s10  }
0x159: {  	s10 =	sshra.s32 s10, $0x2  }
0x15a: {  	s10 =	sadd.s32 s10, s23;
	[tilespmem:$0x139E0] =	vst v0  }
0x15b: {  	v0 =	vld [tilespmem:s10+$0x0];
	_ =	sdelay $0x4  }
0x15c: {  	[tilespmem:$0x138F0] =	vst v0  }
0x15d: {  	v0 =	vld [tilespmem:s11+$0x170];
	_ =	sdelay $0x4  }
0x15e: {  	[tilespmem:$0x139F0] =	vst v0  }
0x15f: {  	[tilespmem:s14], [sflag:$0x1] =	stream.indirect.gather [hbm4b:s5+s0], $0x80, s13, s0, $0xb8;
	[tilespmem:$0x1D780] =	vst v63  }
.LBB2_14:
0x160: {  	_ =	swait.ge [sflag:s20], $0x4000;
	s26 =	sadd.s32 $0x400, s26  }
0x161: {  	[sflag:s20] =	ssyncset.done $0x0;
	p2 =	sne.s32 s26, $0x13800  }
.Ltmp9:
0x162: {  	[sflag:s20] =	ssyncadd.s32 $0xFFFFC000;
	(pc) =	sbr.rel @!p2 .LBB2_15-.Ltmp9, $4  }
0x163: {  	[spmem:s1] =	stream.indirect.scatter.add.f32 [tilespmem:s17], [sflag:$0x3], $0x80, s21, s0, $0xb8;
	[tilespmem:$0x1D780] =	vst v63  }
0x164: {  	_ =	swait.ge [sflag:s30], $0x4000  }
0x165: {  	[sflag:s30] =	ssyncset.done $0x0  }
0x166: {  	s22 =	sadd.s32 $0x1, s22;
	s28 =	sadd.s32 $0x2, s28;
	[sflag:s30] =	ssyncadd.s32 $0xFFFFC000  }
.LBB2_10:
0x167: {  	s10 =	smulhi.u32 $0xAAAAAAAB, s22;
	_ =	sdelay $0x1  }
0x168: {  	s10 =	sshrl.u32 s10, $0x2  }
0x169: {  	s11 =	smul.u32 $0xFFFFE800, s10;
	_ =	sdelay $0x1  }
0x16a: {  	s24 =	sshra.s32 s26, $0x2;
	s11 =	sshra.s32 s11, $0x2  }
0x16b: {  	s11 =	sadd.s32 s24, s11  }
0x16c: {  	s12 =	sadd.s32 $0x1CB80, s11  }
0x16d: {  	v0 =	vld [tilespmem:s12+$0x80];
	_ =	sdelay $0x4  }
0x16e: {  	s11 =	sadd.s32 $0x1D180, s11;
	[tilespmem:$0x13900] =	vst v0  }
0x16f: {  	v0 =	vld [tilespmem:s11+$0x80]  }
0x170: {  	s10 =	smul.u32 $0x1800, s10;
	_ =	sdelay $0x1  }
0x171: {  	s25 =	ssub.s32 $0x240, s10  }
0x172: {  	s23 =	sadd.s32 $0x1CB80, s24;
	s25 =	sshra.s32 s25, $0x2  }
0x173: {  	s25 =	sadd.s32 s25, s23;
	[tilespmem:$0x13A00] =	vst v0  }
0x174: {  	v0 =	vld [tilespmem:s25+$0x0];
	_ =	sdelay $0x4  }
0x175: {  	[tilespmem:$0x13910] =	vst v0  }
0x176: {  	v0 =	vld [tilespmem:s11+$0x90];
	_ =	sdelay $0x2  }
0x177: {  	s25 =	ssub.s32 $0x280, s10  }
0x178: {  	s25 =	sshra.s32 s25, $0x2  }
0x179: {  	s25 =	sadd.s32 s25, s23;
	[tilespmem:$0x13A10] =	vst v0  }
0x17a: {  	v0 =	vld [tilespmem:s25+$0x0];
	_ =	sdelay $0x4  }
0x17b: {  	[tilespmem:$0x13920] =	vst v0  }
0x17c: {  	v0 =	vld [tilespmem:s11+$0xA0];
	_ =	sdelay $0x2  }
0x17d: {  	s25 =	ssub.s32 $0x2C0, s10  }
0x17e: {  	s25 =	sshra.s32 s25, $0x2  }
0x17f: {  	s25 =	sadd.s32 s25, s23;
	[tilespmem:$0x13A20] =	vst v0  }
0x180: {  	v0 =	vld [tilespmem:s25+$0x0];
	_ =	sdelay $0x4  }
0x181: {  	[tilespmem:$0x13930] =	vst v0  }
0x182: {  	v0 =	vld [tilespmem:s11+$0xB0];
	_ =	sdelay $0x2  }
0x183: {  	s25 =	ssub.s32 $0x300, s10  }
0x184: {  	s25 =	sshra.s32 s25, $0x2  }
0x185: {  	s25 =	sadd.s32 s25, s23;
	[tilespmem:$0x13A30] =	vst v0  }
0x186: {  	v0 =	vld [tilespmem:s25+$0x0];
	_ =	sdelay $0x4  }
0x187: {  	[tilespmem:$0x13940] =	vst v0  }
0x188: {  	v0 =	vld [tilespmem:s11+$0xC0];
	_ =	sdelay $0x2  }
0x189: {  	s25 =	ssub.s32 $0x340, s10  }
0x18a: {  	s25 =	sshra.s32 s25, $0x2  }
0x18b: {  	s25 =	sadd.s32 s25, s23;
	[tilespmem:$0x13A40] =	vst v0  }
0x18c: {  	v0 =	vld [tilespmem:s25+$0x0];
	_ =	sdelay $0x4  }
0x18d: {  	[tilespmem:$0x13950] =	vst v0  }
0x18e: {  	v0 =	vld [tilespmem:s11+$0xD0];
	_ =	sdelay $0x2  }
0x18f: {  	s10 =	ssub.s32 $0x380, s10  }
0x190: {  	s10 =	sshra.s32 s10, $0x2  }
0x191: {  	s10 =	sadd.s32 s10, s23;
	[tilespmem:$0x13A50] =	vst v0  }
0x192: {  	v0 =	vld [tilespmem:s10+$0x0];
	_ =	sdelay $0x4  }
0x193: {  	[tilespmem:$0x13960] =	vst v0  }
0x194: {  	v0 =	vld [tilespmem:s11+$0xE0];
	_ =	sdelay $0x4  }
0x195: {  	[tilespmem:$0x13A60] =	vst v0  }
0x196: {  	v0 =	vld [tilespmem:s12+$0xF0];
	_ =	sdelay $0x3  }
0x197: {  	s25 =	smul.u32 $0xAB, s22  }
0x198: {  	[tilespmem:$0x13970] =	vst v0  }
0x199: {  	s10 =	sshrl.u32 s25, $0xA;
	v0 =	vld [tilespmem:s11+$0xF0]  }
0x19a: {  	s25 =	sand.u32 $0x3F, s10  }
0x19b: {  	s10 =	smul.u32 $0x6, s25;
	_ =	sdelay $0x1  }
0x19c: {  	p2 =	seq.s32 s26, $0x13400;
	s10 =	ssub.s32 s22, s10  }
0x19d: {  	s10 =	sand.u32 @!p2 $0xFF, s10;
	[tilespmem:$0x13A70] =	vst v0  }
0x19e: {  	[tilespmem:s17], [sflag:$0x2] =	stream.indirect.gather [hbm4b:s5+s0], $0x80, s16, s0, $0xb8;
	[tilespmem:$0x1D780] =	vst v63  }
0x19f: {  	p3 =	sne.s32 @!p2 s10, $0x5;
	_ =	swait.ge [sflag:s18], $0x4000  }
0x1a0: {  	p3 =	por p2, p3;
	[sflag:s18] =	ssyncset.done $0x0  }
.Ltmp10:
0x1a1: {  	[sflag:s18] =	ssyncadd.s32 $0xFFFFC000;
	(pc) =	sbr.rel @!p3 .LBB2_11-.Ltmp10, $4  }
0x1a2: {  	[spmem:s1] =	stream.indirect.scatter.add.f32 [tilespmem:s14], [sflag:$0x3], $0x80, s19, s0, $0xb8;
	[tilespmem:$0x1D780] =	vst v63  }
0x1a3: {  	_ =	swait.ge [sflag:s30], $0x4000  }
0x1a4: {  	[sflag:s30] =	ssyncset.done $0x0  }
0x1a5: {  	[sflag:s30] =	ssyncadd.s32 $0xFFFFC000  }
.Ltmp11:
0x1a6: {  	(pc) =	sbr.rel @p2 .LBB2_14-.Ltmp11, $4  }
.Ltmp12:
0x1a7: {  	(pc) =	sbr.rel @!p2 .LBB2_13-.Ltmp12, $4  }
0x1a8: {  	_ = 	snop  }
0x1a9: {  	_ = 	snop  }
0x1aa: {  	_ = 	snop  }
0x1ab: {  	_ = 	snop  }
.LBB2_8:
0x1ac: {  	s10 =	rddreg [dreg:$0xd];
	s11 =	simm.s32 $0x13A80  }
0x1ad: {  	[tilespmem:s11], [sflag:$0x3] =	stream.linear.gather [hbm4b:s10+s2], $0x20, $0x38;
	[tilespmem:$0x1D780] =	vst v63  }
0x1ae: {  	_ =	swait.ge [sflag:s30], $0x20  }
0x1af: {  	[sflag:s30] =	ssyncset.done $0x0  }
0x1b0: {  	s12 =	simm.s32 $0x13B00;
	s26 =	rddreg [dreg:$0xe];
	[sflag:s30] =	ssyncadd.s32 $0xFFFFFFE0  }
0x1b1: {  	[tilespmem:s12], [sflag:$0x3] =	stream.linear.gather [hbm4b:s26+s2], $0x20, $0x38;
	[tilespmem:$0x1D780] =	vst v63  }
0x1b2: {  	_ =	swait.ge [sflag:s30], $0x20  }
0x1b3: {  	[sflag:s30] =	ssyncset.done $0x0  }
0x1b4: {  	s28 =	simm.s32 $0x20;
	s22 =	simm.s32 $0x1BB80;
	[sflag:s30] =	ssyncadd.s32 $0xFFFFFFE0  }
0x1b5: {  	[tilespmem:s22], [sflag:$0x1] =	stream.indirect.gather [hbm4b:s4+s28], $0x80, s11, s28, $0xb8;
	[tilespmem:$0x1D780] =	vst v63  }
0x1b6: {  	_ =	swait.ge [sflag:s18], $0x1000  }
0x1b7: {  	[sflag:s18] =	ssyncset.done $0x0  }
0x1b8: {  	[sflag:s18] =	ssyncadd.s32 $0xFFFFF000  }
0x1b9: {  	[spmem:s1] =	stream.indirect.scatter.add.f32 [tilespmem:s22], [sflag:$0x3], $0x80, s12, s28, $0xb8;
	[tilespmem:$0x1D780] =	vst v63  }
0x1ba: {  	_ =	swait.ge [sflag:s30], $0x1000  }
0x1bb: {  	[sflag:s30] =	ssyncset.done $0x0  }
0x1bc: {  	[sflag:s30] =	ssyncadd.s32 $0xFFFFF000  }
0x1bd: {  	[bflag:$0x0] =	sbarrier.arrive $0xFFFF  }
0x1be: {  	s11 =	rddreg [dreg:$0x11]  }
0x1bf: {  	s10 =	simm.s32 @p1 $0x1FC3;
	s12 =	rddreg [dreg:$0x16]  }
0x1c0: {  	[hbm:s11], [sflag:s10] =	dma.local @p1 [spmem:s12], $0x2800  }
0x1c1: {  	s10 =	simm.s32 @p1 $0x3  }
0x1c2: {  	_ =	swait.ge @p1 [sflag:s10], $0x2800  }
0x1c3: {  	s11 =	rddreg [dreg:$0x14]  }
0x1c4: {  	[sflag:s10] =	ssyncset.done @p1 $0x0;
	s12 =	rddreg [dreg:$0x15]  }
0x1c5: {  	[sflag:s10] =	ssyncadd.s32 @p1 $0xFFFFD800;
	s10 =	rddreg [dreg:$0xf]  }
0x1c6: {  	[hbm:s10], [sflag:s11] =	dma.local @!p1 [spmem:s12], $0x2700  }
.Ltmp13:
0x1c7: {  	_ = 	snop;
	(pc) =	sbr.rel .LBB2_16-.Ltmp13, $4  }
0x1c8: {  	s10 =	simm.s32 @!p1 $0x3  }
0x1c9: {  	_ =	swait.ge @!p1 [sflag:s10], $0x2700  }
0x1ca: {  	[sflag:s10] =	ssyncset.done @!p1 $0x0  }
0x1cb: {  	[sflag:s10] =	ssyncadd.s32 @!p1 $0xFFFFD900  }
.LBB2_17:
0x1cc: {  	_ =	sfence.sel $0x180000  }
0x1cd: {  	[bflag:$0x0] =	sbarrier.arrive $0xFFFF  }
0x1ce: {  	_ =	strace $0x9000004A  }
0x1cf: {  	s0 =	stileid.u32;
	[bflag:$0x2] =	sbarrier.arrive $0xFFFF  }
0x1d0: {  	p0 =	sne.s32 s0, $0x0;
	s0 =	rddreg [dreg:$0x2]  }
0x1d1: {  	s0 =	sadd.s32 @!p0 $0x100000, s0  }
0x1d2: {  	[sflag:s0] =	ssyncadd.tile.s32 @!p0 $0x1;
	_ =	shalt  }
.Lfunc_end2:
_tile_overlayer_lowered:
.L_overlay_start_2:
0x1d3: {  	(tag) =	ssettag $0x2  }
0x1d4: {  	s0 =	rddreg [dreg:$0x0];
	s2 =	stileid.u32  }
0x1d5: {  	s1 =	rddreg [dreg:$0x1];
	p0 =	sne.s32 s2, $0x0  }
0x1d6: {  	s3 =	rddreg [dreg:$0x2];
	[bflag:$0x3] =	sbarrier.arrive $0xFFFF;
	s2 =	simm.s32 @!p0 $0x1C03  }
0x1d7: {  	[timem:s3], [sflag:s2] =	dma.local @!p0 [hbm:s0], s1  }
0x1d8: {  	s0 =	simm.s32 @!p0 $0x3  }
0x1d9: {  	_ =	swait.ge @!p0 [sflag:s0], s1  }
0x1da: {  	s1 =	ssub.s32 @!p0 $0x0, s1;
	[sflag:s0] =	ssyncset.done @!p0 $0x0  }
0x1db: {  	[sflag:s0] =	ssyncadd.s32 @!p0 s1  }
0x1dc: {  	[bflag:$0x3] =	sbarrier.arrive $0xFFFF  }
0x1dd: {  	_ =	shalt  }

// kernel: kernel.15.cloned.1.call-start
scs
__scs_entry_jumppad:
0x0: {  	(pc) =	sbr.rel $0x88, $3  }
0x1: {  	(tag) =	ssettag $0x0;
	lr =	simm.s32 $0x1  }
0x2: {  	[smem:$0x3F92] =	sst lr;
	_ =	strace $0xD0000000  }
0x3: {  	_ = 	snop  }
0x4: {  	_ = 	snop  }
0x5: {  	_ = 	snop  }
0x6: {  	_ = 	snop  }
0x7: {  	_ = 	snop  }
__scs_overlays_trampoline_lowered:
0x8: {  	[smem:$0x3FA1] =	sst s0  }
0x9: {  	[smem:$0x3FA2] =	sst s1  }
0xa: {  	[smem:$0x3FA3] =	sst s2  }
0xb: {  	[smem:$0x3FA4] =	sst s3  }
0xc: {  	[smem:$0x3FA5] =	sst s4  }
0xd: {  	[smem:$0x3FA6] =	sst s5  }
0xe: {  	[smem:$0x3FA7] =	sst s6  }
0xf: {  	[smem:$0x3FA8] =	sst s7  }
0x10: {  	[smem:$0x3FA9] =	sst s8  }
0x11: {  	[smem:$0x3FAA] =	sst s9;
	s0 =	simm.s32 @!p0 $0x0  }
0x12: {  	s1 =	sld [smem:$0x3F90];
	s0 =	simm.s32 @p0 $0x1  }
0x13: {  	[smem:$0x3FAB] =	sst s0;
	s0 =	simm.s32 @!p1 $0x0  }
0x14: {  	s2 =	sld [smem:$0x3F8F];
	s0 =	simm.s32 @p1 $0x1  }
0x15: {  	[smem:$0x3FAC] =	sst s0;
	s0 =	simm.s32 @!p2 $0x0  }
0x16: {  	s3 =	sld [smem:$0x3FDB];
	s0 =	simm.s32 @p2 $0x1  }
0x17: {  	s4 =	simm.s32 $0x1BF5;
	[smem:$0x3FAE] =	sst s0  }
0x18: {  	s0 =	sld [smem:$0x3F91];
	_ =	swait.ge [sflag:s4], $0x0  }
0x19: {  	s7 =	sld [smem:$0x3F92]  }
0x1a: {  	s8 =	sadd.s32 $0xFFFFE003, lr  }
0x1b: {  	s9 =	sadd.s32 $0xFFFFFEF7, lr;
	s5 =	simm.s32 $0xFFFFFFFF;
	p2 =	slt.u32 s8, $0xFFFFF086  }
0x1c: {  	p1 =	slt.u32 s9, $0xF7A;
	s5 =	simm.s32 @!p2 $0x0  }
0x1d: {  	s5 =	simm.s32 @p1 $0x1;
	p0 =	seq.s32 s7, s2  }
0x1e: {  	s7 =	smul.u32 @!p0 $0xF7A, s2;
	p2 =	seq.s32 @!p0 s5, $0x0  }
0x1f: {  	s9 =	smul.u32 $0xF7A, s1;
	s8 =	simm.s32 @!p0 $0x1BF5;
	p2 =	por !p2, p0  }
0x20: {  	[sflag:s8] =	ssyncset.s32 @!p0 $0xFFFFF086;
	s6 =	sadd.s32 @!p0 s3, s7;
	s7 =	simm.s32 @!p0 $0x108  }
0x21: {  	s3 =	sadd.s32 s3, s9;
	s6 =	sadd.s32 @!p0 $0x88, s6;
	s7 =	simm.s32 @p2 $0x1082  }
0x22: {  	[simem:s7], [sflag:s8] =	dma.local @!p0 [hbm:s6], $0xF7A  }
0x23: {  	s9 =	sor.u32 $0xD0000000, s2;
	s6 =	simm.s32 $0x108;
	_ =	swait.ge @!p0 [sflag:s8], $0x0  }
0x24: {  	s3 =	sadd.s32 $0x88, s3;
	s6 =	simm.s32 @!p1 $0x1082;
	[sflag:s4] =	ssyncset.s32 $0xFFFFF086  }
0x25: {  	[simem:s6], [sflag:s4] =	dma.local [hbm:s3], $0xF7A  }
0x26: {  	[smem:$0x3F92] =	sst s1;
	(tag) =	ssettag s2;
	_ =	strace s9  }
0x27: {  	s1 =	sld [smem:$0x3FA2]  }
0x28: {  	s2 =	sld [smem:$0x3FA3]  }
0x29: {  	s4 =	sld [smem:$0x3FA5]  }
0x2a: {  	p0 =	seq.s32 s5, $0x0;
	s5 =	sld [smem:$0x3FA6]  }
0x2b: {  	s6 =	sld [smem:$0x3FA7]  }
0x2c: {  	s7 =	sld [smem:$0x3FA8]  }
0x2d: {  	s3 =	simm.s32 $0x108;
	s8 =	sld [smem:$0x3FA9]  }
0x2e: {  	s3 =	simm.s32 @!p0 $0x1082;
	s9 =	sld [smem:$0x3FAA]  }
0x2f: {  	lr =	sadd.s32 s0, s3;
	s0 =	sld [smem:$0x3FA1]  }
0x30: {  	s3 =	sld [smem:$0x3FA4]  }
0x31: {  	[smem:$0x3FAD] =	sst s10  }
0x32: {  	s10 =	sld [smem:$0x3FAB];
	_ =	sdelay $0x3  }
0x33: {  	p0 =	seq.s32 s10, $0x1;
	s10 =	sld [smem:$0x3FAD];
	_ =	sdelay $0x3  }
0x34: {  	[smem:$0x3FAD] =	sst s10  }
0x35: {  	s10 =	sld [smem:$0x3FAC];
	_ =	sdelay $0x3  }
0x36: {  	p1 =	seq.s32 s10, $0x1;
	s10 =	sld [smem:$0x3FAD];
	_ =	sdelay $0x3  }
0x37: {  	[smem:$0x3FAD] =	sst s10  }
0x38: {  	s10 =	sld [smem:$0x3FAE]  }
0x39: {  	_ = 	snop;
	(pc) =	sbr.ind lr, $3  }
0x3a: {  	_ = 	snop  }
0x3b: {  	_ = 	snop  }
0x3c: {  	p2 =	seq.s32 s10, $0x1;
	s10 =	sld [smem:$0x3FAD]  }
0x3d: {  	_ =	shalt  }
0x3e: {  	_ =	shalt  }
0x3f: {  	_ =	shalt  }
0x40: {  	_ =	shalt  }
0x41: {  	_ =	shalt  }
0x42: {  	_ =	shalt  }
0x43: {  	_ =	shalt  }
0x44: {  	_ =	shalt  }
0x45: {  	_ =	shalt  }
0x46: {  	_ =	shalt  }
0x47: {  	_ =	shalt  }
0x48: {  	_ =	shalt  }
0x49: {  	_ =	shalt  }
0x4a: {  	_ =	shalt  }
0x4b: {  	_ =	shalt  }
0x4c: {  	_ =	shalt  }
0x4d: {  	_ =	shalt  }
0x4e: {  	_ =	shalt  }
0x4f: {  	_ =	shalt  }
0x50: {  	_ =	shalt  }
0x51: {  	_ =	shalt  }
0x52: {  	_ =	shalt  }
0x53: {  	_ =	shalt  }
0x54: {  	_ =	shalt  }
0x55: {  	_ =	shalt  }
0x56: {  	_ =	shalt  }
0x57: {  	_ =	shalt  }
0x58: {  	_ =	shalt  }
0x59: {  	_ =	shalt  }
0x5a: {  	_ =	shalt  }
0x5b: {  	_ =	shalt  }
0x5c: {  	_ =	shalt  }
0x5d: {  	_ =	shalt  }
0x5e: {  	_ =	shalt  }
0x5f: {  	_ =	shalt  }
0x60: {  	_ =	shalt  }
0x61: {  	_ =	shalt  }
0x62: {  	_ =	shalt  }
0x63: {  	_ =	shalt  }
0x64: {  	_ =	shalt  }
0x65: {  	_ =	shalt  }
0x66: {  	_ =	shalt  }
0x67: {  	_ =	shalt  }
0x68: {  	_ =	shalt  }
0x69: {  	_ =	shalt  }
0x6a: {  	_ =	shalt  }
0x6b: {  	_ =	shalt  }
0x6c: {  	_ =	shalt  }
0x6d: {  	_ =	shalt  }
0x6e: {  	_ =	shalt  }
0x6f: {  	_ =	shalt  }
0x70: {  	_ =	shalt  }
0x71: {  	_ =	shalt  }
0x72: {  	_ =	shalt  }
0x73: {  	_ =	shalt  }
0x74: {  	_ =	shalt  }
0x75: {  	_ =	shalt  }
0x76: {  	_ =	shalt  }
0x77: {  	_ =	shalt  }
0x78: {  	_ =	shalt  }
0x79: {  	_ =	shalt  }
0x7a: {  	_ =	shalt  }
0x7b: {  	_ =	shalt  }
0x7c: {  	_ =	shalt  }
0x7d: {  	_ =	shalt  }
0x7e: {  	_ =	shalt  }
0x7f: {  	_ =	shalt  }
0x80: {  	_ =	shalt  }
0x81: {  	_ =	shalt  }
0x82: {  	_ =	shalt  }
0x83: {  	_ =	shalt  }
0x84: {  	_ =	shalt  }
0x85: {  	_ =	shalt  }
0x86: {  	_ =	shalt  }
0x87: {  	_ =	shalt  }
.Lfunc_end0:
.L_simem_size_0:
called_computation.2_lowered:
.L_overlay_start_0:
0x88: {  	s2 =	sld [smem:$0x3FD9]  }
0x89: {  	s3 =	sld [smem:$0x3FFE];
	_ =	sdelay $0x1  }
0x8a: {  	s1 =	srdreg.scid  }
0x8b: {  	s0 =	sand.u32 $0x1, s1  }
0x8c: {  	s16 =	sshll.u32 s0, $0xA;
	s2 =	sadd.s32 s3, s2  }
0x8d: {  	s2 =	sadd.s32 s2, s16  }
0x8e: {  	[smem:$0x3FB9] =	sst s2  }
0x8f: {  	_ = 	snop  }
0x90: {  	(tm) =	ssettm $0x1  }
0x91: {  	s17 =	sld [smem:$0x3FFB];
	_ =	sdelay $0x3  }
0x92: {  	_ =	strace s17  }
0x93: {  	s2 =	sld [smem:$0x3FFC];
	_ =	sdelay $0x3  }
0x94: {  	_ =	strace s2  }
0x95: {  	s2 =	sld [smem:$0x3FFD];
	_ =	sdelay $0x3  }
0x96: {  	_ =	strace s2  }
0x97: {  	_ =	strace $0x8FFFFFFF  }
0x98: {  	s18 =	sld [smem:$0x3FDB];
	_ =	sdelay $0x1  }
0x99: {  	s19 =	simm.s32 $_scs_section_size  }
0x9a: {  	s4 =	simm.s32 $_size__tile_overlayer_lowered;
	s5 =	simm.s32 $_tile_overlayer_lowered  }
0x9b: {  	s22 =	simm.s32 $0x1BFF;
	s21 =	sshll.u32 s5, $0x1;
	s2 =	sadd.s32 s19, s18  }
0x9c: {  	s6 =	simm.s32 $0x0;
	s20 =	sshll.u32 s4, $0x1;
	s4 =	sadd.s32 s21, s2  }
0x9d: {  	[timem:s6], [sflag:s22] =	dma.local [hbm:s4], s20  }
0x9e: {  	_ =	swait.ge [sflag:s22], s20  }
0x9f: {  	s3 =	ssub.s32 $0x0, s20;
	[sflag:s22] =	ssyncset.done $0x0  }
0xa0: {  	[sflag:s22] =	ssyncadd.s32 s3;
	_ =	sdelay $0x1  }
0xa1: {  	s23 =	simm.s32 $0x1B8B  }
0xa2: {  	_ =	swait.ge [sflag:s23], $0x1  }
0xa3: {  	[sflag:s23] =	ssyncset.done $0x0  }
0xa4: {  	s25 =	simm.s32 $0x1B8E;
	s24 =	sld [smem:$0x3FFE];
	[sflag:s23] =	ssyncadd.s32 $0xFFFFFFFF  }
0xa5: {  	s26 =	simm.s32 $execute0_lowered;
	[smem:$0x3FD2] =	sst s25  }
0xa6: {  	s4 =	sshll.u32 s26, $0x1;
	_ =	strace $0x8000004C;
	[dreg:$0x1] =	wrdreg $0xFFFFFFFF  }
0xa7: {  	s28 =	simm.s32 $_size_execute0_lowered;
	s2 =	sadd.s32 s2, s4;
	[dreg:$0x0] =	wrdreg $0x0  }
0xa8: {  	s4 =	sshll.u32 s28, $0x1;
	[dreg:$0x2] =	wrdreg s2  }
0xa9: {  	[dreg:$0x3] =	wrdreg s4  }
0xaa: {  	[dreg:$0x4] =	wrdreg $0xC0  }
0xab: {  	_ =	task [dreg:s6], $0x5FFFF  }
0xac: {  	[dreg:$0x1] =	wrdreg $0xFFFFFFFF  }
0xad: {  	[dreg:$0x0] =	wrdreg $0x60  }
0xae: {  	[dreg:$0x2] =	wrdreg s24  }
0xaf: {  	[dreg:$0x3] =	wrdreg $0x0  }
0xb0: {  	[dreg:$0x4] =	wrdreg $0x9  }
0xb1: {  	_ =	task.clear_ibuf [dreg:s6], $0x5FFFF;
	_ =	strace $0x9000004C  }
0xb2: {  	s29 =	simm.s32 $0x9;
	_ =	strace $0x8000004E  }
0xb3: {  	_ =	swait.ge [sflag:s29], $0x1  }
0xb4: {  	[sflag:s29] =	ssyncadd.s32 $0xFFFFFFFF  }
0xb5: {  	_ =	strace $0x9000004E  }
0xb6: {  	_ =	sfence  }
0xb7: {  	s30 =	sld [smem:$0x0];
	_ =	sdelay $0x2  }
0xb8: {  	s31 =	sshll.u32 s1, $0xD;
	s1 =	sshrl.u32 s1, $0x2  }
0xb9: {  	s3 =	sand.u32 $0x4000, s31;
	s1 =	sadd.s32 s1, s30  }
0xba: {  	s0 =	sor.u32 s3, s0;
	s1 =	sshll.u32 s1, $0x11  }
0xbb: {  	s0 =	sor.u32 s1, s0  }
0xbc: {  	s0 =	sadd.s32 $0x8F2B, s0  }
0xbd: {  	[sflag:s0] =	ssyncadd.remote.s32 $0x1  }
0xbe: {  	_ =	sfence.sel $0xFFFF  }
0xbf: {  	[dreg:$0x0] =	wrdreg $0xFFFFFFFF;
	(pc) =	sbr.abs _section_cstart, $3  }
0xc0: {  	[dreg:$0x1] =	wrdreg $0xFFFFFFFF  }
0xc1: {  	_ =	task.clear_ibuf [dreg:s6], $0x2FFFF;
	_ =	strace $0x9FFFFFFF  }
0xc2: {  	(tm) =	ssettm $0x7FFFFFFF  }
0xc3: {  	_ =	shalt  }
tec
execute0_lowered:
.L_overlay_start_1:
0x0: {  	(tag) =	ssettag $0x1  }
0x1: {  	s0 =	rddreg [dreg:$0x0]  }
0x2: {  	s1 =	rddreg [dreg:$0x1];
	s2 =	simm.s32 $0x0  }
0x3: {  	s16 =	stileid.u32;
	s3 =	srdreg.scid;
	s29 =	simm.s32 $0x1CB80  }
0x4: {  	s30 =	simm.s32 $0x3;
	s31 =	simm.s32 $0x1D180;
	[smem:$0x7FF] =	sst s2  }
0x5: {  	s4 =	sadd.s32 $0x5CC00, s0;
	s5 =	sadd.s32 $0x83E00, s0;
	s6 =	sadd.s32 $0x21A00, s0  }
0x6: {  	s7 =	sadd.s32 $0x17C00, s0;
	s10 =	smul.u32 $0x2700, s16;
	s3 =	sand.u32 $0x1, s3  }
0x7: {  	s8 =	sadd.s32 $0x4000, s0;
	s12 =	smul.u32 $0x4E000, s16;
	s9 =	sadd.s32 $0xDE00, s0  }
0x8: {  	s14 =	smul.u32 $0x4E20, s16;
	s28 =	sadd.s32 $0xCF900, s0;
	_ =	strace $0x8000004D  }
0x9: {  	[dreg:$0x5] =	wrdreg s28;
	s28 =	sadd.s32 $0x124800, s1;
	s12 =	sshrl.u32 s12, $0x2  }
0xa: {  	s10 =	sadd.s32 s10, s0;
	[dreg:$0x13] =	wrdreg s28;
	s12 =	sadd.s32 s12, s1  }
0xb: {  	s26 =	sshrl.u32 s14, $0x3;
	s25 =	sadd.s32 $0xAB000, s10;
	[dreg:$0x3] =	wrdreg s12  }
0xc: {  	p1 =	seq.s32 s16, $0xF;
	s15 =	sadd.s32 s8, s26;
	[dreg:$0x4] =	wrdreg s25  }
0xd: {  	s16 =	simm.s32 $0x13900;
	s20 =	sadd.s32 $0xF9400, s10;
	[dreg:$0x6] =	wrdreg s15  }
0xe: {  	s11 =	ssub.s32 $0x2, s3;
	s21 =	sadd.s32 s6, s26;
	[dreg:$0xa] =	wrdreg s20  }
0xf: {  	p0 =	sne.s32 s3, $0x0;
	s24 =	sadd.s32 $0xD2200, s10;
	[dreg:$0xb] =	wrdreg s21  }
0x10: {  	s17 =	sadd.s32 $0x9C0, s26;
	s15 =	sadd.s32 s9, s26;
	[dreg:$0xf] =	wrdreg s24  }
0x11: {  	s3 =	simm.s32 $0x0;
	s18 =	sadd.s32 s8, s17;
	[dreg:$0x7] =	wrdreg s15  }
0x12: {  	s13 =	sshrl.u32 s11, $0x1;
	s19 =	sadd.s32 s9, s17;
	[dreg:$0x8] =	wrdreg s18  }
0x13: {  	s11 =	ssub.s32 s11, s13;
	s12 =	sadd.s32 s7, s26;
	[dreg:$0x9] =	wrdreg s19  }
0x14: {  	s13 =	simm.s32 $0x13880;
	s22 =	sadd.s32 s6, s17;
	[dreg:$0xc] =	wrdreg s12  }
0x15: {  	s23 =	sadd.s32 s7, s17;
	s25 =	sadd.s32 $0x11DD00, s0;
	[dreg:$0xd] =	wrdreg s22  }
.Ltmp0:
0x16: {  	s0 =	sadd.s32 $0xF6B00, s0;
	[dreg:$0xe] =	wrdreg s23;
	(pc) =	sbr.rel .LBB2_1-.Ltmp0, $4  }
0x17: {  	s26 =	smax.u32 s11, $0x1;
	s17 =	simm.s32 $0x17B80;
	[dreg:$0x10] =	wrdreg s25  }
0x18: {  	s20 =	simm.s32 $0x2;
	s21 =	simm.s32 $0x13A00;
	[dreg:$0x11] =	wrdreg s0  }
0x19: {  	s15 =	sadd.s32 $0x600, s14;
	[dreg:$0x12] =	wrdreg s26;
	s0 =	simm.s32 $0x80  }
0x1a: {  	s14 =	simm.s32 $0x13B80;
	s18 =	simm.s32 $0x1;
	s19 =	simm.s32 $0x13980  }
.LBB2_15:
0x1b: {  	s10 =	rddreg [dreg:$0x8];
	s11 =	simm.s32 $0x13A80  }
0x1c: {  	[tilespmem:s11], [sflag:$0x3] =	stream.linear.gather [hbm4b:s10+s2], $0x20, $0x38;
	[tilespmem:$0x1D780] =	vst v63  }
0x1d: {  	_ =	swait.ge [sflag:s30], $0x20  }
0x1e: {  	[sflag:s30] =	ssyncset.done $0x0  }
0x1f: {  	s12 =	simm.s32 $0x13B00;
	s26 =	rddreg [dreg:$0x9];
	[sflag:s30] =	ssyncadd.s32 $0xFFFFFFE0  }
0x20: {  	[tilespmem:s12], [sflag:$0x3] =	stream.linear.gather [hbm4b:s26+s2], $0x20, $0x38;
	[tilespmem:$0x1D780] =	vst v63  }
0x21: {  	_ =	swait.ge [sflag:s30], $0x20  }
0x22: {  	[sflag:s30] =	ssyncset.done $0x0  }
0x23: {  	s28 =	simm.s32 $0x20;
	s22 =	simm.s32 $0x1BB80;
	[sflag:s30] =	ssyncadd.s32 $0xFFFFFFE0  }
0x24: {  	[tilespmem:s22], [sflag:$0x1] =	stream.indirect.gather [hbm4b:s5+s28], $0x80, s11, s28, $0xb8;
	[tilespmem:$0x1D780] =	vst v63  }
0x25: {  	_ =	swait.ge [sflag:s18], $0x1000  }
0x26: {  	[sflag:s18] =	ssyncset.done $0x0  }
0x27: {  	[sflag:s18] =	ssyncadd.s32 $0xFFFFF000  }
0x28: {  	[spmem:s1] =	stream.indirect.scatter.add.f32 [tilespmem:s22], [sflag:$0x3], $0x80, s12, s28, $0xb8;
	[tilespmem:$0x1D780] =	vst v63  }
0x29: {  	_ =	swait.ge [sflag:s30], $0x1000  }
0x2a: {  	[sflag:s30] =	ssyncset.done $0x0  }
0x2b: {  	[sflag:s30] =	ssyncadd.s32 $0xFFFFF000  }
0x2c: {  	[bflag:$0x0] =	sbarrier.arrive $0xFFFF  }
0x2d: {  	s11 =	rddreg [dreg:$0x10]  }
0x2e: {  	s10 =	simm.s32 @p1 $0x1FC3;
	s12 =	rddreg [dreg:$0x16]  }
0x2f: {  	[hbm:s11], [sflag:s10] =	dma.local @p1 [spmem:s12], $0x2800  }
0x30: {  	s10 =	simm.s32 @p1 $0x3  }
0x31: {  	_ =	swait.ge @p1 [sflag:s10], $0x2800  }
0x32: {  	s11 =	rddreg [dreg:$0x14]  }
0x33: {  	[sflag:s10] =	ssyncset.done @p1 $0x0;
	s12 =	rddreg [dreg:$0x15]  }
0x34: {  	[sflag:s10] =	ssyncadd.s32 @p1 $0xFFFFD800;
	s10 =	rddreg [dreg:$0xa]  }
0x35: {  	[hbm:s10], [sflag:s11] =	dma.local @!p1 [spmem:s12], $0x2700  }
0x36: {  	s10 =	simm.s32 @!p1 $0x3  }
0x37: {  	_ =	swait.ge @!p1 [sflag:s10], $0x2700  }
0x38: {  	[sflag:s10] =	ssyncset.done @!p1 $0x0  }
0x39: {  	[sflag:s10] =	ssyncadd.s32 @!p1 $0xFFFFD900  }
.LBB2_16:
0x3a: {  	s3 =	sadd.s32 $0x1, s3;
	s10 =	rddreg [dreg:$0x12]  }
0x3b: {  	p2 =	sne.s32 s3, s10  }
.Ltmp1:
0x3c: {  	_ = 	snop;
	(pc) =	sbr.rel @!p2 .LBB2_17-.Ltmp1, $1  }
0x3d: {  	_ =	sdelay $0x3  }
.LBB2_1:
0x3e: {  	s10 =	rddreg [dreg:$0x13]  }
0x3f: {  	s11 =	rddreg [dreg:$0x5];
	s12 =	sshrl.u32 @p1 s10, $0x3  }
0x40: {  	s10 =	simm.s32 @p1 $0x1FC3;
	[dreg:$0x16] =	wrdreg s12  }
0x41: {  	[spmem:s12], [sflag:s10] =	dma.local @p1 [hbm:s11], $0x2800  }
0x42: {  	s10 =	simm.s32 @p1 $0x3  }
0x43: {  	s11 =	stileid.u32;
	_ =	swait.ge @p1 [sflag:s10], $0x2800  }
0x44: {  	s11 =	sshll.u32 @!p1 s11, $0x6;
	[sflag:s10] =	ssyncset.done @p1 $0x0  }
0x45: {  	s11 =	sor.u32 @!p1 $0x1C03, s11;
	[sflag:s10] =	ssyncadd.s32 @p1 $0xFFFFD800;
	s10 =	rddreg [dreg:$0x3]  }
0x46: {  	[dreg:$0x14] =	wrdreg s11  }
0x47: {  	s12 =	sshrl.u32 @!p1 s10, $0x3;
	s10 =	rddreg [dreg:$0x4]  }
0x48: {  	s22 =	simm.s32 @!p1 $0x3;
	[dreg:$0x15] =	wrdreg s12  }
0x49: {  	[spmem:s12], [sflag:s11] =	dma.local @!p1 [hbm:s10], $0x2700  }
.Ltmp2:
0x4a: {  	_ =	swait.ge @!p1 [sflag:s22], $0x2700;
	(pc) =	sbr.rel @p0 .LBB2_9-.Ltmp2, $4  }
0x4b: {  	[sflag:s22] =	ssyncset.done @!p1 $0x0  }
0x4c: {  	[sflag:s22] =	ssyncadd.s32 @!p1 $0xFFFFD900  }
0x4d: {  	[bflag:$0x0] =	sbarrier.arrive $0xFFFF  }
0x4e: {  	s26 =	simm.s32 $0x0  }
0x4f: {  	s10 =	rddreg [dreg:$0xb]  }
0x50: {  	[tilespmem:s29], [sflag:$0x3] =	stream.linear.gather [hbm4b:s10+s26], $0x600, $0x38;
	[tilespmem:$0x1D780] =	vst v63  }
0x51: {  	_ =	swait.ge [sflag:s30], $0x600  }
0x52: {  	[sflag:s30] =	ssyncset.done $0x0  }
0x53: {  	s25 =	rddreg [dreg:$0xc];
	[sflag:s30] =	ssyncadd.s32 $0xFFFFFA00  }
0x54: {  	[tilespmem:s31], [sflag:$0x3] =	stream.linear.gather [hbm4b:s25+s26], $0x600, $0x38;
	[tilespmem:$0x1D780] =	vst v63  }
0x55: {  	_ =	swait.ge [sflag:s30], $0x600  }
0x56: {  	[sflag:s30] =	ssyncset.done $0x0  }
0x57: {  	[sflag:s30] =	ssyncadd.s32 $0xFFFFFA00  }
0x58: {  	v0 =	vld [tilespmem:$0x1CB80]  }
0x59: {  	v1 =	vld [tilespmem:$0x1D180]  }
0x5a: {  	v2 =	vld [tilespmem:$0x1CB90]  }
0x5b: {  	v3 =	vld [tilespmem:$0x1D190]  }
0x5c: {  	v4 =	vld [tilespmem:$0x1CBA0]  }
0x5d: {  	v53 =	vld [tilespmem:$0x1D1A0];
	[tilespmem:$0x13880] =	vst v0  }
0x5e: {  	v54 =	vld [tilespmem:$0x1CBB0];
	[tilespmem:$0x13980] =	vst v1  }
0x5f: {  	v55 =	vld [tilespmem:$0x1D1B0];
	[tilespmem:$0x13890] =	vst v2  }
0x60: {  	v56 =	vld [tilespmem:$0x1CBC0];
	[tilespmem:$0x13990] =	vst v3  }
0x61: {  	v57 =	vld [tilespmem:$0x1D1C0];
	[tilespmem:$0x138A0] =	vst v4  }
0x62: {  	v58 =	vld [tilespmem:$0x1CBD0];
	[tilespmem:$0x139A0] =	vst v53  }
0x63: {  	v59 =	vld [tilespmem:$0x1D1D0];
	[tilespmem:$0x138B0] =	vst v54  }
0x64: {  	v60 =	vld [tilespmem:$0x1CBE0];
	[tilespmem:$0x139B0] =	vst v55  }
0x65: {  	v61 =	vld [tilespmem:$0x1D1E0];
	[tilespmem:$0x138C0] =	vst v56  }
0x66: {  	v62 =	vld [tilespmem:$0x1CBF0];
	[tilespmem:$0x139C0] =	vst v57  }
0x67: {  	v63 =	vld [tilespmem:$0x1D1F0];
	[tilespmem:$0x138D0] =	vst v58  }
0x68: {  	[tilespmem:$0x139D0] =	vst v59  }
.Ltmp3:
0x69: {  	[tilespmem:$0x138E0] =	vst v60;
	(pc) =	sbr.rel .LBB2_3-.Ltmp3, $4  }
0x6a: {  	[tilespmem:$0x139E0] =	vst v61  }
0x6b: {  	[tilespmem:$0x138F0] =	vst v62  }
0x6c: {  	s28 =	simm.s32 $0x2;
	s22 =	simm.s32 $0x0;
	[tilespmem:$0x139F0] =	vst v63  }
0x6d: {  	[tilespmem:s14], [sflag:$0x1] =	stream.indirect.gather [hbm4b:s4+s0], $0x80, s13, s0, $0xb8;
	[tilespmem:$0x1D780] =	vst v63  }
.LBB2_4:
0x6e: {  	s10 =	smul.u32 $0x600, s25;
	_ =	sdelay $0x1  }
0x6f: {  	s10 =	sadd.s32 s10, s15  }
0x70: {  	s10 =	sshrl.u32 s10, $0x3  }
0x71: {  	s11 =	sadd.s32 s6, s10  }
0x72: {  	[tilespmem:s29], [sflag:$0x3] =	stream.linear.gather [hbm4b:s11+s2], $0x600, $0x38;
	[tilespmem:$0x1D780] =	vst v63  }
0x73: {  	_ =	swait.ge [sflag:s30], $0x600  }
0x74: {  	[sflag:s30] =	ssyncset.done $0x0  }
0x75: {  	s10 =	sadd.s32 s7, s10;
	[sflag:s30] =	ssyncadd.s32 $0xFFFFFA00  }
0x76: {  	[tilespmem:s31], [sflag:$0x3] =	stream.linear.gather [hbm4b:s10+s2], $0x600, $0x38;
	[tilespmem:$0x1D780] =	vst v63  }
0x77: {  	_ =	swait.ge [sflag:s30], $0x600  }
0x78: {  	[sflag:s30] =	ssyncset.done $0x0  }
0x79: {  	[sflag:s30] =	ssyncadd.s32 $0xFFFFFA00  }
.LBB2_6:
0x7a: {  	s10 =	smulhi.u32 $0xAAAAAAAB, s28;
	_ =	sdelay $0x1  }
0x7b: {  	s10 =	sshrl.u32 s10, $0x3  }
0x7c: {  	s11 =	smul.u32 $0xFFFFE800, s10;
	_ =	sdelay $0x1  }
0x7d: {  	s11 =	sshra.s32 s11, $0x2  }
0x7e: {  	s12 =	sadd.s32 $0x1CB80, s11  }
0x7f: {  	s12 =	sadd.s32 s24, s12  }
0x80: {  	v0 =	vld [tilespmem:s12+$0x100];
	_ =	sdelay $0x3  }
0x81: {  	s11 =	sadd.s32 $0x1D180, s11  }
0x82: {  	s11 =	sadd.s32 s24, s11;
	[tilespmem:$0x13880] =	vst v0  }
0x83: {  	v0 =	vld [tilespmem:s11+$0x100]  }
0x84: {  	s10 =	smul.u32 $0x1800, s10;
	_ =	sdelay $0x1  }
0x85: {  	s24 =	ssub.s32 $0x440, s10  }
0x86: {  	s12 =	sshra.s32 s24, $0x2  }
0x87: {  	s12 =	sadd.s32 s12, s23;
	[tilespmem:$0x13980] =	vst v0  }
0x88: {  	v0 =	vld [tilespmem:s12+$0x0];
	_ =	sdelay $0x4  }
0x89: {  	[tilespmem:$0x13890] =	vst v0  }
0x8a: {  	v0 =	vld [tilespmem:s11+$0x110];
	_ =	sdelay $0x2  }
0x8b: {  	s25 =	ssub.s32 $0x480, s10  }
0x8c: {  	s12 =	sshra.s32 s25, $0x2  }
0x8d: {  	s12 =	sadd.s32 s12, s23;
	[tilespmem:$0x13990] =	vst v0  }
0x8e: {  	v0 =	vld [tilespmem:s12+$0x0];
	_ =	sdelay $0x4  }
0x8f: {  	[tilespmem:$0x138A0] =	vst v0  }
0x90: {  	v0 =	vld [tilespmem:s11+$0x120];
	_ =	sdelay $0x2  }
0x91: {  	s24 =	ssub.s32 $0x4C0, s10  }
0x92: {  	s12 =	sshra.s32 s24, $0x2  }
0x93: {  	s12 =	sadd.s32 s12, s23;
	[tilespmem:$0x139A0] =	vst v0  }
0x94: {  	v0 =	vld [tilespmem:s12+$0x0];
	_ =	sdelay $0x4  }
0x95: {  	[tilespmem:$0x138B0] =	vst v0  }
0x96: {  	v0 =	vld [tilespmem:s11+$0x130];
	_ =	sdelay $0x2  }
0x97: {  	s25 =	ssub.s32 $0x500, s10  }
0x98: {  	s12 =	sshra.s32 s25, $0x2  }
0x99: {  	s12 =	sadd.s32 s12, s23;
	[tilespmem:$0x139B0] =	vst v0  }
0x9a: {  	v0 =	vld [tilespmem:s12+$0x0];
	_ =	sdelay $0x4  }
0x9b: {  	[tilespmem:$0x138C0] =	vst v0  }
0x9c: {  	v0 =	vld [tilespmem:s11+$0x140];
	_ =	sdelay $0x2  }
0x9d: {  	s24 =	ssub.s32 $0x540, s10  }
0x9e: {  	s12 =	sshra.s32 s24, $0x2  }
0x9f: {  	s12 =	sadd.s32 s12, s23;
	[tilespmem:$0x139C0] =	vst v0  }
0xa0: {  	v0 =	vld [tilespmem:s12+$0x0];
	_ =	sdelay $0x4  }
0xa1: {  	[tilespmem:$0x138D0] =	vst v0  }
0xa2: {  	v0 =	vld [tilespmem:s11+$0x150];
	_ =	sdelay $0x2  }
0xa3: {  	s25 =	ssub.s32 $0x580, s10  }
0xa4: {  	s12 =	sshra.s32 s25, $0x2  }
0xa5: {  	s12 =	sadd.s32 s12, s23;
	[tilespmem:$0x139D0] =	vst v0  }
0xa6: {  	v0 =	vld [tilespmem:s12+$0x0];
	_ =	sdelay $0x4  }
0xa7: {  	[tilespmem:$0x138E0] =	vst v0  }
0xa8: {  	v0 =	vld [tilespmem:s11+$0x160];
	_ =	sdelay $0x2  }
0xa9: {  	s10 =	ssub.s32 $0x5C0, s10  }
0xaa: {  	s10 =	sshra.s32 s10, $0x2  }
0xab: {  	s10 =	sadd.s32 s10, s23;
	[tilespmem:$0x139E0] =	vst v0  }
0xac: {  	v0 =	vld [tilespmem:s10+$0x0];
	_ =	sdelay $0x4  }
0xad: {  	[tilespmem:$0x138F0] =	vst v0  }
0xae: {  	v0 =	vld [tilespmem:s11+$0x170];
	_ =	sdelay $0x4  }
0xaf: {  	[tilespmem:$0x139F0] =	vst v0  }
0xb0: {  	[tilespmem:s14], [sflag:$0x1] =	stream.indirect.gather [hbm4b:s4+s0], $0x80, s13, s0, $0xb8;
	[tilespmem:$0x1D780] =	vst v63  }
.LBB2_7:
0xb1: {  	_ =	swait.ge [sflag:s20], $0x4000;
	s26 =	sadd.s32 $0x400, s26  }
0xb2: {  	[sflag:s20] =	ssyncset.done $0x0;
	p2 =	sne.s32 s26, $0x13800  }
.Ltmp4:
0xb3: {  	[sflag:s20] =	ssyncadd.s32 $0xFFFFC000;
	(pc) =	sbr.rel @!p2 .LBB2_8-.Ltmp4, $4  }
0xb4: {  	[spmem:s1] =	stream.indirect.scatter.add.f32 [tilespmem:s17], [sflag:$0x3], $0x80, s21, s0, $0xb8;
	[tilespmem:$0x1D780] =	vst v63  }
0xb5: {  	_ =	swait.ge [sflag:s30], $0x4000  }
0xb6: {  	[sflag:s30] =	ssyncset.done $0x0  }
0xb7: {  	s22 =	sadd.s32 $0x1, s22;
	s28 =	sadd.s32 $0x2, s28;
	[sflag:s30] =	ssyncadd.s32 $0xFFFFC000  }
.LBB2_3:
0xb8: {  	s23 =	smulhi.u32 $0xAAAAAAAB, s22;
	_ =	sdelay $0x1  }
0xb9: {  	s23 =	sshrl.u32 s23, $0x2  }
0xba: {  	s24 =	smul.u32 $0xFFFFE800, s23;
	_ =	sdelay $0x1  }
0xbb: {  	s25 =	sshra.s32 s24, $0x2;
	s24 =	sshra.s32 s26, $0x2  }
0xbc: {  	s25 =	sadd.s32 s24, s25  }
0xbd: {  	s10 =	sadd.s32 $0x1CB80, s25  }
0xbe: {  	v0 =	vld [tilespmem:s10+$0x80];
	_ =	sdelay $0x4  }
0xbf: {  	s25 =	sadd.s32 $0x1D180, s25;
	[tilespmem:$0x13900] =	vst v0  }
0xc0: {  	v0 =	vld [tilespmem:s25+$0x80]  }
0xc1: {  	s11 =	smul.u32 $0x1800, s23;
	_ =	sdelay $0x1  }
0xc2: {  	s12 =	ssub.s32 $0x240, s11  }
0xc3: {  	s23 =	sadd.s32 $0x1CB80, s24;
	s12 =	sshra.s32 s12, $0x2  }
0xc4: {  	s12 =	sadd.s32 s12, s23;
	[tilespmem:$0x13A00] =	vst v0  }
0xc5: {  	v0 =	vld [tilespmem:s12+$0x0];
	_ =	sdelay $0x4  }
0xc6: {  	[tilespmem:$0x13910] =	vst v0  }
0xc7: {  	v0 =	vld [tilespmem:s25+$0x90];
	_ =	sdelay $0x2  }
0xc8: {  	s12 =	ssub.s32 $0x280, s11  }
0xc9: {  	s12 =	sshra.s32 s12, $0x2  }
0xca: {  	s12 =	sadd.s32 s12, s23;
	[tilespmem:$0x13A10] =	vst v0  }
0xcb: {  	v0 =	vld [tilespmem:s12+$0x0];
	_ =	sdelay $0x4  }
0xcc: {  	[tilespmem:$0x13920] =	vst v0  }
0xcd: {  	v0 =	vld [tilespmem:s25+$0xA0];
	_ =	sdelay $0x2  }
0xce: {  	s12 =	ssub.s32 $0x2C0, s11  }
0xcf: {  	s12 =	sshra.s32 s12, $0x2  }
0xd0: {  	s12 =	sadd.s32 s12, s23;
	[tilespmem:$0x13A20] =	vst v0  }
0xd1: {  	v0 =	vld [tilespmem:s12+$0x0];
	_ =	sdelay $0x4  }
0xd2: {  	[tilespmem:$0x13930] =	vst v0  }
0xd3: {  	v0 =	vld [tilespmem:s25+$0xB0];
	_ =	sdelay $0x2  }
0xd4: {  	s12 =	ssub.s32 $0x300, s11  }
0xd5: {  	s12 =	sshra.s32 s12, $0x2  }
0xd6: {  	s12 =	sadd.s32 s12, s23;
	[tilespmem:$0x13A30] =	vst v0  }
0xd7: {  	v0 =	vld [tilespmem:s12+$0x0];
	_ =	sdelay $0x4  }
0xd8: {  	[tilespmem:$0x13940] =	vst v0  }
0xd9: {  	v0 =	vld [tilespmem:s25+$0xC0];
	_ =	sdelay $0x2  }
0xda: {  	s12 =	ssub.s32 $0x340, s11  }
0xdb: {  	s12 =	sshra.s32 s12, $0x2  }
0xdc: {  	s12 =	sadd.s32 s12, s23;
	[tilespmem:$0x13A40] =	vst v0  }
0xdd: {  	v0 =	vld [tilespmem:s12+$0x0];
	_ =	sdelay $0x4  }
0xde: {  	[tilespmem:$0x13950] =	vst v0  }
0xdf: {  	v0 =	vld [tilespmem:s25+$0xD0];
	_ =	sdelay $0x2  }
0xe0: {  	s11 =	ssub.s32 $0x380, s11  }
0xe1: {  	s11 =	sshra.s32 s11, $0x2  }
0xe2: {  	s11 =	sadd.s32 s11, s23;
	[tilespmem:$0x13A50] =	vst v0  }
0xe3: {  	v0 =	vld [tilespmem:s11+$0x0];
	_ =	sdelay $0x4  }
0xe4: {  	[tilespmem:$0x13960] =	vst v0  }
0xe5: {  	v0 =	vld [tilespmem:s25+$0xE0];
	_ =	sdelay $0x4  }
0xe6: {  	[tilespmem:$0x13A60] =	vst v0  }
0xe7: {  	v0 =	vld [tilespmem:s10+$0xF0];
	_ =	sdelay $0x4  }
0xe8: {  	[tilespmem:$0x13970] =	vst v0  }
0xe9: {  	v0 =	vld [tilespmem:s25+$0xF0]  }
0xea: {  	s25 =	smul.u32 $0xAB, s22;
	_ =	sdelay $0x1  }
0xeb: {  	s10 =	sshrl.u32 s25, $0xA  }
0xec: {  	s25 =	sand.u32 $0x3F, s10  }
0xed: {  	s10 =	smul.u32 $0x6, s25;
	[tilespmem:$0x13A70] =	vst v0  }
0xee: {  	[tilespmem:s17], [sflag:$0x2] =	stream.indirect.gather [hbm4b:s4+s0], $0x80, s16, s0, $0xb8;
	[tilespmem:$0x1D780] =	vst v63  }
0xef: {  	p2 =	seq.s32 s26, $0x13400;
	s10 =	ssub.s32 s22, s10  }
0xf0: {  	s10 =	sand.u32 @!p2 $0xFF, s10  }
0xf1: {  	_ =	swait.ge [sflag:s18], $0x4000;
	p3 =	sne.s32 @!p2 s10, $0x5  }
0xf2: {  	[sflag:s18] =	ssyncset.done $0x0;
	p3 =	por p2, p3  }
.Ltmp5:
0xf3: {  	[sflag:s18] =	ssyncadd.s32 $0xFFFFC000;
	(pc) =	sbr.rel @!p3 .LBB2_4-.Ltmp5, $4  }
0xf4: {  	[spmem:s1] =	stream.indirect.scatter.add.f32 [tilespmem:s14], [sflag:$0x3], $0x80, s19, s0, $0xb8;
	[tilespmem:$0x1D780] =	vst v63  }
0xf5: {  	_ =	swait.ge [sflag:s30], $0x4000  }
0xf6: {  	[sflag:s30] =	ssyncset.done $0x0  }
0xf7: {  	[sflag:s30] =	ssyncadd.s32 $0xFFFFC000  }
.Ltmp6:
0xf8: {  	(pc) =	sbr.rel @p2 .LBB2_7-.Ltmp6, $4  }
.Ltmp7:
0xf9: {  	(pc) =	sbr.rel @!p2 .LBB2_6-.Ltmp7, $4  }
0xfa: {  	_ = 	snop  }
0xfb: {  	_ = 	snop  }
0xfc: {  	_ = 	snop  }
0xfd: {  	_ = 	snop  }
.LBB2_9:
0xfe: {  	s10 =	rddreg [dreg:$0x6]  }
0xff: {  	[tilespmem:s29], [sflag:$0x3] =	stream.linear.gather [hbm4b:s10+s26], $0x600, $0x38;
	[tilespmem:$0x1D780] =	vst v63  }
0x100: {  	_ =	swait.ge [sflag:s30], $0x600  }
0x101: {  	[sflag:s30] =	ssyncset.done $0x0  }
0x102: {  	s25 =	rddreg [dreg:$0x7];
	[sflag:s30] =	ssyncadd.s32 $0xFFFFFA00  }
0x103: {  	[tilespmem:s31], [sflag:$0x3] =	stream.linear.gather [hbm4b:s25+s26], $0x600, $0x38;
	[tilespmem:$0x1D780] =	vst v63  }
0x104: {  	_ =	swait.ge [sflag:s30], $0x600  }
0x105: {  	[sflag:s30] =	ssyncset.done $0x0  }
0x106: {  	[sflag:s30] =	ssyncadd.s32 $0xFFFFFA00  }
0x107: {  	v0 =	vld [tilespmem:$0x1CB80]  }
0x108: {  	v1 =	vld [tilespmem:$0x1D180]  }
0x109: {  	v2 =	vld [tilespmem:$0x1CB90]  }
0x10a: {  	v3 =	vld [tilespmem:$0x1D190]  }
0x10b: {  	v4 =	vld [tilespmem:$0x1CBA0]  }
0x10c: {  	v53 =	vld [tilespmem:$0x1D1A0];
	[tilespmem:$0x13880] =	vst v0  }
0x10d: {  	v54 =	vld [tilespmem:$0x1CBB0];
	[tilespmem:$0x13980] =	vst v1  }
0x10e: {  	v55 =	vld [tilespmem:$0x1D1B0];
	[tilespmem:$0x13890] =	vst v2  }
0x10f: {  	v56 =	vld [tilespmem:$0x1CBC0];
	[tilespmem:$0x13990] =	vst v3  }
0x110: {  	v57 =	vld [tilespmem:$0x1D1C0];
	[tilespmem:$0x138A0] =	vst v4  }
0x111: {  	v58 =	vld [tilespmem:$0x1CBD0];
	[tilespmem:$0x139A0] =	vst v53  }
0x112: {  	v59 =	vld [tilespmem:$0x1D1D0];
	[tilespmem:$0x138B0] =	vst v54  }
0x113: {  	v60 =	vld [tilespmem:$0x1CBE0];
	[tilespmem:$0x139B0] =	vst v55  }
0x114: {  	v61 =	vld [tilespmem:$0x1D1E0];
	[tilespmem:$0x138C0] =	vst v56  }
0x115: {  	v62 =	vld [tilespmem:$0x1CBF0];
	[tilespmem:$0x139C0] =	vst v57  }
0x116: {  	v63 =	vld [tilespmem:$0x1D1F0];
	[tilespmem:$0x138D0] =	vst v58  }
0x117: {  	[tilespmem:$0x139D0] =	vst v59  }
.Ltmp8:
0x118: {  	[tilespmem:$0x138E0] =	vst v60;
	(pc) =	sbr.rel .LBB2_10-.Ltmp8, $4  }
0x119: {  	[tilespmem:$0x139E0] =	vst v61  }
0x11a: {  	[tilespmem:$0x138F0] =	vst v62  }
0x11b: {  	s28 =	simm.s32 $0x2;
	s22 =	simm.s32 $0x0;
	[tilespmem:$0x139F0] =	vst v63  }
0x11c: {  	[tilespmem:s14], [sflag:$0x1] =	stream.indirect.gather [hbm4b:s5+s0], $0x80, s13, s0, $0xb8;
	[tilespmem:$0x1D780] =	vst v63  }
.LBB2_11:
0x11d: {  	s10 =	smul.u32 $0x600, s25;
	_ =	sdelay $0x1  }
0x11e: {  	s10 =	sadd.s32 s10, s15  }
0x11f: {  	s10 =	sshrl.u32 s10, $0x3  }
0x120: {  	s11 =	sadd.s32 s8, s10  }
0x121: {  	[tilespmem:s29], [sflag:$0x3] =	stream.linear.gather [hbm4b:s11+s2], $0x600, $0x38;
	[tilespmem:$0x1D780] =	vst v63  }
0x122: {  	_ =	swait.ge [sflag:s30], $0x600  }
0x123: {  	[sflag:s30] =	ssyncset.done $0x0  }
0x124: {  	s10 =	sadd.s32 s9, s10;
	[sflag:s30] =	ssyncadd.s32 $0xFFFFFA00  }
0x125: {  	[tilespmem:s31], [sflag:$0x3] =	stream.linear.gather [hbm4b:s10+s2], $0x600, $0x38;
	[tilespmem:$0x1D780] =	vst v63  }
0x126: {  	_ =	swait.ge [sflag:s30], $0x600  }
0x127: {  	[sflag:s30] =	ssyncset.done $0x0  }
0x128: {  	[sflag:s30] =	ssyncadd.s32 $0xFFFFFA00  }
.LBB2_13:
0x129: {  	s10 =	smulhi.u32 $0xAAAAAAAB, s28;
	_ =	sdelay $0x1  }
0x12a: {  	s10 =	sshrl.u32 s10, $0x3  }
0x12b: {  	s11 =	smul.u32 $0xFFFFE800, s10;
	_ =	sdelay $0x1  }
0x12c: {  	s11 =	sshra.s32 s11, $0x2  }
0x12d: {  	s12 =	sadd.s32 $0x1CB80, s11  }
0x12e: {  	s12 =	sadd.s32 s24, s12  }
0x12f: {  	v0 =	vld [tilespmem:s12+$0x100];
	_ =	sdelay $0x3  }
0x130: {  	s11 =	sadd.s32 $0x1D180, s11  }
0x131: {  	s11 =	sadd.s32 s24, s11;
	[tilespmem:$0x13880] =	vst v0  }
0x132: {  	v0 =	vld [tilespmem:s11+$0x100]  }
0x133: {  	s10 =	smul.u32 $0x1800, s10;
	_ =	sdelay $0x1  }
0x134: {  	s24 =	ssub.s32 $0x440, s10  }
0x135: {  	s12 =	sshra.s32 s24, $0x2  }
0x136: {  	s12 =	sadd.s32 s12, s23;
	[tilespmem:$0x13980] =	vst v0  }
0x137: {  	v0 =	vld [tilespmem:s12+$0x0];
	_ =	sdelay $0x4  }
0x138: {  	[tilespmem:$0x13890] =	vst v0  }
0x139: {  	v0 =	vld [tilespmem:s11+$0x110];
	_ =	sdelay $0x2  }
0x13a: {  	s25 =	ssub.s32 $0x480, s10  }
0x13b: {  	s12 =	sshra.s32 s25, $0x2  }
0x13c: {  	s12 =	sadd.s32 s12, s23;
	[tilespmem:$0x13990] =	vst v0  }
0x13d: {  	v0 =	vld [tilespmem:s12+$0x0];
	_ =	sdelay $0x4  }
0x13e: {  	[tilespmem:$0x138A0] =	vst v0  }
0x13f: {  	v0 =	vld [tilespmem:s11+$0x120];
	_ =	sdelay $0x2  }
0x140: {  	s24 =	ssub.s32 $0x4C0, s10  }
0x141: {  	s12 =	sshra.s32 s24, $0x2  }
0x142: {  	s12 =	sadd.s32 s12, s23;
	[tilespmem:$0x139A0] =	vst v0  }
0x143: {  	v0 =	vld [tilespmem:s12+$0x0];
	_ =	sdelay $0x4  }
0x144: {  	[tilespmem:$0x138B0] =	vst v0  }
0x145: {  	v0 =	vld [tilespmem:s11+$0x130];
	_ =	sdelay $0x2  }
0x146: {  	s25 =	ssub.s32 $0x500, s10  }
0x147: {  	s12 =	sshra.s32 s25, $0x2  }
0x148: {  	s12 =	sadd.s32 s12, s23;
	[tilespmem:$0x139B0] =	vst v0  }
0x149: {  	v0 =	vld [tilespmem:s12+$0x0];
	_ =	sdelay $0x4  }
0x14a: {  	[tilespmem:$0x138C0] =	vst v0  }
0x14b: {  	v0 =	vld [tilespmem:s11+$0x140];
	_ =	sdelay $0x2  }
0x14c: {  	s24 =	ssub.s32 $0x540, s10  }
0x14d: {  	s12 =	sshra.s32 s24, $0x2  }
0x14e: {  	s12 =	sadd.s32 s12, s23;
	[tilespmem:$0x139C0] =	vst v0  }
0x14f: {  	v0 =	vld [tilespmem:s12+$0x0];
	_ =	sdelay $0x4  }
0x150: {  	[tilespmem:$0x138D0] =	vst v0  }
0x151: {  	v0 =	vld [tilespmem:s11+$0x150];
	_ =	sdelay $0x2  }
0x152: {  	s25 =	ssub.s32 $0x580, s10  }
0x153: {  	s12 =	sshra.s32 s25, $0x2  }
0x154: {  	s12 =	sadd.s32 s12, s23;
	[tilespmem:$0x139D0] =	vst v0  }
0x155: {  	v0 =	vld [tilespmem:s12+$0x0];
	_ =	sdelay $0x4  }
0x156: {  	[tilespmem:$0x138E0] =	vst v0  }
0x157: {  	v0 =	vld [tilespmem:s11+$0x160];
	_ =	sdelay $0x2  }
0x158: {  	s10 =	ssub.s32 $0x5C0, s10  }
0x159: {  	s10 =	sshra.s32 s10, $0x2  }
0x15a: {  	s10 =	sadd.s32 s10, s23;
	[tilespmem:$0x139E0] =	vst v0  }
0x15b: {  	v0 =	vld [tilespmem:s10+$0x0];
	_ =	sdelay $0x4  }
0x15c: {  	[tilespmem:$0x138F0] =	vst v0  }
0x15d: {  	v0 =	vld [tilespmem:s11+$0x170];
	_ =	sdelay $0x4  }
0x15e: {  	[tilespmem:$0x139F0] =	vst v0  }
0x15f: {  	[tilespmem:s14], [sflag:$0x1] =	stream.indirect.gather [hbm4b:s5+s0], $0x80, s13, s0, $0xb8;
	[tilespmem:$0x1D780] =	vst v63  }
.LBB2_14:
0x160: {  	_ =	swait.ge [sflag:s20], $0x4000;
	s26 =	sadd.s32 $0x400, s26  }
0x161: {  	[sflag:s20] =	ssyncset.done $0x0;
	p2 =	sne.s32 s26, $0x13800  }
.Ltmp9:
0x162: {  	[sflag:s20] =	ssyncadd.s32 $0xFFFFC000;
	(pc) =	sbr.rel @!p2 .LBB2_15-.Ltmp9, $4  }
0x163: {  	[spmem:s1] =	stream.indirect.scatter.add.f32 [tilespmem:s17], [sflag:$0x3], $0x80, s21, s0, $0xb8;
	[tilespmem:$0x1D780] =	vst v63  }
0x164: {  	_ =	swait.ge [sflag:s30], $0x4000  }
0x165: {  	[sflag:s30] =	ssyncset.done $0x0  }
0x166: {  	s22 =	sadd.s32 $0x1, s22;
	s28 =	sadd.s32 $0x2, s28;
	[sflag:s30] =	ssyncadd.s32 $0xFFFFC000  }
.LBB2_10:
0x167: {  	s10 =	smulhi.u32 $0xAAAAAAAB, s22;
	_ =	sdelay $0x1  }
0x168: {  	s10 =	sshrl.u32 s10, $0x2  }
0x169: {  	s11 =	smul.u32 $0xFFFFE800, s10;
	_ =	sdelay $0x1  }
0x16a: {  	s24 =	sshra.s32 s26, $0x2;
	s11 =	sshra.s32 s11, $0x2  }
0x16b: {  	s11 =	sadd.s32 s24, s11  }
0x16c: {  	s12 =	sadd.s32 $0x1CB80, s11  }
0x16d: {  	v0 =	vld [tilespmem:s12+$0x80];
	_ =	sdelay $0x4  }
0x16e: {  	s11 =	sadd.s32 $0x1D180, s11;
	[tilespmem:$0x13900] =	vst v0  }
0x16f: {  	v0 =	vld [tilespmem:s11+$0x80]  }
0x170: {  	s10 =	smul.u32 $0x1800, s10;
	_ =	sdelay $0x1  }
0x171: {  	s25 =	ssub.s32 $0x240, s10  }
0x172: {  	s23 =	sadd.s32 $0x1CB80, s24;
	s25 =	sshra.s32 s25, $0x2  }
0x173: {  	s25 =	sadd.s32 s25, s23;
	[tilespmem:$0x13A00] =	vst v0  }
0x174: {  	v0 =	vld [tilespmem:s25+$0x0];
	_ =	sdelay $0x4  }
0x175: {  	[tilespmem:$0x13910] =	vst v0  }
0x176: {  	v0 =	vld [tilespmem:s11+$0x90];
	_ =	sdelay $0x2  }
0x177: {  	s25 =	ssub.s32 $0x280, s10  }
0x178: {  	s25 =	sshra.s32 s25, $0x2  }
0x179: {  	s25 =	sadd.s32 s25, s23;
	[tilespmem:$0x13A10] =	vst v0  }
0x17a: {  	v0 =	vld [tilespmem:s25+$0x0];
	_ =	sdelay $0x4  }
0x17b: {  	[tilespmem:$0x13920] =	vst v0  }
0x17c: {  	v0 =	vld [tilespmem:s11+$0xA0];
	_ =	sdelay $0x2  }
0x17d: {  	s25 =	ssub.s32 $0x2C0, s10  }
0x17e: {  	s25 =	sshra.s32 s25, $0x2  }
0x17f: {  	s25 =	sadd.s32 s25, s23;
	[tilespmem:$0x13A20] =	vst v0  }
0x180: {  	v0 =	vld [tilespmem:s25+$0x0];
	_ =	sdelay $0x4  }
0x181: {  	[tilespmem:$0x13930] =	vst v0  }
0x182: {  	v0 =	vld [tilespmem:s11+$0xB0];
	_ =	sdelay $0x2  }
0x183: {  	s25 =	ssub.s32 $0x300, s10  }
0x184: {  	s25 =	sshra.s32 s25, $0x2  }
0x185: {  	s25 =	sadd.s32 s25, s23;
	[tilespmem:$0x13A30] =	vst v0  }
0x186: {  	v0 =	vld [tilespmem:s25+$0x0];
	_ =	sdelay $0x4  }
0x187: {  	[tilespmem:$0x13940] =	vst v0  }
0x188: {  	v0 =	vld [tilespmem:s11+$0xC0];
	_ =	sdelay $0x2  }
0x189: {  	s25 =	ssub.s32 $0x340, s10  }
0x18a: {  	s25 =	sshra.s32 s25, $0x2  }
0x18b: {  	s25 =	sadd.s32 s25, s23;
	[tilespmem:$0x13A40] =	vst v0  }
0x18c: {  	v0 =	vld [tilespmem:s25+$0x0];
	_ =	sdelay $0x4  }
0x18d: {  	[tilespmem:$0x13950] =	vst v0  }
0x18e: {  	v0 =	vld [tilespmem:s11+$0xD0];
	_ =	sdelay $0x2  }
0x18f: {  	s10 =	ssub.s32 $0x380, s10  }
0x190: {  	s10 =	sshra.s32 s10, $0x2  }
0x191: {  	s10 =	sadd.s32 s10, s23;
	[tilespmem:$0x13A50] =	vst v0  }
0x192: {  	v0 =	vld [tilespmem:s10+$0x0];
	_ =	sdelay $0x4  }
0x193: {  	[tilespmem:$0x13960] =	vst v0  }
0x194: {  	v0 =	vld [tilespmem:s11+$0xE0];
	_ =	sdelay $0x4  }
0x195: {  	[tilespmem:$0x13A60] =	vst v0  }
0x196: {  	v0 =	vld [tilespmem:s12+$0xF0];
	_ =	sdelay $0x3  }
0x197: {  	s25 =	smul.u32 $0xAB, s22  }
0x198: {  	[tilespmem:$0x13970] =	vst v0  }
0x199: {  	s10 =	sshrl.u32 s25, $0xA;
	v0 =	vld [tilespmem:s11+$0xF0]  }
0x19a: {  	s25 =	sand.u32 $0x3F, s10  }
0x19b: {  	s10 =	smul.u32 $0x6, s25;
	_ =	sdelay $0x1  }
0x19c: {  	p2 =	seq.s32 s26, $0x13400;
	s10 =	ssub.s32 s22, s10  }
0x19d: {  	s10 =	sand.u32 @!p2 $0xFF, s10;
	[tilespmem:$0x13A70] =	vst v0  }
0x19e: {  	[tilespmem:s17], [sflag:$0x2] =	stream.indirect.gather [hbm4b:s5+s0], $0x80, s16, s0, $0xb8;
	[tilespmem:$0x1D780] =	vst v63  }
0x19f: {  	p3 =	sne.s32 @!p2 s10, $0x5;
	_ =	swait.ge [sflag:s18], $0x4000  }
0x1a0: {  	p3 =	por p2, p3;
	[sflag:s18] =	ssyncset.done $0x0  }
.Ltmp10:
0x1a1: {  	[sflag:s18] =	ssyncadd.s32 $0xFFFFC000;
	(pc) =	sbr.rel @!p3 .LBB2_11-.Ltmp10, $4  }
0x1a2: {  	[spmem:s1] =	stream.indirect.scatter.add.f32 [tilespmem:s14], [sflag:$0x3], $0x80, s19, s0, $0xb8;
	[tilespmem:$0x1D780] =	vst v63  }
0x1a3: {  	_ =	swait.ge [sflag:s30], $0x4000  }
0x1a4: {  	[sflag:s30] =	ssyncset.done $0x0  }
0x1a5: {  	[sflag:s30] =	ssyncadd.s32 $0xFFFFC000  }
.Ltmp11:
0x1a6: {  	(pc) =	sbr.rel @p2 .LBB2_14-.Ltmp11, $4  }
.Ltmp12:
0x1a7: {  	(pc) =	sbr.rel @!p2 .LBB2_13-.Ltmp12, $4  }
0x1a8: {  	_ = 	snop  }
0x1a9: {  	_ = 	snop  }
0x1aa: {  	_ = 	snop  }
0x1ab: {  	_ = 	snop  }
.LBB2_8:
0x1ac: {  	s10 =	rddreg [dreg:$0xd];
	s11 =	simm.s32 $0x13A80  }
0x1ad: {  	[tilespmem:s11], [sflag:$0x3] =	stream.linear.gather [hbm4b:s10+s2], $0x20, $0x38;
	[tilespmem:$0x1D780] =	vst v63  }
0x1ae: {  	_ =	swait.ge [sflag:s30], $0x20  }
0x1af: {  	[sflag:s30] =	ssyncset.done $0x0  }
0x1b0: {  	s12 =	simm.s32 $0x13B00;
	s26 =	rddreg [dreg:$0xe];
	[sflag:s30] =	ssyncadd.s32 $0xFFFFFFE0  }
0x1b1: {  	[tilespmem:s12], [sflag:$0x3] =	stream.linear.gather [hbm4b:s26+s2], $0x20, $0x38;
	[tilespmem:$0x1D780] =	vst v63  }
0x1b2: {  	_ =	swait.ge [sflag:s30], $0x20  }
0x1b3: {  	[sflag:s30] =	ssyncset.done $0x0  }
0x1b4: {  	s28 =	simm.s32 $0x20;
	s22 =	simm.s32 $0x1BB80;
	[sflag:s30] =	ssyncadd.s32 $0xFFFFFFE0  }
0x1b5: {  	[tilespmem:s22], [sflag:$0x1] =	stream.indirect.gather [hbm4b:s4+s28], $0x80, s11, s28, $0xb8;
	[tilespmem:$0x1D780] =	vst v63  }
0x1b6: {  	_ =	swait.ge [sflag:s18], $0x1000  }
0x1b7: {  	[sflag:s18] =	ssyncset.done $0x0  }
0x1b8: {  	[sflag:s18] =	ssyncadd.s32 $0xFFFFF000  }
0x1b9: {  	[spmem:s1] =	stream.indirect.scatter.add.f32 [tilespmem:s22], [sflag:$0x3], $0x80, s12, s28, $0xb8;
	[tilespmem:$0x1D780] =	vst v63  }
0x1ba: {  	_ =	swait.ge [sflag:s30], $0x1000  }
0x1bb: {  	[sflag:s30] =	ssyncset.done $0x0  }
0x1bc: {  	[sflag:s30] =	ssyncadd.s32 $0xFFFFF000  }
0x1bd: {  	[bflag:$0x0] =	sbarrier.arrive $0xFFFF  }
0x1be: {  	s11 =	rddreg [dreg:$0x11]  }
0x1bf: {  	s10 =	simm.s32 @p1 $0x1FC3;
	s12 =	rddreg [dreg:$0x16]  }
0x1c0: {  	[hbm:s11], [sflag:s10] =	dma.local @p1 [spmem:s12], $0x2800  }
0x1c1: {  	s10 =	simm.s32 @p1 $0x3  }
0x1c2: {  	_ =	swait.ge @p1 [sflag:s10], $0x2800  }
0x1c3: {  	s11 =	rddreg [dreg:$0x14]  }
0x1c4: {  	[sflag:s10] =	ssyncset.done @p1 $0x0;
	s12 =	rddreg [dreg:$0x15]  }
0x1c5: {  	[sflag:s10] =	ssyncadd.s32 @p1 $0xFFFFD800;
	s10 =	rddreg [dreg:$0xf]  }
0x1c6: {  	[hbm:s10], [sflag:s11] =	dma.local @!p1 [spmem:s12], $0x2700  }
.Ltmp13:
0x1c7: {  	_ = 	snop;
	(pc) =	sbr.rel .LBB2_16-.Ltmp13, $4  }
0x1c8: {  	s10 =	simm.s32 @!p1 $0x3  }
0x1c9: {  	_ =	swait.ge @!p1 [sflag:s10], $0x2700  }
0x1ca: {  	[sflag:s10] =	ssyncset.done @!p1 $0x0  }
0x1cb: {  	[sflag:s10] =	ssyncadd.s32 @!p1 $0xFFFFD900  }
.LBB2_17:
0x1cc: {  	_ =	sfence.sel $0x180000  }
0x1cd: {  	[bflag:$0x0] =	sbarrier.arrive $0xFFFF  }
0x1ce: {  	_ =	strace $0x9000004D  }
0x1cf: {  	s0 =	stileid.u32;
	[bflag:$0x2] =	sbarrier.arrive $0xFFFF  }
0x1d0: {  	p0 =	sne.s32 s0, $0x0;
	s0 =	rddreg [dreg:$0x2]  }
0x1d1: {  	s0 =	sadd.s32 @!p0 $0x100000, s0  }
0x1d2: {  	[sflag:s0] =	ssyncadd.tile.s32 @!p0 $0x1;
	_ =	shalt  }
.Lfunc_end2:
_tile_overlayer_lowered:
.L_overlay_start_2:
0x1d3: {  	(tag) =	ssettag $0x2  }
0x1d4: {  	s0 =	rddreg [dreg:$0x0];
	s2 =	stileid.u32  }
0x1d5: {  	s1 =	rddreg [dreg:$0x1];
	p0 =	sne.s32 s2, $0x0  }
0x1d6: {  	s3 =	rddreg [dreg:$0x2];
	[bflag:$0x3] =	sbarrier.arrive $0xFFFF;
	s2 =	simm.s32 @!p0 $0x1C03  }
0x1d7: {  	[timem:s3], [sflag:s2] =	dma.local @!p0 [hbm:s0], s1  }
0x1d8: {  	s0 =	simm.s32 @!p0 $0x3  }
0x1d9: {  	_ =	swait.ge @!p0 [sflag:s0], s1  }
0x1da: {  	s1 =	ssub.s32 @!p0 $0x0, s1;
	[sflag:s0] =	ssyncset.done @!p0 $0x0  }
0x1db: {  	[sflag:s0] =	ssyncadd.s32 @!p0 s1  }
0x1dc: {  	[bflag:$0x3] =	sbarrier.arrive $0xFFFF  }
0x1dd: {  	_ =	shalt  }

// kernel: kernel.9.cloned.1.call-start
scs
__scs_entry_jumppad:
0x0: {  	(pc) =	sbr.rel $0x88, $3  }
0x1: {  	(tag) =	ssettag $0x0;
	lr =	simm.s32 $0x1  }
0x2: {  	[smem:$0x3F92] =	sst lr;
	_ =	strace $0xD0000000  }
0x3: {  	_ = 	snop  }
0x4: {  	_ = 	snop  }
0x5: {  	_ = 	snop  }
0x6: {  	_ = 	snop  }
0x7: {  	_ = 	snop  }
__scs_overlays_trampoline_lowered:
0x8: {  	[smem:$0x3FA1] =	sst s0  }
0x9: {  	[smem:$0x3FA2] =	sst s1  }
0xa: {  	[smem:$0x3FA3] =	sst s2  }
0xb: {  	[smem:$0x3FA4] =	sst s3  }
0xc: {  	[smem:$0x3FA5] =	sst s4  }
0xd: {  	[smem:$0x3FA6] =	sst s5  }
0xe: {  	[smem:$0x3FA7] =	sst s6  }
0xf: {  	[smem:$0x3FA8] =	sst s7  }
0x10: {  	[smem:$0x3FA9] =	sst s8  }
0x11: {  	[smem:$0x3FAA] =	sst s9;
	s0 =	simm.s32 @!p0 $0x0  }
0x12: {  	s1 =	sld [smem:$0x3F90];
	s0 =	simm.s32 @p0 $0x1  }
0x13: {  	[smem:$0x3FAB] =	sst s0;
	s0 =	simm.s32 @!p1 $0x0  }
0x14: {  	s2 =	sld [smem:$0x3F8F];
	s0 =	simm.s32 @p1 $0x1  }
0x15: {  	[smem:$0x3FAC] =	sst s0;
	s0 =	simm.s32 @!p2 $0x0  }
0x16: {  	s3 =	sld [smem:$0x3FDB];
	s0 =	simm.s32 @p2 $0x1  }
0x17: {  	s4 =	simm.s32 $0x1BF5;
	[smem:$0x3FAE] =	sst s0  }
0x18: {  	s0 =	sld [smem:$0x3F91];
	_ =	swait.ge [sflag:s4], $0x0  }
0x19: {  	s7 =	sld [smem:$0x3F92]  }
0x1a: {  	s8 =	sadd.s32 $0xFFFFE003, lr  }
0x1b: {  	s9 =	sadd.s32 $0xFFFFFEF7, lr;
	s5 =	simm.s32 $0xFFFFFFFF;
	p2 =	slt.u32 s8, $0xFFFFF086  }
0x1c: {  	p1 =	slt.u32 s9, $0xF7A;
	s5 =	simm.s32 @!p2 $0x0  }
0x1d: {  	s5 =	simm.s32 @p1 $0x1;
	p0 =	seq.s32 s7, s2  }
0x1e: {  	s7 =	smul.u32 @!p0 $0xF7A, s2;
	p2 =	seq.s32 @!p0 s5, $0x0  }
0x1f: {  	s9 =	smul.u32 $0xF7A, s1;
	s8 =	simm.s32 @!p0 $0x1BF5;
	p2 =	por !p2, p0  }
0x20: {  	[sflag:s8] =	ssyncset.s32 @!p0 $0xFFFFF086;
	s6 =	sadd.s32 @!p0 s3, s7;
	s7 =	simm.s32 @!p0 $0x108  }
0x21: {  	s3 =	sadd.s32 s3, s9;
	s6 =	sadd.s32 @!p0 $0x88, s6;
	s7 =	simm.s32 @p2 $0x1082  }
0x22: {  	[simem:s7], [sflag:s8] =	dma.local @!p0 [hbm:s6], $0xF7A  }
0x23: {  	s9 =	sor.u32 $0xD0000000, s2;
	s6 =	simm.s32 $0x108;
	_ =	swait.ge @!p0 [sflag:s8], $0x0  }
0x24: {  	s3 =	sadd.s32 $0x88, s3;
	s6 =	simm.s32 @!p1 $0x1082;
	[sflag:s4] =	ssyncset.s32 $0xFFFFF086  }
0x25: {  	[simem:s6], [sflag:s4] =	dma.local [hbm:s3], $0xF7A  }
0x26: {  	[smem:$0x3F92] =	sst s1;
	(tag) =	ssettag s2;
	_ =	strace s9  }
0x27: {  	s1 =	sld [smem:$0x3FA2]  }
0x28: {  	s2 =	sld [smem:$0x3FA3]  }
0x29: {  	s4 =	sld [smem:$0x3FA5]  }
0x2a: {  	p0 =	seq.s32 s5, $0x0;
	s5 =	sld [smem:$0x3FA6]  }
0x2b: {  	s6 =	sld [smem:$0x3FA7]  }
0x2c: {  	s7 =	sld [smem:$0x3FA8]  }
0x2d: {  	s3 =	simm.s32 $0x108;
	s8 =	sld [smem:$0x3FA9]  }
0x2e: {  	s3 =	simm.s32 @!p0 $0x1082;
	s9 =	sld [smem:$0x3FAA]  }
0x2f: {  	lr =	sadd.s32 s0, s3;
	s0 =	sld [smem:$0x3FA1]  }
0x30: {  	s3 =	sld [smem:$0x3FA4]  }
0x31: {  	[smem:$0x3FAD] =	sst s10  }
0x32: {  	s10 =	sld [smem:$0x3FAB];
	_ =	sdelay $0x3  }
0x33: {  	p0 =	seq.s32 s10, $0x1;
	s10 =	sld [smem:$0x3FAD];
	_ =	sdelay $0x3  }
0x34: {  	[smem:$0x3FAD] =	sst s10  }
0x35: {  	s10 =	sld [smem:$0x3FAC];
	_ =	sdelay $0x3  }
0x36: {  	p1 =	seq.s32 s10, $0x1;
	s10 =	sld [smem:$0x3FAD];
	_ =	sdelay $0x3  }
0x37: {  	[smem:$0x3FAD] =	sst s10  }
0x38: {  	s10 =	sld [smem:$0x3FAE]  }
0x39: {  	_ = 	snop;
	(pc) =	sbr.ind lr, $3  }
0x3a: {  	_ = 	snop  }
0x3b: {  	_ = 	snop  }
0x3c: {  	p2 =	seq.s32 s10, $0x1;
	s10 =	sld [smem:$0x3FAD]  }
0x3d: {  	_ =	shalt  }
0x3e: {  	_ =	shalt  }
0x3f: {  	_ =	shalt  }
0x40: {  	_ =	shalt  }
0x41: {  	_ =	shalt  }
0x42: {  	_ =	shalt  }
0x43: {  	_ =	shalt  }
0x44: {  	_ =	shalt  }
0x45: {  	_ =	shalt  }
0x46: {  	_ =	shalt  }
0x47: {  	_ =	shalt  }
0x48: {  	_ =	shalt  }
0x49: {  	_ =	shalt  }
0x4a: {  	_ =	shalt  }
0x4b: {  	_ =	shalt  }
0x4c: {  	_ =	shalt  }
0x4d: {  	_ =	shalt  }
0x4e: {  	_ =	shalt  }
0x4f: {  	_ =	shalt  }
0x50: {  	_ =	shalt  }
0x51: {  	_ =	shalt  }
0x52: {  	_ =	shalt  }
0x53: {  	_ =	shalt  }
0x54: {  	_ =	shalt  }
0x55: {  	_ =	shalt  }
0x56: {  	_ =	shalt  }
0x57: {  	_ =	shalt  }
0x58: {  	_ =	shalt  }
0x59: {  	_ =	shalt  }
0x5a: {  	_ =	shalt  }
0x5b: {  	_ =	shalt  }
0x5c: {  	_ =	shalt  }
0x5d: {  	_ =	shalt  }
0x5e: {  	_ =	shalt  }
0x5f: {  	_ =	shalt  }
0x60: {  	_ =	shalt  }
0x61: {  	_ =	shalt  }
0x62: {  	_ =	shalt  }
0x63: {  	_ =	shalt  }
0x64: {  	_ =	shalt  }
0x65: {  	_ =	shalt  }
0x66: {  	_ =	shalt  }
0x67: {  	_ =	shalt  }
0x68: {  	_ =	shalt  }
0x69: {  	_ =	shalt  }
0x6a: {  	_ =	shalt  }
0x6b: {  	_ =	shalt  }
0x6c: {  	_ =	shalt  }
0x6d: {  	_ =	shalt  }
0x6e: {  	_ =	shalt  }
0x6f: {  	_ =	shalt  }
0x70: {  	_ =	shalt  }
0x71: {  	_ =	shalt  }
0x72: {  	_ =	shalt  }
0x73: {  	_ =	shalt  }
0x74: {  	_ =	shalt  }
0x75: {  	_ =	shalt  }
0x76: {  	_ =	shalt  }
0x77: {  	_ =	shalt  }
0x78: {  	_ =	shalt  }
0x79: {  	_ =	shalt  }
0x7a: {  	_ =	shalt  }
0x7b: {  	_ =	shalt  }
0x7c: {  	_ =	shalt  }
0x7d: {  	_ =	shalt  }
0x7e: {  	_ =	shalt  }
0x7f: {  	_ =	shalt  }
0x80: {  	_ =	shalt  }
0x81: {  	_ =	shalt  }
0x82: {  	_ =	shalt  }
0x83: {  	_ =	shalt  }
0x84: {  	_ =	shalt  }
0x85: {  	_ =	shalt  }
0x86: {  	_ =	shalt  }
0x87: {  	_ =	shalt  }
.Lfunc_end0:
.L_simem_size_0:
called_computation_lowered:
.L_overlay_start_0:
0x88: {  	s2 =	sld [smem:$0x3FD9]  }
0x89: {  	s3 =	sld [smem:$0x3FFE];
	_ =	sdelay $0x1  }
0x8a: {  	s1 =	srdreg.scid  }
0x8b: {  	s0 =	sand.u32 $0x1, s1  }
0x8c: {  	s17 =	sshll.u32 s0, $0xA;
	s2 =	sadd.s32 s3, s2  }
0x8d: {  	s2 =	sadd.s32 s2, s17  }
0x8e: {  	[smem:$0x3FB9] =	sst s2  }
0x8f: {  	_ = 	snop  }
0x90: {  	s2 =	sld [smem:$0x3FD0];
	(tm) =	ssettm $0x1  }
0x91: {  	s18 =	sld [smem:$0x3FFB];
	_ =	sdelay $0x3  }
0x92: {  	_ =	strace s18  }
0x93: {  	s3 =	sld [smem:$0x3FFC];
	_ =	sdelay $0x3  }
0x94: {  	_ =	strace s3  }
0x95: {  	s3 =	sld [smem:$0x3FFD];
	_ =	sdelay $0x3  }
0x96: {  	_ =	strace s3  }
0x97: {  	_ =	strace $0x8FFFFFFF  }
0x98: {  	s19 =	sld [smem:$0x3FDB];
	_ =	sdelay $0x1  }
0x99: {  	s4 =	simm.s32 $_scs_section_size  }
0x9a: {  	s5 =	simm.s32 $_size__tile_overlayer_lowered;
	s6 =	simm.s32 $_tile_overlayer_lowered  }
0x9b: {  	s22 =	simm.s32 $0x1BFF;
	s21 =	sshll.u32 s6, $0x1;
	s3 =	sadd.s32 s4, s19  }
0x9c: {  	s7 =	simm.s32 $0x0;
	s20 =	sshll.u32 s5, $0x1;
	s5 =	sadd.s32 s21, s3  }
0x9d: {  	[timem:s7], [sflag:s22] =	dma.local [hbm:s5], s20  }
0x9e: {  	_ =	swait.ge [sflag:s22], s20  }
0x9f: {  	s4 =	ssub.s32 $0x0, s20;
	[sflag:s22] =	ssyncset.done $0x0  }
0xa0: {  	[sflag:s22] =	ssyncadd.s32 s4;
	_ =	sdelay $0x1  }
0xa1: {  	s23 =	simm.s32 $0x1B8B  }
0xa2: {  	_ =	swait.ge [sflag:s23], $0x1  }
0xa3: {  	[sflag:s23] =	ssyncset.done $0x0  }
0xa4: {  	s25 =	simm.s32 $0x1B8E;
	s24 =	sld [smem:$0x3FFE];
	[sflag:s23] =	ssyncadd.s32 $0xFFFFFFFF  }
0xa5: {  	s26 =	simm.s32 $execute0_lowered;
	[smem:$0x3FD2] =	sst s25  }
0xa6: {  	s5 =	sshll.u32 s26, $0x1;
	_ =	strace $0x80000046;
	[dreg:$0x1] =	wrdreg $0xFFFFFFFF  }
0xa7: {  	s28 =	simm.s32 $_size_execute0_lowered;
	s3 =	sadd.s32 s3, s5;
	[dreg:$0x0] =	wrdreg $0x0  }
0xa8: {  	s5 =	sshll.u32 s28, $0x1;
	[dreg:$0x2] =	wrdreg s3  }
0xa9: {  	[dreg:$0x3] =	wrdreg s5  }
0xaa: {  	[dreg:$0x4] =	wrdreg $0xC0  }
0xab: {  	_ =	task [dreg:s7], $0x5FFFF  }
0xac: {  	[dreg:$0x1] =	wrdreg $0xFFFFFFFF  }
0xad: {  	[dreg:$0x0] =	wrdreg $0x60  }
0xae: {  	[dreg:$0x2] =	wrdreg s24  }
0xaf: {  	[dreg:$0x3] =	wrdreg s2  }
0xb0: {  	[dreg:$0x4] =	wrdreg $0x0  }
0xb1: {  	[dreg:$0x5] =	wrdreg $0x9  }
0xb2: {  	_ =	task.clear_ibuf [dreg:s7], $0x6FFFF;
	_ =	strace $0x90000046  }
0xb3: {  	s29 =	simm.s32 $0x9;
	_ =	strace $0x80000048  }
0xb4: {  	_ =	swait.ge [sflag:s29], $0x1  }
0xb5: {  	[sflag:s29] =	ssyncadd.s32 $0xFFFFFFFF  }
0xb6: {  	_ =	strace $0x90000048  }
0xb7: {  	_ =	sfence  }
0xb8: {  	s30 =	sld [smem:$0x0];
	_ =	sdelay $0x2  }
0xb9: {  	s31 =	sshll.u32 s1, $0xD;
	s1 =	sshrl.u32 s1, $0x2  }
0xba: {  	s3 =	sand.u32 $0x4000, s31;
	s1 =	sadd.s32 s1, s30  }
0xbb: {  	s0 =	sor.u32 s3, s0;
	s1 =	sshll.u32 s1, $0x11  }
0xbc: {  	s0 =	sor.u32 s1, s0  }
0xbd: {  	s0 =	sadd.s32 $0x8F2B, s0  }
0xbe: {  	[sflag:s0] =	ssyncadd.remote.s32 $0x1  }
0xbf: {  	_ =	sfence.sel $0xFFFF  }
0xc0: {  	[dreg:$0x0] =	wrdreg $0xFFFFFFFF;
	(pc) =	sbr.abs _section_cstart, $3  }
0xc1: {  	[dreg:$0x1] =	wrdreg $0xFFFFFFFF  }
0xc2: {  	_ =	task.clear_ibuf [dreg:s7], $0x2FFFF;
	_ =	strace $0x9FFFFFFF  }
0xc3: {  	(tm) =	ssettm $0x7FFFFFFF  }
tec
execute0_lowered:
.L_overlay_start_1:
0x0: {  	(tag) =	ssettag $0x1  }
0x1: {  	s12 =	rddreg [dreg:$0x0]  }
0x2: {  	s6 =	rddreg [dreg:$0x1]  }
0x3: {  	s2 =	rddreg [dreg:$0x2]  }
0x4: {  	s0 =	rddreg [dreg:$0x3];
	s1 =	stileid.u32;
	s3 =	simm.s32 $0x0  }
0x5: {  	s5 =	srdreg.scid;
	s18 =	simm.s32 $0x1;
	s19 =	simm.s32 $0x2FB0  }
0x6: {  	s20 =	simm.s32 $0x80;
	s21 =	simm.s32 $0x2710;
	s22 =	simm.s32 $0x20  }
0x7: {  	s23 =	simm.s32 $0x2790;
	s24 =	simm.s32 $0x0;
	s4 =	smul.u32 $0x9C4, s1  }
0x8: {  	[smem:$0x7FF] =	sst s3;
	s7 =	smul.u32 $0x2700, s1;
	s17 =	sand.u32 $0x1, s5  }
0x9: {  	s14 =	sadd.s32 $0x24900, s2;
	p0 =	seq.s32 s1, $0xF;
	_ =	strace $0x80000047  }
0xa: {  	s5 =	ssub.s32 $0x2, s17;
	s15 =	sshll.u32 @!p0 s1, $0x6;
	s14 =	sshrl.u32 @p0 s14, $0x3  }
0xb: {  	p1 =	sne.s32 s17, $0x0;
	s17 =	simm.s32 $0x27B0;
	s10 =	sadd.s32 s4, s12  }
0xc: {  	s4 =	sadd.s32 $0x2B800, s12;
	s8 =	sshrl.u32 s7, $0x3;
	s9 =	sshrl.u32 s5, $0x1  }
.Ltmp0:
0xd: {  	s16 =	sadd.s32 s7, s2;
	s15 =	sor.u32 @!p0 $0x1C01, s15;
	(pc) =	sbr.rel .LBB2_1-.Ltmp0, $4  }
0xe: {  	s11 =	sadd.s32 s8, s12;
	s13 =	ssub.s32 s5, s9;
	s5 =	sadd.s32 s6, s8  }
0xf: {  	s6 =	sadd.s32 $0x4920, s6;
	s7 =	sadd.s32 $0xDE00, s10;
	s9 =	sadd.s32 $0x30320, s12  }
0x10: {  	s10 =	sadd.s32 $0x17C00, s10;
	s12 =	sadd.s32 $0x35320, s12;
	s16 =	sshrl.u32 @!p0 s16, $0x3  }
0x11: {  	s8 =	sadd.s32 $0x2BA00, s11;
	s11 =	sadd.s32 $0x30A00, s11;
	s13 =	smax.u32 s13, $0x1  }
.LBB2_7:
0x12: {  	s25 =	sshra.s32 s25, $0x2;
	[sflag:s18] =	ssyncadd.s32 $0xFFFFF800  }
0x13: {  	v0 =	vld [tilespmem:s25+$0x2FB0];
	_ =	sdelay $0x4  }
0x14: {  	[tilespmem:$0x2710] =	vst v0  }
0x15: {  	v0 =	vld [tilespmem:s25+$0x2FC0];
	_ =	sdelay $0x4  }
0x16: {  	[tilespmem:$0x2720] =	vst v0  }
0x17: {  	v0 =	vld [tilespmem:s25+$0x2FD0];
	_ =	sdelay $0x4  }
0x18: {  	[tilespmem:$0x2730] =	vst v0  }
0x19: {  	v0 =	vld [tilespmem:s25+$0x2FE0];
	_ =	sdelay $0x4  }
0x1a: {  	[tilespmem:$0x2740] =	vst v0  }
0x1b: {  	v0 =	vld [tilespmem:s25+$0x2FF0];
	_ =	sdelay $0x4  }
0x1c: {  	[tilespmem:$0x2750] =	vst v0  }
0x1d: {  	v0 =	vld [tilespmem:s25+$0x3000];
	_ =	sdelay $0x4  }
0x1e: {  	[tilespmem:$0x2760] =	vst v0  }
0x1f: {  	v0 =	vld [tilespmem:s25+$0x3010];
	_ =	sdelay $0x4  }
0x20: {  	[tilespmem:$0x2770] =	vst v0  }
0x21: {  	v0 =	vld [tilespmem:s25+$0x3020];
	_ =	sdelay $0x4  }
0x22: {  	[tilespmem:$0x2780] =	vst v0  }
0x23: {  	[spmem:s2] =	stream.indirect.scatter.add.f32 [tilespmem:s17], [sflag:$0x1], $0x10, s21, s20, $0xb8;
	[tilespmem:$0x7DD0] =	vst v63  }
0x24: {  	_ =	swait.ge [sflag:s18], $0x800  }
0x25: {  	[sflag:s18] =	ssyncset.done $0x0  }
0x26: {  	[sflag:s18] =	ssyncadd.s32 $0xFFFFF800  }
0x27: {  	v63 =	vld [tilespmem:$0x7DB0]  }
0x28: {  	v1 =	vld [tilespmem:$0x7DC0];
	_ =	sdelay $0x3  }
0x29: {  	[tilespmem:$0x2790] =	vst v63  }
0x2a: {  	[tilespmem:$0x27A0] =	vst v1  }
0x2b: {  	[spmem:s2] =	stream.indirect.scatter.add.f32 [tilespmem:s17], [sflag:$0x1], $0x10, s23, s22, $0xb8;
	[tilespmem:$0x7DD0] =	vst v63  }
0x2c: {  	_ =	swait.ge [sflag:s18], $0x200  }
0x2d: {  	[sflag:s18] =	ssyncset.done $0x0  }
0x2e: {  	[sflag:s18] =	ssyncadd.s32 $0xFFFFFE00  }
0x2f: {  	s25 =	simm.s32 @p0 $0x1FC1;
	[bflag:$0x0] =	sbarrier.arrive $0xFFFF  }
0x30: {  	[hbm:s9], [sflag:s25] =	dma.local @p0 [spmem:s14], $0x500  }
0x31: {  	s25 =	simm.s32 @p0 $0x1  }
0x32: {  	_ =	swait.ge @p0 [sflag:s25], $0x500  }
0x33: {  	[sflag:s25] =	ssyncset.done @p0 $0x0  }
0x34: {  	[sflag:s25] =	ssyncadd.s32 @p0 $0xFFFFFB00;
	s25 =	simm.s32 @!p0 $0x1  }
0x35: {  	[hbm:s8], [sflag:s15] =	dma.local @!p0 [spmem:s16], $0x4E0  }
0x36: {  	_ =	swait.ge @!p0 [sflag:s25], $0x4E0  }
0x37: {  	[sflag:s25] =	ssyncset.done @!p0 $0x0  }
0x38: {  	[sflag:s25] =	ssyncadd.s32 @!p0 $0xFFFFFB20  }
.LBB2_8:
0x39: {  	s24 =	sadd.s32 $0x1, s24  }
0x3a: {  	p2 =	sne.s32 s24, s13  }
.Ltmp1:
0x3b: {  	_ = 	snop;
	(pc) =	sbr.rel @!p2 .LBB2_9-.Ltmp1, $1  }
0x3c: {  	_ =	sdelay $0x3  }
.LBB2_1:
0x3d: {  	s25 =	simm.s32 @p0 $0x1FC1  }
0x3e: {  	[spmem:s14], [sflag:s25] =	dma.local @p0 [hbm:s6], $0x500  }
0x3f: {  	s25 =	simm.s32 @p0 $0x1  }
0x40: {  	_ =	swait.ge @p0 [sflag:s25], $0x500  }
0x41: {  	[sflag:s25] =	ssyncset.done @p0 $0x0  }
0x42: {  	[sflag:s25] =	ssyncadd.s32 @p0 $0xFFFFFB00;
	s25 =	simm.s32 @!p0 $0x1  }
0x43: {  	[spmem:s16], [sflag:s15] =	dma.local @!p0 [hbm:s5], $0x4E0  }
0x44: {  	_ =	swait.ge @!p0 [sflag:s25], $0x4E0  }
0x45: {  	[sflag:s25] =	ssyncset.done @!p0 $0x0  }
0x46: {  	[sflag:s25] =	ssyncadd.s32 @!p0 $0xFFFFFB20  }
0x47: {  	[tilespmem:s17], [sflag:$0x1] =	stream.linear.gather [hbm4b:s4+s3], $0x800, $0x38;
	[tilespmem:$0x7DD0] =	vst v63  }
.Ltmp2:
0x48: {  	_ =	swait.ge [sflag:s18], $0x800;
	(pc) =	sbr.rel @p1 .LBB2_5-.Ltmp2, $4  }
0x49: {  	[sflag:s18] =	ssyncset.done $0x0  }
0x4a: {  	[sflag:s18] =	ssyncadd.s32 $0xFFFFF800  }
0x4b: {  	[bflag:$0x0] =	sbarrier.arrive $0xFFFF  }
0x4c: {  	s25 =	simm.s32 $0x0  }
0x4d: {  	[tilespmem:s19], [sflag:$0x1] =	stream.linear.gather [hbm4b:s10+s25], $0x4E20, $0x38;
	[tilespmem:$0x7DD0] =	vst v63  }
0x4e: {  	_ =	swait.ge [sflag:s18], $0x4E20  }
0x4f: {  	[sflag:s18] =	ssyncset.done $0x0  }
0x50: {  	s31 =	simm.s32 $0x0;
	[sflag:s18] =	ssyncadd.s32 $0xFFFFB1E0  }
0x51: {  	v0 =	vld [tilespmem:s31+$0x2FB0];
	_ =	sdelay $0x4  }
0x52: {  	[tilespmem:$0x2710] =	vst v0  }
0x53: {  	v0 =	vld [tilespmem:s31+$0x2FC0];
	_ =	sdelay $0x4  }
0x54: {  	[tilespmem:$0x2720] =	vst v0  }
0x55: {  	v0 =	vld [tilespmem:s31+$0x2FD0];
	_ =	sdelay $0x4  }
0x56: {  	[tilespmem:$0x2730] =	vst v0  }
0x57: {  	v0 =	vld [tilespmem:s31+$0x2FE0];
	_ =	sdelay $0x4  }
0x58: {  	[tilespmem:$0x2740] =	vst v0  }
0x59: {  	v0 =	vld [tilespmem:s31+$0x2FF0];
	_ =	sdelay $0x4  }
0x5a: {  	[tilespmem:$0x2750] =	vst v0  }
0x5b: {  	v0 =	vld [tilespmem:s31+$0x3000];
	_ =	sdelay $0x4  }
0x5c: {  	[tilespmem:$0x2760] =	vst v0  }
0x5d: {  	v0 =	vld [tilespmem:s31+$0x3010];
	_ =	sdelay $0x4  }
0x5e: {  	[tilespmem:$0x2770] =	vst v0  }
0x5f: {  	v0 =	vld [tilespmem:s31+$0x3020];
	_ =	sdelay $0x4  }
0x60: {  	[tilespmem:$0x2780] =	vst v0  }
0x61: {  	[spmem:s2] =	stream.indirect.scatter.add.f32 [tilespmem:s17], [sflag:$0x1], $0x10, s21, s20, $0xb8;
	[tilespmem:$0x7DD0] =	vst v63  }
0x62: {  	_ =	swait.ge [sflag:s18], $0x800  }
0x63: {  	s25 =	simm.s32 $0x200;
	s28 =	simm.s32 $0x400;
	[sflag:s18] =	ssyncset.done $0x0  }
.LBB2_3:
0x64: {  	s29 =	sshra.s32 s25, $0x2  }
0x65: {  	[sflag:s18] =	ssyncadd.s32 $0xFFFFF800;
	s25 =	smov.u32 s28;
	s26 =	sadd.s32 $0x200, s28  }
0x66: {  	p2 =	sne.s32 s28, $0x13600;
	v0 =	vld [tilespmem:s29+$0x2FB0];
	_ =	sdelay $0x4  }
0x67: {  	[tilespmem:$0x2710] =	vst v0  }
0x68: {  	v0 =	vld [tilespmem:s29+$0x2FC0];
	_ =	sdelay $0x4  }
0x69: {  	[tilespmem:$0x2720] =	vst v0  }
0x6a: {  	v0 =	vld [tilespmem:s29+$0x2FD0];
	_ =	sdelay $0x4  }
0x6b: {  	[tilespmem:$0x2730] =	vst v0  }
0x6c: {  	v0 =	vld [tilespmem:s29+$0x2FE0];
	_ =	sdelay $0x4  }
0x6d: {  	[tilespmem:$0x2740] =	vst v0  }
0x6e: {  	v0 =	vld [tilespmem:s29+$0x2FF0];
	_ =	sdelay $0x4  }
0x6f: {  	[tilespmem:$0x2750] =	vst v0  }
0x70: {  	v0 =	vld [tilespmem:s29+$0x3000];
	_ =	sdelay $0x4  }
0x71: {  	[tilespmem:$0x2760] =	vst v0  }
0x72: {  	v0 =	vld [tilespmem:s29+$0x3010];
	_ =	sdelay $0x4  }
0x73: {  	[tilespmem:$0x2770] =	vst v0  }
0x74: {  	v0 =	vld [tilespmem:s29+$0x3020];
	_ =	sdelay $0x3  }
.Ltmp3:
0x75: {  	(pc) =	sbr.rel @p2 .LBB2_3-.Ltmp3, $4  }
0x76: {  	[tilespmem:$0x2780] =	vst v0  }
0x77: {  	[spmem:s2] =	stream.indirect.scatter.add.f32 [tilespmem:s17], [sflag:$0x1], $0x10, s21, s20, $0xb8;
	[tilespmem:$0x7DD0] =	vst v63  }
0x78: {  	_ =	swait.ge [sflag:s18], $0x800  }
0x79: {  	s28 =	smov.u32 s26;
	[sflag:s18] =	ssyncset.done $0x0  }
0x7a: {  	s25 =	sshra.s32 s25, $0x2;
	[sflag:s18] =	ssyncadd.s32 $0xFFFFF800  }
0x7b: {  	v0 =	vld [tilespmem:s25+$0x2FB0];
	_ =	sdelay $0x4  }
0x7c: {  	[tilespmem:$0x2710] =	vst v0  }
0x7d: {  	v0 =	vld [tilespmem:s25+$0x2FC0];
	_ =	sdelay $0x4  }
0x7e: {  	[tilespmem:$0x2720] =	vst v0  }
0x7f: {  	v0 =	vld [tilespmem:s25+$0x2FD0];
	_ =	sdelay $0x4  }
0x80: {  	[tilespmem:$0x2730] =	vst v0  }
0x81: {  	v0 =	vld [tilespmem:s25+$0x2FE0];
	_ =	sdelay $0x4  }
0x82: {  	[tilespmem:$0x2740] =	vst v0  }
0x83: {  	v0 =	vld [tilespmem:s25+$0x2FF0];
	_ =	sdelay $0x4  }
0x84: {  	[tilespmem:$0x2750] =	vst v0  }
0x85: {  	v0 =	vld [tilespmem:s25+$0x3000];
	_ =	sdelay $0x4  }
0x86: {  	[tilespmem:$0x2760] =	vst v0  }
0x87: {  	v0 =	vld [tilespmem:s25+$0x3010];
	_ =	sdelay $0x4  }
0x88: {  	[tilespmem:$0x2770] =	vst v0  }
0x89: {  	v0 =	vld [tilespmem:s25+$0x3020];
	_ =	sdelay $0x4  }
0x8a: {  	[tilespmem:$0x2780] =	vst v0  }
0x8b: {  	[spmem:s2] =	stream.indirect.scatter.add.f32 [tilespmem:s17], [sflag:$0x1], $0x10, s21, s20, $0xb8;
	[tilespmem:$0x7DD0] =	vst v63  }
0x8c: {  	_ =	swait.ge [sflag:s18], $0x800  }
0x8d: {  	[sflag:s18] =	ssyncset.done $0x0  }
0x8e: {  	[sflag:s18] =	ssyncadd.s32 $0xFFFFF800  }
0x8f: {  	v63 =	vld [tilespmem:$0x7DB0]  }
0x90: {  	v1 =	vld [tilespmem:$0x7DC0];
	_ =	sdelay $0x3  }
0x91: {  	[tilespmem:$0x2790] =	vst v63  }
0x92: {  	[tilespmem:$0x27A0] =	vst v1  }
0x93: {  	[spmem:s2] =	stream.indirect.scatter.add.f32 [tilespmem:s17], [sflag:$0x1], $0x10, s23, s22, $0xb8;
	[tilespmem:$0x7DD0] =	vst v63  }
0x94: {  	_ =	swait.ge [sflag:s18], $0x200  }
0x95: {  	[sflag:s18] =	ssyncset.done $0x0  }
0x96: {  	[sflag:s18] =	ssyncadd.s32 $0xFFFFFE00  }
0x97: {  	s25 =	simm.s32 @p0 $0x1FC1;
	[bflag:$0x0] =	sbarrier.arrive $0xFFFF  }
0x98: {  	[hbm:s12], [sflag:s25] =	dma.local @p0 [spmem:s14], $0x500  }
0x99: {  	s25 =	simm.s32 @p0 $0x1  }
0x9a: {  	_ =	swait.ge @p0 [sflag:s25], $0x500  }
0x9b: {  	[sflag:s25] =	ssyncset.done @p0 $0x0  }
.Ltmp4:
0x9c: {  	[sflag:s25] =	ssyncadd.s32 @p0 $0xFFFFFB00;
	s25 =	simm.s32 @!p0 $0x1;
	(pc) =	sbr.rel .LBB2_8-.Ltmp4, $4  }
0x9d: {  	[hbm:s11], [sflag:s15] =	dma.local @!p0 [spmem:s16], $0x4E0  }
0x9e: {  	_ =	swait.ge @!p0 [sflag:s25], $0x4E0  }
0x9f: {  	[sflag:s25] =	ssyncset.done @!p0 $0x0  }
0xa0: {  	[sflag:s25] =	ssyncadd.s32 @!p0 $0xFFFFFB20  }
.LBB2_5:
0xa1: {  	[tilespmem:s19], [sflag:$0x1] =	stream.linear.gather [hbm4b:s7+s25], $0x4E20, $0x38;
	[tilespmem:$0x7DD0] =	vst v63  }
0xa2: {  	_ =	swait.ge [sflag:s18], $0x4E20  }
0xa3: {  	[sflag:s18] =	ssyncset.done $0x0  }
0xa4: {  	s31 =	simm.s32 $0x0;
	[sflag:s18] =	ssyncadd.s32 $0xFFFFB1E0  }
0xa5: {  	v0 =	vld [tilespmem:s31+$0x2FB0];
	_ =	sdelay $0x4  }
0xa6: {  	[tilespmem:$0x2710] =	vst v0  }
0xa7: {  	v0 =	vld [tilespmem:s31+$0x2FC0];
	_ =	sdelay $0x4  }
0xa8: {  	[tilespmem:$0x2720] =	vst v0  }
0xa9: {  	v0 =	vld [tilespmem:s31+$0x2FD0];
	_ =	sdelay $0x4  }
0xaa: {  	[tilespmem:$0x2730] =	vst v0  }
0xab: {  	v0 =	vld [tilespmem:s31+$0x2FE0];
	_ =	sdelay $0x4  }
0xac: {  	[tilespmem:$0x2740] =	vst v0  }
0xad: {  	v0 =	vld [tilespmem:s31+$0x2FF0];
	_ =	sdelay $0x4  }
0xae: {  	[tilespmem:$0x2750] =	vst v0  }
0xaf: {  	v0 =	vld [tilespmem:s31+$0x3000];
	_ =	sdelay $0x4  }
0xb0: {  	[tilespmem:$0x2760] =	vst v0  }
0xb1: {  	v0 =	vld [tilespmem:s31+$0x3010];
	_ =	sdelay $0x4  }
0xb2: {  	[tilespmem:$0x2770] =	vst v0  }
0xb3: {  	v0 =	vld [tilespmem:s31+$0x3020];
	_ =	sdelay $0x4  }
0xb4: {  	[tilespmem:$0x2780] =	vst v0  }
0xb5: {  	[spmem:s2] =	stream.indirect.scatter.add.f32 [tilespmem:s17], [sflag:$0x1], $0x10, s21, s20, $0xb8;
	[tilespmem:$0x7DD0] =	vst v63  }
0xb6: {  	_ =	swait.ge [sflag:s18], $0x800  }
0xb7: {  	s25 =	simm.s32 $0x200;
	s28 =	simm.s32 $0x400;
	[sflag:s18] =	ssyncset.done $0x0  }
.LBB2_6:
0xb8: {  	s29 =	sshra.s32 s25, $0x2  }
0xb9: {  	[sflag:s18] =	ssyncadd.s32 $0xFFFFF800;
	s25 =	smov.u32 s28;
	s26 =	sadd.s32 $0x200, s28  }
0xba: {  	p2 =	sne.s32 s28, $0x13600;
	v0 =	vld [tilespmem:s29+$0x2FB0];
	_ =	sdelay $0x4  }
0xbb: {  	[tilespmem:$0x2710] =	vst v0  }
0xbc: {  	v0 =	vld [tilespmem:s29+$0x2FC0];
	_ =	sdelay $0x4  }
0xbd: {  	[tilespmem:$0x2720] =	vst v0  }
0xbe: {  	v0 =	vld [tilespmem:s29+$0x2FD0];
	_ =	sdelay $0x4  }
0xbf: {  	[tilespmem:$0x2730] =	vst v0  }
0xc0: {  	v0 =	vld [tilespmem:s29+$0x2FE0];
	_ =	sdelay $0x4  }
0xc1: {  	[tilespmem:$0x2740] =	vst v0  }
0xc2: {  	v0 =	vld [tilespmem:s29+$0x2FF0];
	_ =	sdelay $0x4  }
0xc3: {  	[tilespmem:$0x2750] =	vst v0  }
0xc4: {  	v0 =	vld [tilespmem:s29+$0x3000];
	_ =	sdelay $0x4  }
0xc5: {  	[tilespmem:$0x2760] =	vst v0  }
0xc6: {  	v0 =	vld [tilespmem:s29+$0x3010];
	_ =	sdelay $0x4  }
0xc7: {  	[tilespmem:$0x2770] =	vst v0  }
0xc8: {  	v0 =	vld [tilespmem:s29+$0x3020];
	_ =	sdelay $0x3  }
.Ltmp5:
0xc9: {  	(pc) =	sbr.rel @p2 .LBB2_6-.Ltmp5, $4  }
0xca: {  	[tilespmem:$0x2780] =	vst v0  }
0xcb: {  	[spmem:s2] =	stream.indirect.scatter.add.f32 [tilespmem:s17], [sflag:$0x1], $0x10, s21, s20, $0xb8;
	[tilespmem:$0x7DD0] =	vst v63  }
0xcc: {  	_ =	swait.ge [sflag:s18], $0x800  }
0xcd: {  	s28 =	smov.u32 s26;
	[sflag:s18] =	ssyncset.done $0x0  }
.Ltmp6:
0xce: {  	_ = 	snop;
	(pc) =	sbr.rel .LBB2_7-.Ltmp6, $1  }
0xcf: {  	_ =	sdelay $0x3  }
.LBB2_9:
0xd0: {  	_ =	sfence.sel $0x180000  }
0xd1: {  	[bflag:$0x0] =	sbarrier.arrive $0xFFFF  }
0xd2: {  	p0 =	sne.s32 s1, $0x0;
	_ =	strace $0x90000047  }
0xd3: {  	s0 =	sadd.s32 @!p0 $0x100000, s0;
	[bflag:$0x2] =	sbarrier.arrive $0xFFFF  }
0xd4: {  	[sflag:s0] =	ssyncadd.tile.s32 @!p0 $0x1;
	_ =	shalt  }
.Lfunc_end2:
_tile_overlayer_lowered:
.L_overlay_start_2:
0xd5: {  	(tag) =	ssettag $0x2  }
0xd6: {  	s0 =	rddreg [dreg:$0x0];
	s2 =	stileid.u32  }
0xd7: {  	s1 =	rddreg [dreg:$0x1];
	p0 =	sne.s32 s2, $0x0  }
0xd8: {  	s3 =	rddreg [dreg:$0x2];
	[bflag:$0x3] =	sbarrier.arrive $0xFFFF;
	s2 =	simm.s32 @!p0 $0x1C01  }
0xd9: {  	[timem:s3], [sflag:s2] =	dma.local @!p0 [hbm:s0], s1  }
0xda: {  	s0 =	simm.s32 @!p0 $0x1  }
0xdb: {  	_ =	swait.ge @!p0 [sflag:s0], s1  }
0xdc: {  	s1 =	ssub.s32 @!p0 $0x0, s1;
	[sflag:s0] =	ssyncset.done @!p0 $0x0  }
0xdd: {  	[sflag:s0] =	ssyncadd.s32 @!p0 s1  }
0xde: {  	[bflag:$0x3] =	sbarrier.arrive $0xFFFF  }
0xdf: {  	_ =	shalt  }

</sc_bundles>
